<compile_context>
chip_gen: v7x
topology: tpu7x:2x2x1
jax: 0.10.2.dev20260603
libtpu: 0.0.44.dev20260713+nightly
codegen_flags: <defaults>
</compile_context>

<pallas_src>
import functools

import jax
import jax.numpy as jnp
from jax import lax
from jax.experimental import pallas as pl
from jax.experimental.pallas import tpu as pltpu
from jax.experimental.pallas import tpu_sc as plsc

B = 16
N = 16384
NSKIP = 65536
D_IN = 64
D_HID = 64
D_OUT = 128
D_SKIP = 64

BK1 = 4096


def _bounds_rows(ids, total):
    cols = [
        jnp.full((1, 1), jnp.sum((ids < s).astype(jnp.int32)), jnp.int32)
        for s in range(1, B)
    ]
    lt = jnp.concatenate([jnp.zeros((1, 1), jnp.int32)] + cols, axis=1)
    le = jnp.concatenate(cols + [jnp.full((1, 1), total, jnp.int32)], axis=1)
    return lt, le


def _mlp_segmax_body(xb, posb, ball, w1a, w1b, b1r, w2r, b2r, out_ref,
                     bnd, bnd_sm, hbuf):
    h1 = jnp.dot(xb[...], w1a[...], preferred_element_type=jnp.float32)
    h1 = h1 + jnp.dot(posb[...], w1b[...], preferred_element_type=jnp.float32)
    h1 = jnp.maximum(h1 + b1r[...][0][None, :], 0.0)
    h = jnp.dot(h1, w2r[...], preferred_element_type=jnp.float32)
    h = jnp.maximum(h + b2r[...][0][None, :], 0.0)

    @pl.when(pl.program_id(0) == 0)
    def _():
        ids = ball[...]
        lts = [jnp.sum((ids < s).astype(jnp.int32)) for s in range(1, B)]
        cols = [jnp.full((1, 1), v, jnp.int32) for v in lts]
        lt = jnp.concatenate([jnp.zeros((1, 1), jnp.int32)] + cols, axis=1)
        le = jnp.concatenate(cols + [jnp.full((1, 1), N, jnp.int32)], axis=1)
        bnd[0:1, :] = lt
        bnd[1:2, :] = le
        for s in range(B):
            bnd_sm[0, s] = jnp.int32(0) if s == 0 else lts[s - 1]
            bnd_sm[1, s] = jnp.int32(N) if s == B - 1 else lts[s]
        out_ref[...] = jnp.full((B, D_OUT), -jnp.inf, jnp.float32)

    hbuf[...] = h
    base = pl.program_id(0) * BK1

    hgf = jnp.max(h.reshape(BK1 // 64, 8, 8, D_OUT), axis=1)
    hgf = hgf.reshape(BK1 // 8, D_OUT)

    llo_row = jnp.clip(bnd[0:1, :] - base, 0, BK1)
    lhi_row = jnp.clip(bnd[1:2, :] - base, 0, BK1)
    glo8 = ((llo_row + 63) >> 6) << 3
    ghi8 = (lhi_row >> 6) << 3
    rr = lax.broadcasted_iota(jnp.int32, (BK1 // 8, B), 0)
    m_g = (rr >= glo8) & (rr < ghi8)

    i64 = lax.broadcasted_iota(jnp.int32, (64, 1), 0)
    rows = []
    for s in range(B):
        gmax = jnp.max(jnp.where(m_g[:, s:s + 1], hgf, -jnp.inf), axis=0,
                       keepdims=True)
        llo = jnp.clip(bnd_sm[0, s] - base, 0, BK1)
        lhi = jnp.clip(bnd_sm[1, s] - base, 0, BK1)
        slo = jnp.minimum(llo, BK1 - 64)
        shi = jnp.clip(lhi - 64, 0, BK1 - 64)
        elo = hbuf[pl.ds(slo, 64), :]
        mlo = ((i64 + slo) >= llo) & ((i64 + slo) < lhi)
        emax = jnp.max(jnp.where(mlo, elo, -jnp.inf), axis=0, keepdims=True)
        ehi = hbuf[pl.ds(shi, 64), :]
        mhi = ((i64 + shi) >= llo) & ((i64 + shi) < lhi)
        emax = jnp.maximum(
            emax,
            jnp.max(jnp.where(mhi, ehi, -jnp.inf), axis=0, keepdims=True))
        rows.append(jnp.maximum(gmax, emax))
    out_ref[...] = jnp.maximum(out_ref[...], jnp.concatenate(rows, axis=0))


def _mlp_segmax(x, pos, batch, W1, b1, W2, b2):
    w1a = W1[:D_IN]
    w1b = W1[D_IN:]
    batc = batch.astype(jnp.int32).reshape(N // 128, 128)
    grid = (N // BK1,)
    return pl.pallas_call(
        _mlp_segmax_body,
        grid=grid,
        in_specs=[
            pl.BlockSpec((BK1, D_IN), lambda i: (i, 0)),
            pl.BlockSpec((BK1, 3), lambda i: (i, 0)),
            pl.BlockSpec((N // 128, 128), lambda i: (0, 0)),
            pl.BlockSpec((D_IN, D_HID), lambda i: (0, 0)),
            pl.BlockSpec((3, D_HID), lambda i: (0, 0)),
            pl.BlockSpec((1, D_HID), lambda i: (0, 0)),
            pl.BlockSpec((D_HID, D_OUT), lambda i: (0, 0)),
            pl.BlockSpec((1, D_OUT), lambda i: (0, 0)),
        ],
        out_specs=pl.BlockSpec((B, D_OUT), lambda i: (0, 0)),
        out_shape=jax.ShapeDtypeStruct((B, D_OUT), jnp.float32),
        scratch_shapes=[pltpu.VMEM((2, B), jnp.int32),
                        pltpu.SMEM((2, B), jnp.int32),
                        pltpu.VMEM((BK1, D_OUT), jnp.float32)],
    )(x, pos, batc, w1a, w1b, b1.reshape(1, D_HID), W2, b2.reshape(1, D_OUT))



_NC, _NS = 2, 16
_NW = _NC * _NS
_CHUNK = NSKIP // _NW
_SUB = 128
_NSUB = _CHUNK // _SUB
_NBUF = 3
_GPS = _SUB // 128


def _sc_assemble(pooled, bsk2d, x_skip):
    mesh = plsc.VectorSubcoreMesh(core_axis_name="c", subcore_axis_name="s")

    @functools.partial(
        pl.kernel,
        out_type=jax.ShapeDtypeStruct((NSKIP, D_OUT + D_SKIP), jnp.float32),
        mesh=mesh,
        scratch_types=[
            pltpu.VMEM((_CHUNK // 128, 128), jnp.int32),
            pltpu.VMEM((_NBUF, _SUB, D_OUT), jnp.float32),
            pltpu.VMEM((_NBUF, _SUB, D_SKIP), jnp.float32),
            pltpu.VMEM_SHARED((B, D_OUT), jnp.float32),
            pltpu.SemaphoreType.DMA((_NBUF,)),
            pltpu.SemaphoreType.DMA((_NBUF,)),
            pltpu.SemaphoreType.DMA((_NBUF,)),
        ],
    )
    def k(pooled_hbm, bsk_hbm, xsk_hbm, out_hbm, idx_v, gath_v, xsb_v,
          pooled_sh, gsem, xsem, wsem):
        cid = lax.axis_index("c")
        sid = lax.axis_index("s")
        wid = sid * _NC + cid
        base = wid * _CHUNK

        @pl.when(sid == 0)
        def _():
            pltpu.sync_copy(pooled_hbm, pooled_sh)

        plsc.subcore_barrier()
        pltpu.sync_copy(
            bsk_hbm.at[pl.ds(wid * (_CHUNK // 128), _CHUNK // 128)], idx_v)

        def start(j):
            bi = j % _NBUF
            b = base + j * _SUB
            for g in range(_GPS):
                r = j * _GPS + g
                pltpu.async_copy(
                    pooled_sh.at[idx_v.at[r]],
                    gath_v.at[bi, pl.ds(g * 128, 128)], gsem.at[bi])
            pltpu.async_copy(xsk_hbm.at[pl.ds(b, _SUB)], xsb_v.at[bi],
                             xsem.at[bi])

        def drain(j):
            bi = j % _NBUF
            b = base + j * _SUB
            for g in range(_GPS):
                r = j * _GPS + g
                pltpu.make_async_copy(
                    pooled_sh.at[idx_v.at[r]],
                    gath_v.at[bi, pl.ds(g * 128, 128)], gsem.at[bi]).wait()
            pltpu.make_async_copy(xsk_hbm.at[pl.ds(b, _SUB)], xsb_v.at[bi],
                                  xsem.at[bi]).wait()
            pltpu.async_copy(gath_v.at[bi],
                             out_hbm.at[pl.ds(b, _SUB), pl.ds(0, D_OUT)],
                             wsem.at[bi])
            pltpu.async_copy(xsb_v.at[bi],
                             out_hbm.at[pl.ds(b, _SUB), pl.ds(D_OUT, D_SKIP)],
                             wsem.at[bi])

        def wait_writes(j):
            bi = j % _NBUF
            b = base + j * _SUB
            pltpu.make_async_copy(
                gath_v.at[bi],
                out_hbm.at[pl.ds(b, _SUB), pl.ds(0, D_OUT)],
                wsem.at[bi]).wait()
            pltpu.make_async_copy(
                xsb_v.at[bi],
                out_hbm.at[pl.ds(b, _SUB), pl.ds(D_OUT, D_SKIP)],
                wsem.at[bi]).wait()

        start(0)
        for j in range(_NSUB):
            if j + 1 < _NSUB:
                if j + 1 >= _NBUF:
                    wait_writes(j + 1 - _NBUF)
                start(j + 1)
            drain(j)
        for j in range(_NSUB - _NBUF + 1, _NSUB):
            wait_writes(j)
        wait_writes(_NSUB - _NBUF)

    return k(pooled, bsk2d, x_skip)


def kernel(x, pos, batch, x_skip, pos_skip, batch_skip, W1, b1, W2, b2):
    pooled = _mlp_segmax(x, pos, batch, W1, b1, W2, b2)
    bsk2d = batch_skip.astype(jnp.int32).reshape(NSKIP // 128, 128)
    out = _sc_assemble(pooled, bsk2d, x_skip)
    return (out, pos_skip, batch_skip)

# --- scband reference (transcript-rebuilt; emitter-appended) ---
"""Pipeline reference for scband-global-samodule-68410239091222 (READ-ONLY COPY).

The authoritative reference and input builder live on the scoring server;
editing this copy changes nothing except your own understanding.
"""

import jax, jax.numpy as jnp
import numpy as np

B = 16
N = 16384
NSKIP = 65536
D_IN = 64
D_HID = 64
D_OUT = 128
D_SKIP = 64


def _mlp(x, W1, b1, W2, b2):
    h = jax.nn.relu(x @ W1 + b1)
    return jax.nn.relu(h @ W2 + b2)


def setup_inputs(seed: int = 0) -> dict:
    key = jax.random.key(seed)
    ks = jax.random.split(key, 10)
    x = jax.random.normal(ks[0], (N, D_IN), dtype=jnp.float32)
    pos = jax.random.normal(ks[1], (N, 3), dtype=jnp.float32)
    batch = jnp.sort(jax.random.randint(ks[2], (N,), 0, B)).astype(jnp.int64)
    x_skip = jax.random.normal(ks[3], (NSKIP, D_SKIP), dtype=jnp.float32)
    pos_skip = jax.random.normal(ks[4], (NSKIP, 3), dtype=jnp.float32)
    batch_skip = jnp.sort(jax.random.randint(ks[5], (NSKIP,), 0, B)).astype(jnp.int64)
    W1 = jax.random.normal(ks[6], (D_IN + 3, D_HID), dtype=jnp.float32) * 0.05
    b1 = jnp.zeros((D_HID,), dtype=jnp.float32)
    W2 = jax.random.normal(ks[7], (D_HID, D_OUT), dtype=jnp.float32) * 0.05
    b2 = jnp.zeros((D_OUT,), dtype=jnp.float32)
    return {"x": x, "pos": pos, "batch": batch, "x_skip": x_skip, "pos_skip": pos_skip, "batch_skip": batch_skip, "W1": W1, "b1": b1, "W2": W2, "b2": b2}


def reference(x, pos, batch, x_skip, pos_skip, batch_skip, W1, b1, W2, b2):
    # self.nn(cat([x, pos], dim=1))
    h = _mlp(jnp.concatenate([x, pos], axis=1), W1, b1, W2, b2)
    # global_max_pool(x, batch) -> [B, D_OUT]
    pooled = jax.ops.segment_max(h, batch, num_segments=B)
    # pos = zeros[B,3]; batch = arange(B): each batch has exactly ONE source point.
    # knn_interpolate(x, pos_zero, pos_skip, batch, batch_skip, k=3): each target
    # point has a single in-batch neighbor, so the inverse-distance weights cancel.
    # Compute them faithfully anyway (torch does this under no_grad).
    sq_dist = jnp.sum(pos_skip * pos_skip, axis=1, keepdims=True)  # dist to the zero point
    weights = jax.lax.stop_gradient(1.0 / jnp.clip(sq_dist, 1e-16))
    num = jnp.take(pooled, batch_skip, axis=0) * weights  # scatter-sum over 1 neighbor
    den = weights
    x_interp = num / den
    out = jnp.concatenate([x_interp, x_skip], axis=1)
    return (out, pos_skip, batch_skip)

if __name__ == "__main__":
    import jax
    _d = setup_inputs()
    print(jax.jit(kernel)(*tuple(_d.values())))

</pallas_src>

<mosaic_0001>
#map = affine_map<(d0, d1) -> (0, 0)>
module attributes {stable_mosaic.version = 14 : i64} {
  func.func @k(%arg0: i32, %arg1: i32, %arg2: memref<16x128xf32, #tpu.memory_space<hbm>>, %arg3: memref<512x128xi32, #tpu.memory_space<hbm>>, %arg4: memref<65536x64xf32, #tpu.memory_space<hbm>>, %arg5: memref<65536x192xf32, #tpu.memory_space<hbm>>, %arg6: memref<16x128xi32, #tpu.memory_space<vmem>>, %arg7: memref<3x128x128xf32, #tpu.memory_space<vmem>>, %arg8: memref<3x128x64xf32, #tpu.memory_space<vmem>>, %arg9: memref<16x128xf32, #tpu.memory_space<vmem_shared>>, %arg10: memref<3x!tpu.dma_semaphore, #tpu.memory_space<semaphore_mem>>, %arg11: memref<3x!tpu.dma_semaphore, #tpu.memory_space<semaphore_mem>>, %arg12: memref<3x!tpu.dma_semaphore, #tpu.memory_space<semaphore_mem>>) attributes {dimension_semantics = [#tpu.dimension_semantics<core_parallel>, #tpu.dimension_semantics<subcore_parallel>], iteration_bounds = array<i64: 2, 16>, scalar_prefetch = 0 : i64, scratch_operands = 7 : i64, tpu.core_type = #tpu.core_type<sc_vector_subcore>, window_params = [{transform_indices = #map}, {transform_indices = #map}, {transform_indices = #map}, {transform_indices = #map}]} {
    %mul3A = arith.constant 2 : i32
    %mul3A_0 = arith.muli %arg1, %mul3A : i32
    %add3A = arith.addi %mul3A_0, %arg0 : i32
    %mul3A_1 = arith.constant 2048 : i32
    %mul3A_2 = arith.muli %add3A, %mul3A_1 : i32
    %eq3A = arith.constant 0 : i32
    %eq3A_3 = arith.cmpi eq, %arg1, %eq3A : i32
    %convert_element_type3A = arith.extui %eq3A_3 : i1 to i32
    %cond3A = arith.constant 0 : i32
    %cond3A_4 = arith.cmpi ne, %convert_element_type3A, %cond3A : i32
    scf.if %cond3A_4 {
      "tpu.region"() ({
        %run_scoped3A = tpu.sem_alloc : memref<!tpu.dma_semaphore, #tpu.memory_space<semaphore_mem>>
        tpu.enqueue_dma source(%arg2 : memref<16x128xf32, #tpu.memory_space<hbm>>) target(%arg9 : memref<16x128xf32, #tpu.memory_space<vmem_shared>>) target_semaphore(%run_scoped3A : memref<!tpu.dma_semaphore, #tpu.memory_space<semaphore_mem>>)
        tpu.wait_dma2 semaphore(%run_scoped3A : memref<!tpu.dma_semaphore, #tpu.memory_space<semaphore_mem>>) src(%arg2 : memref<16x128xf32, #tpu.memory_space<hbm>>) dst(%arg9 : memref<16x128xf32, #tpu.memory_space<vmem_shared>>)
        tpu.yield
      }) : () -> ()
    } else {
    }
    %barrier3A = arith.constant 0 : index
    tpu.barrier barrier_id(%barrier3A)
    %mul3A_5 = arith.constant 16 : i32
    %mul3A_6 = arith.muli %add3A, %mul3A_5 : i32
    "tpu.region"() ({
      %run_scoped3A = tpu.sem_alloc : memref<!tpu.dma_semaphore, #tpu.memory_space<semaphore_mem>>
      %dma_start3A_2117 = arith.constant 0 : i32
      %dma_start3A_2118 = tpu.memref_slice %arg3[%mul3A_6, %dma_start3A_2117] : memref<512x128xi32, #tpu.memory_space<hbm>> -> memref<16x128xi32, #tpu.memory_space<hbm>>
      %dma_start3A_2119 = arith.constant 0 : i32
      %dma_start3A_2120 = tpu.memref_slice %arg3[%mul3A_6, %dma_start3A_2119] : memref<512x128xi32, #tpu.memory_space<hbm>> -> memref<16x128xi32, #tpu.memory_space<hbm>>
      tpu.enqueue_dma source(%dma_start3A_2120 : memref<16x128xi32, #tpu.memory_space<hbm>>) target(%arg6 : memref<16x128xi32, #tpu.memory_space<vmem>>) target_semaphore(%run_scoped3A : memref<!tpu.dma_semaphore, #tpu.memory_space<semaphore_mem>>)
      %dma_wait3A_2121 = arith.constant 0 : i32
      %dma_wait3A_2122 = tpu.memref_slice %arg3[%mul3A_6, %dma_wait3A_2121] : memref<512x128xi32, #tpu.memory_space<hbm>> -> memref<16x128xi32, #tpu.memory_space<hbm>>
      %dma_wait3A_2123 = arith.constant 0 : i32
      %dma_wait3A_2124 = tpu.memref_slice %arg3[%mul3A_6, %dma_wait3A_2123] : memref<512x128xi32, #tpu.memory_space<hbm>> -> memref<16x128xi32, #tpu.memory_space<hbm>>
      tpu.wait_dma2 semaphore(%run_scoped3A : memref<!tpu.dma_semaphore, #tpu.memory_space<semaphore_mem>>) src(%dma_wait3A_2124 : memref<16x128xi32, #tpu.memory_space<hbm>>) dst(%arg6 : memref<16x128xi32, #tpu.memory_space<vmem>>)
      tpu.yield
    }) : () -> ()
    %add3A_7 = arith.constant 0 : i32
    %add3A_8 = arith.addi %mul3A_2, %add3A_7 : i32
    %dma_start3A = arith.constant 0 : i32
    %dma_start3A_9 = arith.constant 0 : i32
    %dma_start3A_10 = arith.constant 0 : i32
    %dma_start3A_11 = arith.constant 0 : i32
    %dma_start3A_12 = arith.constant 0 : i32
    %dma_start3A_13 = tpu.memref_slice %arg7[%dma_start3A_9, %dma_start3A_11, %dma_start3A_12] : memref<3x128x128xf32, #tpu.memory_space<vmem>> -> memref<1x128x128xf32, #tpu.memory_space<vmem>>
    %dma_start3A_14 = tpu.memref_squeeze %dma_start3A_13 : memref<1x128x128xf32, #tpu.memory_space<vmem>> -> memref<128x128xf32, #tpu.memory_space<vmem>>
    %dma_start3A_15 = arith.constant 0 : i32
    %dma_start3A_16 = tpu.memref_slice %arg6[%dma_start3A, %dma_start3A_15] : memref<16x128xi32, #tpu.memory_space<vmem>> -> memref<1x128xi32, #tpu.memory_space<vmem>>
    %dma_start3A_17 = tpu.memref_squeeze %dma_start3A_16 : memref<1x128xi32, #tpu.memory_space<vmem>> -> memref<128xi32, #tpu.memory_space<vmem>>
    %dma_start3A_18 = arith.constant 0 : i32
    %dma_start3A_19 = arith.constant 0 : i32
    %dma_start3A_20 = tpu.memref_slice %arg9[%dma_start3A_18, %dma_start3A_19] : memref<16x128xf32, #tpu.memory_space<vmem_shared>> -> memref<16x128xf32, #tpu.memory_space<vmem_shared>>
    %dma_start3A_21 = tpu.memref_slice %arg10[%dma_start3A_10] : memref<3x!tpu.dma_semaphore, #tpu.memory_space<semaphore_mem>> -> memref<1x!tpu.dma_semaphore, #tpu.memory_space<semaphore_mem>>
    %dma_start3A_22 = tpu.memref_squeeze %dma_start3A_21 : memref<1x!tpu.dma_semaphore, #tpu.memory_space<semaphore_mem>> -> memref<!tpu.dma_semaphore, #tpu.memory_space<semaphore_mem>>
    tpu.enqueue_indirect_dma source(%dma_start3A_20 : memref<16x128xf32, #tpu.memory_space<vmem_shared>>) target(%dma_start3A_14 : memref<128x128xf32, #tpu.memory_space<vmem>>) offsets(%dma_start3A_17 : memref<128xi32, #tpu.memory_space<vmem>>) semaphore(%dma_start3A_22 : memref<!tpu.dma_semaphore, #tpu.memory_space<semaphore_mem>>)
    %dma_start3A_23 = arith.constant 0 : i32
    %dma_start3A_24 = arith.constant 0 : i32
    %dma_start3A_25 = arith.constant 0 : i32
    %dma_start3A_26 = arith.constant 0 : i32
    %dma_start3A_27 = tpu.memref_slice %arg8[%dma_start3A_23, %dma_start3A_25, %dma_start3A_26] : memref<3x128x64xf32, #tpu.memory_space<vmem>> -> memref<1x128x64xf32, #tpu.memory_space<vmem>>
    %dma_start3A_28 = tpu.memref_squeeze %dma_start3A_27 : memref<1x128x64xf32, #tpu.memory_space<vmem>> -> memref<128x64xf32, #tpu.memory_space<vmem>>
    %dma_start3A_29 = arith.constant 0 : i32
    %dma_start3A_30 = tpu.memref_slice %arg4[%add3A_8, %dma_start3A_29] : memref<65536x64xf32, #tpu.memory_space<hbm>> -> memref<128x64xf32, #tpu.memory_space<hbm>>
    %dma_start3A_31 = tpu.memref_slice %arg11[%dma_start3A_24] : memref<3x!tpu.dma_semaphore, #tpu.memory_space<semaphore_mem>> -> memref<1x!tpu.dma_semaphore, #tpu.memory_space<semaphore_mem>>
    %dma_start3A_32 = tpu.memref_squeeze %dma_start3A_31 : memref<1x!tpu.dma_semaphore, #tpu.memory_space<semaphore_mem>> -> memref<!tpu.dma_semaphore, #tpu.memory_space<semaphore_mem>>
    %dma_start3A_33 = arith.constant 0 : i32
    %dma_start3A_34 = arith.constant 0 : i32
    %dma_start3A_35 = tpu.memref_slice %arg8[%dma_start3A_23, %dma_start3A_33, %dma_start3A_34] : memref<3x128x64xf32, #tpu.memory_space<vmem>> -> memref<1x128x64xf32, #tpu.memory_space<vmem>>
    %dma_start3A_36 = tpu.memref_squeeze %dma_start3A_35 : memref<1x128x64xf32, #tpu.memory_space<vmem>> -> memref<128x64xf32, #tpu.memory_space<vmem>>
    %dma_start3A_37 = arith.constant 0 : i32
    %dma_start3A_38 = tpu.memref_slice %arg4[%add3A_8, %dma_start3A_37] : memref<65536x64xf32, #tpu.memory_space<hbm>> -> memref<128x64xf32, #tpu.memory_space<hbm>>
    tpu.enqueue_dma source(%dma_start3A_38 : memref<128x64xf32, #tpu.memory_space<hbm>>) target(%dma_start3A_36 : memref<128x64xf32, #tpu.memory_space<vmem>>) target_semaphore(%dma_start3A_32 : memref<!tpu.dma_semaphore, #tpu.memory_space<semaphore_mem>>)
    %add3A_39 = arith.constant 128 : i32
    %add3A_40 = arith.addi %mul3A_2, %add3A_39 : i32
    %dma_start3A_41 = arith.constant 1 : i32
    %dma_start3A_42 = arith.constant 1 : i32
    %dma_start3A_43 = arith.constant 1 : i32
    %dma_start3A_44 = arith.constant 0 : i32
    %dma_start3A_45 = arith.constant 0 : i32
    %dma_start3A_46 = tpu.memref_slice %arg7[%dma_start3A_42, %dma_start3A_44, %dma_start3A_45] : memref<3x128x128xf32, #tpu.memory_space<vmem>> -> memref<1x128x128xf32, #tpu.memory_space<vmem>>
    %dma_start3A_47 = tpu.memref_squeeze %dma_start3A_46 : memref<1x128x128xf32, #tpu.memory_space<vmem>> -> memref<128x128xf32, #tpu.memory_space<vmem>>
    %dma_start3A_48 = arith.constant 0 : i32
    %dma_start3A_49 = tpu.memref_slice %arg6[%dma_start3A_41, %dma_start3A_48] : memref<16x128xi32, #tpu.memory_space<vmem>> -> memref<1x128xi32, #tpu.memory_space<vmem>>
    %dma_start3A_50 = tpu.memref_squeeze %dma_start3A_49 : memref<1x128xi32, #tpu.memory_space<vmem>> -> memref<128xi32, #tpu.memory_space<vmem>>
    %dma_start3A_51 = arith.constant 0 : i32
    %dma_start3A_52 = arith.constant 0 : i32
    %dma_start3A_53 = tpu.memref_slice %arg9[%dma_start3A_51, %dma_start3A_52] : memref<16x128xf32, #tpu.memory_space<vmem_shared>> -> memref<16x128xf32, #tpu.memory_space<vmem_shared>>
    %dma_start3A_54 = tpu.memref_slice %arg10[%dma_start3A_43] : memref<3x!tpu.dma_semaphore, #tpu.memory_space<semaphore_mem>> -> memref<1x!tpu.dma_semaphore, #tpu.memory_space<semaphore_mem>>
    %dma_start3A_55 = tpu.memref_squeeze %dma_start3A_54 : memref<1x!tpu.dma_semaphore, #tpu.memory_space<semaphore_mem>> -> memref<!tpu.dma_semaphore, #tpu.memory_space<semaphore_mem>>
    tpu.enqueue_indirect_dma source(%dma_start3A_53 : memref<16x128xf32, #tpu.memory_space<vmem_shared>>) target(%dma_start3A_47 : memref<128x128xf32, #tpu.memory_space<vmem>>) offsets(%dma_start3A_50 : memref<128xi32, #tpu.memory_space<vmem>>) semaphore(%dma_start3A_55 : memref<!tpu.dma_semaphore, #tpu.memory_space<semaphore_mem>>)
    %dma_start3A_56 = arith.constant 1 : i32
    %dma_start3A_57 = arith.constant 1 : i32
    %dma_start3A_58 = arith.constant 0 : i32
    %dma_start3A_59 = arith.constant 0 : i32
    %dma_start3A_60 = tpu.memref_slice %arg8[%dma_start3A_56, %dma_start3A_58, %dma_start3A_59] : memref<3x128x64xf32, #tpu.memory_space<vmem>> -> memref<1x128x64xf32, #tpu.memory_space<vmem>>
    %dma_start3A_61 = tpu.memref_squeeze %dma_start3A_60 : memref<1x128x64xf32, #tpu.memory_space<vmem>> -> memref<128x64xf32, #tpu.memory_space<vmem>>
    %dma_start3A_62 = arith.constant 0 : i32
    %dma_start3A_63 = tpu.memref_slice %arg4[%add3A_40, %dma_start3A_62] : memref<65536x64xf32, #tpu.memory_space<hbm>> -> memref<128x64xf32, #tpu.memory_space<hbm>>
    %dma_start3A_64 = tpu.memref_slice %arg11[%dma_start3A_57] : memref<3x!tpu.dma_semaphore, #tpu.memory_space<semaphore_mem>> -> memref<1x!tpu.dma_semaphore, #tpu.memory_space<semaphore_mem>>
    %dma_start3A_65 = tpu.memref_squeeze %dma_start3A_64 : memref<1x!tpu.dma_semaphore, #tpu.memory_space<semaphore_mem>> -> memref<!tpu.dma_semaphore, #tpu.memory_space<semaphore_mem>>
    %dma_start3A_66 = arith.constant 0 : i32
    %dma_start3A_67 = arith.constant 0 : i32
    %dma_start3A_68 = tpu.memref_slice %arg8[%dma_start3A_56, %dma_start3A_66, %dma_start3A_67] : memref<3x128x64xf32, #tpu.memory_space<vmem>> -> memref<1x128x64xf32, #tpu.memory_space<vmem>>
    %dma_start3A_69 = tpu.memref_squeeze %dma_start3A_68 : memref<1x128x64xf32, #tpu.memory_space<vmem>> -> memref<128x64xf32, #tpu.memory_space<vmem>>
    %dma_start3A_70 = arith.constant 0 : i32
    %dma_start3A_71 = tpu.memref_slice %arg4[%add3A_40, %dma_start3A_70] : memref<65536x64xf32, #tpu.memory_space<hbm>> -> memref<128x64xf32, #tpu.memory_space<hbm>>
    tpu.enqueue_dma source(%dma_start3A_71 : memref<128x64xf32, #tpu.memory_space<hbm>>) target(%dma_start3A_69 : memref<128x64xf32, #tpu.memory_space<vmem>>) target_semaphore(%dma_start3A_65 : memref<!tpu.dma_semaphore, #tpu.memory_space<semaphore_mem>>)
    %add3A_72 = arith.constant 0 : i32
    %add3A_73 = arith.addi %mul3A_2, %add3A_72 : i32
    %dma_wait3A = arith.constant 0 : i32
    %dma_wait3A_74 = arith.constant 0 : i32
    %dma_wait3A_75 = arith.constant 0 : i32
    %dma_wait3A_76 = arith.constant 0 : i32
    %dma_wait3A_77 = arith.constant 0 : i32
    %dma_wait3A_78 = tpu.memref_slice %arg7[%dma_wait3A_74, %dma_wait3A_76, %dma_wait3A_77] : memref<3x128x128xf32, #tpu.memory_space<vmem>> -> memref<1x128x128xf32, #tpu.memory_space<vmem>>
    %dma_wait3A_79 = tpu.memref_squeeze %dma_wait3A_78 : memref<1x128x128xf32, #tpu.memory_space<vmem>> -> memref<128x128xf32, #tpu.memory_space<vmem>>
    %dma_wait3A_80 = arith.constant 0 : i32
    %dma_wait3A_81 = tpu.memref_slice %arg6[%dma_wait3A, %dma_wait3A_80] : memref<16x128xi32, #tpu.memory_space<vmem>> -> memref<1x128xi32, #tpu.memory_space<vmem>>
    %dma_wait3A_82 = tpu.memref_squeeze %dma_wait3A_81 : memref<1x128xi32, #tpu.memory_space<vmem>> -> memref<128xi32, #tpu.memory_space<vmem>>
    %dma_wait3A_83 = arith.constant 0 : i32
    %dma_wait3A_84 = arith.constant 0 : i32
    %dma_wait3A_85 = tpu.memref_slice %arg9[%dma_wait3A_83, %dma_wait3A_84] : memref<16x128xf32, #tpu.memory_space<vmem_shared>> -> memref<16x128xf32, #tpu.memory_space<vmem_shared>>
    %dma_wait3A_86 = tpu.memref_slice %arg10[%dma_wait3A_75] : memref<3x!tpu.dma_semaphore, #tpu.memory_space<semaphore_mem>> -> memref<1x!tpu.dma_semaphore, #tpu.memory_space<semaphore_mem>>
    %dma_wait3A_87 = tpu.memref_squeeze %dma_wait3A_86 : memref<1x!tpu.dma_semaphore, #tpu.memory_space<semaphore_mem>> -> memref<!tpu.dma_semaphore, #tpu.memory_space<semaphore_mem>>
    tpu.wait_indirect_dma semaphore(%dma_wait3A_87 : memref<!tpu.dma_semaphore, #tpu.memory_space<semaphore_mem>>) src(%dma_wait3A_85 : memref<16x128xf32, #tpu.memory_space<vmem_shared>>) dst(%dma_wait3A_79 : memref<128x128xf32, #tpu.memory_space<vmem>>)
    %dma_wait3A_88 = arith.constant 0 : i32
    %dma_wait3A_89 = arith.constant 0 : i32
    %dma_wait3A_90 = arith.constant 0 : i32
    %dma_wait3A_91 = arith.constant 0 : i32
    %dma_wait3A_92 = tpu.memref_slice %arg8[%dma_wait3A_88, %dma_wait3A_90, %dma_wait3A_91] : memref<3x128x64xf32, #tpu.memory_space<vmem>> -> memref<1x128x64xf32, #tpu.memory_space<vmem>>
    %dma_wait3A_93 = tpu.memref_squeeze %dma_wait3A_92 : memref<1x128x64xf32, #tpu.memory_space<vmem>> -> memref<128x64xf32, #tpu.memory_space<vmem>>
    %dma_wait3A_94 = arith.constant 0 : i32
    %dma_wait3A_95 = tpu.memref_slice %arg4[%add3A_73, %dma_wait3A_94] : memref<65536x64xf32, #tpu.memory_space<hbm>> -> memref<128x64xf32, #tpu.memory_space<hbm>>
    %dma_wait3A_96 = tpu.memref_slice %arg11[%dma_wait3A_89] : memref<3x!tpu.dma_semaphore, #tpu.memory_space<semaphore_mem>> -> memref<1x!tpu.dma_semaphore, #tpu.memory_space<semaphore_mem>>
    %dma_wait3A_97 = tpu.memref_squeeze %dma_wait3A_96 : memref<1x!tpu.dma_semaphore, #tpu.memory_space<semaphore_mem>> -> memref<!tpu.dma_semaphore, #tpu.memory_space<semaphore_mem>>
    %dma_wait3A_98 = arith.constant 0 : i32
    %dma_wait3A_99 = arith.constant 0 : i32
    %dma_wait3A_100 = tpu.memref_slice %arg8[%dma_wait3A_88, %dma_wait3A_98, %dma_wait3A_99] : memref<3x128x64xf32, #tpu.memory_space<vmem>> -> memref<1x128x64xf32, #tpu.memory_space<vmem>>
    %dma_wait3A_101 = tpu.memref_squeeze %dma_wait3A_100 : memref<1x128x64xf32, #tpu.memory_space<vmem>> -> memref<128x64xf32, #tpu.memory_space<vmem>>
    %dma_wait3A_102 = arith.constant 0 : i32
    %dma_wait3A_103 = tpu.memref_slice %arg4[%add3A_73, %dma_wait3A_102] : memref<65536x64xf32, #tpu.memory_space<hbm>> -> memref<128x64xf32, #tpu.memory_space<hbm>>
    tpu.wait_dma2 semaphore(%dma_wait3A_97 : memref<!tpu.dma_semaphore, #tpu.memory_space<semaphore_mem>>) src(%dma_wait3A_103 : memref<128x64xf32, #tpu.memory_space<hbm>>) dst(%dma_wait3A_101 : memref<128x64xf32, #tpu.memory_space<vmem>>)
    %dma_start3A_104 = arith.constant 0 : i32
    %dma_start3A_105 = arith.constant 0 : i32
    %dma_start3A_106 = arith.constant 0 : i32
    %dma_start3A_107 = arith.constant 0 : i32
    %dma_start3A_108 = tpu.memref_slice %arg7[%dma_start3A_104, %dma_start3A_106, %dma_start3A_107] : memref<3x128x128xf32, #tpu.memory_space<vmem>> -> memref<1x128x128xf32, #tpu.memory_space<vmem>>
    %dma_start3A_109 = tpu.memref_squeeze %dma_start3A_108 : memref<1x128x128xf32, #tpu.memory_space<vmem>> -> memref<128x128xf32, #tpu.memory_space<vmem>>
    %dma_start3A_110 = arith.constant 0 : i32
    %dma_start3A_111 = tpu.memref_slice %arg5[%add3A_73, %dma_start3A_110] : memref<65536x192xf32, #tpu.memory_space<hbm>> -> memref<128x128xf32, #tpu.memory_space<hbm>>
    %dma_start3A_112 = tpu.memref_slice %arg12[%dma_start3A_105] : memref<3x!tpu.dma_semaphore, #tpu.memory_space<semaphore_mem>> -> memref<1x!tpu.dma_semaphore, #tpu.memory_space<semaphore_mem>>
    %dma_start3A_113 = tpu.memref_squeeze %dma_start3A_112 : memref<1x!tpu.dma_semaphore, #tpu.memory_space<semaphore_mem>> -> memref<!tpu.dma_semaphore, #tpu.memory_space<semaphore_mem>>
    %dma_start3A_114 = arith.constant 0 : i32
    %dma_start3A_115 = tpu.memref_slice %arg5[%add3A_73, %dma_start3A_114] : memref<65536x192xf32, #tpu.memory_space<hbm>> -> memref<128x128xf32, #tpu.memory_space<hbm>>
    %dma_start3A_116 = arith.constant 0 : i32
    %dma_start3A_117 = arith.constant 0 : i32
    %dma_start3A_118 = tpu.memref_slice %arg7[%dma_start3A_104, %dma_start3A_116, %dma_start3A_117] : memref<3x128x128xf32, #tpu.memory_space<vmem>> -> memref<1x128x128xf32, #tpu.memory_space<vmem>>
    %dma_start3A_119 = tpu.memref_squeeze %dma_start3A_118 : memref<1x128x128xf32, #tpu.memory_space<vmem>> -> memref<128x128xf32, #tpu.memory_space<vmem>>
    tpu.enqueue_dma source(%dma_start3A_119 : memref<128x128xf32, #tpu.memory_space<vmem>>) target(%dma_start3A_115 : memref<128x128xf32, #tpu.memory_space<hbm>>) target_semaphore(%dma_start3A_113 : memref<!tpu.dma_semaphore, #tpu.memory_space<semaphore_mem>>)
    %dma_start3A_120 = arith.constant 0 : i32
    %dma_start3A_121 = arith.constant 0 : i32
    %dma_start3A_122 = arith.constant 0 : i32
    %dma_start3A_123 = arith.constant 0 : i32
    %dma_start3A_124 = tpu.memref_slice %arg8[%dma_start3A_120, %dma_start3A_122, %dma_start3A_123] : memref<3x128x64xf32, #tpu.memory_space<vmem>> -> memref<1x128x64xf32, #tpu.memory_space<vmem>>
    %dma_start3A_125 = tpu.memref_squeeze %dma_start3A_124 : memref<1x128x64xf32, #tpu.memory_space<vmem>> -> memref<128x64xf32, #tpu.memory_space<vmem>>
    %dma_start3A_126 = arith.constant 128 : i32
    %dma_start3A_127 = tpu.memref_slice %arg5[%add3A_73, %dma_start3A_126] : memref<65536x192xf32, #tpu.memory_space<hbm>> -> memref<128x64xf32, #tpu.memory_space<hbm>>
    %dma_start3A_128 = tpu.memref_slice %arg12[%dma_start3A_121] : memref<3x!tpu.dma_semaphore, #tpu.memory_space<semaphore_mem>> -> memref<1x!tpu.dma_semaphore, #tpu.memory_space<semaphore_mem>>
    %dma_start3A_129 = tpu.memref_squeeze %dma_start3A_128 : memref<1x!tpu.dma_semaphore, #tpu.memory_space<semaphore_mem>> -> memref<!tpu.dma_semaphore, #tpu.memory_space<semaphore_mem>>
    %dma_start3A_130 = arith.constant 128 : i32
    %dma_start3A_131 = tpu.memref_slice %arg5[%add3A_73, %dma_start3A_130] : memref<65536x192xf32, #tpu.memory_space<hbm>> -> memref<128x64xf32, #tpu.memory_space<hbm>>
    %dma_start3A_132 = arith.constant 0 : i32
    %dma_start3A_133 = arith.constant 0 : i32
    %dma_start3A_134 = tpu.memref_slice %arg8[%dma_start3A_120, %dma_start3A_132, %dma_start3A_133] : memref<3x128x64xf32, #tpu.memory_space<vmem>> -> memref<1x128x64xf32, #tpu.memory_space<vmem>>
    %dma_start3A_135 = tpu.memref_squeeze %dma_start3A_134 : memref<1x128x64xf32, #tpu.memory_space<vmem>> -> memref<128x64xf32, #tpu.memory_space<vmem>>
    tpu.enqueue_dma source(%dma_start3A_135 : memref<128x64xf32, #tpu.memory_space<vmem>>) target(%dma_start3A_131 : memref<128x64xf32, #tpu.memory_space<hbm>>) target_semaphore(%dma_start3A_129 : memref<!tpu.dma_semaphore, #tpu.memory_space<semaphore_mem>>)
    %add3A_136 = arith.constant 256 : i32
    %add3A_137 = arith.addi %mul3A_2, %add3A_136 : i32
    %dma_start3A_138 = arith.constant 2 : i32
    %dma_start3A_139 = arith.constant 2 : i32
    %dma_start3A_140 = arith.constant 2 : i32
    %dma_start3A_141 = arith.constant 0 : i32
    %dma_start3A_142 = arith.constant 0 : i32
    %dma_start3A_143 = tpu.memref_slice %arg7[%dma_start3A_139, %dma_start3A_141, %dma_start3A_142] : memref<3x128x128xf32, #tpu.memory_space<vmem>> -> memref<1x128x128xf32, #tpu.memory_space<vmem>>
    %dma_start3A_144 = tpu.memref_squeeze %dma_start3A_143 : memref<1x128x128xf32, #tpu.memory_space<vmem>> -> memref<128x128xf32, #tpu.memory_space<vmem>>
    %dma_start3A_145 = arith.constant 0 : i32
    %dma_start3A_146 = tpu.memref_slice %arg6[%dma_start3A_138, %dma_start3A_145] : memref<16x128xi32, #tpu.memory_space<vmem>> -> memref<1x128xi32, #tpu.memory_space<vmem>>
    %dma_start3A_147 = tpu.memref_squeeze %dma_start3A_146 : memref<1x128xi32, #tpu.memory_space<vmem>> -> memref<128xi32, #tpu.memory_space<vmem>>
    %dma_start3A_148 = arith.constant 0 : i32
    %dma_start3A_149 = arith.constant 0 : i32
    %dma_start3A_150 = tpu.memref_slice %arg9[%dma_start3A_148, %dma_start3A_149] : memref<16x128xf32, #tpu.memory_space<vmem_shared>> -> memref<16x128xf32, #tpu.memory_space<vmem_shared>>
    %dma_start3A_151 = tpu.memref_slice %arg10[%dma_start3A_140] : memref<3x!tpu.dma_semaphore, #tpu.memory_space<semaphore_mem>> -> memref<1x!tpu.dma_semaphore, #tpu.memory_space<semaphore_mem>>
    %dma_start3A_152 = tpu.memref_squeeze %dma_start3A_151 : memref<1x!tpu.dma_semaphore, #tpu.memory_space<semaphore_mem>> -> memref<!tpu.dma_semaphore, #tpu.memory_space<semaphore_mem>>
    tpu.enqueue_indirect_dma source(%dma_start3A_150 : memref<16x128xf32, #tpu.memory_space<vmem_shared>>) target(%dma_start3A_144 : memref<128x128xf32, #tpu.memory_space<vmem>>) offsets(%dma_start3A_147 : memref<128xi32, #tpu.memory_space<vmem>>) semaphore(%dma_start3A_152 : memref<!tpu.dma_semaphore, #tpu.memory_space<semaphore_mem>>)
    %dma_start3A_153 = arith.constant 2 : i32
    %dma_start3A_154 = arith.constant 2 : i32
    %dma_start3A_155 = arith.constant 0 : i32
    %dma_start3A_156 = arith.constant 0 : i32
    %dma_start3A_157 = tpu.memref_slice %arg8[%dma_start3A_153, %dma_start3A_155, %dma_start3A_156] : memref<3x128x64xf32, #tpu.memory_space<vmem>> -> memref<1x128x64xf32, #tpu.memory_space<vmem>>
    %dma_start3A_158 = tpu.memref_squeeze %dma_start3A_157 : memref<1x128x64xf32, #tpu.memory_space<vmem>> -> memref<128x64xf32, #tpu.memory_space<vmem>>
    %dma_start3A_159 = arith.constant 0 : i32
    %dma_start3A_160 = tpu.memref_slice %arg4[%add3A_137, %dma_start3A_159] : memref<65536x64xf32, #tpu.memory_space<hbm>> -> memref<128x64xf32, #tpu.memory_space<hbm>>
    %dma_start3A_161 = tpu.memref_slice %arg11[%dma_start3A_154] : memref<3x!tpu.dma_semaphore, #tpu.memory_space<semaphore_mem>> -> memref<1x!tpu.dma_semaphore, #tpu.memory_space<semaphore_mem>>
    %dma_start3A_162 = tpu.memref_squeeze %dma_start3A_161 : memref<1x!tpu.dma_semaphore, #tpu.memory_space<semaphore_mem>> -> memref<!tpu.dma_semaphore, #tpu.memory_space<semaphore_mem>>
    %dma_start3A_163 = arith.constant 0 : i32
    %dma_start3A_164 = arith.constant 0 : i32
    %dma_start3A_165 = tpu.memref_slice %arg8[%dma_start3A_153, %dma_start3A_163, %dma_start3A_164] : memref<3x128x64xf32, #tpu.memory_space<vmem>> -> memref<1x128x64xf32, #tpu.memory_space<vmem>>
    %dma_start3A_166 = tpu.memref_squeeze %dma_start3A_165 : memref<1x128x64xf32, #tpu.memory_space<vmem>> -> memref<128x64xf32, #tpu.memory_space<vmem>>
    %dma_start3A_167 = arith.constant 0 : i32
    %dma_start3A_168 = tpu.memref_slice %arg4[%add3A_137, %dma_start3A_167] : memref<65536x64xf32, #tpu.memory_space<hbm>> -> memref<128x64xf32, #tpu.memory_space<hbm>>
    tpu.enqueue_dma source(%dma_start3A_168 : memref<128x64xf32, #tpu.memory_space<hbm>>) target(%dma_start3A_166 : memref<128x64xf32, #tpu.memory_space<vmem>>) target_semaphore(%dma_start3A_162 : memref<!tpu.dma_semaphore, #tpu.memory_space<semaphore_mem>>)
    %add3A_169 = arith.constant 128 : i32
    %add3A_170 = arith.addi %mul3A_2, %add3A_169 : i32
    %dma_wait3A_171 = arith.constant 1 : i32
    %dma_wait3A_172 = arith.constant 1 : i32
    %dma_wait3A_173 = arith.constant 1 : i32
    %dma_wait3A_174 = arith.constant 0 : i32
    %dma_wait3A_175 = arith.constant 0 : i32
    %dma_wait3A_176 = tpu.memref_slice %arg7[%dma_wait3A_172, %dma_wait3A_174, %dma_wait3A_175] : memref<3x128x128xf32, #tpu.memory_space<vmem>> -> memref<1x128x128xf32, #tpu.memory_space<vmem>>
    %dma_wait3A_177 = tpu.memref_squeeze %dma_wait3A_176 : memref<1x128x128xf32, #tpu.memory_space<vmem>> -> memref<128x128xf32, #tpu.memory_space<vmem>>
    %dma_wait3A_178 = arith.constant 0 : i32
    %dma_wait3A_179 = tpu.memref_slice %arg6[%dma_wait3A_171, %dma_wait3A_178] : memref<16x128xi32, #tpu.memory_space<vmem>> -> memref<1x128xi32, #tpu.memory_space<vmem>>
    %dma_wait3A_180 = tpu.memref_squeeze %dma_wait3A_179 : memref<1x128xi32, #tpu.memory_space<vmem>> -> memref<128xi32, #tpu.memory_space<vmem>>
    %dma_wait3A_181 = arith.constant 0 : i32
    %dma_wait3A_182 = arith.constant 0 : i32
    %dma_wait3A_183 = tpu.memref_slice %arg9[%dma_wait3A_181, %dma_wait3A_182] : memref<16x128xf32, #tpu.memory_space<vmem_shared>> -> memref<16x128xf32, #tpu.memory_space<vmem_shared>>
    %dma_wait3A_184 = tpu.memref_slice %arg10[%dma_wait3A_173] : memref<3x!tpu.dma_semaphore, #tpu.memory_space<semaphore_mem>> -> memref<1x!tpu.dma_semaphore, #tpu.memory_space<semaphore_mem>>
    %dma_wait3A_185 = tpu.memref_squeeze %dma_wait3A_184 : memref<1x!tpu.dma_semaphore, #tpu.memory_space<semaphore_mem>> -> memref<!tpu.dma_semaphore, #tpu.memory_space<semaphore_mem>>
    tpu.wait_indirect_dma semaphore(%dma_wait3A_185 : memref<!tpu.dma_semaphore, #tpu.memory_space<semaphore_mem>>) src(%dma_wait3A_183 : memref<16x128xf32, #tpu.memory_space<vmem_shared>>) dst(%dma_wait3A_177 : memref<128x128xf32, #tpu.memory_space<vmem>>)
    %dma_wait3A_186 = arith.constant 1 : i32
    %dma_wait3A_187 = arith.constant 1 : i32
    %dma_wait3A_188 = arith.constant 0 : i32
    %dma_wait3A_189 = arith.constant 0 : i32
    %dma_wait3A_190 = tpu.memref_slice %arg8[%dma_wait3A_186, %dma_wait3A_188, %dma_wait3A_189] : memref<3x128x64xf32, #tpu.memory_space<vmem>> -> memref<1x128x64xf32, #tpu.memory_space<vmem>>
    %dma_wait3A_191 = tpu.memref_squeeze %dma_wait3A_190 : memref<1x128x64xf32, #tpu.memory_space<vmem>> -> memref<128x64xf32, #tpu.memory_space<vmem>>
    %dma_wait3A_192 = arith.constant 0 : i32
    %dma_wait3A_193 = tpu.memref_slice %arg4[%add3A_170, %dma_wait3A_192] : memref<65536x64xf32, #tpu.memory_space<hbm>> -> memref<128x64xf32, #tpu.memory_space<hbm>>
    %dma_wait3A_194 = tpu.memref_slice %arg11[%dma_wait3A_187] : memref<3x!tpu.dma_semaphore, #tpu.memory_space<semaphore_mem>> -> memref<1x!tpu.dma_semaphore, #tpu.memory_space<semaphore_mem>>
    %dma_wait3A_195 = tpu.memref_squeeze %dma_wait3A_194 : memref<1x!tpu.dma_semaphore, #tpu.memory_space<semaphore_mem>> -> memref<!tpu.dma_semaphore, #tpu.memory_space<semaphore_mem>>
    %dma_wait3A_196 = arith.constant 0 : i32
    %dma_wait3A_197 = arith.constant 0 : i32
    %dma_wait3A_198 = tpu.memref_slice %arg8[%dma_wait3A_186, %dma_wait3A_196, %dma_wait3A_197] : memref<3x128x64xf32, #tpu.memory_space<vmem>> -> memref<1x128x64xf32, #tpu.memory_space<vmem>>
    %dma_wait3A_199 = tpu.memref_squeeze %dma_wait3A_198 : memref<1x128x64xf32, #tpu.memory_space<vmem>> -> memref<128x64xf32, #tpu.memory_space<vmem>>
    %dma_wait3A_200 = arith.constant 0 : i32
    %dma_wait3A_201 = tpu.memref_slice %arg4[%add3A_170, %dma_wait3A_200] : memref<65536x64xf32, #tpu.memory_space<hbm>> -> memref<128x64xf32, #tpu.memory_space<hbm>>
    tpu.wait_dma2 semaphore(%dma_wait3A_195 : memref<!tpu.dma_semaphore, #tpu.memory_space<semaphore_mem>>) src(%dma_wait3A_201 : memref<128x64xf32, #tpu.memory_space<hbm>>) dst(%dma_wait3A_199 : memref<128x64xf32, #tpu.memory_space<vmem>>)
    %dma_start3A_202 = arith.constant 1 : i32
    %dma_start3A_203 = arith.constant 1 : i32
    %dma_start3A_204 = arith.constant 0 : i32
    %dma_start3A_205 = arith.constant 0 : i32
    %dma_start3A_206 = tpu.memref_slice %arg7[%dma_start3A_202, %dma_start3A_204, %dma_start3A_205] : memref<3x128x128xf32, #tpu.memory_space<vmem>> -> memref<1x128x128xf32, #tpu.memory_space<vmem>>
    %dma_start3A_207 = tpu.memref_squeeze %dma_start3A_206 : memref<1x128x128xf32, #tpu.memory_space<vmem>> -> memref<128x128xf32, #tpu.memory_space<vmem>>
    %dma_start3A_208 = arith.constant 0 : i32
    %dma_start3A_209 = tpu.memref_slice %arg5[%add3A_170, %dma_start3A_208] : memref<65536x192xf32, #tpu.memory_space<hbm>> -> memref<128x128xf32, #tpu.memory_space<hbm>>
    %dma_start3A_210 = tpu.memref_slice %arg12[%dma_start3A_203] : memref<3x!tpu.dma_semaphore, #tpu.memory_space<semaphore_mem>> -> memref<1x!tpu.dma_semaphore, #tpu.memory_space<semaphore_mem>>
    %dma_start3A_211 = tpu.memref_squeeze %dma_start3A_210 : memref<1x!tpu.dma_semaphore, #tpu.memory_space<semaphore_mem>> -> memref<!tpu.dma_semaphore, #tpu.memory_space<semaphore_mem>>
    %dma_start3A_212 = arith.constant 0 : i32
    %dma_start3A_213 = tpu.memref_slice %arg5[%add3A_170, %dma_start3A_212] : memref<65536x192xf32, #tpu.memory_space<hbm>> -> memref<128x128xf32, #tpu.memory_space<hbm>>
    %dma_start3A_214 = arith.constant 0 : i32
    %dma_start3A_215 = arith.constant 0 : i32
    %dma_start3A_216 = tpu.memref_slice %arg7[%dma_start3A_202, %dma_start3A_214, %dma_start3A_215] : memref<3x128x128xf32, #tpu.memory_space<vmem>> -> memref<1x128x128xf32, #tpu.memory_space<vmem>>
    %dma_start3A_217 = tpu.memref_squeeze %dma_start3A_216 : memref<1x128x128xf32, #tpu.memory_space<vmem>> -> memref<128x128xf32, #tpu.memory_space<vmem>>
    tpu.enqueue_dma source(%dma_start3A_217 : memref<128x128xf32, #tpu.memory_space<vmem>>) target(%dma_start3A_213 : memref<128x128xf32, #tpu.memory_space<hbm>>) target_semaphore(%dma_start3A_211 : memref<!tpu.dma_semaphore, #tpu.memory_space<semaphore_mem>>)
    %dma_start3A_218 = arith.constant 1 : i32
    %dma_start3A_219 = arith.constant 1 : i32
    %dma_start3A_220 = arith.constant 0 : i32
    %dma_start3A_221 = arith.constant 0 : i32
    %dma_start3A_222 = tpu.memref_slice %arg8[%dma_start3A_218, %dma_start3A_220, %dma_start3A_221] : memref<3x128x64xf32, #tpu.memory_space<vmem>> -> memref<1x128x64xf32, #tpu.memory_space<vmem>>
    %dma_start3A_223 = tpu.memref_squeeze %dma_start3A_222 : memref<1x128x64xf32, #tpu.memory_space<vmem>> -> memref<128x64xf32, #tpu.memory_space<vmem>>
    %dma_start3A_224 = arith.constant 128 : i32
    %dma_start3A_225 = tpu.memref_slice %arg5[%add3A_170, %dma_start3A_224] : memref<65536x192xf32, #tpu.memory_space<hbm>> -> memref<128x64xf32, #tpu.memory_space<hbm>>
    %dma_start3A_226 = tpu.memref_slice %arg12[%dma_start3A_219] : memref<3x!tpu.dma_semaphore, #tpu.memory_space<semaphore_mem>> -> memref<1x!tpu.dma_semaphore, #tpu.memory_space<semaphore_mem>>
    %dma_start3A_227 = tpu.memref_squeeze %dma_start3A_226 : memref<1x!tpu.dma_semaphore, #tpu.memory_space<semaphore_mem>> -> memref<!tpu.dma_semaphore, #tpu.memory_space<semaphore_mem>>
    %dma_start3A_228 = arith.constant 128 : i32
    %dma_start3A_229 = tpu.memref_slice %arg5[%add3A_170, %dma_start3A_228] : memref<65536x192xf32, #tpu.memory_space<hbm>> -> memref<128x64xf32, #tpu.memory_space<hbm>>
    %dma_start3A_230 = arith.constant 0 : i32
    %dma_start3A_231 = arith.constant 0 : i32
    %dma_start3A_232 = tpu.memref_slice %arg8[%dma_start3A_218, %dma_start3A_230, %dma_start3A_231] : memref<3x128x64xf32, #tpu.memory_space<vmem>> -> memref<1x128x64xf32, #tpu.memory_space<vmem>>
    %dma_start3A_233 = tpu.memref_squeeze %dma_start3A_232 : memref<1x128x64xf32, #tpu.memory_space<vmem>> -> memref<128x64xf32, #tpu.memory_space<vmem>>
    tpu.enqueue_dma source(%dma_start3A_233 : memref<128x64xf32, #tpu.memory_space<vmem>>) target(%dma_start3A_229 : memref<128x64xf32, #tpu.memory_space<hbm>>) target_semaphore(%dma_start3A_227 : memref<!tpu.dma_semaphore, #tpu.memory_space<semaphore_mem>>)
    %add3A_234 = arith.constant 0 : i32
    %add3A_235 = arith.addi %mul3A_2, %add3A_234 : i32
    %dma_wait3A_236 = arith.constant 0 : i32
    %dma_wait3A_237 = arith.constant 0 : i32
    %dma_wait3A_238 = arith.constant 0 : i32
    %dma_wait3A_239 = arith.constant 0 : i32
    %dma_wait3A_240 = tpu.memref_slice %arg7[%dma_wait3A_236, %dma_wait3A_238, %dma_wait3A_239] : memref<3x128x128xf32, #tpu.memory_space<vmem>> -> memref<1x128x128xf32, #tpu.memory_space<vmem>>
    %dma_wait3A_241 = tpu.memref_squeeze %dma_wait3A_240 : memref<1x128x128xf32, #tpu.memory_space<vmem>> -> memref<128x128xf32, #tpu.memory_space<vmem>>
    %dma_wait3A_242 = arith.constant 0 : i32
    %dma_wait3A_243 = tpu.memref_slice %arg5[%add3A_235, %dma_wait3A_242] : memref<65536x192xf32, #tpu.memory_space<hbm>> -> memref<128x128xf32, #tpu.memory_space<hbm>>
    %dma_wait3A_244 = tpu.memref_slice %arg12[%dma_wait3A_237] : memref<3x!tpu.dma_semaphore, #tpu.memory_space<semaphore_mem>> -> memref<1x!tpu.dma_semaphore, #tpu.memory_space<semaphore_mem>>
    %dma_wait3A_245 = tpu.memref_squeeze %dma_wait3A_244 : memref<1x!tpu.dma_semaphore, #tpu.memory_space<semaphore_mem>> -> memref<!tpu.dma_semaphore, #tpu.memory_space<semaphore_mem>>
    %dma_wait3A_246 = arith.constant 0 : i32
    %dma_wait3A_247 = tpu.memref_slice %arg5[%add3A_235, %dma_wait3A_246] : memref<65536x192xf32, #tpu.memory_space<hbm>> -> memref<128x128xf32, #tpu.memory_space<hbm>>
    %dma_wait3A_248 = arith.constant 0 : i32
    %dma_wait3A_249 = arith.constant 0 : i32
    %dma_wait3A_250 = tpu.memref_slice %arg7[%dma_wait3A_236, %dma_wait3A_248, %dma_wait3A_249] : memref<3x128x128xf32, #tpu.memory_space<vmem>> -> memref<1x128x128xf32, #tpu.memory_space<vmem>>
    %dma_wait3A_251 = tpu.memref_squeeze %dma_wait3A_250 : memref<1x128x128xf32, #tpu.memory_space<vmem>> -> memref<128x128xf32, #tpu.memory_space<vmem>>
    tpu.wait_dma2 semaphore(%dma_wait3A_245 : memref<!tpu.dma_semaphore, #tpu.memory_space<semaphore_mem>>) src(%dma_wait3A_251 : memref<128x128xf32, #tpu.memory_space<vmem>>) dst(%dma_wait3A_247 : memref<128x128xf32, #tpu.memory_space<hbm>>)
    %dma_wait3A_252 = arith.constant 0 : i32
    %dma_wait3A_253 = arith.constant 0 : i32
    %dma_wait3A_254 = arith.constant 0 : i32
    %dma_wait3A_255 = arith.constant 0 : i32
    %dma_wait3A_256 = tpu.memref_slice %arg8[%dma_wait3A_252, %dma_wait3A_254, %dma_wait3A_255] : memref<3x128x64xf32, #tpu.memory_space<vmem>> -> memref<1x128x64xf32, #tpu.memory_space<vmem>>
    %dma_wait3A_257 = tpu.memref_squeeze %dma_wait3A_256 : memref<1x128x64xf32, #tpu.memory_space<vmem>> -> memref<128x64xf32, #tpu.memory_space<vmem>>
    %dma_wait3A_258 = arith.constant 128 : i32
    %dma_wait3A_259 = tpu.memref_slice %arg5[%add3A_235, %dma_wait3A_258] : memref<65536x192xf32, #tpu.memory_space<hbm>> -> memref<128x64xf32, #tpu.memory_space<hbm>>
    %dma_wait3A_260 = tpu.memref_slice %arg12[%dma_wait3A_253] : memref<3x!tpu.dma_semaphore, #tpu.memory_space<semaphore_mem>> -> memref<1x!tpu.dma_semaphore, #tpu.memory_space<semaphore_mem>>
    %dma_wait3A_261 = tpu.memref_squeeze %dma_wait3A_260 : memref<1x!tpu.dma_semaphore, #tpu.memory_space<semaphore_mem>> -> memref<!tpu.dma_semaphore, #tpu.memory_space<semaphore_mem>>
    %dma_wait3A_262 = arith.constant 128 : i32
    %dma_wait3A_263 = tpu.memref_slice %arg5[%add3A_235, %dma_wait3A_262] : memref<65536x192xf32, #tpu.memory_space<hbm>> -> memref<128x64xf32, #tpu.memory_space<hbm>>
    %dma_wait3A_264 = arith.constant 0 : i32
    %dma_wait3A_265 = arith.constant 0 : i32
    %dma_wait3A_266 = tpu.memref_slice %arg8[%dma_wait3A_252, %dma_wait3A_264, %dma_wait3A_265] : memref<3x128x64xf32, #tpu.memory_space<vmem>> -> memref<1x128x64xf32, #tpu.memory_space<vmem>>
    %dma_wait3A_267 = tpu.memref_squeeze %dma_wait3A_266 : memref<1x128x64xf32, #tpu.memory_space<vmem>> -> memref<128x64xf32, #tpu.memory_space<vmem>>
    tpu.wait_dma2 semaphore(%dma_wait3A_261 : memref<!tpu.dma_semaphore, #tpu.memory_space<semaphore_mem>>) src(%dma_wait3A_267 : memref<128x64xf32, #tpu.memory_space<vmem>>) dst(%dma_wait3A_263 : memref<128x64xf32, #tpu.memory_space<hbm>>)
    %add3A_268 = arith.constant 384 : i32
    %add3A_269 = arith.addi %mul3A_2, %add3A_268 : i32
    %dma_start3A_270 = arith.constant 3 : i32
    %dma_start3A_271 = arith.constant 0 : i32
    %dma_start3A_272 = arith.constant 0 : i32
    %dma_start3A_273 = arith.constant 0 : i32
    %dma_start3A_274 = arith.constant 0 : i32
    %dma_start3A_275 = tpu.memref_slice %arg7[%dma_start3A_271, %dma_start3A_273, %dma_start3A_274] : memref<3x128x128xf32, #tpu.memory_space<vmem>> -> memref<1x128x128xf32, #tpu.memory_space<vmem>>
    %dma_start3A_276 = tpu.memref_squeeze %dma_start3A_275 : memref<1x128x128xf32, #tpu.memory_space<vmem>> -> memref<128x128xf32, #tpu.memory_space<vmem>>
    %dma_start3A_277 = arith.constant 0 : i32
    %dma_start3A_278 = tpu.memref_slice %arg6[%dma_start3A_270, %dma_start3A_277] : memref<16x128xi32, #tpu.memory_space<vmem>> -> memref<1x128xi32, #tpu.memory_space<vmem>>
    %dma_start3A_279 = tpu.memref_squeeze %dma_start3A_278 : memref<1x128xi32, #tpu.memory_space<vmem>> -> memref<128xi32, #tpu.memory_space<vmem>>
    %dma_start3A_280 = arith.constant 0 : i32
    %dma_start3A_281 = arith.constant 0 : i32
    %dma_start3A_282 = tpu.memref_slice %arg9[%dma_start3A_280, %dma_start3A_281] : memref<16x128xf32, #tpu.memory_space<vmem_shared>> -> memref<16x128xf32, #tpu.memory_space<vmem_shared>>
    %dma_start3A_283 = tpu.memref_slice %arg10[%dma_start3A_272] : memref<3x!tpu.dma_semaphore, #tpu.memory_space<semaphore_mem>> -> memref<1x!tpu.dma_semaphore, #tpu.memory_space<semaphore_mem>>
    %dma_start3A_284 = tpu.memref_squeeze %dma_start3A_283 : memref<1x!tpu.dma_semaphore, #tpu.memory_space<semaphore_mem>> -> memref<!tpu.dma_semaphore, #tpu.memory_space<semaphore_mem>>
    tpu.enqueue_indirect_dma source(%dma_start3A_282 : memref<16x128xf32, #tpu.memory_space<vmem_shared>>) target(%dma_start3A_276 : memref<128x128xf32, #tpu.memory_space<vmem>>) offsets(%dma_start3A_279 : memref<128xi32, #tpu.memory_space<vmem>>) semaphore(%dma_start3A_284 : memref<!tpu.dma_semaphore, #tpu.memory_space<semaphore_mem>>)
    %dma_start3A_285 = arith.constant 0 : i32
    %dma_start3A_286 = arith.constant 0 : i32
    %dma_start3A_287 = arith.constant 0 : i32
    %dma_start3A_288 = arith.constant 0 : i32
    %dma_start3A_289 = tpu.memref_slice %arg8[%dma_start3A_285, %dma_start3A_287, %dma_start3A_288] : memref<3x128x64xf32, #tpu.memory_space<vmem>> -> memref<1x128x64xf32, #tpu.memory_space<vmem>>
    %dma_start3A_290 = tpu.memref_squeeze %dma_start3A_289 : memref<1x128x64xf32, #tpu.memory_space<vmem>> -> memref<128x64xf32, #tpu.memory_space<vmem>>
    %dma_start3A_291 = arith.constant 0 : i32
    %dma_start3A_292 = tpu.memref_slice %arg4[%add3A_269, %dma_start3A_291] : memref<65536x64xf32, #tpu.memory_space<hbm>> -> memref<128x64xf32, #tpu.memory_space<hbm>>
    %dma_start3A_293 = tpu.memref_slice %arg11[%dma_start3A_286] : memref<3x!tpu.dma_semaphore, #tpu.memory_space<semaphore_mem>> -> memref<1x!tpu.dma_semaphore, #tpu.memory_space<semaphore_mem>>
    %dma_start3A_294 = tpu.memref_squeeze %dma_start3A_293 : memref<1x!tpu.dma_semaphore, #tpu.memory_space<semaphore_mem>> -> memref<!tpu.dma_semaphore, #tpu.memory_space<semaphore_mem>>
    %dma_start3A_295 = arith.constant 0 : i32
    %dma_start3A_296 = arith.constant 0 : i32
    %dma_start3A_297 = tpu.memref_slice %arg8[%dma_start3A_285, %dma_start3A_295, %dma_start3A_296] : memref<3x128x64xf32, #tpu.memory_space<vmem>> -> memref<1x128x64xf32, #tpu.memory_space<vmem>>
    %dma_start3A_298 = tpu.memref_squeeze %dma_start3A_297 : memref<1x128x64xf32, #tpu.memory_space<vmem>> -> memref<128x64xf32, #tpu.memory_space<vmem>>
    %dma_start3A_299 = arith.constant 0 : i32
    %dma_start3A_300 = tpu.memref_slice %arg4[%add3A_269, %dma_start3A_299] : memref<65536x64xf32, #tpu.memory_space<hbm>> -> memref<128x64xf32, #tpu.memory_space<hbm>>
    tpu.enqueue_dma source(%dma_start3A_300 : memref<128x64xf32, #tpu.memory_space<hbm>>) target(%dma_start3A_298 : memref<128x64xf32, #tpu.memory_space<vmem>>) target_semaphore(%dma_start3A_294 : memref<!tpu.dma_semaphore, #tpu.memory_space<semaphore_mem>>)
    %add3A_301 = arith.constant 256 : i32
    %add3A_302 = arith.addi %mul3A_2, %add3A_301 : i32
    %dma_wait3A_303 = arith.constant 2 : i32
    %dma_wait3A_304 = arith.constant 2 : i32
    %dma_wait3A_305 = arith.constant 2 : i32
    %dma_wait3A_306 = arith.constant 0 : i32
    %dma_wait3A_307 = arith.constant 0 : i32
    %dma_wait3A_308 = tpu.memref_slice %arg7[%dma_wait3A_304, %dma_wait3A_306, %dma_wait3A_307] : memref<3x128x128xf32, #tpu.memory_space<vmem>> -> memref<1x128x128xf32, #tpu.memory_space<vmem>>
    %dma_wait3A_309 = tpu.memref_squeeze %dma_wait3A_308 : memref<1x128x128xf32, #tpu.memory_space<vmem>> -> memref<128x128xf32, #tpu.memory_space<vmem>>
    %dma_wait3A_310 = arith.constant 0 : i32
    %dma_wait3A_311 = tpu.memref_slice %arg6[%dma_wait3A_303, %dma_wait3A_310] : memref<16x128xi32, #tpu.memory_space<vmem>> -> memref<1x128xi32, #tpu.memory_space<vmem>>
    %dma_wait3A_312 = tpu.memref_squeeze %dma_wait3A_311 : memref<1x128xi32, #tpu.memory_space<vmem>> -> memref<128xi32, #tpu.memory_space<vmem>>
    %dma_wait3A_313 = arith.constant 0 : i32
    %dma_wait3A_314 = arith.constant 0 : i32
    %dma_wait3A_315 = tpu.memref_slice %arg9[%dma_wait3A_313, %dma_wait3A_314] : memref<16x128xf32, #tpu.memory_space<vmem_shared>> -> memref<16x128xf32, #tpu.memory_space<vmem_shared>>
    %dma_wait3A_316 = tpu.memref_slice %arg10[%dma_wait3A_305] : memref<3x!tpu.dma_semaphore, #tpu.memory_space<semaphore_mem>> -> memref<1x!tpu.dma_semaphore, #tpu.memory_space<semaphore_mem>>
    %dma_wait3A_317 = tpu.memref_squeeze %dma_wait3A_316 : memref<1x!tpu.dma_semaphore, #tpu.memory_space<semaphore_mem>> -> memref<!tpu.dma_semaphore, #tpu.memory_space<semaphore_mem>>
    tpu.wait_indirect_dma semaphore(%dma_wait3A_317 : memref<!tpu.dma_semaphore, #tpu.memory_space<semaphore_mem>>) src(%dma_wait3A_315 : memref<16x128xf32, #tpu.memory_space<vmem_shared>>) dst(%dma_wait3A_309 : memref<128x128xf32, #tpu.memory_space<vmem>>)
    %dma_wait3A_318 = arith.constant 2 : i32
    %dma_wait3A_319 = arith.constant 2 : i32
    %dma_wait3A_320 = arith.constant 0 : i32
    %dma_wait3A_321 = arith.constant 0 : i32
    %dma_wait3A_322 = tpu.memref_slice %arg8[%dma_wait3A_318, %dma_wait3A_320, %dma_wait3A_321] : memref<3x128x64xf32, #tpu.memory_space<vmem>> -> memref<1x128x64xf32, #tpu.memory_space<vmem>>
    %dma_wait3A_323 = tpu.memref_squeeze %dma_wait3A_322 : memref<1x128x64xf32, #tpu.memory_space<vmem>> -> memref<128x64xf32, #tpu.memory_space<vmem>>
    %dma_wait3A_324 = arith.constant 0 : i32
    %dma_wait3A_325 = tpu.memref_slice %arg4[%add3A_302, %dma_wait3A_324] : memref<65536x64xf32, #tpu.memory_space<hbm>> -> memref<128x64xf32, #tpu.memory_space<hbm>>
    %dma_wait3A_326 = tpu.memref_slice %arg11[%dma_wait3A_319] : memref<3x!tpu.dma_semaphore, #tpu.memory_space<semaphore_mem>> -> memref<1x!tpu.dma_semaphore, #tpu.memory_space<semaphore_mem>>
    %dma_wait3A_327 = tpu.memref_squeeze %dma_wait3A_326 : memref<1x!tpu.dma_semaphore, #tpu.memory_space<semaphore_mem>> -> memref<!tpu.dma_semaphore, #tpu.memory_space<semaphore_mem>>
    %dma_wait3A_328 = arith.constant 0 : i32
    %dma_wait3A_329 = arith.constant 0 : i32
    %dma_wait3A_330 = tpu.memref_slice %arg8[%dma_wait3A_318, %dma_wait3A_328, %dma_wait3A_329] : memref<3x128x64xf32, #tpu.memory_space<vmem>> -> memref<1x128x64xf32, #tpu.memory_space<vmem>>
    %dma_wait3A_331 = tpu.memref_squeeze %dma_wait3A_330 : memref<1x128x64xf32, #tpu.memory_space<vmem>> -> memref<128x64xf32, #tpu.memory_space<vmem>>
    %dma_wait3A_332 = arith.constant 0 : i32
    %dma_wait3A_333 = tpu.memref_slice %arg4[%add3A_302, %dma_wait3A_332] : memref<65536x64xf32, #tpu.memory_space<hbm>> -> memref<128x64xf32, #tpu.memory_space<hbm>>
    tpu.wait_dma2 semaphore(%dma_wait3A_327 : memref<!tpu.dma_semaphore, #tpu.memory_space<semaphore_mem>>) src(%dma_wait3A_333 : memref<128x64xf32, #tpu.memory_space<hbm>>) dst(%dma_wait3A_331 : memref<128x64xf32, #tpu.memory_space<vmem>>)
    %dma_start3A_334 = arith.constant 2 : i32
    %dma_start3A_335 = arith.constant 2 : i32
    %dma_start3A_336 = arith.constant 0 : i32
    %dma_start3A_337 = arith.constant 0 : i32
    %dma_start3A_338 = tpu.memref_slice %arg7[%dma_start3A_334, %dma_start3A_336, %dma_start3A_337] : memref<3x128x128xf32, #tpu.memory_space<vmem>> -> memref<1x128x128xf32, #tpu.memory_space<vmem>>
    %dma_start3A_339 = tpu.memref_squeeze %dma_start3A_338 : memref<1x128x128xf32, #tpu.memory_space<vmem>> -> memref<128x128xf32, #tpu.memory_space<vmem>>
    %dma_start3A_340 = arith.constant 0 : i32
    %dma_start3A_341 = tpu.memref_slice %arg5[%add3A_302, %dma_start3A_340] : memref<65536x192xf32, #tpu.memory_space<hbm>> -> memref<128x128xf32, #tpu.memory_space<hbm>>
    %dma_start3A_342 = tpu.memref_slice %arg12[%dma_start3A_335] : memref<3x!tpu.dma_semaphore, #tpu.memory_space<semaphore_mem>> -> memref<1x!tpu.dma_semaphore, #tpu.memory_space<semaphore_mem>>
    %dma_start3A_343 = tpu.memref_squeeze %dma_start3A_342 : memref<1x!tpu.dma_semaphore, #tpu.memory_space<semaphore_mem>> -> memref<!tpu.dma_semaphore, #tpu.memory_space<semaphore_mem>>
    %dma_start3A_344 = arith.constant 0 : i32
    %dma_start3A_345 = tpu.memref_slice %arg5[%add3A_302, %dma_start3A_344] : memref<65536x192xf32, #tpu.memory_space<hbm>> -> memref<128x128xf32, #tpu.memory_space<hbm>>
    %dma_start3A_346 = arith.constant 0 : i32
    %dma_start3A_347 = arith.constant 0 : i32
    %dma_start3A_348 = tpu.memref_slice %arg7[%dma_start3A_334, %dma_start3A_346, %dma_start3A_347] : memref<3x128x128xf32, #tpu.memory_space<vmem>> -> memref<1x128x128xf32, #tpu.memory_space<vmem>>
    %dma_start3A_349 = tpu.memref_squeeze %dma_start3A_348 : memref<1x128x128xf32, #tpu.memory_space<vmem>> -> memref<128x128xf32, #tpu.memory_space<vmem>>
    tpu.enqueue_dma source(%dma_start3A_349 : memref<128x128xf32, #tpu.memory_space<vmem>>) target(%dma_start3A_345 : memref<128x128xf32, #tpu.memory_space<hbm>>) target_semaphore(%dma_start3A_343 : memref<!tpu.dma_semaphore, #tpu.memory_space<semaphore_mem>>)
    %dma_start3A_350 = arith.constant 2 : i32
    %dma_start3A_351 = arith.constant 2 : i32
    %dma_start3A_352 = arith.constant 0 : i32
    %dma_start3A_353 = arith.constant 0 : i32
    %dma_start3A_354 = tpu.memref_slice %arg8[%dma_start3A_350, %dma_start3A_352, %dma_start3A_353] : memref<3x128x64xf32, #tpu.memory_space<vmem>> -> memref<1x128x64xf32, #tpu.memory_space<vmem>>
    %dma_start3A_355 = tpu.memref_squeeze %dma_start3A_354 : memref<1x128x64xf32, #tpu.memory_space<vmem>> -> memref<128x64xf32, #tpu.memory_space<vmem>>
    %dma_start3A_356 = arith.constant 128 : i32
    %dma_start3A_357 = tpu.memref_slice %arg5[%add3A_302, %dma_start3A_356] : memref<65536x192xf32, #tpu.memory_space<hbm>> -> memref<128x64xf32, #tpu.memory_space<hbm>>
    %dma_start3A_358 = tpu.memref_slice %arg12[%dma_start3A_351] : memref<3x!tpu.dma_semaphore, #tpu.memory_space<semaphore_mem>> -> memref<1x!tpu.dma_semaphore, #tpu.memory_space<semaphore_mem>>
    %dma_start3A_359 = tpu.memref_squeeze %dma_start3A_358 : memref<1x!tpu.dma_semaphore, #tpu.memory_space<semaphore_mem>> -> memref<!tpu.dma_semaphore, #tpu.memory_space<semaphore_mem>>
    %dma_start3A_360 = arith.constant 128 : i32
    %dma_start3A_361 = tpu.memref_slice %arg5[%add3A_302, %dma_start3A_360] : memref<65536x192xf32, #tpu.memory_space<hbm>> -> memref<128x64xf32, #tpu.memory_space<hbm>>
    %dma_start3A_362 = arith.constant 0 : i32
    %dma_start3A_363 = arith.constant 0 : i32
    %dma_start3A_364 = tpu.memref_slice %arg8[%dma_start3A_350, %dma_start3A_362, %dma_start3A_363] : memref<3x128x64xf32, #tpu.memory_space<vmem>> -> memref<1x128x64xf32, #tpu.memory_space<vmem>>
    %dma_start3A_365 = tpu.memref_squeeze %dma_start3A_364 : memref<1x128x64xf32, #tpu.memory_space<vmem>> -> memref<128x64xf32, #tpu.memory_space<vmem>>
    tpu.enqueue_dma source(%dma_start3A_365 : memref<128x64xf32, #tpu.memory_space<vmem>>) target(%dma_start3A_361 : memref<128x64xf32, #tpu.memory_space<hbm>>) target_semaphore(%dma_start3A_359 : memref<!tpu.dma_semaphore, #tpu.memory_space<semaphore_mem>>)
    %add3A_366 = arith.constant 128 : i32
    %add3A_367 = arith.addi %mul3A_2, %add3A_366 : i32
    %dma_wait3A_368 = arith.constant 1 : i32
    %dma_wait3A_369 = arith.constant 1 : i32
    %dma_wait3A_370 = arith.constant 0 : i32
    %dma_wait3A_371 = arith.constant 0 : i32
    %dma_wait3A_372 = tpu.memref_slice %arg7[%dma_wait3A_368, %dma_wait3A_370, %dma_wait3A_371] : memref<3x128x128xf32, #tpu.memory_space<vmem>> -> memref<1x128x128xf32, #tpu.memory_space<vmem>>
    %dma_wait3A_373 = tpu.memref_squeeze %dma_wait3A_372 : memref<1x128x128xf32, #tpu.memory_space<vmem>> -> memref<128x128xf32, #tpu.memory_space<vmem>>
    %dma_wait3A_374 = arith.constant 0 : i32
    %dma_wait3A_375 = tpu.memref_slice %arg5[%add3A_367, %dma_wait3A_374] : memref<65536x192xf32, #tpu.memory_space<hbm>> -> memref<128x128xf32, #tpu.memory_space<hbm>>
    %dma_wait3A_376 = tpu.memref_slice %arg12[%dma_wait3A_369] : memref<3x!tpu.dma_semaphore, #tpu.memory_space<semaphore_mem>> -> memref<1x!tpu.dma_semaphore, #tpu.memory_space<semaphore_mem>>
    %dma_wait3A_377 = tpu.memref_squeeze %dma_wait3A_376 : memref<1x!tpu.dma_semaphore, #tpu.memory_space<semaphore_mem>> -> memref<!tpu.dma_semaphore, #tpu.memory_space<semaphore_mem>>
    %dma_wait3A_378 = arith.constant 0 : i32
    %dma_wait3A_379 = tpu.memref_slice %arg5[%add3A_367, %dma_wait3A_378] : memref<65536x192xf32, #tpu.memory_space<hbm>> -> memref<128x128xf32, #tpu.memory_space<hbm>>
    %dma_wait3A_380 = arith.constant 0 : i32
    %dma_wait3A_381 = arith.constant 0 : i32
    %dma_wait3A_382 = tpu.memref_slice %arg7[%dma_wait3A_368, %dma_wait3A_380, %dma_wait3A_381] : memref<3x128x128xf32, #tpu.memory_space<vmem>> -> memref<1x128x128xf32, #tpu.memory_space<vmem>>
    %dma_wait3A_383 = tpu.memref_squeeze %dma_wait3A_382 : memref<1x128x128xf32, #tpu.memory_space<vmem>> -> memref<128x128xf32, #tpu.memory_space<vmem>>
    tpu.wait_dma2 semaphore(%dma_wait3A_377 : memref<!tpu.dma_semaphore, #tpu.memory_space<semaphore_mem>>) src(%dma_wait3A_383 : memref<128x128xf32, #tpu.memory_space<vmem>>) dst(%dma_wait3A_379 : memref<128x128xf32, #tpu.memory_space<hbm>>)
    %dma_wait3A_384 = arith.constant 1 : i32
    %dma_wait3A_385 = arith.constant 1 : i32
    %dma_wait3A_386 = arith.constant 0 : i32
    %dma_wait3A_387 = arith.constant 0 : i32
    %dma_wait3A_388 = tpu.memref_slice %arg8[%dma_wait3A_384, %dma_wait3A_386, %dma_wait3A_387] : memref<3x128x64xf32, #tpu.memory_space<vmem>> -> memref<1x128x64xf32, #tpu.memory_space<vmem>>
    %dma_wait3A_389 = tpu.memref_squeeze %dma_wait3A_388 : memref<1x128x64xf32, #tpu.memory_space<vmem>> -> memref<128x64xf32, #tpu.memory_space<vmem>>
    %dma_wait3A_390 = arith.constant 128 : i32
    %dma_wait3A_391 = tpu.memref_slice %arg5[%add3A_367, %dma_wait3A_390] : memref<65536x192xf32, #tpu.memory_space<hbm>> -> memref<128x64xf32, #tpu.memory_space<hbm>>
    %dma_wait3A_392 = tpu.memref_slice %arg12[%dma_wait3A_385] : memref<3x!tpu.dma_semaphore, #tpu.memory_space<semaphore_mem>> -> memref<1x!tpu.dma_semaphore, #tpu.memory_space<semaphore_mem>>
    %dma_wait3A_393 = tpu.memref_squeeze %dma_wait3A_392 : memref<1x!tpu.dma_semaphore, #tpu.memory_space<semaphore_mem>> -> memref<!tpu.dma_semaphore, #tpu.memory_space<semaphore_mem>>
    %dma_wait3A_394 = arith.constant 128 : i32
    %dma_wait3A_395 = tpu.memref_slice %arg5[%add3A_367, %dma_wait3A_394] : memref<65536x192xf32, #tpu.memory_space<hbm>> -> memref<128x64xf32, #tpu.memory_space<hbm>>
    %dma_wait3A_396 = arith.constant 0 : i32
    %dma_wait3A_397 = arith.constant 0 : i32
    %dma_wait3A_398 = tpu.memref_slice %arg8[%dma_wait3A_384, %dma_wait3A_396, %dma_wait3A_397] : memref<3x128x64xf32, #tpu.memory_space<vmem>> -> memref<1x128x64xf32, #tpu.memory_space<vmem>>
    %dma_wait3A_399 = tpu.memref_squeeze %dma_wait3A_398 : memref<1x128x64xf32, #tpu.memory_space<vmem>> -> memref<128x64xf32, #tpu.memory_space<vmem>>
    tpu.wait_dma2 semaphore(%dma_wait3A_393 : memref<!tpu.dma_semaphore, #tpu.memory_space<semaphore_mem>>) src(%dma_wait3A_399 : memref<128x64xf32, #tpu.memory_space<vmem>>) dst(%dma_wait3A_395 : memref<128x64xf32, #tpu.memory_space<hbm>>)
    %add3A_400 = arith.constant 512 : i32
    %add3A_401 = arith.addi %mul3A_2, %add3A_400 : i32
    %dma_start3A_402 = arith.constant 4 : i32
    %dma_start3A_403 = arith.constant 1 : i32
    %dma_start3A_404 = arith.constant 1 : i32
    %dma_start3A_405 = arith.constant 0 : i32
    %dma_start3A_406 = arith.constant 0 : i32
    %dma_start3A_407 = tpu.memref_slice %arg7[%dma_start3A_403, %dma_start3A_405, %dma_start3A_406] : memref<3x128x128xf32, #tpu.memory_space<vmem>> -> memref<1x128x128xf32, #tpu.memory_space<vmem>>
    %dma_start3A_408 = tpu.memref_squeeze %dma_start3A_407 : memref<1x128x128xf32, #tpu.memory_space<vmem>> -> memref<128x128xf32, #tpu.memory_space<vmem>>
    %dma_start3A_409 = arith.constant 0 : i32
    %dma_start3A_410 = tpu.memref_slice %arg6[%dma_start3A_402, %dma_start3A_409] : memref<16x128xi32, #tpu.memory_space<vmem>> -> memref<1x128xi32, #tpu.memory_space<vmem>>
    %dma_start3A_411 = tpu.memref_squeeze %dma_start3A_410 : memref<1x128xi32, #tpu.memory_space<vmem>> -> memref<128xi32, #tpu.memory_space<vmem>>
    %dma_start3A_412 = arith.constant 0 : i32
    %dma_start3A_413 = arith.constant 0 : i32
    %dma_start3A_414 = tpu.memref_slice %arg9[%dma_start3A_412, %dma_start3A_413] : memref<16x128xf32, #tpu.memory_space<vmem_shared>> -> memref<16x128xf32, #tpu.memory_space<vmem_shared>>
    %dma_start3A_415 = tpu.memref_slice %arg10[%dma_start3A_404] : memref<3x!tpu.dma_semaphore, #tpu.memory_space<semaphore_mem>> -> memref<1x!tpu.dma_semaphore, #tpu.memory_space<semaphore_mem>>
    %dma_start3A_416 = tpu.memref_squeeze %dma_start3A_415 : memref<1x!tpu.dma_semaphore, #tpu.memory_space<semaphore_mem>> -> memref<!tpu.dma_semaphore, #tpu.memory_space<semaphore_mem>>
    tpu.enqueue_indirect_dma source(%dma_start3A_414 : memref<16x128xf32, #tpu.memory_space<vmem_shared>>) target(%dma_start3A_408 : memref<128x128xf32, #tpu.memory_space<vmem>>) offsets(%dma_start3A_411 : memref<128xi32, #tpu.memory_space<vmem>>) semaphore(%dma_start3A_416 : memref<!tpu.dma_semaphore, #tpu.memory_space<semaphore_mem>>)
    %dma_start3A_417 = arith.constant 1 : i32
    %dma_start3A_418 = arith.constant 1 : i32
    %dma_start3A_419 = arith.constant 0 : i32
    %dma_start3A_420 = arith.constant 0 : i32
    %dma_start3A_421 = tpu.memref_slice %arg8[%dma_start3A_417, %dma_start3A_419, %dma_start3A_420] : memref<3x128x64xf32, #tpu.memory_space<vmem>> -> memref<1x128x64xf32, #tpu.memory_space<vmem>>
    %dma_start3A_422 = tpu.memref_squeeze %dma_start3A_421 : memref<1x128x64xf32, #tpu.memory_space<vmem>> -> memref<128x64xf32, #tpu.memory_space<vmem>>
    %dma_start3A_423 = arith.constant 0 : i32
    %dma_start3A_424 = tpu.memref_slice %arg4[%add3A_401, %dma_start3A_423] : memref<65536x64xf32, #tpu.memory_space<hbm>> -> memref<128x64xf32, #tpu.memory_space<hbm>>
    %dma_start3A_425 = tpu.memref_slice %arg11[%dma_start3A_418] : memref<3x!tpu.dma_semaphore, #tpu.memory_space<semaphore_mem>> -> memref<1x!tpu.dma_semaphore, #tpu.memory_space<semaphore_mem>>
    %dma_start3A_426 = tpu.memref_squeeze %dma_start3A_425 : memref<1x!tpu.dma_semaphore, #tpu.memory_space<semaphore_mem>> -> memref<!tpu.dma_semaphore, #tpu.memory_space<semaphore_mem>>
    %dma_start3A_427 = arith.constant 0 : i32
    %dma_start3A_428 = arith.constant 0 : i32
    %dma_start3A_429 = tpu.memref_slice %arg8[%dma_start3A_417, %dma_start3A_427, %dma_start3A_428] : memref<3x128x64xf32, #tpu.memory_space<vmem>> -> memref<1x128x64xf32, #tpu.memory_space<vmem>>
    %dma_start3A_430 = tpu.memref_squeeze %dma_start3A_429 : memref<1x128x64xf32, #tpu.memory_space<vmem>> -> memref<128x64xf32, #tpu.memory_space<vmem>>
    %dma_start3A_431 = arith.constant 0 : i32
    %dma_start3A_432 = tpu.memref_slice %arg4[%add3A_401, %dma_start3A_431] : memref<65536x64xf32, #tpu.memory_space<hbm>> -> memref<128x64xf32, #tpu.memory_space<hbm>>
    tpu.enqueue_dma source(%dma_start3A_432 : memref<128x64xf32, #tpu.memory_space<hbm>>) target(%dma_start3A_430 : memref<128x64xf32, #tpu.memory_space<vmem>>) target_semaphore(%dma_start3A_426 : memref<!tpu.dma_semaphore, #tpu.memory_space<semaphore_mem>>)
    %add3A_433 = arith.constant 384 : i32
    %add3A_434 = arith.addi %mul3A_2, %add3A_433 : i32
    %dma_wait3A_435 = arith.constant 3 : i32
    %dma_wait3A_436 = arith.constant 0 : i32
    %dma_wait3A_437 = arith.constant 0 : i32
    %dma_wait3A_438 = arith.constant 0 : i32
    %dma_wait3A_439 = arith.constant 0 : i32
    %dma_wait3A_440 = tpu.memref_slice %arg7[%dma_wait3A_436, %dma_wait3A_438, %dma_wait3A_439] : memref<3x128x128xf32, #tpu.memory_space<vmem>> -> memref<1x128x128xf32, #tpu.memory_space<vmem>>
    %dma_wait3A_441 = tpu.memref_squeeze %dma_wait3A_440 : memref<1x128x128xf32, #tpu.memory_space<vmem>> -> memref<128x128xf32, #tpu.memory_space<vmem>>
    %dma_wait3A_442 = arith.constant 0 : i32
    %dma_wait3A_443 = tpu.memref_slice %arg6[%dma_wait3A_435, %dma_wait3A_442] : memref<16x128xi32, #tpu.memory_space<vmem>> -> memref<1x128xi32, #tpu.memory_space<vmem>>
    %dma_wait3A_444 = tpu.memref_squeeze %dma_wait3A_443 : memref<1x128xi32, #tpu.memory_space<vmem>> -> memref<128xi32, #tpu.memory_space<vmem>>
    %dma_wait3A_445 = arith.constant 0 : i32
    %dma_wait3A_446 = arith.constant 0 : i32
    %dma_wait3A_447 = tpu.memref_slice %arg9[%dma_wait3A_445, %dma_wait3A_446] : memref<16x128xf32, #tpu.memory_space<vmem_shared>> -> memref<16x128xf32, #tpu.memory_space<vmem_shared>>
    %dma_wait3A_448 = tpu.memref_slice %arg10[%dma_wait3A_437] : memref<3x!tpu.dma_semaphore, #tpu.memory_space<semaphore_mem>> -> memref<1x!tpu.dma_semaphore, #tpu.memory_space<semaphore_mem>>
    %dma_wait3A_449 = tpu.memref_squeeze %dma_wait3A_448 : memref<1x!tpu.dma_semaphore, #tpu.memory_space<semaphore_mem>> -> memref<!tpu.dma_semaphore, #tpu.memory_space<semaphore_mem>>
    tpu.wait_indirect_dma semaphore(%dma_wait3A_449 : memref<!tpu.dma_semaphore, #tpu.memory_space<semaphore_mem>>) src(%dma_wait3A_447 : memref<16x128xf32, #tpu.memory_space<vmem_shared>>) dst(%dma_wait3A_441 : memref<128x128xf32, #tpu.memory_space<vmem>>)
    %dma_wait3A_450 = arith.constant 0 : i32
    %dma_wait3A_451 = arith.constant 0 : i32
    %dma_wait3A_452 = arith.constant 0 : i32
    %dma_wait3A_453 = arith.constant 0 : i32
    %dma_wait3A_454 = tpu.memref_slice %arg8[%dma_wait3A_450, %dma_wait3A_452, %dma_wait3A_453] : memref<3x128x64xf32, #tpu.memory_space<vmem>> -> memref<1x128x64xf32, #tpu.memory_space<vmem>>
    %dma_wait3A_455 = tpu.memref_squeeze %dma_wait3A_454 : memref<1x128x64xf32, #tpu.memory_space<vmem>> -> memref<128x64xf32, #tpu.memory_space<vmem>>
    %dma_wait3A_456 = arith.constant 0 : i32
    %dma_wait3A_457 = tpu.memref_slice %arg4[%add3A_434, %dma_wait3A_456] : memref<65536x64xf32, #tpu.memory_space<hbm>> -> memref<128x64xf32, #tpu.memory_space<hbm>>
    %dma_wait3A_458 = tpu.memref_slice %arg11[%dma_wait3A_451] : memref<3x!tpu.dma_semaphore, #tpu.memory_space<semaphore_mem>> -> memref<1x!tpu.dma_semaphore, #tpu.memory_space<semaphore_mem>>
    %dma_wait3A_459 = tpu.memref_squeeze %dma_wait3A_458 : memref<1x!tpu.dma_semaphore, #tpu.memory_space<semaphore_mem>> -> memref<!tpu.dma_semaphore, #tpu.memory_space<semaphore_mem>>
    %dma_wait3A_460 = arith.constant 0 : i32
    %dma_wait3A_461 = arith.constant 0 : i32
    %dma_wait3A_462 = tpu.memref_slice %arg8[%dma_wait3A_450, %dma_wait3A_460, %dma_wait3A_461] : memref<3x128x64xf32, #tpu.memory_space<vmem>> -> memref<1x128x64xf32, #tpu.memory_space<vmem>>
    %dma_wait3A_463 = tpu.memref_squeeze %dma_wait3A_462 : memref<1x128x64xf32, #tpu.memory_space<vmem>> -> memref<128x64xf32, #tpu.memory_space<vmem>>
    %dma_wait3A_464 = arith.constant 0 : i32
    %dma_wait3A_465 = tpu.memref_slice %arg4[%add3A_434, %dma_wait3A_464] : memref<65536x64xf32, #tpu.memory_space<hbm>> -> memref<128x64xf32, #tpu.memory_space<hbm>>
    tpu.wait_dma2 semaphore(%dma_wait3A_459 : memref<!tpu.dma_semaphore, #tpu.memory_space<semaphore_mem>>) src(%dma_wait3A_465 : memref<128x64xf32, #tpu.memory_space<hbm>>) dst(%dma_wait3A_463 : memref<128x64xf32, #tpu.memory_space<vmem>>)
    %dma_start3A_466 = arith.constant 0 : i32
    %dma_start3A_467 = arith.constant 0 : i32
    %dma_start3A_468 = arith.constant 0 : i32
    %dma_start3A_469 = arith.constant 0 : i32
    %dma_start3A_470 = tpu.memref_slice %arg7[%dma_start3A_466, %dma_start3A_468, %dma_start3A_469] : memref<3x128x128xf32, #tpu.memory_space<vmem>> -> memref<1x128x128xf32, #tpu.memory_space<vmem>>
    %dma_start3A_471 = tpu.memref_squeeze %dma_start3A_470 : memref<1x128x128xf32, #tpu.memory_space<vmem>> -> memref<128x128xf32, #tpu.memory_space<vmem>>
    %dma_start3A_472 = arith.constant 0 : i32
    %dma_start3A_473 = tpu.memref_slice %arg5[%add3A_434, %dma_start3A_472] : memref<65536x192xf32, #tpu.memory_space<hbm>> -> memref<128x128xf32, #tpu.memory_space<hbm>>
    %dma_start3A_474 = tpu.memref_slice %arg12[%dma_start3A_467] : memref<3x!tpu.dma_semaphore, #tpu.memory_space<semaphore_mem>> -> memref<1x!tpu.dma_semaphore, #tpu.memory_space<semaphore_mem>>
    %dma_start3A_475 = tpu.memref_squeeze %dma_start3A_474 : memref<1x!tpu.dma_semaphore, #tpu.memory_space<semaphore_mem>> -> memref<!tpu.dma_semaphore, #tpu.memory_space<semaphore_mem>>
    %dma_start3A_476 = arith.constant 0 : i32
    %dma_start3A_477 = tpu.memref_slice %arg5[%add3A_434, %dma_start3A_476] : memref<65536x192xf32, #tpu.memory_space<hbm>> -> memref<128x128xf32, #tpu.memory_space<hbm>>
    %dma_start3A_478 = arith.constant 0 : i32
    %dma_start3A_479 = arith.constant 0 : i32
    %dma_start3A_480 = tpu.memref_slice %arg7[%dma_start3A_466, %dma_start3A_478, %dma_start3A_479] : memref<3x128x128xf32, #tpu.memory_space<vmem>> -> memref<1x128x128xf32, #tpu.memory_space<vmem>>
    %dma_start3A_481 = tpu.memref_squeeze %dma_start3A_480 : memref<1x128x128xf32, #tpu.memory_space<vmem>> -> memref<128x128xf32, #tpu.memory_space<vmem>>
    tpu.enqueue_dma source(%dma_start3A_481 : memref<128x128xf32, #tpu.memory_space<vmem>>) target(%dma_start3A_477 : memref<128x128xf32, #tpu.memory_space<hbm>>) target_semaphore(%dma_start3A_475 : memref<!tpu.dma_semaphore, #tpu.memory_space<semaphore_mem>>)
    %dma_start3A_482 = arith.constant 0 : i32
    %dma_start3A_483 = arith.constant 0 : i32
    %dma_start3A_484 = arith.constant 0 : i32
    %dma_start3A_485 = arith.constant 0 : i32
    %dma_start3A_486 = tpu.memref_slice %arg8[%dma_start3A_482, %dma_start3A_484, %dma_start3A_485] : memref<3x128x64xf32, #tpu.memory_space<vmem>> -> memref<1x128x64xf32, #tpu.memory_space<vmem>>
    %dma_start3A_487 = tpu.memref_squeeze %dma_start3A_486 : memref<1x128x64xf32, #tpu.memory_space<vmem>> -> memref<128x64xf32, #tpu.memory_space<vmem>>
    %dma_start3A_488 = arith.constant 128 : i32
    %dma_start3A_489 = tpu.memref_slice %arg5[%add3A_434, %dma_start3A_488] : memref<65536x192xf32, #tpu.memory_space<hbm>> -> memref<128x64xf32, #tpu.memory_space<hbm>>
    %dma_start3A_490 = tpu.memref_slice %arg12[%dma_start3A_483] : memref<3x!tpu.dma_semaphore, #tpu.memory_space<semaphore_mem>> -> memref<1x!tpu.dma_semaphore, #tpu.memory_space<semaphore_mem>>
    %dma_start3A_491 = tpu.memref_squeeze %dma_start3A_490 : memref<1x!tpu.dma_semaphore, #tpu.memory_space<semaphore_mem>> -> memref<!tpu.dma_semaphore, #tpu.memory_space<semaphore_mem>>
    %dma_start3A_492 = arith.constant 128 : i32
    %dma_start3A_493 = tpu.memref_slice %arg5[%add3A_434, %dma_start3A_492] : memref<65536x192xf32, #tpu.memory_space<hbm>> -> memref<128x64xf32, #tpu.memory_space<hbm>>
    %dma_start3A_494 = arith.constant 0 : i32
    %dma_start3A_495 = arith.constant 0 : i32
    %dma_start3A_496 = tpu.memref_slice %arg8[%dma_start3A_482, %dma_start3A_494, %dma_start3A_495] : memref<3x128x64xf32, #tpu.memory_space<vmem>> -> memref<1x128x64xf32, #tpu.memory_space<vmem>>
    %dma_start3A_497 = tpu.memref_squeeze %dma_start3A_496 : memref<1x128x64xf32, #tpu.memory_space<vmem>> -> memref<128x64xf32, #tpu.memory_space<vmem>>
    tpu.enqueue_dma source(%dma_start3A_497 : memref<128x64xf32, #tpu.memory_space<vmem>>) target(%dma_start3A_493 : memref<128x64xf32, #tpu.memory_space<hbm>>) target_semaphore(%dma_start3A_491 : memref<!tpu.dma_semaphore, #tpu.memory_space<semaphore_mem>>)
    %add3A_498 = arith.constant 256 : i32
    %add3A_499 = arith.addi %mul3A_2, %add3A_498 : i32
    %dma_wait3A_500 = arith.constant 2 : i32
    %dma_wait3A_501 = arith.constant 2 : i32
    %dma_wait3A_502 = arith.constant 0 : i32
    %dma_wait3A_503 = arith.constant 0 : i32
    %dma_wait3A_504 = tpu.memref_slice %arg7[%dma_wait3A_500, %dma_wait3A_502, %dma_wait3A_503] : memref<3x128x128xf32, #tpu.memory_space<vmem>> -> memref<1x128x128xf32, #tpu.memory_space<vmem>>
    %dma_wait3A_505 = tpu.memref_squeeze %dma_wait3A_504 : memref<1x128x128xf32, #tpu.memory_space<vmem>> -> memref<128x128xf32, #tpu.memory_space<vmem>>
    %dma_wait3A_506 = arith.constant 0 : i32
    %dma_wait3A_507 = tpu.memref_slice %arg5[%add3A_499, %dma_wait3A_506] : memref<65536x192xf32, #tpu.memory_space<hbm>> -> memref<128x128xf32, #tpu.memory_space<hbm>>
    %dma_wait3A_508 = tpu.memref_slice %arg12[%dma_wait3A_501] : memref<3x!tpu.dma_semaphore, #tpu.memory_space<semaphore_mem>> -> memref<1x!tpu.dma_semaphore, #tpu.memory_space<semaphore_mem>>
    %dma_wait3A_509 = tpu.memref_squeeze %dma_wait3A_508 : memref<1x!tpu.dma_semaphore, #tpu.memory_space<semaphore_mem>> -> memref<!tpu.dma_semaphore, #tpu.memory_space<semaphore_mem>>
    %dma_wait3A_510 = arith.constant 0 : i32
    %dma_wait3A_511 = tpu.memref_slice %arg5[%add3A_499, %dma_wait3A_510] : memref<65536x192xf32, #tpu.memory_space<hbm>> -> memref<128x128xf32, #tpu.memory_space<hbm>>
    %dma_wait3A_512 = arith.constant 0 : i32
    %dma_wait3A_513 = arith.constant 0 : i32
    %dma_wait3A_514 = tpu.memref_slice %arg7[%dma_wait3A_500, %dma_wait3A_512, %dma_wait3A_513] : memref<3x128x128xf32, #tpu.memory_space<vmem>> -> memref<1x128x128xf32, #tpu.memory_space<vmem>>
    %dma_wait3A_515 = tpu.memref_squeeze %dma_wait3A_514 : memref<1x128x128xf32, #tpu.memory_space<vmem>> -> memref<128x128xf32, #tpu.memory_space<vmem>>
    tpu.wait_dma2 semaphore(%dma_wait3A_509 : memref<!tpu.dma_semaphore, #tpu.memory_space<semaphore_mem>>) src(%dma_wait3A_515 : memref<128x128xf32, #tpu.memory_space<vmem>>) dst(%dma_wait3A_511 : memref<128x128xf32, #tpu.memory_space<hbm>>)
    %dma_wait3A_516 = arith.constant 2 : i32
    %dma_wait3A_517 = arith.constant 2 : i32
    %dma_wait3A_518 = arith.constant 0 : i32
    %dma_wait3A_519 = arith.constant 0 : i32
    %dma_wait3A_520 = tpu.memref_slice %arg8[%dma_wait3A_516, %dma_wait3A_518, %dma_wait3A_519] : memref<3x128x64xf32, #tpu.memory_space<vmem>> -> memref<1x128x64xf32, #tpu.memory_space<vmem>>
    %dma_wait3A_521 = tpu.memref_squeeze %dma_wait3A_520 : memref<1x128x64xf32, #tpu.memory_space<vmem>> -> memref<128x64xf32, #tpu.memory_space<vmem>>
    %dma_wait3A_522 = arith.constant 128 : i32
    %dma_wait3A_523 = tpu.memref_slice %arg5[%add3A_499, %dma_wait3A_522] : memref<65536x192xf32, #tpu.memory_space<hbm>> -> memref<128x64xf32, #tpu.memory_space<hbm>>
    %dma_wait3A_524 = tpu.memref_slice %arg12[%dma_wait3A_517] : memref<3x!tpu.dma_semaphore, #tpu.memory_space<semaphore_mem>> -> memref<1x!tpu.dma_semaphore, #tpu.memory_space<semaphore_mem>>
    %dma_wait3A_525 = tpu.memref_squeeze %dma_wait3A_524 : memref<1x!tpu.dma_semaphore, #tpu.memory_space<semaphore_mem>> -> memref<!tpu.dma_semaphore, #tpu.memory_space<semaphore_mem>>
    %dma_wait3A_526 = arith.constant 128 : i32
    %dma_wait3A_527 = tpu.memref_slice %arg5[%add3A_499, %dma_wait3A_526] : memref<65536x192xf32, #tpu.memory_space<hbm>> -> memref<128x64xf32, #tpu.memory_space<hbm>>
    %dma_wait3A_528 = arith.constant 0 : i32
    %dma_wait3A_529 = arith.constant 0 : i32
    %dma_wait3A_530 = tpu.memref_slice %arg8[%dma_wait3A_516, %dma_wait3A_528, %dma_wait3A_529] : memref<3x128x64xf32, #tpu.memory_space<vmem>> -> memref<1x128x64xf32, #tpu.memory_space<vmem>>
    %dma_wait3A_531 = tpu.memref_squeeze %dma_wait3A_530 : memref<1x128x64xf32, #tpu.memory_space<vmem>> -> memref<128x64xf32, #tpu.memory_space<vmem>>
    tpu.wait_dma2 semaphore(%dma_wait3A_525 : memref<!tpu.dma_semaphore, #tpu.memory_space<semaphore_mem>>) src(%dma_wait3A_531 : memref<128x64xf32, #tpu.memory_space<vmem>>) dst(%dma_wait3A_527 : memref<128x64xf32, #tpu.memory_space<hbm>>)
    %add3A_532 = arith.constant 640 : i32
    %add3A_533 = arith.addi %mul3A_2, %add3A_532 : i32
    %dma_start3A_534 = arith.constant 5 : i32
    %dma_start3A_535 = arith.constant 2 : i32
    %dma_start3A_536 = arith.constant 2 : i32
    %dma_start3A_537 = arith.constant 0 : i32
    %dma_start3A_538 = arith.constant 0 : i32
    %dma_start3A_539 = tpu.memref_slice %arg7[%dma_start3A_535, %dma_start3A_537, %dma_start3A_538] : memref<3x128x128xf32, #tpu.memory_space<vmem>> -> memref<1x128x128xf32, #tpu.memory_space<vmem>>
    %dma_start3A_540 = tpu.memref_squeeze %dma_start3A_539 : memref<1x128x128xf32, #tpu.memory_space<vmem>> -> memref<128x128xf32, #tpu.memory_space<vmem>>
    %dma_start3A_541 = arith.constant 0 : i32
    %dma_start3A_542 = tpu.memref_slice %arg6[%dma_start3A_534, %dma_start3A_541] : memref<16x128xi32, #tpu.memory_space<vmem>> -> memref<1x128xi32, #tpu.memory_space<vmem>>
    %dma_start3A_543 = tpu.memref_squeeze %dma_start3A_542 : memref<1x128xi32, #tpu.memory_space<vmem>> -> memref<128xi32, #tpu.memory_space<vmem>>
    %dma_start3A_544 = arith.constant 0 : i32
    %dma_start3A_545 = arith.constant 0 : i32
    %dma_start3A_546 = tpu.memref_slice %arg9[%dma_start3A_544, %dma_start3A_545] : memref<16x128xf32, #tpu.memory_space<vmem_shared>> -> memref<16x128xf32, #tpu.memory_space<vmem_shared>>
    %dma_start3A_547 = tpu.memref_slice %arg10[%dma_start3A_536] : memref<3x!tpu.dma_semaphore, #tpu.memory_space<semaphore_mem>> -> memref<1x!tpu.dma_semaphore, #tpu.memory_space<semaphore_mem>>
    %dma_start3A_548 = tpu.memref_squeeze %dma_start3A_547 : memref<1x!tpu.dma_semaphore, #tpu.memory_space<semaphore_mem>> -> memref<!tpu.dma_semaphore, #tpu.memory_space<semaphore_mem>>
    tpu.enqueue_indirect_dma source(%dma_start3A_546 : memref<16x128xf32, #tpu.memory_space<vmem_shared>>) target(%dma_start3A_540 : memref<128x128xf32, #tpu.memory_space<vmem>>) offsets(%dma_start3A_543 : memref<128xi32, #tpu.memory_space<vmem>>) semaphore(%dma_start3A_548 : memref<!tpu.dma_semaphore, #tpu.memory_space<semaphore_mem>>)
    %dma_start3A_549 = arith.constant 2 : i32
    %dma_start3A_550 = arith.constant 2 : i32
    %dma_start3A_551 = arith.constant 0 : i32
    %dma_start3A_552 = arith.constant 0 : i32
    %dma_start3A_553 = tpu.memref_slice %arg8[%dma_start3A_549, %dma_start3A_551, %dma_start3A_552] : memref<3x128x64xf32, #tpu.memory_space<vmem>> -> memref<1x128x64xf32, #tpu.memory_space<vmem>>
    %dma_start3A_554 = tpu.memref_squeeze %dma_start3A_553 : memref<1x128x64xf32, #tpu.memory_space<vmem>> -> memref<128x64xf32, #tpu.memory_space<vmem>>
    %dma_start3A_555 = arith.constant 0 : i32
    %dma_start3A_556 = tpu.memref_slice %arg4[%add3A_533, %dma_start3A_555] : memref<65536x64xf32, #tpu.memory_space<hbm>> -> memref<128x64xf32, #tpu.memory_space<hbm>>
    %dma_start3A_557 = tpu.memref_slice %arg11[%dma_start3A_550] : memref<3x!tpu.dma_semaphore, #tpu.memory_space<semaphore_mem>> -> memref<1x!tpu.dma_semaphore, #tpu.memory_space<semaphore_mem>>
    %dma_start3A_558 = tpu.memref_squeeze %dma_start3A_557 : memref<1x!tpu.dma_semaphore, #tpu.memory_space<semaphore_mem>> -> memref<!tpu.dma_semaphore, #tpu.memory_space<semaphore_mem>>
    %dma_start3A_559 = arith.constant 0 : i32
    %dma_start3A_560 = arith.constant 0 : i32
    %dma_start3A_561 = tpu.memref_slice %arg8[%dma_start3A_549, %dma_start3A_559, %dma_start3A_560] : memref<3x128x64xf32, #tpu.memory_space<vmem>> -> memref<1x128x64xf32, #tpu.memory_space<vmem>>
    %dma_start3A_562 = tpu.memref_squeeze %dma_start3A_561 : memref<1x128x64xf32, #tpu.memory_space<vmem>> -> memref<128x64xf32, #tpu.memory_space<vmem>>
    %dma_start3A_563 = arith.constant 0 : i32
    %dma_start3A_564 = tpu.memref_slice %arg4[%add3A_533, %dma_start3A_563] : memref<65536x64xf32, #tpu.memory_space<hbm>> -> memref<128x64xf32, #tpu.memory_space<hbm>>
    tpu.enqueue_dma source(%dma_start3A_564 : memref<128x64xf32, #tpu.memory_space<hbm>>) target(%dma_start3A_562 : memref<128x64xf32, #tpu.memory_space<vmem>>) target_semaphore(%dma_start3A_558 : memref<!tpu.dma_semaphore, #tpu.memory_space<semaphore_mem>>)
    %add3A_565 = arith.constant 512 : i32
    %add3A_566 = arith.addi %mul3A_2, %add3A_565 : i32
    %dma_wait3A_567 = arith.constant 4 : i32
    %dma_wait3A_568 = arith.constant 1 : i32
    %dma_wait3A_569 = arith.constant 1 : i32
    %dma_wait3A_570 = arith.constant 0 : i32
    %dma_wait3A_571 = arith.constant 0 : i32
    %dma_wait3A_572 = tpu.memref_slice %arg7[%dma_wait3A_568, %dma_wait3A_570, %dma_wait3A_571] : memref<3x128x128xf32, #tpu.memory_space<vmem>> -> memref<1x128x128xf32, #tpu.memory_space<vmem>>
    %dma_wait3A_573 = tpu.memref_squeeze %dma_wait3A_572 : memref<1x128x128xf32, #tpu.memory_space<vmem>> -> memref<128x128xf32, #tpu.memory_space<vmem>>
    %dma_wait3A_574 = arith.constant 0 : i32
    %dma_wait3A_575 = tpu.memref_slice %arg6[%dma_wait3A_567, %dma_wait3A_574] : memref<16x128xi32, #tpu.memory_space<vmem>> -> memref<1x128xi32, #tpu.memory_space<vmem>>
    %dma_wait3A_576 = tpu.memref_squeeze %dma_wait3A_575 : memref<1x128xi32, #tpu.memory_space<vmem>> -> memref<128xi32, #tpu.memory_space<vmem>>
    %dma_wait3A_577 = arith.constant 0 : i32
    %dma_wait3A_578 = arith.constant 0 : i32
    %dma_wait3A_579 = tpu.memref_slice %arg9[%dma_wait3A_577, %dma_wait3A_578] : memref<16x128xf32, #tpu.memory_space<vmem_shared>> -> memref<16x128xf32, #tpu.memory_space<vmem_shared>>
    %dma_wait3A_580 = tpu.memref_slice %arg10[%dma_wait3A_569] : memref<3x!tpu.dma_semaphore, #tpu.memory_space<semaphore_mem>> -> memref<1x!tpu.dma_semaphore, #tpu.memory_space<semaphore_mem>>
    %dma_wait3A_581 = tpu.memref_squeeze %dma_wait3A_580 : memref<1x!tpu.dma_semaphore, #tpu.memory_space<semaphore_mem>> -> memref<!tpu.dma_semaphore, #tpu.memory_space<semaphore_mem>>
    tpu.wait_indirect_dma semaphore(%dma_wait3A_581 : memref<!tpu.dma_semaphore, #tpu.memory_space<semaphore_mem>>) src(%dma_wait3A_579 : memref<16x128xf32, #tpu.memory_space<vmem_shared>>) dst(%dma_wait3A_573 : memref<128x128xf32, #tpu.memory_space<vmem>>)
    %dma_wait3A_582 = arith.constant 1 : i32
    %dma_wait3A_583 = arith.constant 1 : i32
    %dma_wait3A_584 = arith.constant 0 : i32
    %dma_wait3A_585 = arith.constant 0 : i32
    %dma_wait3A_586 = tpu.memref_slice %arg8[%dma_wait3A_582, %dma_wait3A_584, %dma_wait3A_585] : memref<3x128x64xf32, #tpu.memory_space<vmem>> -> memref<1x128x64xf32, #tpu.memory_space<vmem>>
    %dma_wait3A_587 = tpu.memref_squeeze %dma_wait3A_586 : memref<1x128x64xf32, #tpu.memory_space<vmem>> -> memref<128x64xf32, #tpu.memory_space<vmem>>
    %dma_wait3A_588 = arith.constant 0 : i32
    %dma_wait3A_589 = tpu.memref_slice %arg4[%add3A_566, %dma_wait3A_588] : memref<65536x64xf32, #tpu.memory_space<hbm>> -> memref<128x64xf32, #tpu.memory_space<hbm>>
    %dma_wait3A_590 = tpu.memref_slice %arg11[%dma_wait3A_583] : memref<3x!tpu.dma_semaphore, #tpu.memory_space<semaphore_mem>> -> memref<1x!tpu.dma_semaphore, #tpu.memory_space<semaphore_mem>>
    %dma_wait3A_591 = tpu.memref_squeeze %dma_wait3A_590 : memref<1x!tpu.dma_semaphore, #tpu.memory_space<semaphore_mem>> -> memref<!tpu.dma_semaphore, #tpu.memory_space<semaphore_mem>>
    %dma_wait3A_592 = arith.constant 0 : i32
    %dma_wait3A_593 = arith.constant 0 : i32
    %dma_wait3A_594 = tpu.memref_slice %arg8[%dma_wait3A_582, %dma_wait3A_592, %dma_wait3A_593] : memref<3x128x64xf32, #tpu.memory_space<vmem>> -> memref<1x128x64xf32, #tpu.memory_space<vmem>>
    %dma_wait3A_595 = tpu.memref_squeeze %dma_wait3A_594 : memref<1x128x64xf32, #tpu.memory_space<vmem>> -> memref<128x64xf32, #tpu.memory_space<vmem>>
    %dma_wait3A_596 = arith.constant 0 : i32
    %dma_wait3A_597 = tpu.memref_slice %arg4[%add3A_566, %dma_wait3A_596] : memref<65536x64xf32, #tpu.memory_space<hbm>> -> memref<128x64xf32, #tpu.memory_space<hbm>>
    tpu.wait_dma2 semaphore(%dma_wait3A_591 : memref<!tpu.dma_semaphore, #tpu.memory_space<semaphore_mem>>) src(%dma_wait3A_597 : memref<128x64xf32, #tpu.memory_space<hbm>>) dst(%dma_wait3A_595 : memref<128x64xf32, #tpu.memory_space<vmem>>)
    %dma_start3A_598 = arith.constant 1 : i32
    %dma_start3A_599 = arith.constant 1 : i32
    %dma_start3A_600 = arith.constant 0 : i32
    %dma_start3A_601 = arith.constant 0 : i32
    %dma_start3A_602 = tpu.memref_slice %arg7[%dma_start3A_598, %dma_start3A_600, %dma_start3A_601] : memref<3x128x128xf32, #tpu.memory_space<vmem>> -> memref<1x128x128xf32, #tpu.memory_space<vmem>>
    %dma_start3A_603 = tpu.memref_squeeze %dma_start3A_602 : memref<1x128x128xf32, #tpu.memory_space<vmem>> -> memref<128x128xf32, #tpu.memory_space<vmem>>
    %dma_start3A_604 = arith.constant 0 : i32
    %dma_start3A_605 = tpu.memref_slice %arg5[%add3A_566, %dma_start3A_604] : memref<65536x192xf32, #tpu.memory_space<hbm>> -> memref<128x128xf32, #tpu.memory_space<hbm>>
    %dma_start3A_606 = tpu.memref_slice %arg12[%dma_start3A_599] : memref<3x!tpu.dma_semaphore, #tpu.memory_space<semaphore_mem>> -> memref<1x!tpu.dma_semaphore, #tpu.memory_space<semaphore_mem>>
    %dma_start3A_607 = tpu.memref_squeeze %dma_start3A_606 : memref<1x!tpu.dma_semaphore, #tpu.memory_space<semaphore_mem>> -> memref<!tpu.dma_semaphore, #tpu.memory_space<semaphore_mem>>
    %dma_start3A_608 = arith.constant 0 : i32
    %dma_start3A_609 = tpu.memref_slice %arg5[%add3A_566, %dma_start3A_608] : memref<65536x192xf32, #tpu.memory_space<hbm>> -> memref<128x128xf32, #tpu.memory_space<hbm>>
    %dma_start3A_610 = arith.constant 0 : i32
    %dma_start3A_611 = arith.constant 0 : i32
    %dma_start3A_612 = tpu.memref_slice %arg7[%dma_start3A_598, %dma_start3A_610, %dma_start3A_611] : memref<3x128x128xf32, #tpu.memory_space<vmem>> -> memref<1x128x128xf32, #tpu.memory_space<vmem>>
    %dma_start3A_613 = tpu.memref_squeeze %dma_start3A_612 : memref<1x128x128xf32, #tpu.memory_space<vmem>> -> memref<128x128xf32, #tpu.memory_space<vmem>>
    tpu.enqueue_dma source(%dma_start3A_613 : memref<128x128xf32, #tpu.memory_space<vmem>>) target(%dma_start3A_609 : memref<128x128xf32, #tpu.memory_space<hbm>>) target_semaphore(%dma_start3A_607 : memref<!tpu.dma_semaphore, #tpu.memory_space<semaphore_mem>>)
    %dma_start3A_614 = arith.constant 1 : i32
    %dma_start3A_615 = arith.constant 1 : i32
    %dma_start3A_616 = arith.constant 0 : i32
    %dma_start3A_617 = arith.constant 0 : i32
    %dma_start3A_618 = tpu.memref_slice %arg8[%dma_start3A_614, %dma_start3A_616, %dma_start3A_617] : memref<3x128x64xf32, #tpu.memory_space<vmem>> -> memref<1x128x64xf32, #tpu.memory_space<vmem>>
    %dma_start3A_619 = tpu.memref_squeeze %dma_start3A_618 : memref<1x128x64xf32, #tpu.memory_space<vmem>> -> memref<128x64xf32, #tpu.memory_space<vmem>>
    %dma_start3A_620 = arith.constant 128 : i32
    %dma_start3A_621 = tpu.memref_slice %arg5[%add3A_566, %dma_start3A_620] : memref<65536x192xf32, #tpu.memory_space<hbm>> -> memref<128x64xf32, #tpu.memory_space<hbm>>
    %dma_start3A_622 = tpu.memref_slice %arg12[%dma_start3A_615] : memref<3x!tpu.dma_semaphore, #tpu.memory_space<semaphore_mem>> -> memref<1x!tpu.dma_semaphore, #tpu.memory_space<semaphore_mem>>
    %dma_start3A_623 = tpu.memref_squeeze %dma_start3A_622 : memref<1x!tpu.dma_semaphore, #tpu.memory_space<semaphore_mem>> -> memref<!tpu.dma_semaphore, #tpu.memory_space<semaphore_mem>>
    %dma_start3A_624 = arith.constant 128 : i32
    %dma_start3A_625 = tpu.memref_slice %arg5[%add3A_566, %dma_start3A_624] : memref<65536x192xf32, #tpu.memory_space<hbm>> -> memref<128x64xf32, #tpu.memory_space<hbm>>
    %dma_start3A_626 = arith.constant 0 : i32
    %dma_start3A_627 = arith.constant 0 : i32
    %dma_start3A_628 = tpu.memref_slice %arg8[%dma_start3A_614, %dma_start3A_626, %dma_start3A_627] : memref<3x128x64xf32, #tpu.memory_space<vmem>> -> memref<1x128x64xf32, #tpu.memory_space<vmem>>
    %dma_start3A_629 = tpu.memref_squeeze %dma_start3A_628 : memref<1x128x64xf32, #tpu.memory_space<vmem>> -> memref<128x64xf32, #tpu.memory_space<vmem>>
    tpu.enqueue_dma source(%dma_start3A_629 : memref<128x64xf32, #tpu.memory_space<vmem>>) target(%dma_start3A_625 : memref<128x64xf32, #tpu.memory_space<hbm>>) target_semaphore(%dma_start3A_623 : memref<!tpu.dma_semaphore, #tpu.memory_space<semaphore_mem>>)
    %add3A_630 = arith.constant 384 : i32
    %add3A_631 = arith.addi %mul3A_2, %add3A_630 : i32
    %dma_wait3A_632 = arith.constant 0 : i32
    %dma_wait3A_633 = arith.constant 0 : i32
    %dma_wait3A_634 = arith.constant 0 : i32
    %dma_wait3A_635 = arith.constant 0 : i32
    %dma_wait3A_636 = tpu.memref_slice %arg7[%dma_wait3A_632, %dma_wait3A_634, %dma_wait3A_635] : memref<3x128x128xf32, #tpu.memory_space<vmem>> -> memref<1x128x128xf32, #tpu.memory_space<vmem>>
    %dma_wait3A_637 = tpu.memref_squeeze %dma_wait3A_636 : memref<1x128x128xf32, #tpu.memory_space<vmem>> -> memref<128x128xf32, #tpu.memory_space<vmem>>
    %dma_wait3A_638 = arith.constant 0 : i32
    %dma_wait3A_639 = tpu.memref_slice %arg5[%add3A_631, %dma_wait3A_638] : memref<65536x192xf32, #tpu.memory_space<hbm>> -> memref<128x128xf32, #tpu.memory_space<hbm>>
    %dma_wait3A_640 = tpu.memref_slice %arg12[%dma_wait3A_633] : memref<3x!tpu.dma_semaphore, #tpu.memory_space<semaphore_mem>> -> memref<1x!tpu.dma_semaphore, #tpu.memory_space<semaphore_mem>>
    %dma_wait3A_641 = tpu.memref_squeeze %dma_wait3A_640 : memref<1x!tpu.dma_semaphore, #tpu.memory_space<semaphore_mem>> -> memref<!tpu.dma_semaphore, #tpu.memory_space<semaphore_mem>>
    %dma_wait3A_642 = arith.constant 0 : i32
    %dma_wait3A_643 = tpu.memref_slice %arg5[%add3A_631, %dma_wait3A_642] : memref<65536x192xf32, #tpu.memory_space<hbm>> -> memref<128x128xf32, #tpu.memory_space<hbm>>
    %dma_wait3A_644 = arith.constant 0 : i32
    %dma_wait3A_645 = arith.constant 0 : i32
    %dma_wait3A_646 = tpu.memref_slice %arg7[%dma_wait3A_632, %dma_wait3A_644, %dma_wait3A_645] : memref<3x128x128xf32, #tpu.memory_space<vmem>> -> memref<1x128x128xf32, #tpu.memory_space<vmem>>
    %dma_wait3A_647 = tpu.memref_squeeze %dma_wait3A_646 : memref<1x128x128xf32, #tpu.memory_space<vmem>> -> memref<128x128xf32, #tpu.memory_space<vmem>>
    tpu.wait_dma2 semaphore(%dma_wait3A_641 : memref<!tpu.dma_semaphore, #tpu.memory_space<semaphore_mem>>) src(%dma_wait3A_647 : memref<128x128xf32, #tpu.memory_space<vmem>>) dst(%dma_wait3A_643 : memref<128x128xf32, #tpu.memory_space<hbm>>)
    %dma_wait3A_648 = arith.constant 0 : i32
    %dma_wait3A_649 = arith.constant 0 : i32
    %dma_wait3A_650 = arith.constant 0 : i32
    %dma_wait3A_651 = arith.constant 0 : i32
    %dma_wait3A_652 = tpu.memref_slice %arg8[%dma_wait3A_648, %dma_wait3A_650, %dma_wait3A_651] : memref<3x128x64xf32, #tpu.memory_space<vmem>> -> memref<1x128x64xf32, #tpu.memory_space<vmem>>
    %dma_wait3A_653 = tpu.memref_squeeze %dma_wait3A_652 : memref<1x128x64xf32, #tpu.memory_space<vmem>> -> memref<128x64xf32, #tpu.memory_space<vmem>>
    %dma_wait3A_654 = arith.constant 128 : i32
    %dma_wait3A_655 = tpu.memref_slice %arg5[%add3A_631, %dma_wait3A_654] : memref<65536x192xf32, #tpu.memory_space<hbm>> -> memref<128x64xf32, #tpu.memory_space<hbm>>
    %dma_wait3A_656 = tpu.memref_slice %arg12[%dma_wait3A_649] : memref<3x!tpu.dma_semaphore, #tpu.memory_space<semaphore_mem>> -> memref<1x!tpu.dma_semaphore, #tpu.memory_space<semaphore_mem>>
    %dma_wait3A_657 = tpu.memref_squeeze %dma_wait3A_656 : memref<1x!tpu.dma_semaphore, #tpu.memory_space<semaphore_mem>> -> memref<!tpu.dma_semaphore, #tpu.memory_space<semaphore_mem>>
    %dma_wait3A_658 = arith.constant 128 : i32
    %dma_wait3A_659 = tpu.memref_slice %arg5[%add3A_631, %dma_wait3A_658] : memref<65536x192xf32, #tpu.memory_space<hbm>> -> memref<128x64xf32, #tpu.memory_space<hbm>>
    %dma_wait3A_660 = arith.constant 0 : i32
    %dma_wait3A_661 = arith.constant 0 : i32
    %dma_wait3A_662 = tpu.memref_slice %arg8[%dma_wait3A_648, %dma_wait3A_660, %dma_wait3A_661] : memref<3x128x64xf32, #tpu.memory_space<vmem>> -> memref<1x128x64xf32, #tpu.memory_space<vmem>>
    %dma_wait3A_663 = tpu.memref_squeeze %dma_wait3A_662 : memref<1x128x64xf32, #tpu.memory_space<vmem>> -> memref<128x64xf32, #tpu.memory_space<vmem>>
    tpu.wait_dma2 semaphore(%dma_wait3A_657 : memref<!tpu.dma_semaphore, #tpu.memory_space<semaphore_mem>>) src(%dma_wait3A_663 : memref<128x64xf32, #tpu.memory_space<vmem>>) dst(%dma_wait3A_659 : memref<128x64xf32, #tpu.memory_space<hbm>>)
    %add3A_664 = arith.constant 768 : i32
    %add3A_665 = arith.addi %mul3A_2, %add3A_664 : i32
    %dma_start3A_666 = arith.constant 6 : i32
    %dma_start3A_667 = arith.constant 0 : i32
    %dma_start3A_668 = arith.constant 0 : i32
    %dma_start3A_669 = arith.constant 0 : i32
    %dma_start3A_670 = arith.constant 0 : i32
    %dma_start3A_671 = tpu.memref_slice %arg7[%dma_start3A_667, %dma_start3A_669, %dma_start3A_670] : memref<3x128x128xf32, #tpu.memory_space<vmem>> -> memref<1x128x128xf32, #tpu.memory_space<vmem>>
    %dma_start3A_672 = tpu.memref_squeeze %dma_start3A_671 : memref<1x128x128xf32, #tpu.memory_space<vmem>> -> memref<128x128xf32, #tpu.memory_space<vmem>>
    %dma_start3A_673 = arith.constant 0 : i32
    %dma_start3A_674 = tpu.memref_slice %arg6[%dma_start3A_666, %dma_start3A_673] : memref<16x128xi32, #tpu.memory_space<vmem>> -> memref<1x128xi32, #tpu.memory_space<vmem>>
    %dma_start3A_675 = tpu.memref_squeeze %dma_start3A_674 : memref<1x128xi32, #tpu.memory_space<vmem>> -> memref<128xi32, #tpu.memory_space<vmem>>
    %dma_start3A_676 = arith.constant 0 : i32
    %dma_start3A_677 = arith.constant 0 : i32
    %dma_start3A_678 = tpu.memref_slice %arg9[%dma_start3A_676, %dma_start3A_677] : memref<16x128xf32, #tpu.memory_space<vmem_shared>> -> memref<16x128xf32, #tpu.memory_space<vmem_shared>>
    %dma_start3A_679 = tpu.memref_slice %arg10[%dma_start3A_668] : memref<3x!tpu.dma_semaphore, #tpu.memory_space<semaphore_mem>> -> memref<1x!tpu.dma_semaphore, #tpu.memory_space<semaphore_mem>>
    %dma_start3A_680 = tpu.memref_squeeze %dma_start3A_679 : memref<1x!tpu.dma_semaphore, #tpu.memory_space<semaphore_mem>> -> memref<!tpu.dma_semaphore, #tpu.memory_space<semaphore_mem>>
    tpu.enqueue_indirect_dma source(%dma_start3A_678 : memref<16x128xf32, #tpu.memory_space<vmem_shared>>) target(%dma_start3A_672 : memref<128x128xf32, #tpu.memory_space<vmem>>) offsets(%dma_start3A_675 : memref<128xi32, #tpu.memory_space<vmem>>) semaphore(%dma_start3A_680 : memref<!tpu.dma_semaphore, #tpu.memory_space<semaphore_mem>>)
    %dma_start3A_681 = arith.constant 0 : i32
    %dma_start3A_682 = arith.constant 0 : i32
    %dma_start3A_683 = arith.constant 0 : i32
    %dma_start3A_684 = arith.constant 0 : i32
    %dma_start3A_685 = tpu.memref_slice %arg8[%dma_start3A_681, %dma_start3A_683, %dma_start3A_684] : memref<3x128x64xf32, #tpu.memory_space<vmem>> -> memref<1x128x64xf32, #tpu.memory_space<vmem>>
    %dma_start3A_686 = tpu.memref_squeeze %dma_start3A_685 : memref<1x128x64xf32, #tpu.memory_space<vmem>> -> memref<128x64xf32, #tpu.memory_space<vmem>>
    %dma_start3A_687 = arith.constant 0 : i32
    %dma_start3A_688 = tpu.memref_slice %arg4[%add3A_665, %dma_start3A_687] : memref<65536x64xf32, #tpu.memory_space<hbm>> -> memref<128x64xf32, #tpu.memory_space<hbm>>
    %dma_start3A_689 = tpu.memref_slice %arg11[%dma_start3A_682] : memref<3x!tpu.dma_semaphore, #tpu.memory_space<semaphore_mem>> -> memref<1x!tpu.dma_semaphore, #tpu.memory_space<semaphore_mem>>
    %dma_start3A_690 = tpu.memref_squeeze %dma_start3A_689 : memref<1x!tpu.dma_semaphore, #tpu.memory_space<semaphore_mem>> -> memref<!tpu.dma_semaphore, #tpu.memory_space<semaphore_mem>>
    %dma_start3A_691 = arith.constant 0 : i32
    %dma_start3A_692 = arith.constant 0 : i32
    %dma_start3A_693 = tpu.memref_slice %arg8[%dma_start3A_681, %dma_start3A_691, %dma_start3A_692] : memref<3x128x64xf32, #tpu.memory_space<vmem>> -> memref<1x128x64xf32, #tpu.memory_space<vmem>>
    %dma_start3A_694 = tpu.memref_squeeze %dma_start3A_693 : memref<1x128x64xf32, #tpu.memory_space<vmem>> -> memref<128x64xf32, #tpu.memory_space<vmem>>
    %dma_start3A_695 = arith.constant 0 : i32
    %dma_start3A_696 = tpu.memref_slice %arg4[%add3A_665, %dma_start3A_695] : memref<65536x64xf32, #tpu.memory_space<hbm>> -> memref<128x64xf32, #tpu.memory_space<hbm>>
    tpu.enqueue_dma source(%dma_start3A_696 : memref<128x64xf32, #tpu.memory_space<hbm>>) target(%dma_start3A_694 : memref<128x64xf32, #tpu.memory_space<vmem>>) target_semaphore(%dma_start3A_690 : memref<!tpu.dma_semaphore, #tpu.memory_space<semaphore_mem>>)
    %add3A_697 = arith.constant 640 : i32
    %add3A_698 = arith.addi %mul3A_2, %add3A_697 : i32
    %dma_wait3A_699 = arith.constant 5 : i32
    %dma_wait3A_700 = arith.constant 2 : i32
    %dma_wait3A_701 = arith.constant 2 : i32
    %dma_wait3A_702 = arith.constant 0 : i32
    %dma_wait3A_703 = arith.constant 0 : i32
    %dma_wait3A_704 = tpu.memref_slice %arg7[%dma_wait3A_700, %dma_wait3A_702, %dma_wait3A_703] : memref<3x128x128xf32, #tpu.memory_space<vmem>> -> memref<1x128x128xf32, #tpu.memory_space<vmem>>
    %dma_wait3A_705 = tpu.memref_squeeze %dma_wait3A_704 : memref<1x128x128xf32, #tpu.memory_space<vmem>> -> memref<128x128xf32, #tpu.memory_space<vmem>>
    %dma_wait3A_706 = arith.constant 0 : i32
    %dma_wait3A_707 = tpu.memref_slice %arg6[%dma_wait3A_699, %dma_wait3A_706] : memref<16x128xi32, #tpu.memory_space<vmem>> -> memref<1x128xi32, #tpu.memory_space<vmem>>
    %dma_wait3A_708 = tpu.memref_squeeze %dma_wait3A_707 : memref<1x128xi32, #tpu.memory_space<vmem>> -> memref<128xi32, #tpu.memory_space<vmem>>
    %dma_wait3A_709 = arith.constant 0 : i32
    %dma_wait3A_710 = arith.constant 0 : i32
    %dma_wait3A_711 = tpu.memref_slice %arg9[%dma_wait3A_709, %dma_wait3A_710] : memref<16x128xf32, #tpu.memory_space<vmem_shared>> -> memref<16x128xf32, #tpu.memory_space<vmem_shared>>
    %dma_wait3A_712 = tpu.memref_slice %arg10[%dma_wait3A_701] : memref<3x!tpu.dma_semaphore, #tpu.memory_space<semaphore_mem>> -> memref<1x!tpu.dma_semaphore, #tpu.memory_space<semaphore_mem>>
    %dma_wait3A_713 = tpu.memref_squeeze %dma_wait3A_712 : memref<1x!tpu.dma_semaphore, #tpu.memory_space<semaphore_mem>> -> memref<!tpu.dma_semaphore, #tpu.memory_space<semaphore_mem>>
    tpu.wait_indirect_dma semaphore(%dma_wait3A_713 : memref<!tpu.dma_semaphore, #tpu.memory_space<semaphore_mem>>) src(%dma_wait3A_711 : memref<16x128xf32, #tpu.memory_space<vmem_shared>>) dst(%dma_wait3A_705 : memref<128x128xf32, #tpu.memory_space<vmem>>)
    %dma_wait3A_714 = arith.constant 2 : i32
    %dma_wait3A_715 = arith.constant 2 : i32
    %dma_wait3A_716 = arith.constant 0 : i32
    %dma_wait3A_717 = arith.constant 0 : i32
    %dma_wait3A_718 = tpu.memref_slice %arg8[%dma_wait3A_714, %dma_wait3A_716, %dma_wait3A_717] : memref<3x128x64xf32, #tpu.memory_space<vmem>> -> memref<1x128x64xf32, #tpu.memory_space<vmem>>
    %dma_wait3A_719 = tpu.memref_squeeze %dma_wait3A_718 : memref<1x128x64xf32, #tpu.memory_space<vmem>> -> memref<128x64xf32, #tpu.memory_space<vmem>>
    %dma_wait3A_720 = arith.constant 0 : i32
    %dma_wait3A_721 = tpu.memref_slice %arg4[%add3A_698, %dma_wait3A_720] : memref<65536x64xf32, #tpu.memory_space<hbm>> -> memref<128x64xf32, #tpu.memory_space<hbm>>
    %dma_wait3A_722 = tpu.memref_slice %arg11[%dma_wait3A_715] : memref<3x!tpu.dma_semaphore, #tpu.memory_space<semaphore_mem>> -> memref<1x!tpu.dma_semaphore, #tpu.memory_space<semaphore_mem>>
    %dma_wait3A_723 = tpu.memref_squeeze %dma_wait3A_722 : memref<1x!tpu.dma_semaphore, #tpu.memory_space<semaphore_mem>> -> memref<!tpu.dma_semaphore, #tpu.memory_space<semaphore_mem>>
    %dma_wait3A_724 = arith.constant 0 : i32
    %dma_wait3A_725 = arith.constant 0 : i32
    %dma_wait3A_726 = tpu.memref_slice %arg8[%dma_wait3A_714, %dma_wait3A_724, %dma_wait3A_725] : memref<3x128x64xf32, #tpu.memory_space<vmem>> -> memref<1x128x64xf32, #tpu.memory_space<vmem>>
    %dma_wait3A_727 = tpu.memref_squeeze %dma_wait3A_726 : memref<1x128x64xf32, #tpu.memory_space<vmem>> -> memref<128x64xf32, #tpu.memory_space<vmem>>
    %dma_wait3A_728 = arith.constant 0 : i32
    %dma_wait3A_729 = tpu.memref_slice %arg4[%add3A_698, %dma_wait3A_728] : memref<65536x64xf32, #tpu.memory_space<hbm>> -> memref<128x64xf32, #tpu.memory_space<hbm>>
    tpu.wait_dma2 semaphore(%dma_wait3A_723 : memref<!tpu.dma_semaphore, #tpu.memory_space<semaphore_mem>>) src(%dma_wait3A_729 : memref<128x64xf32, #tpu.memory_space<hbm>>) dst(%dma_wait3A_727 : memref<128x64xf32, #tpu.memory_space<vmem>>)
    %dma_start3A_730 = arith.constant 2 : i32
    %dma_start3A_731 = arith.constant 2 : i32
    %dma_start3A_732 = arith.constant 0 : i32
    %dma_start3A_733 = arith.constant 0 : i32
    %dma_start3A_734 = tpu.memref_slice %arg7[%dma_start3A_730, %dma_start3A_732, %dma_start3A_733] : memref<3x128x128xf32, #tpu.memory_space<vmem>> -> memref<1x128x128xf32, #tpu.memory_space<vmem>>
    %dma_start3A_735 = tpu.memref_squeeze %dma_start3A_734 : memref<1x128x128xf32, #tpu.memory_space<vmem>> -> memref<128x128xf32, #tpu.memory_space<vmem>>
    %dma_start3A_736 = arith.constant 0 : i32
    %dma_start3A_737 = tpu.memref_slice %arg5[%add3A_698, %dma_start3A_736] : memref<65536x192xf32, #tpu.memory_space<hbm>> -> memref<128x128xf32, #tpu.memory_space<hbm>>
    %dma_start3A_738 = tpu.memref_slice %arg12[%dma_start3A_731] : memref<3x!tpu.dma_semaphore, #tpu.memory_space<semaphore_mem>> -> memref<1x!tpu.dma_semaphore, #tpu.memory_space<semaphore_mem>>
    %dma_start3A_739 = tpu.memref_squeeze %dma_start3A_738 : memref<1x!tpu.dma_semaphore, #tpu.memory_space<semaphore_mem>> -> memref<!tpu.dma_semaphore, #tpu.memory_space<semaphore_mem>>
    %dma_start3A_740 = arith.constant 0 : i32
    %dma_start3A_741 = tpu.memref_slice %arg5[%add3A_698, %dma_start3A_740] : memref<65536x192xf32, #tpu.memory_space<hbm>> -> memref<128x128xf32, #tpu.memory_space<hbm>>
    %dma_start3A_742 = arith.constant 0 : i32
    %dma_start3A_743 = arith.constant 0 : i32
    %dma_start3A_744 = tpu.memref_slice %arg7[%dma_start3A_730, %dma_start3A_742, %dma_start3A_743] : memref<3x128x128xf32, #tpu.memory_space<vmem>> -> memref<1x128x128xf32, #tpu.memory_space<vmem>>
    %dma_start3A_745 = tpu.memref_squeeze %dma_start3A_744 : memref<1x128x128xf32, #tpu.memory_space<vmem>> -> memref<128x128xf32, #tpu.memory_space<vmem>>
    tpu.enqueue_dma source(%dma_start3A_745 : memref<128x128xf32, #tpu.memory_space<vmem>>) target(%dma_start3A_741 : memref<128x128xf32, #tpu.memory_space<hbm>>) target_semaphore(%dma_start3A_739 : memref<!tpu.dma_semaphore, #tpu.memory_space<semaphore_mem>>)
    %dma_start3A_746 = arith.constant 2 : i32
    %dma_start3A_747 = arith.constant 2 : i32
    %dma_start3A_748 = arith.constant 0 : i32
    %dma_start3A_749 = arith.constant 0 : i32
    %dma_start3A_750 = tpu.memref_slice %arg8[%dma_start3A_746, %dma_start3A_748, %dma_start3A_749] : memref<3x128x64xf32, #tpu.memory_space<vmem>> -> memref<1x128x64xf32, #tpu.memory_space<vmem>>
    %dma_start3A_751 = tpu.memref_squeeze %dma_start3A_750 : memref<1x128x64xf32, #tpu.memory_space<vmem>> -> memref<128x64xf32, #tpu.memory_space<vmem>>
    %dma_start3A_752 = arith.constant 128 : i32
    %dma_start3A_753 = tpu.memref_slice %arg5[%add3A_698, %dma_start3A_752] : memref<65536x192xf32, #tpu.memory_space<hbm>> -> memref<128x64xf32, #tpu.memory_space<hbm>>
    %dma_start3A_754 = tpu.memref_slice %arg12[%dma_start3A_747] : memref<3x!tpu.dma_semaphore, #tpu.memory_space<semaphore_mem>> -> memref<1x!tpu.dma_semaphore, #tpu.memory_space<semaphore_mem>>
    %dma_start3A_755 = tpu.memref_squeeze %dma_start3A_754 : memref<1x!tpu.dma_semaphore, #tpu.memory_space<semaphore_mem>> -> memref<!tpu.dma_semaphore, #tpu.memory_space<semaphore_mem>>
    %dma_start3A_756 = arith.constant 128 : i32
    %dma_start3A_757 = tpu.memref_slice %arg5[%add3A_698, %dma_start3A_756] : memref<65536x192xf32, #tpu.memory_space<hbm>> -> memref<128x64xf32, #tpu.memory_space<hbm>>
    %dma_start3A_758 = arith.constant 0 : i32
    %dma_start3A_759 = arith.constant 0 : i32
    %dma_start3A_760 = tpu.memref_slice %arg8[%dma_start3A_746, %dma_start3A_758, %dma_start3A_759] : memref<3x128x64xf32, #tpu.memory_space<vmem>> -> memref<1x128x64xf32, #tpu.memory_space<vmem>>
    %dma_start3A_761 = tpu.memref_squeeze %dma_start3A_760 : memref<1x128x64xf32, #tpu.memory_space<vmem>> -> memref<128x64xf32, #tpu.memory_space<vmem>>
    tpu.enqueue_dma source(%dma_start3A_761 : memref<128x64xf32, #tpu.memory_space<vmem>>) target(%dma_start3A_757 : memref<128x64xf32, #tpu.memory_space<hbm>>) target_semaphore(%dma_start3A_755 : memref<!tpu.dma_semaphore, #tpu.memory_space<semaphore_mem>>)
    %add3A_762 = arith.constant 512 : i32
    %add3A_763 = arith.addi %mul3A_2, %add3A_762 : i32
    %dma_wait3A_764 = arith.constant 1 : i32
    %dma_wait3A_765 = arith.constant 1 : i32
    %dma_wait3A_766 = arith.constant 0 : i32
    %dma_wait3A_767 = arith.constant 0 : i32
    %dma_wait3A_768 = tpu.memref_slice %arg7[%dma_wait3A_764, %dma_wait3A_766, %dma_wait3A_767] : memref<3x128x128xf32, #tpu.memory_space<vmem>> -> memref<1x128x128xf32, #tpu.memory_space<vmem>>
    %dma_wait3A_769 = tpu.memref_squeeze %dma_wait3A_768 : memref<1x128x128xf32, #tpu.memory_space<vmem>> -> memref<128x128xf32, #tpu.memory_space<vmem>>
    %dma_wait3A_770 = arith.constant 0 : i32
    %dma_wait3A_771 = tpu.memref_slice %arg5[%add3A_763, %dma_wait3A_770] : memref<65536x192xf32, #tpu.memory_space<hbm>> -> memref<128x128xf32, #tpu.memory_space<hbm>>
    %dma_wait3A_772 = tpu.memref_slice %arg12[%dma_wait3A_765] : memref<3x!tpu.dma_semaphore, #tpu.memory_space<semaphore_mem>> -> memref<1x!tpu.dma_semaphore, #tpu.memory_space<semaphore_mem>>
    %dma_wait3A_773 = tpu.memref_squeeze %dma_wait3A_772 : memref<1x!tpu.dma_semaphore, #tpu.memory_space<semaphore_mem>> -> memref<!tpu.dma_semaphore, #tpu.memory_space<semaphore_mem>>
    %dma_wait3A_774 = arith.constant 0 : i32
    %dma_wait3A_775 = tpu.memref_slice %arg5[%add3A_763, %dma_wait3A_774] : memref<65536x192xf32, #tpu.memory_space<hbm>> -> memref<128x128xf32, #tpu.memory_space<hbm>>
    %dma_wait3A_776 = arith.constant 0 : i32
    %dma_wait3A_777 = arith.constant 0 : i32
    %dma_wait3A_778 = tpu.memref_slice %arg7[%dma_wait3A_764, %dma_wait3A_776, %dma_wait3A_777] : memref<3x128x128xf32, #tpu.memory_space<vmem>> -> memref<1x128x128xf32, #tpu.memory_space<vmem>>
    %dma_wait3A_779 = tpu.memref_squeeze %dma_wait3A_778 : memref<1x128x128xf32, #tpu.memory_space<vmem>> -> memref<128x128xf32, #tpu.memory_space<vmem>>
    tpu.wait_dma2 semaphore(%dma_wait3A_773 : memref<!tpu.dma_semaphore, #tpu.memory_space<semaphore_mem>>) src(%dma_wait3A_779 : memref<128x128xf32, #tpu.memory_space<vmem>>) dst(%dma_wait3A_775 : memref<128x128xf32, #tpu.memory_space<hbm>>)
    %dma_wait3A_780 = arith.constant 1 : i32
    %dma_wait3A_781 = arith.constant 1 : i32
    %dma_wait3A_782 = arith.constant 0 : i32
    %dma_wait3A_783 = arith.constant 0 : i32
    %dma_wait3A_784 = tpu.memref_slice %arg8[%dma_wait3A_780, %dma_wait3A_782, %dma_wait3A_783] : memref<3x128x64xf32, #tpu.memory_space<vmem>> -> memref<1x128x64xf32, #tpu.memory_space<vmem>>
    %dma_wait3A_785 = tpu.memref_squeeze %dma_wait3A_784 : memref<1x128x64xf32, #tpu.memory_space<vmem>> -> memref<128x64xf32, #tpu.memory_space<vmem>>
    %dma_wait3A_786 = arith.constant 128 : i32
    %dma_wait3A_787 = tpu.memref_slice %arg5[%add3A_763, %dma_wait3A_786] : memref<65536x192xf32, #tpu.memory_space<hbm>> -> memref<128x64xf32, #tpu.memory_space<hbm>>
    %dma_wait3A_788 = tpu.memref_slice %arg12[%dma_wait3A_781] : memref<3x!tpu.dma_semaphore, #tpu.memory_space<semaphore_mem>> -> memref<1x!tpu.dma_semaphore, #tpu.memory_space<semaphore_mem>>
    %dma_wait3A_789 = tpu.memref_squeeze %dma_wait3A_788 : memref<1x!tpu.dma_semaphore, #tpu.memory_space<semaphore_mem>> -> memref<!tpu.dma_semaphore, #tpu.memory_space<semaphore_mem>>
    %dma_wait3A_790 = arith.constant 128 : i32
    %dma_wait3A_791 = tpu.memref_slice %arg5[%add3A_763, %dma_wait3A_790] : memref<65536x192xf32, #tpu.memory_space<hbm>> -> memref<128x64xf32, #tpu.memory_space<hbm>>
    %dma_wait3A_792 = arith.constant 0 : i32
    %dma_wait3A_793 = arith.constant 0 : i32
    %dma_wait3A_794 = tpu.memref_slice %arg8[%dma_wait3A_780, %dma_wait3A_792, %dma_wait3A_793] : memref<3x128x64xf32, #tpu.memory_space<vmem>> -> memref<1x128x64xf32, #tpu.memory_space<vmem>>
    %dma_wait3A_795 = tpu.memref_squeeze %dma_wait3A_794 : memref<1x128x64xf32, #tpu.memory_space<vmem>> -> memref<128x64xf32, #tpu.memory_space<vmem>>
    tpu.wait_dma2 semaphore(%dma_wait3A_789 : memref<!tpu.dma_semaphore, #tpu.memory_space<semaphore_mem>>) src(%dma_wait3A_795 : memref<128x64xf32, #tpu.memory_space<vmem>>) dst(%dma_wait3A_791 : memref<128x64xf32, #tpu.memory_space<hbm>>)
    %add3A_796 = arith.constant 896 : i32
    %add3A_797 = arith.addi %mul3A_2, %add3A_796 : i32
    %dma_start3A_798 = arith.constant 7 : i32
    %dma_start3A_799 = arith.constant 1 : i32
    %dma_start3A_800 = arith.constant 1 : i32
    %dma_start3A_801 = arith.constant 0 : i32
    %dma_start3A_802 = arith.constant 0 : i32
    %dma_start3A_803 = tpu.memref_slice %arg7[%dma_start3A_799, %dma_start3A_801, %dma_start3A_802] : memref<3x128x128xf32, #tpu.memory_space<vmem>> -> memref<1x128x128xf32, #tpu.memory_space<vmem>>
    %dma_start3A_804 = tpu.memref_squeeze %dma_start3A_803 : memref<1x128x128xf32, #tpu.memory_space<vmem>> -> memref<128x128xf32, #tpu.memory_space<vmem>>
    %dma_start3A_805 = arith.constant 0 : i32
    %dma_start3A_806 = tpu.memref_slice %arg6[%dma_start3A_798, %dma_start3A_805] : memref<16x128xi32, #tpu.memory_space<vmem>> -> memref<1x128xi32, #tpu.memory_space<vmem>>
    %dma_start3A_807 = tpu.memref_squeeze %dma_start3A_806 : memref<1x128xi32, #tpu.memory_space<vmem>> -> memref<128xi32, #tpu.memory_space<vmem>>
    %dma_start3A_808 = arith.constant 0 : i32
    %dma_start3A_809 = arith.constant 0 : i32
    %dma_start3A_810 = tpu.memref_slice %arg9[%dma_start3A_808, %dma_start3A_809] : memref<16x128xf32, #tpu.memory_space<vmem_shared>> -> memref<16x128xf32, #tpu.memory_space<vmem_shared>>
    %dma_start3A_811 = tpu.memref_slice %arg10[%dma_start3A_800] : memref<3x!tpu.dma_semaphore, #tpu.memory_space<semaphore_mem>> -> memref<1x!tpu.dma_semaphore, #tpu.memory_space<semaphore_mem>>
    %dma_start3A_812 = tpu.memref_squeeze %dma_start3A_811 : memref<1x!tpu.dma_semaphore, #tpu.memory_space<semaphore_mem>> -> memref<!tpu.dma_semaphore, #tpu.memory_space<semaphore_mem>>
    tpu.enqueue_indirect_dma source(%dma_start3A_810 : memref<16x128xf32, #tpu.memory_space<vmem_shared>>) target(%dma_start3A_804 : memref<128x128xf32, #tpu.memory_space<vmem>>) offsets(%dma_start3A_807 : memref<128xi32, #tpu.memory_space<vmem>>) semaphore(%dma_start3A_812 : memref<!tpu.dma_semaphore, #tpu.memory_space<semaphore_mem>>)
    %dma_start3A_813 = arith.constant 1 : i32
    %dma_start3A_814 = arith.constant 1 : i32
    %dma_start3A_815 = arith.constant 0 : i32
    %dma_start3A_816 = arith.constant 0 : i32
    %dma_start3A_817 = tpu.memref_slice %arg8[%dma_start3A_813, %dma_start3A_815, %dma_start3A_816] : memref<3x128x64xf32, #tpu.memory_space<vmem>> -> memref<1x128x64xf32, #tpu.memory_space<vmem>>
    %dma_start3A_818 = tpu.memref_squeeze %dma_start3A_817 : memref<1x128x64xf32, #tpu.memory_space<vmem>> -> memref<128x64xf32, #tpu.memory_space<vmem>>
    %dma_start3A_819 = arith.constant 0 : i32
    %dma_start3A_820 = tpu.memref_slice %arg4[%add3A_797, %dma_start3A_819] : memref<65536x64xf32, #tpu.memory_space<hbm>> -> memref<128x64xf32, #tpu.memory_space<hbm>>
    %dma_start3A_821 = tpu.memref_slice %arg11[%dma_start3A_814] : memref<3x!tpu.dma_semaphore, #tpu.memory_space<semaphore_mem>> -> memref<1x!tpu.dma_semaphore, #tpu.memory_space<semaphore_mem>>
    %dma_start3A_822 = tpu.memref_squeeze %dma_start3A_821 : memref<1x!tpu.dma_semaphore, #tpu.memory_space<semaphore_mem>> -> memref<!tpu.dma_semaphore, #tpu.memory_space<semaphore_mem>>
    %dma_start3A_823 = arith.constant 0 : i32
    %dma_start3A_824 = arith.constant 0 : i32
    %dma_start3A_825 = tpu.memref_slice %arg8[%dma_start3A_813, %dma_start3A_823, %dma_start3A_824] : memref<3x128x64xf32, #tpu.memory_space<vmem>> -> memref<1x128x64xf32, #tpu.memory_space<vmem>>
    %dma_start3A_826 = tpu.memref_squeeze %dma_start3A_825 : memref<1x128x64xf32, #tpu.memory_space<vmem>> -> memref<128x64xf32, #tpu.memory_space<vmem>>
    %dma_start3A_827 = arith.constant 0 : i32
    %dma_start3A_828 = tpu.memref_slice %arg4[%add3A_797, %dma_start3A_827] : memref<65536x64xf32, #tpu.memory_space<hbm>> -> memref<128x64xf32, #tpu.memory_space<hbm>>
    tpu.enqueue_dma source(%dma_start3A_828 : memref<128x64xf32, #tpu.memory_space<hbm>>) target(%dma_start3A_826 : memref<128x64xf32, #tpu.memory_space<vmem>>) target_semaphore(%dma_start3A_822 : memref<!tpu.dma_semaphore, #tpu.memory_space<semaphore_mem>>)
    %add3A_829 = arith.constant 768 : i32
    %add3A_830 = arith.addi %mul3A_2, %add3A_829 : i32
    %dma_wait3A_831 = arith.constant 6 : i32
    %dma_wait3A_832 = arith.constant 0 : i32
    %dma_wait3A_833 = arith.constant 0 : i32
    %dma_wait3A_834 = arith.constant 0 : i32
    %dma_wait3A_835 = arith.constant 0 : i32
    %dma_wait3A_836 = tpu.memref_slice %arg7[%dma_wait3A_832, %dma_wait3A_834, %dma_wait3A_835] : memref<3x128x128xf32, #tpu.memory_space<vmem>> -> memref<1x128x128xf32, #tpu.memory_space<vmem>>
    %dma_wait3A_837 = tpu.memref_squeeze %dma_wait3A_836 : memref<1x128x128xf32, #tpu.memory_space<vmem>> -> memref<128x128xf32, #tpu.memory_space<vmem>>
    %dma_wait3A_838 = arith.constant 0 : i32
    %dma_wait3A_839 = tpu.memref_slice %arg6[%dma_wait3A_831, %dma_wait3A_838] : memref<16x128xi32, #tpu.memory_space<vmem>> -> memref<1x128xi32, #tpu.memory_space<vmem>>
    %dma_wait3A_840 = tpu.memref_squeeze %dma_wait3A_839 : memref<1x128xi32, #tpu.memory_space<vmem>> -> memref<128xi32, #tpu.memory_space<vmem>>
    %dma_wait3A_841 = arith.constant 0 : i32
    %dma_wait3A_842 = arith.constant 0 : i32
    %dma_wait3A_843 = tpu.memref_slice %arg9[%dma_wait3A_841, %dma_wait3A_842] : memref<16x128xf32, #tpu.memory_space<vmem_shared>> -> memref<16x128xf32, #tpu.memory_space<vmem_shared>>
    %dma_wait3A_844 = tpu.memref_slice %arg10[%dma_wait3A_833] : memref<3x!tpu.dma_semaphore, #tpu.memory_space<semaphore_mem>> -> memref<1x!tpu.dma_semaphore, #tpu.memory_space<semaphore_mem>>
    %dma_wait3A_845 = tpu.memref_squeeze %dma_wait3A_844 : memref<1x!tpu.dma_semaphore, #tpu.memory_space<semaphore_mem>> -> memref<!tpu.dma_semaphore, #tpu.memory_space<semaphore_mem>>
    tpu.wait_indirect_dma semaphore(%dma_wait3A_845 : memref<!tpu.dma_semaphore, #tpu.memory_space<semaphore_mem>>) src(%dma_wait3A_843 : memref<16x128xf32, #tpu.memory_space<vmem_shared>>) dst(%dma_wait3A_837 : memref<128x128xf32, #tpu.memory_space<vmem>>)
    %dma_wait3A_846 = arith.constant 0 : i32
    %dma_wait3A_847 = arith.constant 0 : i32
    %dma_wait3A_848 = arith.constant 0 : i32
    %dma_wait3A_849 = arith.constant 0 : i32
    %dma_wait3A_850 = tpu.memref_slice %arg8[%dma_wait3A_846, %dma_wait3A_848, %dma_wait3A_849] : memref<3x128x64xf32, #tpu.memory_space<vmem>> -> memref<1x128x64xf32, #tpu.memory_space<vmem>>
    %dma_wait3A_851 = tpu.memref_squeeze %dma_wait3A_850 : memref<1x128x64xf32, #tpu.memory_space<vmem>> -> memref<128x64xf32, #tpu.memory_space<vmem>>
    %dma_wait3A_852 = arith.constant 0 : i32
    %dma_wait3A_853 = tpu.memref_slice %arg4[%add3A_830, %dma_wait3A_852] : memref<65536x64xf32, #tpu.memory_space<hbm>> -> memref<128x64xf32, #tpu.memory_space<hbm>>
    %dma_wait3A_854 = tpu.memref_slice %arg11[%dma_wait3A_847] : memref<3x!tpu.dma_semaphore, #tpu.memory_space<semaphore_mem>> -> memref<1x!tpu.dma_semaphore, #tpu.memory_space<semaphore_mem>>
    %dma_wait3A_855 = tpu.memref_squeeze %dma_wait3A_854 : memref<1x!tpu.dma_semaphore, #tpu.memory_space<semaphore_mem>> -> memref<!tpu.dma_semaphore, #tpu.memory_space<semaphore_mem>>
    %dma_wait3A_856 = arith.constant 0 : i32
    %dma_wait3A_857 = arith.constant 0 : i32
    %dma_wait3A_858 = tpu.memref_slice %arg8[%dma_wait3A_846, %dma_wait3A_856, %dma_wait3A_857] : memref<3x128x64xf32, #tpu.memory_space<vmem>> -> memref<1x128x64xf32, #tpu.memory_space<vmem>>
    %dma_wait3A_859 = tpu.memref_squeeze %dma_wait3A_858 : memref<1x128x64xf32, #tpu.memory_space<vmem>> -> memref<128x64xf32, #tpu.memory_space<vmem>>
    %dma_wait3A_860 = arith.constant 0 : i32
    %dma_wait3A_861 = tpu.memref_slice %arg4[%add3A_830, %dma_wait3A_860] : memref<65536x64xf32, #tpu.memory_space<hbm>> -> memref<128x64xf32, #tpu.memory_space<hbm>>
    tpu.wait_dma2 semaphore(%dma_wait3A_855 : memref<!tpu.dma_semaphore, #tpu.memory_space<semaphore_mem>>) src(%dma_wait3A_861 : memref<128x64xf32, #tpu.memory_space<hbm>>) dst(%dma_wait3A_859 : memref<128x64xf32, #tpu.memory_space<vmem>>)
    %dma_start3A_862 = arith.constant 0 : i32
    %dma_start3A_863 = arith.constant 0 : i32
    %dma_start3A_864 = arith.constant 0 : i32
    %dma_start3A_865 = arith.constant 0 : i32
    %dma_start3A_866 = tpu.memref_slice %arg7[%dma_start3A_862, %dma_start3A_864, %dma_start3A_865] : memref<3x128x128xf32, #tpu.memory_space<vmem>> -> memref<1x128x128xf32, #tpu.memory_space<vmem>>
    %dma_start3A_867 = tpu.memref_squeeze %dma_start3A_866 : memref<1x128x128xf32, #tpu.memory_space<vmem>> -> memref<128x128xf32, #tpu.memory_space<vmem>>
    %dma_start3A_868 = arith.constant 0 : i32
    %dma_start3A_869 = tpu.memref_slice %arg5[%add3A_830, %dma_start3A_868] : memref<65536x192xf32, #tpu.memory_space<hbm>> -> memref<128x128xf32, #tpu.memory_space<hbm>>
    %dma_start3A_870 = tpu.memref_slice %arg12[%dma_start3A_863] : memref<3x!tpu.dma_semaphore, #tpu.memory_space<semaphore_mem>> -> memref<1x!tpu.dma_semaphore, #tpu.memory_space<semaphore_mem>>
    %dma_start3A_871 = tpu.memref_squeeze %dma_start3A_870 : memref<1x!tpu.dma_semaphore, #tpu.memory_space<semaphore_mem>> -> memref<!tpu.dma_semaphore, #tpu.memory_space<semaphore_mem>>
    %dma_start3A_872 = arith.constant 0 : i32
    %dma_start3A_873 = tpu.memref_slice %arg5[%add3A_830, %dma_start3A_872] : memref<65536x192xf32, #tpu.memory_space<hbm>> -> memref<128x128xf32, #tpu.memory_space<hbm>>
    %dma_start3A_874 = arith.constant 0 : i32
    %dma_start3A_875 = arith.constant 0 : i32
    %dma_start3A_876 = tpu.memref_slice %arg7[%dma_start3A_862, %dma_start3A_874, %dma_start3A_875] : memref<3x128x128xf32, #tpu.memory_space<vmem>> -> memref<1x128x128xf32, #tpu.memory_space<vmem>>
    %dma_start3A_877 = tpu.memref_squeeze %dma_start3A_876 : memref<1x128x128xf32, #tpu.memory_space<vmem>> -> memref<128x128xf32, #tpu.memory_space<vmem>>
    tpu.enqueue_dma source(%dma_start3A_877 : memref<128x128xf32, #tpu.memory_space<vmem>>) target(%dma_start3A_873 : memref<128x128xf32, #tpu.memory_space<hbm>>) target_semaphore(%dma_start3A_871 : memref<!tpu.dma_semaphore, #tpu.memory_space<semaphore_mem>>)
    %dma_start3A_878 = arith.constant 0 : i32
    %dma_start3A_879 = arith.constant 0 : i32
    %dma_start3A_880 = arith.constant 0 : i32
    %dma_start3A_881 = arith.constant 0 : i32
    %dma_start3A_882 = tpu.memref_slice %arg8[%dma_start3A_878, %dma_start3A_880, %dma_start3A_881] : memref<3x128x64xf32, #tpu.memory_space<vmem>> -> memref<1x128x64xf32, #tpu.memory_space<vmem>>
    %dma_start3A_883 = tpu.memref_squeeze %dma_start3A_882 : memref<1x128x64xf32, #tpu.memory_space<vmem>> -> memref<128x64xf32, #tpu.memory_space<vmem>>
    %dma_start3A_884 = arith.constant 128 : i32
    %dma_start3A_885 = tpu.memref_slice %arg5[%add3A_830, %dma_start3A_884] : memref<65536x192xf32, #tpu.memory_space<hbm>> -> memref<128x64xf32, #tpu.memory_space<hbm>>
    %dma_start3A_886 = tpu.memref_slice %arg12[%dma_start3A_879] : memref<3x!tpu.dma_semaphore, #tpu.memory_space<semaphore_mem>> -> memref<1x!tpu.dma_semaphore, #tpu.memory_space<semaphore_mem>>
    %dma_start3A_887 = tpu.memref_squeeze %dma_start3A_886 : memref<1x!tpu.dma_semaphore, #tpu.memory_space<semaphore_mem>> -> memref<!tpu.dma_semaphore, #tpu.memory_space<semaphore_mem>>
    %dma_start3A_888 = arith.constant 128 : i32
    %dma_start3A_889 = tpu.memref_slice %arg5[%add3A_830, %dma_start3A_888] : memref<65536x192xf32, #tpu.memory_space<hbm>> -> memref<128x64xf32, #tpu.memory_space<hbm>>
    %dma_start3A_890 = arith.constant 0 : i32
    %dma_start3A_891 = arith.constant 0 : i32
    %dma_start3A_892 = tpu.memref_slice %arg8[%dma_start3A_878, %dma_start3A_890, %dma_start3A_891] : memref<3x128x64xf32, #tpu.memory_space<vmem>> -> memref<1x128x64xf32, #tpu.memory_space<vmem>>
    %dma_start3A_893 = tpu.memref_squeeze %dma_start3A_892 : memref<1x128x64xf32, #tpu.memory_space<vmem>> -> memref<128x64xf32, #tpu.memory_space<vmem>>
    tpu.enqueue_dma source(%dma_start3A_893 : memref<128x64xf32, #tpu.memory_space<vmem>>) target(%dma_start3A_889 : memref<128x64xf32, #tpu.memory_space<hbm>>) target_semaphore(%dma_start3A_887 : memref<!tpu.dma_semaphore, #tpu.memory_space<semaphore_mem>>)
    %add3A_894 = arith.constant 640 : i32
    %add3A_895 = arith.addi %mul3A_2, %add3A_894 : i32
    %dma_wait3A_896 = arith.constant 2 : i32
    %dma_wait3A_897 = arith.constant 2 : i32
    %dma_wait3A_898 = arith.constant 0 : i32
    %dma_wait3A_899 = arith.constant 0 : i32
    %dma_wait3A_900 = tpu.memref_slice %arg7[%dma_wait3A_896, %dma_wait3A_898, %dma_wait3A_899] : memref<3x128x128xf32, #tpu.memory_space<vmem>> -> memref<1x128x128xf32, #tpu.memory_space<vmem>>
    %dma_wait3A_901 = tpu.memref_squeeze %dma_wait3A_900 : memref<1x128x128xf32, #tpu.memory_space<vmem>> -> memref<128x128xf32, #tpu.memory_space<vmem>>
    %dma_wait3A_902 = arith.constant 0 : i32
    %dma_wait3A_903 = tpu.memref_slice %arg5[%add3A_895, %dma_wait3A_902] : memref<65536x192xf32, #tpu.memory_space<hbm>> -> memref<128x128xf32, #tpu.memory_space<hbm>>
    %dma_wait3A_904 = tpu.memref_slice %arg12[%dma_wait3A_897] : memref<3x!tpu.dma_semaphore, #tpu.memory_space<semaphore_mem>> -> memref<1x!tpu.dma_semaphore, #tpu.memory_space<semaphore_mem>>
    %dma_wait3A_905 = tpu.memref_squeeze %dma_wait3A_904 : memref<1x!tpu.dma_semaphore, #tpu.memory_space<semaphore_mem>> -> memref<!tpu.dma_semaphore, #tpu.memory_space<semaphore_mem>>
    %dma_wait3A_906 = arith.constant 0 : i32
    %dma_wait3A_907 = tpu.memref_slice %arg5[%add3A_895, %dma_wait3A_906] : memref<65536x192xf32, #tpu.memory_space<hbm>> -> memref<128x128xf32, #tpu.memory_space<hbm>>
    %dma_wait3A_908 = arith.constant 0 : i32
    %dma_wait3A_909 = arith.constant 0 : i32
    %dma_wait3A_910 = tpu.memref_slice %arg7[%dma_wait3A_896, %dma_wait3A_908, %dma_wait3A_909] : memref<3x128x128xf32, #tpu.memory_space<vmem>> -> memref<1x128x128xf32, #tpu.memory_space<vmem>>
    %dma_wait3A_911 = tpu.memref_squeeze %dma_wait3A_910 : memref<1x128x128xf32, #tpu.memory_space<vmem>> -> memref<128x128xf32, #tpu.memory_space<vmem>>
    tpu.wait_dma2 semaphore(%dma_wait3A_905 : memref<!tpu.dma_semaphore, #tpu.memory_space<semaphore_mem>>) src(%dma_wait3A_911 : memref<128x128xf32, #tpu.memory_space<vmem>>) dst(%dma_wait3A_907 : memref<128x128xf32, #tpu.memory_space<hbm>>)
    %dma_wait3A_912 = arith.constant 2 : i32
    %dma_wait3A_913 = arith.constant 2 : i32
    %dma_wait3A_914 = arith.constant 0 : i32
    %dma_wait3A_915 = arith.constant 0 : i32
    %dma_wait3A_916 = tpu.memref_slice %arg8[%dma_wait3A_912, %dma_wait3A_914, %dma_wait3A_915] : memref<3x128x64xf32, #tpu.memory_space<vmem>> -> memref<1x128x64xf32, #tpu.memory_space<vmem>>
    %dma_wait3A_917 = tpu.memref_squeeze %dma_wait3A_916 : memref<1x128x64xf32, #tpu.memory_space<vmem>> -> memref<128x64xf32, #tpu.memory_space<vmem>>
    %dma_wait3A_918 = arith.constant 128 : i32
    %dma_wait3A_919 = tpu.memref_slice %arg5[%add3A_895, %dma_wait3A_918] : memref<65536x192xf32, #tpu.memory_space<hbm>> -> memref<128x64xf32, #tpu.memory_space<hbm>>
    %dma_wait3A_920 = tpu.memref_slice %arg12[%dma_wait3A_913] : memref<3x!tpu.dma_semaphore, #tpu.memory_space<semaphore_mem>> -> memref<1x!tpu.dma_semaphore, #tpu.memory_space<semaphore_mem>>
    %dma_wait3A_921 = tpu.memref_squeeze %dma_wait3A_920 : memref<1x!tpu.dma_semaphore, #tpu.memory_space<semaphore_mem>> -> memref<!tpu.dma_semaphore, #tpu.memory_space<semaphore_mem>>
    %dma_wait3A_922 = arith.constant 128 : i32
    %dma_wait3A_923 = tpu.memref_slice %arg5[%add3A_895, %dma_wait3A_922] : memref<65536x192xf32, #tpu.memory_space<hbm>> -> memref<128x64xf32, #tpu.memory_space<hbm>>
    %dma_wait3A_924 = arith.constant 0 : i32
    %dma_wait3A_925 = arith.constant 0 : i32
    %dma_wait3A_926 = tpu.memref_slice %arg8[%dma_wait3A_912, %dma_wait3A_924, %dma_wait3A_925] : memref<3x128x64xf32, #tpu.memory_space<vmem>> -> memref<1x128x64xf32, #tpu.memory_space<vmem>>
    %dma_wait3A_927 = tpu.memref_squeeze %dma_wait3A_926 : memref<1x128x64xf32, #tpu.memory_space<vmem>> -> memref<128x64xf32, #tpu.memory_space<vmem>>
    tpu.wait_dma2 semaphore(%dma_wait3A_921 : memref<!tpu.dma_semaphore, #tpu.memory_space<semaphore_mem>>) src(%dma_wait3A_927 : memref<128x64xf32, #tpu.memory_space<vmem>>) dst(%dma_wait3A_923 : memref<128x64xf32, #tpu.memory_space<hbm>>)
    %add3A_928 = arith.constant 1024 : i32
    %add3A_929 = arith.addi %mul3A_2, %add3A_928 : i32
    %dma_start3A_930 = arith.constant 8 : i32
    %dma_start3A_931 = arith.constant 2 : i32
    %dma_start3A_932 = arith.constant 2 : i32
    %dma_start3A_933 = arith.constant 0 : i32
    %dma_start3A_934 = arith.constant 0 : i32
    %dma_start3A_935 = tpu.memref_slice %arg7[%dma_start3A_931, %dma_start3A_933, %dma_start3A_934] : memref<3x128x128xf32, #tpu.memory_space<vmem>> -> memref<1x128x128xf32, #tpu.memory_space<vmem>>
    %dma_start3A_936 = tpu.memref_squeeze %dma_start3A_935 : memref<1x128x128xf32, #tpu.memory_space<vmem>> -> memref<128x128xf32, #tpu.memory_space<vmem>>
    %dma_start3A_937 = arith.constant 0 : i32
    %dma_start3A_938 = tpu.memref_slice %arg6[%dma_start3A_930, %dma_start3A_937] : memref<16x128xi32, #tpu.memory_space<vmem>> -> memref<1x128xi32, #tpu.memory_space<vmem>>
    %dma_start3A_939 = tpu.memref_squeeze %dma_start3A_938 : memref<1x128xi32, #tpu.memory_space<vmem>> -> memref<128xi32, #tpu.memory_space<vmem>>
    %dma_start3A_940 = arith.constant 0 : i32
    %dma_start3A_941 = arith.constant 0 : i32
    %dma_start3A_942 = tpu.memref_slice %arg9[%dma_start3A_940, %dma_start3A_941] : memref<16x128xf32, #tpu.memory_space<vmem_shared>> -> memref<16x128xf32, #tpu.memory_space<vmem_shared>>
    %dma_start3A_943 = tpu.memref_slice %arg10[%dma_start3A_932] : memref<3x!tpu.dma_semaphore, #tpu.memory_space<semaphore_mem>> -> memref<1x!tpu.dma_semaphore, #tpu.memory_space<semaphore_mem>>
    %dma_start3A_944 = tpu.memref_squeeze %dma_start3A_943 : memref<1x!tpu.dma_semaphore, #tpu.memory_space<semaphore_mem>> -> memref<!tpu.dma_semaphore, #tpu.memory_space<semaphore_mem>>
    tpu.enqueue_indirect_dma source(%dma_start3A_942 : memref<16x128xf32, #tpu.memory_space<vmem_shared>>) target(%dma_start3A_936 : memref<128x128xf32, #tpu.memory_space<vmem>>) offsets(%dma_start3A_939 : memref<128xi32, #tpu.memory_space<vmem>>) semaphore(%dma_start3A_944 : memref<!tpu.dma_semaphore, #tpu.memory_space<semaphore_mem>>)
    %dma_start3A_945 = arith.constant 2 : i32
    %dma_start3A_946 = arith.constant 2 : i32
    %dma_start3A_947 = arith.constant 0 : i32
    %dma_start3A_948 = arith.constant 0 : i32
    %dma_start3A_949 = tpu.memref_slice %arg8[%dma_start3A_945, %dma_start3A_947, %dma_start3A_948] : memref<3x128x64xf32, #tpu.memory_space<vmem>> -> memref<1x128x64xf32, #tpu.memory_space<vmem>>
    %dma_start3A_950 = tpu.memref_squeeze %dma_start3A_949 : memref<1x128x64xf32, #tpu.memory_space<vmem>> -> memref<128x64xf32, #tpu.memory_space<vmem>>
    %dma_start3A_951 = arith.constant 0 : i32
    %dma_start3A_952 = tpu.memref_slice %arg4[%add3A_929, %dma_start3A_951] : memref<65536x64xf32, #tpu.memory_space<hbm>> -> memref<128x64xf32, #tpu.memory_space<hbm>>
    %dma_start3A_953 = tpu.memref_slice %arg11[%dma_start3A_946] : memref<3x!tpu.dma_semaphore, #tpu.memory_space<semaphore_mem>> -> memref<1x!tpu.dma_semaphore, #tpu.memory_space<semaphore_mem>>
    %dma_start3A_954 = tpu.memref_squeeze %dma_start3A_953 : memref<1x!tpu.dma_semaphore, #tpu.memory_space<semaphore_mem>> -> memref<!tpu.dma_semaphore, #tpu.memory_space<semaphore_mem>>
    %dma_start3A_955 = arith.constant 0 : i32
    %dma_start3A_956 = arith.constant 0 : i32
    %dma_start3A_957 = tpu.memref_slice %arg8[%dma_start3A_945, %dma_start3A_955, %dma_start3A_956] : memref<3x128x64xf32, #tpu.memory_space<vmem>> -> memref<1x128x64xf32, #tpu.memory_space<vmem>>
    %dma_start3A_958 = tpu.memref_squeeze %dma_start3A_957 : memref<1x128x64xf32, #tpu.memory_space<vmem>> -> memref<128x64xf32, #tpu.memory_space<vmem>>
    %dma_start3A_959 = arith.constant 0 : i32
    %dma_start3A_960 = tpu.memref_slice %arg4[%add3A_929, %dma_start3A_959] : memref<65536x64xf32, #tpu.memory_space<hbm>> -> memref<128x64xf32, #tpu.memory_space<hbm>>
    tpu.enqueue_dma source(%dma_start3A_960 : memref<128x64xf32, #tpu.memory_space<hbm>>) target(%dma_start3A_958 : memref<128x64xf32, #tpu.memory_space<vmem>>) target_semaphore(%dma_start3A_954 : memref<!tpu.dma_semaphore, #tpu.memory_space<semaphore_mem>>)
    %add3A_961 = arith.constant 896 : i32
    %add3A_962 = arith.addi %mul3A_2, %add3A_961 : i32
    %dma_wait3A_963 = arith.constant 7 : i32
    %dma_wait3A_964 = arith.constant 1 : i32
    %dma_wait3A_965 = arith.constant 1 : i32
    %dma_wait3A_966 = arith.constant 0 : i32
    %dma_wait3A_967 = arith.constant 0 : i32
    %dma_wait3A_968 = tpu.memref_slice %arg7[%dma_wait3A_964, %dma_wait3A_966, %dma_wait3A_967] : memref<3x128x128xf32, #tpu.memory_space<vmem>> -> memref<1x128x128xf32, #tpu.memory_space<vmem>>
    %dma_wait3A_969 = tpu.memref_squeeze %dma_wait3A_968 : memref<1x128x128xf32, #tpu.memory_space<vmem>> -> memref<128x128xf32, #tpu.memory_space<vmem>>
    %dma_wait3A_970 = arith.constant 0 : i32
    %dma_wait3A_971 = tpu.memref_slice %arg6[%dma_wait3A_963, %dma_wait3A_970] : memref<16x128xi32, #tpu.memory_space<vmem>> -> memref<1x128xi32, #tpu.memory_space<vmem>>
    %dma_wait3A_972 = tpu.memref_squeeze %dma_wait3A_971 : memref<1x128xi32, #tpu.memory_space<vmem>> -> memref<128xi32, #tpu.memory_space<vmem>>
    %dma_wait3A_973 = arith.constant 0 : i32
    %dma_wait3A_974 = arith.constant 0 : i32
    %dma_wait3A_975 = tpu.memref_slice %arg9[%dma_wait3A_973, %dma_wait3A_974] : memref<16x128xf32, #tpu.memory_space<vmem_shared>> -> memref<16x128xf32, #tpu.memory_space<vmem_shared>>
    %dma_wait3A_976 = tpu.memref_slice %arg10[%dma_wait3A_965] : memref<3x!tpu.dma_semaphore, #tpu.memory_space<semaphore_mem>> -> memref<1x!tpu.dma_semaphore, #tpu.memory_space<semaphore_mem>>
    %dma_wait3A_977 = tpu.memref_squeeze %dma_wait3A_976 : memref<1x!tpu.dma_semaphore, #tpu.memory_space<semaphore_mem>> -> memref<!tpu.dma_semaphore, #tpu.memory_space<semaphore_mem>>
    tpu.wait_indirect_dma semaphore(%dma_wait3A_977 : memref<!tpu.dma_semaphore, #tpu.memory_space<semaphore_mem>>) src(%dma_wait3A_975 : memref<16x128xf32, #tpu.memory_space<vmem_shared>>) dst(%dma_wait3A_969 : memref<128x128xf32, #tpu.memory_space<vmem>>)
    %dma_wait3A_978 = arith.constant 1 : i32
    %dma_wait3A_979 = arith.constant 1 : i32
    %dma_wait3A_980 = arith.constant 0 : i32
    %dma_wait3A_981 = arith.constant 0 : i32
    %dma_wait3A_982 = tpu.memref_slice %arg8[%dma_wait3A_978, %dma_wait3A_980, %dma_wait3A_981] : memref<3x128x64xf32, #tpu.memory_space<vmem>> -> memref<1x128x64xf32, #tpu.memory_space<vmem>>
    %dma_wait3A_983 = tpu.memref_squeeze %dma_wait3A_982 : memref<1x128x64xf32, #tpu.memory_space<vmem>> -> memref<128x64xf32, #tpu.memory_space<vmem>>
    %dma_wait3A_984 = arith.constant 0 : i32
    %dma_wait3A_985 = tpu.memref_slice %arg4[%add3A_962, %dma_wait3A_984] : memref<65536x64xf32, #tpu.memory_space<hbm>> -> memref<128x64xf32, #tpu.memory_space<hbm>>
    %dma_wait3A_986 = tpu.memref_slice %arg11[%dma_wait3A_979] : memref<3x!tpu.dma_semaphore, #tpu.memory_space<semaphore_mem>> -> memref<1x!tpu.dma_semaphore, #tpu.memory_space<semaphore_mem>>
    %dma_wait3A_987 = tpu.memref_squeeze %dma_wait3A_986 : memref<1x!tpu.dma_semaphore, #tpu.memory_space<semaphore_mem>> -> memref<!tpu.dma_semaphore, #tpu.memory_space<semaphore_mem>>
    %dma_wait3A_988 = arith.constant 0 : i32
    %dma_wait3A_989 = arith.constant 0 : i32
    %dma_wait3A_990 = tpu.memref_slice %arg8[%dma_wait3A_978, %dma_wait3A_988, %dma_wait3A_989] : memref<3x128x64xf32, #tpu.memory_space<vmem>> -> memref<1x128x64xf32, #tpu.memory_space<vmem>>
    %dma_wait3A_991 = tpu.memref_squeeze %dma_wait3A_990 : memref<1x128x64xf32, #tpu.memory_space<vmem>> -> memref<128x64xf32, #tpu.memory_space<vmem>>
    %dma_wait3A_992 = arith.constant 0 : i32
    %dma_wait3A_993 = tpu.memref_slice %arg4[%add3A_962, %dma_wait3A_992] : memref<65536x64xf32, #tpu.memory_space<hbm>> -> memref<128x64xf32, #tpu.memory_space<hbm>>
    tpu.wait_dma2 semaphore(%dma_wait3A_987 : memref<!tpu.dma_semaphore, #tpu.memory_space<semaphore_mem>>) src(%dma_wait3A_993 : memref<128x64xf32, #tpu.memory_space<hbm>>) dst(%dma_wait3A_991 : memref<128x64xf32, #tpu.memory_space<vmem>>)
    %dma_start3A_994 = arith.constant 1 : i32
    %dma_start3A_995 = arith.constant 1 : i32
    %dma_start3A_996 = arith.constant 0 : i32
    %dma_start3A_997 = arith.constant 0 : i32
    %dma_start3A_998 = tpu.memref_slice %arg7[%dma_start3A_994, %dma_start3A_996, %dma_start3A_997] : memref<3x128x128xf32, #tpu.memory_space<vmem>> -> memref<1x128x128xf32, #tpu.memory_space<vmem>>
    %dma_start3A_999 = tpu.memref_squeeze %dma_start3A_998 : memref<1x128x128xf32, #tpu.memory_space<vmem>> -> memref<128x128xf32, #tpu.memory_space<vmem>>
    %dma_start3A_1000 = arith.constant 0 : i32
    %dma_start3A_1001 = tpu.memref_slice %arg5[%add3A_962, %dma_start3A_1000] : memref<65536x192xf32, #tpu.memory_space<hbm>> -> memref<128x128xf32, #tpu.memory_space<hbm>>
    %dma_start3A_1002 = tpu.memref_slice %arg12[%dma_start3A_995] : memref<3x!tpu.dma_semaphore, #tpu.memory_space<semaphore_mem>> -> memref<1x!tpu.dma_semaphore, #tpu.memory_space<semaphore_mem>>
    %dma_start3A_1003 = tpu.memref_squeeze %dma_start3A_1002 : memref<1x!tpu.dma_semaphore, #tpu.memory_space<semaphore_mem>> -> memref<!tpu.dma_semaphore, #tpu.memory_space<semaphore_mem>>
    %dma_start3A_1004 = arith.constant 0 : i32
    %dma_start3A_1005 = tpu.memref_slice %arg5[%add3A_962, %dma_start3A_1004] : memref<65536x192xf32, #tpu.memory_space<hbm>> -> memref<128x128xf32, #tpu.memory_space<hbm>>
    %dma_start3A_1006 = arith.constant 0 : i32
    %dma_start3A_1007 = arith.constant 0 : i32
    %dma_start3A_1008 = tpu.memref_slice %arg7[%dma_start3A_994, %dma_start3A_1006, %dma_start3A_1007] : memref<3x128x128xf32, #tpu.memory_space<vmem>> -> memref<1x128x128xf32, #tpu.memory_space<vmem>>
    %dma_start3A_1009 = tpu.memref_squeeze %dma_start3A_1008 : memref<1x128x128xf32, #tpu.memory_space<vmem>> -> memref<128x128xf32, #tpu.memory_space<vmem>>
    tpu.enqueue_dma source(%dma_start3A_1009 : memref<128x128xf32, #tpu.memory_space<vmem>>) target(%dma_start3A_1005 : memref<128x128xf32, #tpu.memory_space<hbm>>) target_semaphore(%dma_start3A_1003 : memref<!tpu.dma_semaphore, #tpu.memory_space<semaphore_mem>>)
    %dma_start3A_1010 = arith.constant 1 : i32
    %dma_start3A_1011 = arith.constant 1 : i32
    %dma_start3A_1012 = arith.constant 0 : i32
    %dma_start3A_1013 = arith.constant 0 : i32
    %dma_start3A_1014 = tpu.memref_slice %arg8[%dma_start3A_1010, %dma_start3A_1012, %dma_start3A_1013] : memref<3x128x64xf32, #tpu.memory_space<vmem>> -> memref<1x128x64xf32, #tpu.memory_space<vmem>>
    %dma_start3A_1015 = tpu.memref_squeeze %dma_start3A_1014 : memref<1x128x64xf32, #tpu.memory_space<vmem>> -> memref<128x64xf32, #tpu.memory_space<vmem>>
    %dma_start3A_1016 = arith.constant 128 : i32
    %dma_start3A_1017 = tpu.memref_slice %arg5[%add3A_962, %dma_start3A_1016] : memref<65536x192xf32, #tpu.memory_space<hbm>> -> memref<128x64xf32, #tpu.memory_space<hbm>>
    %dma_start3A_1018 = tpu.memref_slice %arg12[%dma_start3A_1011] : memref<3x!tpu.dma_semaphore, #tpu.memory_space<semaphore_mem>> -> memref<1x!tpu.dma_semaphore, #tpu.memory_space<semaphore_mem>>
    %dma_start3A_1019 = tpu.memref_squeeze %dma_start3A_1018 : memref<1x!tpu.dma_semaphore, #tpu.memory_space<semaphore_mem>> -> memref<!tpu.dma_semaphore, #tpu.memory_space<semaphore_mem>>
    %dma_start3A_1020 = arith.constant 128 : i32
    %dma_start3A_1021 = tpu.memref_slice %arg5[%add3A_962, %dma_start3A_1020] : memref<65536x192xf32, #tpu.memory_space<hbm>> -> memref<128x64xf32, #tpu.memory_space<hbm>>
    %dma_start3A_1022 = arith.constant 0 : i32
    %dma_start3A_1023 = arith.constant 0 : i32
    %dma_start3A_1024 = tpu.memref_slice %arg8[%dma_start3A_1010, %dma_start3A_1022, %dma_start3A_1023] : memref<3x128x64xf32, #tpu.memory_space<vmem>> -> memref<1x128x64xf32, #tpu.memory_space<vmem>>
    %dma_start3A_1025 = tpu.memref_squeeze %dma_start3A_1024 : memref<1x128x64xf32, #tpu.memory_space<vmem>> -> memref<128x64xf32, #tpu.memory_space<vmem>>
    tpu.enqueue_dma source(%dma_start3A_1025 : memref<128x64xf32, #tpu.memory_space<vmem>>) target(%dma_start3A_1021 : memref<128x64xf32, #tpu.memory_space<hbm>>) target_semaphore(%dma_start3A_1019 : memref<!tpu.dma_semaphore, #tpu.memory_space<semaphore_mem>>)
    %add3A_1026 = arith.constant 768 : i32
    %add3A_1027 = arith.addi %mul3A_2, %add3A_1026 : i32
    %dma_wait3A_1028 = arith.constant 0 : i32
    %dma_wait3A_1029 = arith.constant 0 : i32
    %dma_wait3A_1030 = arith.constant 0 : i32
    %dma_wait3A_1031 = arith.constant 0 : i32
    %dma_wait3A_1032 = tpu.memref_slice %arg7[%dma_wait3A_1028, %dma_wait3A_1030, %dma_wait3A_1031] : memref<3x128x128xf32, #tpu.memory_space<vmem>> -> memref<1x128x128xf32, #tpu.memory_space<vmem>>
    %dma_wait3A_1033 = tpu.memref_squeeze %dma_wait3A_1032 : memref<1x128x128xf32, #tpu.memory_space<vmem>> -> memref<128x128xf32, #tpu.memory_space<vmem>>
    %dma_wait3A_1034 = arith.constant 0 : i32
    %dma_wait3A_1035 = tpu.memref_slice %arg5[%add3A_1027, %dma_wait3A_1034] : memref<65536x192xf32, #tpu.memory_space<hbm>> -> memref<128x128xf32, #tpu.memory_space<hbm>>
    %dma_wait3A_1036 = tpu.memref_slice %arg12[%dma_wait3A_1029] : memref<3x!tpu.dma_semaphore, #tpu.memory_space<semaphore_mem>> -> memref<1x!tpu.dma_semaphore, #tpu.memory_space<semaphore_mem>>
    %dma_wait3A_1037 = tpu.memref_squeeze %dma_wait3A_1036 : memref<1x!tpu.dma_semaphore, #tpu.memory_space<semaphore_mem>> -> memref<!tpu.dma_semaphore, #tpu.memory_space<semaphore_mem>>
    %dma_wait3A_1038 = arith.constant 0 : i32
    %dma_wait3A_1039 = tpu.memref_slice %arg5[%add3A_1027, %dma_wait3A_1038] : memref<65536x192xf32, #tpu.memory_space<hbm>> -> memref<128x128xf32, #tpu.memory_space<hbm>>
    %dma_wait3A_1040 = arith.constant 0 : i32
    %dma_wait3A_1041 = arith.constant 0 : i32
    %dma_wait3A_1042 = tpu.memref_slice %arg7[%dma_wait3A_1028, %dma_wait3A_1040, %dma_wait3A_1041] : memref<3x128x128xf32, #tpu.memory_space<vmem>> -> memref<1x128x128xf32, #tpu.memory_space<vmem>>
    %dma_wait3A_1043 = tpu.memref_squeeze %dma_wait3A_1042 : memref<1x128x128xf32, #tpu.memory_space<vmem>> -> memref<128x128xf32, #tpu.memory_space<vmem>>
    tpu.wait_dma2 semaphore(%dma_wait3A_1037 : memref<!tpu.dma_semaphore, #tpu.memory_space<semaphore_mem>>) src(%dma_wait3A_1043 : memref<128x128xf32, #tpu.memory_space<vmem>>) dst(%dma_wait3A_1039 : memref<128x128xf32, #tpu.memory_space<hbm>>)
    %dma_wait3A_1044 = arith.constant 0 : i32
    %dma_wait3A_1045 = arith.constant 0 : i32
    %dma_wait3A_1046 = arith.constant 0 : i32
    %dma_wait3A_1047 = arith.constant 0 : i32
    %dma_wait3A_1048 = tpu.memref_slice %arg8[%dma_wait3A_1044, %dma_wait3A_1046, %dma_wait3A_1047] : memref<3x128x64xf32, #tpu.memory_space<vmem>> -> memref<1x128x64xf32, #tpu.memory_space<vmem>>
    %dma_wait3A_1049 = tpu.memref_squeeze %dma_wait3A_1048 : memref<1x128x64xf32, #tpu.memory_space<vmem>> -> memref<128x64xf32, #tpu.memory_space<vmem>>
    %dma_wait3A_1050 = arith.constant 128 : i32
    %dma_wait3A_1051 = tpu.memref_slice %arg5[%add3A_1027, %dma_wait3A_1050] : memref<65536x192xf32, #tpu.memory_space<hbm>> -> memref<128x64xf32, #tpu.memory_space<hbm>>
    %dma_wait3A_1052 = tpu.memref_slice %arg12[%dma_wait3A_1045] : memref<3x!tpu.dma_semaphore, #tpu.memory_space<semaphore_mem>> -> memref<1x!tpu.dma_semaphore, #tpu.memory_space<semaphore_mem>>
    %dma_wait3A_1053 = tpu.memref_squeeze %dma_wait3A_1052 : memref<1x!tpu.dma_semaphore, #tpu.memory_space<semaphore_mem>> -> memref<!tpu.dma_semaphore, #tpu.memory_space<semaphore_mem>>
    %dma_wait3A_1054 = arith.constant 128 : i32
    %dma_wait3A_1055 = tpu.memref_slice %arg5[%add3A_1027, %dma_wait3A_1054] : memref<65536x192xf32, #tpu.memory_space<hbm>> -> memref<128x64xf32, #tpu.memory_space<hbm>>
    %dma_wait3A_1056 = arith.constant 0 : i32
    %dma_wait3A_1057 = arith.constant 0 : i32
    %dma_wait3A_1058 = tpu.memref_slice %arg8[%dma_wait3A_1044, %dma_wait3A_1056, %dma_wait3A_1057] : memref<3x128x64xf32, #tpu.memory_space<vmem>> -> memref<1x128x64xf32, #tpu.memory_space<vmem>>
    %dma_wait3A_1059 = tpu.memref_squeeze %dma_wait3A_1058 : memref<1x128x64xf32, #tpu.memory_space<vmem>> -> memref<128x64xf32, #tpu.memory_space<vmem>>
    tpu.wait_dma2 semaphore(%dma_wait3A_1053 : memref<!tpu.dma_semaphore, #tpu.memory_space<semaphore_mem>>) src(%dma_wait3A_1059 : memref<128x64xf32, #tpu.memory_space<vmem>>) dst(%dma_wait3A_1055 : memref<128x64xf32, #tpu.memory_space<hbm>>)
    %add3A_1060 = arith.constant 1152 : i32
    %add3A_1061 = arith.addi %mul3A_2, %add3A_1060 : i32
    %dma_start3A_1062 = arith.constant 9 : i32
    %dma_start3A_1063 = arith.constant 0 : i32
    %dma_start3A_1064 = arith.constant 0 : i32
    %dma_start3A_1065 = arith.constant 0 : i32
    %dma_start3A_1066 = arith.constant 0 : i32
    %dma_start3A_1067 = tpu.memref_slice %arg7[%dma_start3A_1063, %dma_start3A_1065, %dma_start3A_1066] : memref<3x128x128xf32, #tpu.memory_space<vmem>> -> memref<1x128x128xf32, #tpu.memory_space<vmem>>
    %dma_start3A_1068 = tpu.memref_squeeze %dma_start3A_1067 : memref<1x128x128xf32, #tpu.memory_space<vmem>> -> memref<128x128xf32, #tpu.memory_space<vmem>>
    %dma_start3A_1069 = arith.constant 0 : i32
    %dma_start3A_1070 = tpu.memref_slice %arg6[%dma_start3A_1062, %dma_start3A_1069] : memref<16x128xi32, #tpu.memory_space<vmem>> -> memref<1x128xi32, #tpu.memory_space<vmem>>
    %dma_start3A_1071 = tpu.memref_squeeze %dma_start3A_1070 : memref<1x128xi32, #tpu.memory_space<vmem>> -> memref<128xi32, #tpu.memory_space<vmem>>
    %dma_start3A_1072 = arith.constant 0 : i32
    %dma_start3A_1073 = arith.constant 0 : i32
    %dma_start3A_1074 = tpu.memref_slice %arg9[%dma_start3A_1072, %dma_start3A_1073] : memref<16x128xf32, #tpu.memory_space<vmem_shared>> -> memref<16x128xf32, #tpu.memory_space<vmem_shared>>
    %dma_start3A_1075 = tpu.memref_slice %arg10[%dma_start3A_1064] : memref<3x!tpu.dma_semaphore, #tpu.memory_space<semaphore_mem>> -> memref<1x!tpu.dma_semaphore, #tpu.memory_space<semaphore_mem>>
    %dma_start3A_1076 = tpu.memref_squeeze %dma_start3A_1075 : memref<1x!tpu.dma_semaphore, #tpu.memory_space<semaphore_mem>> -> memref<!tpu.dma_semaphore, #tpu.memory_space<semaphore_mem>>
    tpu.enqueue_indirect_dma source(%dma_start3A_1074 : memref<16x128xf32, #tpu.memory_space<vmem_shared>>) target(%dma_start3A_1068 : memref<128x128xf32, #tpu.memory_space<vmem>>) offsets(%dma_start3A_1071 : memref<128xi32, #tpu.memory_space<vmem>>) semaphore(%dma_start3A_1076 : memref<!tpu.dma_semaphore, #tpu.memory_space<semaphore_mem>>)
    %dma_start3A_1077 = arith.constant 0 : i32
    %dma_start3A_1078 = arith.constant 0 : i32
    %dma_start3A_1079 = arith.constant 0 : i32
    %dma_start3A_1080 = arith.constant 0 : i32
    %dma_start3A_1081 = tpu.memref_slice %arg8[%dma_start3A_1077, %dma_start3A_1079, %dma_start3A_1080] : memref<3x128x64xf32, #tpu.memory_space<vmem>> -> memref<1x128x64xf32, #tpu.memory_space<vmem>>
    %dma_start3A_1082 = tpu.memref_squeeze %dma_start3A_1081 : memref<1x128x64xf32, #tpu.memory_space<vmem>> -> memref<128x64xf32, #tpu.memory_space<vmem>>
    %dma_start3A_1083 = arith.constant 0 : i32
    %dma_start3A_1084 = tpu.memref_slice %arg4[%add3A_1061, %dma_start3A_1083] : memref<65536x64xf32, #tpu.memory_space<hbm>> -> memref<128x64xf32, #tpu.memory_space<hbm>>
    %dma_start3A_1085 = tpu.memref_slice %arg11[%dma_start3A_1078] : memref<3x!tpu.dma_semaphore, #tpu.memory_space<semaphore_mem>> -> memref<1x!tpu.dma_semaphore, #tpu.memory_space<semaphore_mem>>
    %dma_start3A_1086 = tpu.memref_squeeze %dma_start3A_1085 : memref<1x!tpu.dma_semaphore, #tpu.memory_space<semaphore_mem>> -> memref<!tpu.dma_semaphore, #tpu.memory_space<semaphore_mem>>
    %dma_start3A_1087 = arith.constant 0 : i32
    %dma_start3A_1088 = arith.constant 0 : i32
    %dma_start3A_1089 = tpu.memref_slice %arg8[%dma_start3A_1077, %dma_start3A_1087, %dma_start3A_1088] : memref<3x128x64xf32, #tpu.memory_space<vmem>> -> memref<1x128x64xf32, #tpu.memory_space<vmem>>
    %dma_start3A_1090 = tpu.memref_squeeze %dma_start3A_1089 : memref<1x128x64xf32, #tpu.memory_space<vmem>> -> memref<128x64xf32, #tpu.memory_space<vmem>>
    %dma_start3A_1091 = arith.constant 0 : i32
    %dma_start3A_1092 = tpu.memref_slice %arg4[%add3A_1061, %dma_start3A_1091] : memref<65536x64xf32, #tpu.memory_space<hbm>> -> memref<128x64xf32, #tpu.memory_space<hbm>>
    tpu.enqueue_dma source(%dma_start3A_1092 : memref<128x64xf32, #tpu.memory_space<hbm>>) target(%dma_start3A_1090 : memref<128x64xf32, #tpu.memory_space<vmem>>) target_semaphore(%dma_start3A_1086 : memref<!tpu.dma_semaphore, #tpu.memory_space<semaphore_mem>>)
    %add3A_1093 = arith.constant 1024 : i32
    %add3A_1094 = arith.addi %mul3A_2, %add3A_1093 : i32
    %dma_wait3A_1095 = arith.constant 8 : i32
    %dma_wait3A_1096 = arith.constant 2 : i32
    %dma_wait3A_1097 = arith.constant 2 : i32
    %dma_wait3A_1098 = arith.constant 0 : i32
    %dma_wait3A_1099 = arith.constant 0 : i32
    %dma_wait3A_1100 = tpu.memref_slice %arg7[%dma_wait3A_1096, %dma_wait3A_1098, %dma_wait3A_1099] : memref<3x128x128xf32, #tpu.memory_space<vmem>> -> memref<1x128x128xf32, #tpu.memory_space<vmem>>
    %dma_wait3A_1101 = tpu.memref_squeeze %dma_wait3A_1100 : memref<1x128x128xf32, #tpu.memory_space<vmem>> -> memref<128x128xf32, #tpu.memory_space<vmem>>
    %dma_wait3A_1102 = arith.constant 0 : i32
    %dma_wait3A_1103 = tpu.memref_slice %arg6[%dma_wait3A_1095, %dma_wait3A_1102] : memref<16x128xi32, #tpu.memory_space<vmem>> -> memref<1x128xi32, #tpu.memory_space<vmem>>
    %dma_wait3A_1104 = tpu.memref_squeeze %dma_wait3A_1103 : memref<1x128xi32, #tpu.memory_space<vmem>> -> memref<128xi32, #tpu.memory_space<vmem>>
    %dma_wait3A_1105 = arith.constant 0 : i32
    %dma_wait3A_1106 = arith.constant 0 : i32
    %dma_wait3A_1107 = tpu.memref_slice %arg9[%dma_wait3A_1105, %dma_wait3A_1106] : memref<16x128xf32, #tpu.memory_space<vmem_shared>> -> memref<16x128xf32, #tpu.memory_space<vmem_shared>>
    %dma_wait3A_1108 = tpu.memref_slice %arg10[%dma_wait3A_1097] : memref<3x!tpu.dma_semaphore, #tpu.memory_space<semaphore_mem>> -> memref<1x!tpu.dma_semaphore, #tpu.memory_space<semaphore_mem>>
    %dma_wait3A_1109 = tpu.memref_squeeze %dma_wait3A_1108 : memref<1x!tpu.dma_semaphore, #tpu.memory_space<semaphore_mem>> -> memref<!tpu.dma_semaphore, #tpu.memory_space<semaphore_mem>>
    tpu.wait_indirect_dma semaphore(%dma_wait3A_1109 : memref<!tpu.dma_semaphore, #tpu.memory_space<semaphore_mem>>) src(%dma_wait3A_1107 : memref<16x128xf32, #tpu.memory_space<vmem_shared>>) dst(%dma_wait3A_1101 : memref<128x128xf32, #tpu.memory_space<vmem>>)
    %dma_wait3A_1110 = arith.constant 2 : i32
    %dma_wait3A_1111 = arith.constant 2 : i32
    %dma_wait3A_1112 = arith.constant 0 : i32
    %dma_wait3A_1113 = arith.constant 0 : i32
    %dma_wait3A_1114 = tpu.memref_slice %arg8[%dma_wait3A_1110, %dma_wait3A_1112, %dma_wait3A_1113] : memref<3x128x64xf32, #tpu.memory_space<vmem>> -> memref<1x128x64xf32, #tpu.memory_space<vmem>>
    %dma_wait3A_1115 = tpu.memref_squeeze %dma_wait3A_1114 : memref<1x128x64xf32, #tpu.memory_space<vmem>> -> memref<128x64xf32, #tpu.memory_space<vmem>>
    %dma_wait3A_1116 = arith.constant 0 : i32
    %dma_wait3A_1117 = tpu.memref_slice %arg4[%add3A_1094, %dma_wait3A_1116] : memref<65536x64xf32, #tpu.memory_space<hbm>> -> memref<128x64xf32, #tpu.memory_space<hbm>>
    %dma_wait3A_1118 = tpu.memref_slice %arg11[%dma_wait3A_1111] : memref<3x!tpu.dma_semaphore, #tpu.memory_space<semaphore_mem>> -> memref<1x!tpu.dma_semaphore, #tpu.memory_space<semaphore_mem>>
    %dma_wait3A_1119 = tpu.memref_squeeze %dma_wait3A_1118 : memref<1x!tpu.dma_semaphore, #tpu.memory_space<semaphore_mem>> -> memref<!tpu.dma_semaphore, #tpu.memory_space<semaphore_mem>>
    %dma_wait3A_1120 = arith.constant 0 : i32
    %dma_wait3A_1121 = arith.constant 0 : i32
    %dma_wait3A_1122 = tpu.memref_slice %arg8[%dma_wait3A_1110, %dma_wait3A_1120, %dma_wait3A_1121] : memref<3x128x64xf32, #tpu.memory_space<vmem>> -> memref<1x128x64xf32, #tpu.memory_space<vmem>>
    %dma_wait3A_1123 = tpu.memref_squeeze %dma_wait3A_1122 : memref<1x128x64xf32, #tpu.memory_space<vmem>> -> memref<128x64xf32, #tpu.memory_space<vmem>>
    %dma_wait3A_1124 = arith.constant 0 : i32
    %dma_wait3A_1125 = tpu.memref_slice %arg4[%add3A_1094, %dma_wait3A_1124] : memref<65536x64xf32, #tpu.memory_space<hbm>> -> memref<128x64xf32, #tpu.memory_space<hbm>>
    tpu.wait_dma2 semaphore(%dma_wait3A_1119 : memref<!tpu.dma_semaphore, #tpu.memory_space<semaphore_mem>>) src(%dma_wait3A_1125 : memref<128x64xf32, #tpu.memory_space<hbm>>) dst(%dma_wait3A_1123 : memref<128x64xf32, #tpu.memory_space<vmem>>)
    %dma_start3A_1126 = arith.constant 2 : i32
    %dma_start3A_1127 = arith.constant 2 : i32
    %dma_start3A_1128 = arith.constant 0 : i32
    %dma_start3A_1129 = arith.constant 0 : i32
    %dma_start3A_1130 = tpu.memref_slice %arg7[%dma_start3A_1126, %dma_start3A_1128, %dma_start3A_1129] : memref<3x128x128xf32, #tpu.memory_space<vmem>> -> memref<1x128x128xf32, #tpu.memory_space<vmem>>
    %dma_start3A_1131 = tpu.memref_squeeze %dma_start3A_1130 : memref<1x128x128xf32, #tpu.memory_space<vmem>> -> memref<128x128xf32, #tpu.memory_space<vmem>>
    %dma_start3A_1132 = arith.constant 0 : i32
    %dma_start3A_1133 = tpu.memref_slice %arg5[%add3A_1094, %dma_start3A_1132] : memref<65536x192xf32, #tpu.memory_space<hbm>> -> memref<128x128xf32, #tpu.memory_space<hbm>>
    %dma_start3A_1134 = tpu.memref_slice %arg12[%dma_start3A_1127] : memref<3x!tpu.dma_semaphore, #tpu.memory_space<semaphore_mem>> -> memref<1x!tpu.dma_semaphore, #tpu.memory_space<semaphore_mem>>
    %dma_start3A_1135 = tpu.memref_squeeze %dma_start3A_1134 : memref<1x!tpu.dma_semaphore, #tpu.memory_space<semaphore_mem>> -> memref<!tpu.dma_semaphore, #tpu.memory_space<semaphore_mem>>
    %dma_start3A_1136 = arith.constant 0 : i32
    %dma_start3A_1137 = tpu.memref_slice %arg5[%add3A_1094, %dma_start3A_1136] : memref<65536x192xf32, #tpu.memory_space<hbm>> -> memref<128x128xf32, #tpu.memory_space<hbm>>
    %dma_start3A_1138 = arith.constant 0 : i32
    %dma_start3A_1139 = arith.constant 0 : i32
    %dma_start3A_1140 = tpu.memref_slice %arg7[%dma_start3A_1126, %dma_start3A_1138, %dma_start3A_1139] : memref<3x128x128xf32, #tpu.memory_space<vmem>> -> memref<1x128x128xf32, #tpu.memory_space<vmem>>
    %dma_start3A_1141 = tpu.memref_squeeze %dma_start3A_1140 : memref<1x128x128xf32, #tpu.memory_space<vmem>> -> memref<128x128xf32, #tpu.memory_space<vmem>>
    tpu.enqueue_dma source(%dma_start3A_1141 : memref<128x128xf32, #tpu.memory_space<vmem>>) target(%dma_start3A_1137 : memref<128x128xf32, #tpu.memory_space<hbm>>) target_semaphore(%dma_start3A_1135 : memref<!tpu.dma_semaphore, #tpu.memory_space<semaphore_mem>>)
    %dma_start3A_1142 = arith.constant 2 : i32
    %dma_start3A_1143 = arith.constant 2 : i32
    %dma_start3A_1144 = arith.constant 0 : i32
    %dma_start3A_1145 = arith.constant 0 : i32
    %dma_start3A_1146 = tpu.memref_slice %arg8[%dma_start3A_1142, %dma_start3A_1144, %dma_start3A_1145] : memref<3x128x64xf32, #tpu.memory_space<vmem>> -> memref<1x128x64xf32, #tpu.memory_space<vmem>>
    %dma_start3A_1147 = tpu.memref_squeeze %dma_start3A_1146 : memref<1x128x64xf32, #tpu.memory_space<vmem>> -> memref<128x64xf32, #tpu.memory_space<vmem>>
    %dma_start3A_1148 = arith.constant 128 : i32
    %dma_start3A_1149 = tpu.memref_slice %arg5[%add3A_1094, %dma_start3A_1148] : memref<65536x192xf32, #tpu.memory_space<hbm>> -> memref<128x64xf32, #tpu.memory_space<hbm>>
    %dma_start3A_1150 = tpu.memref_slice %arg12[%dma_start3A_1143] : memref<3x!tpu.dma_semaphore, #tpu.memory_space<semaphore_mem>> -> memref<1x!tpu.dma_semaphore, #tpu.memory_space<semaphore_mem>>
    %dma_start3A_1151 = tpu.memref_squeeze %dma_start3A_1150 : memref<1x!tpu.dma_semaphore, #tpu.memory_space<semaphore_mem>> -> memref<!tpu.dma_semaphore, #tpu.memory_space<semaphore_mem>>
    %dma_start3A_1152 = arith.constant 128 : i32
    %dma_start3A_1153 = tpu.memref_slice %arg5[%add3A_1094, %dma_start3A_1152] : memref<65536x192xf32, #tpu.memory_space<hbm>> -> memref<128x64xf32, #tpu.memory_space<hbm>>
    %dma_start3A_1154 = arith.constant 0 : i32
    %dma_start3A_1155 = arith.constant 0 : i32
    %dma_start3A_1156 = tpu.memref_slice %arg8[%dma_start3A_1142, %dma_start3A_1154, %dma_start3A_1155] : memref<3x128x64xf32, #tpu.memory_space<vmem>> -> memref<1x128x64xf32, #tpu.memory_space<vmem>>
    %dma_start3A_1157 = tpu.memref_squeeze %dma_start3A_1156 : memref<1x128x64xf32, #tpu.memory_space<vmem>> -> memref<128x64xf32, #tpu.memory_space<vmem>>
    tpu.enqueue_dma source(%dma_start3A_1157 : memref<128x64xf32, #tpu.memory_space<vmem>>) target(%dma_start3A_1153 : memref<128x64xf32, #tpu.memory_space<hbm>>) target_semaphore(%dma_start3A_1151 : memref<!tpu.dma_semaphore, #tpu.memory_space<semaphore_mem>>)
    %add3A_1158 = arith.constant 896 : i32
    %add3A_1159 = arith.addi %mul3A_2, %add3A_1158 : i32
    %dma_wait3A_1160 = arith.constant 1 : i32
    %dma_wait3A_1161 = arith.constant 1 : i32
    %dma_wait3A_1162 = arith.constant 0 : i32
    %dma_wait3A_1163 = arith.constant 0 : i32
    %dma_wait3A_1164 = tpu.memref_slice %arg7[%dma_wait3A_1160, %dma_wait3A_1162, %dma_wait3A_1163] : memref<3x128x128xf32, #tpu.memory_space<vmem>> -> memref<1x128x128xf32, #tpu.memory_space<vmem>>
    %dma_wait3A_1165 = tpu.memref_squeeze %dma_wait3A_1164 : memref<1x128x128xf32, #tpu.memory_space<vmem>> -> memref<128x128xf32, #tpu.memory_space<vmem>>
    %dma_wait3A_1166 = arith.constant 0 : i32
    %dma_wait3A_1167 = tpu.memref_slice %arg5[%add3A_1159, %dma_wait3A_1166] : memref<65536x192xf32, #tpu.memory_space<hbm>> -> memref<128x128xf32, #tpu.memory_space<hbm>>
    %dma_wait3A_1168 = tpu.memref_slice %arg12[%dma_wait3A_1161] : memref<3x!tpu.dma_semaphore, #tpu.memory_space<semaphore_mem>> -> memref<1x!tpu.dma_semaphore, #tpu.memory_space<semaphore_mem>>
    %dma_wait3A_1169 = tpu.memref_squeeze %dma_wait3A_1168 : memref<1x!tpu.dma_semaphore, #tpu.memory_space<semaphore_mem>> -> memref<!tpu.dma_semaphore, #tpu.memory_space<semaphore_mem>>
    %dma_wait3A_1170 = arith.constant 0 : i32
    %dma_wait3A_1171 = tpu.memref_slice %arg5[%add3A_1159, %dma_wait3A_1170] : memref<65536x192xf32, #tpu.memory_space<hbm>> -> memref<128x128xf32, #tpu.memory_space<hbm>>
    %dma_wait3A_1172 = arith.constant 0 : i32
    %dma_wait3A_1173 = arith.constant 0 : i32
    %dma_wait3A_1174 = tpu.memref_slice %arg7[%dma_wait3A_1160, %dma_wait3A_1172, %dma_wait3A_1173] : memref<3x128x128xf32, #tpu.memory_space<vmem>> -> memref<1x128x128xf32, #tpu.memory_space<vmem>>
    %dma_wait3A_1175 = tpu.memref_squeeze %dma_wait3A_1174 : memref<1x128x128xf32, #tpu.memory_space<vmem>> -> memref<128x128xf32, #tpu.memory_space<vmem>>
    tpu.wait_dma2 semaphore(%dma_wait3A_1169 : memref<!tpu.dma_semaphore, #tpu.memory_space<semaphore_mem>>) src(%dma_wait3A_1175 : memref<128x128xf32, #tpu.memory_space<vmem>>) dst(%dma_wait3A_1171 : memref<128x128xf32, #tpu.memory_space<hbm>>)
    %dma_wait3A_1176 = arith.constant 1 : i32
    %dma_wait3A_1177 = arith.constant 1 : i32
    %dma_wait3A_1178 = arith.constant 0 : i32
    %dma_wait3A_1179 = arith.constant 0 : i32
    %dma_wait3A_1180 = tpu.memref_slice %arg8[%dma_wait3A_1176, %dma_wait3A_1178, %dma_wait3A_1179] : memref<3x128x64xf32, #tpu.memory_space<vmem>> -> memref<1x128x64xf32, #tpu.memory_space<vmem>>
    %dma_wait3A_1181 = tpu.memref_squeeze %dma_wait3A_1180 : memref<1x128x64xf32, #tpu.memory_space<vmem>> -> memref<128x64xf32, #tpu.memory_space<vmem>>
    %dma_wait3A_1182 = arith.constant 128 : i32
    %dma_wait3A_1183 = tpu.memref_slice %arg5[%add3A_1159, %dma_wait3A_1182] : memref<65536x192xf32, #tpu.memory_space<hbm>> -> memref<128x64xf32, #tpu.memory_space<hbm>>
    %dma_wait3A_1184 = tpu.memref_slice %arg12[%dma_wait3A_1177] : memref<3x!tpu.dma_semaphore, #tpu.memory_space<semaphore_mem>> -> memref<1x!tpu.dma_semaphore, #tpu.memory_space<semaphore_mem>>
    %dma_wait3A_1185 = tpu.memref_squeeze %dma_wait3A_1184 : memref<1x!tpu.dma_semaphore, #tpu.memory_space<semaphore_mem>> -> memref<!tpu.dma_semaphore, #tpu.memory_space<semaphore_mem>>
    %dma_wait3A_1186 = arith.constant 128 : i32
    %dma_wait3A_1187 = tpu.memref_slice %arg5[%add3A_1159, %dma_wait3A_1186] : memref<65536x192xf32, #tpu.memory_space<hbm>> -> memref<128x64xf32, #tpu.memory_space<hbm>>
    %dma_wait3A_1188 = arith.constant 0 : i32
    %dma_wait3A_1189 = arith.constant 0 : i32
    %dma_wait3A_1190 = tpu.memref_slice %arg8[%dma_wait3A_1176, %dma_wait3A_1188, %dma_wait3A_1189] : memref<3x128x64xf32, #tpu.memory_space<vmem>> -> memref<1x128x64xf32, #tpu.memory_space<vmem>>
    %dma_wait3A_1191 = tpu.memref_squeeze %dma_wait3A_1190 : memref<1x128x64xf32, #tpu.memory_space<vmem>> -> memref<128x64xf32, #tpu.memory_space<vmem>>
    tpu.wait_dma2 semaphore(%dma_wait3A_1185 : memref<!tpu.dma_semaphore, #tpu.memory_space<semaphore_mem>>) src(%dma_wait3A_1191 : memref<128x64xf32, #tpu.memory_space<vmem>>) dst(%dma_wait3A_1187 : memref<128x64xf32, #tpu.memory_space<hbm>>)
    %add3A_1192 = arith.constant 1280 : i32
    %add3A_1193 = arith.addi %mul3A_2, %add3A_1192 : i32
    %dma_start3A_1194 = arith.constant 10 : i32
    %dma_start3A_1195 = arith.constant 1 : i32
    %dma_start3A_1196 = arith.constant 1 : i32
    %dma_start3A_1197 = arith.constant 0 : i32
    %dma_start3A_1198 = arith.constant 0 : i32
    %dma_start3A_1199 = tpu.memref_slice %arg7[%dma_start3A_1195, %dma_start3A_1197, %dma_start3A_1198] : memref<3x128x128xf32, #tpu.memory_space<vmem>> -> memref<1x128x128xf32, #tpu.memory_space<vmem>>
    %dma_start3A_1200 = tpu.memref_squeeze %dma_start3A_1199 : memref<1x128x128xf32, #tpu.memory_space<vmem>> -> memref<128x128xf32, #tpu.memory_space<vmem>>
    %dma_start3A_1201 = arith.constant 0 : i32
    %dma_start3A_1202 = tpu.memref_slice %arg6[%dma_start3A_1194, %dma_start3A_1201] : memref<16x128xi32, #tpu.memory_space<vmem>> -> memref<1x128xi32, #tpu.memory_space<vmem>>
    %dma_start3A_1203 = tpu.memref_squeeze %dma_start3A_1202 : memref<1x128xi32, #tpu.memory_space<vmem>> -> memref<128xi32, #tpu.memory_space<vmem>>
    %dma_start3A_1204 = arith.constant 0 : i32
    %dma_start3A_1205 = arith.constant 0 : i32
    %dma_start3A_1206 = tpu.memref_slice %arg9[%dma_start3A_1204, %dma_start3A_1205] : memref<16x128xf32, #tpu.memory_space<vmem_shared>> -> memref<16x128xf32, #tpu.memory_space<vmem_shared>>
    %dma_start3A_1207 = tpu.memref_slice %arg10[%dma_start3A_1196] : memref<3x!tpu.dma_semaphore, #tpu.memory_space<semaphore_mem>> -> memref<1x!tpu.dma_semaphore, #tpu.memory_space<semaphore_mem>>
    %dma_start3A_1208 = tpu.memref_squeeze %dma_start3A_1207 : memref<1x!tpu.dma_semaphore, #tpu.memory_space<semaphore_mem>> -> memref<!tpu.dma_semaphore, #tpu.memory_space<semaphore_mem>>
    tpu.enqueue_indirect_dma source(%dma_start3A_1206 : memref<16x128xf32, #tpu.memory_space<vmem_shared>>) target(%dma_start3A_1200 : memref<128x128xf32, #tpu.memory_space<vmem>>) offsets(%dma_start3A_1203 : memref<128xi32, #tpu.memory_space<vmem>>) semaphore(%dma_start3A_1208 : memref<!tpu.dma_semaphore, #tpu.memory_space<semaphore_mem>>)
    %dma_start3A_1209 = arith.constant 1 : i32
    %dma_start3A_1210 = arith.constant 1 : i32
    %dma_start3A_1211 = arith.constant 0 : i32
    %dma_start3A_1212 = arith.constant 0 : i32
    %dma_start3A_1213 = tpu.memref_slice %arg8[%dma_start3A_1209, %dma_start3A_1211, %dma_start3A_1212] : memref<3x128x64xf32, #tpu.memory_space<vmem>> -> memref<1x128x64xf32, #tpu.memory_space<vmem>>
    %dma_start3A_1214 = tpu.memref_squeeze %dma_start3A_1213 : memref<1x128x64xf32, #tpu.memory_space<vmem>> -> memref<128x64xf32, #tpu.memory_space<vmem>>
    %dma_start3A_1215 = arith.constant 0 : i32
    %dma_start3A_1216 = tpu.memref_slice %arg4[%add3A_1193, %dma_start3A_1215] : memref<65536x64xf32, #tpu.memory_space<hbm>> -> memref<128x64xf32, #tpu.memory_space<hbm>>
    %dma_start3A_1217 = tpu.memref_slice %arg11[%dma_start3A_1210] : memref<3x!tpu.dma_semaphore, #tpu.memory_space<semaphore_mem>> -> memref<1x!tpu.dma_semaphore, #tpu.memory_space<semaphore_mem>>
    %dma_start3A_1218 = tpu.memref_squeeze %dma_start3A_1217 : memref<1x!tpu.dma_semaphore, #tpu.memory_space<semaphore_mem>> -> memref<!tpu.dma_semaphore, #tpu.memory_space<semaphore_mem>>
    %dma_start3A_1219 = arith.constant 0 : i32
    %dma_start3A_1220 = arith.constant 0 : i32
    %dma_start3A_1221 = tpu.memref_slice %arg8[%dma_start3A_1209, %dma_start3A_1219, %dma_start3A_1220] : memref<3x128x64xf32, #tpu.memory_space<vmem>> -> memref<1x128x64xf32, #tpu.memory_space<vmem>>
    %dma_start3A_1222 = tpu.memref_squeeze %dma_start3A_1221 : memref<1x128x64xf32, #tpu.memory_space<vmem>> -> memref<128x64xf32, #tpu.memory_space<vmem>>
    %dma_start3A_1223 = arith.constant 0 : i32
    %dma_start3A_1224 = tpu.memref_slice %arg4[%add3A_1193, %dma_start3A_1223] : memref<65536x64xf32, #tpu.memory_space<hbm>> -> memref<128x64xf32, #tpu.memory_space<hbm>>
    tpu.enqueue_dma source(%dma_start3A_1224 : memref<128x64xf32, #tpu.memory_space<hbm>>) target(%dma_start3A_1222 : memref<128x64xf32, #tpu.memory_space<vmem>>) target_semaphore(%dma_start3A_1218 : memref<!tpu.dma_semaphore, #tpu.memory_space<semaphore_mem>>)
    %add3A_1225 = arith.constant 1152 : i32
    %add3A_1226 = arith.addi %mul3A_2, %add3A_1225 : i32
    %dma_wait3A_1227 = arith.constant 9 : i32
    %dma_wait3A_1228 = arith.constant 0 : i32
    %dma_wait3A_1229 = arith.constant 0 : i32
    %dma_wait3A_1230 = arith.constant 0 : i32
    %dma_wait3A_1231 = arith.constant 0 : i32
    %dma_wait3A_1232 = tpu.memref_slice %arg7[%dma_wait3A_1228, %dma_wait3A_1230, %dma_wait3A_1231] : memref<3x128x128xf32, #tpu.memory_space<vmem>> -> memref<1x128x128xf32, #tpu.memory_space<vmem>>
    %dma_wait3A_1233 = tpu.memref_squeeze %dma_wait3A_1232 : memref<1x128x128xf32, #tpu.memory_space<vmem>> -> memref<128x128xf32, #tpu.memory_space<vmem>>
    %dma_wait3A_1234 = arith.constant 0 : i32
    %dma_wait3A_1235 = tpu.memref_slice %arg6[%dma_wait3A_1227, %dma_wait3A_1234] : memref<16x128xi32, #tpu.memory_space<vmem>> -> memref<1x128xi32, #tpu.memory_space<vmem>>
    %dma_wait3A_1236 = tpu.memref_squeeze %dma_wait3A_1235 : memref<1x128xi32, #tpu.memory_space<vmem>> -> memref<128xi32, #tpu.memory_space<vmem>>
    %dma_wait3A_1237 = arith.constant 0 : i32
    %dma_wait3A_1238 = arith.constant 0 : i32
    %dma_wait3A_1239 = tpu.memref_slice %arg9[%dma_wait3A_1237, %dma_wait3A_1238] : memref<16x128xf32, #tpu.memory_space<vmem_shared>> -> memref<16x128xf32, #tpu.memory_space<vmem_shared>>
    %dma_wait3A_1240 = tpu.memref_slice %arg10[%dma_wait3A_1229] : memref<3x!tpu.dma_semaphore, #tpu.memory_space<semaphore_mem>> -> memref<1x!tpu.dma_semaphore, #tpu.memory_space<semaphore_mem>>
    %dma_wait3A_1241 = tpu.memref_squeeze %dma_wait3A_1240 : memref<1x!tpu.dma_semaphore, #tpu.memory_space<semaphore_mem>> -> memref<!tpu.dma_semaphore, #tpu.memory_space<semaphore_mem>>
    tpu.wait_indirect_dma semaphore(%dma_wait3A_1241 : memref<!tpu.dma_semaphore, #tpu.memory_space<semaphore_mem>>) src(%dma_wait3A_1239 : memref<16x128xf32, #tpu.memory_space<vmem_shared>>) dst(%dma_wait3A_1233 : memref<128x128xf32, #tpu.memory_space<vmem>>)
    %dma_wait3A_1242 = arith.constant 0 : i32
    %dma_wait3A_1243 = arith.constant 0 : i32
    %dma_wait3A_1244 = arith.constant 0 : i32
    %dma_wait3A_1245 = arith.constant 0 : i32
    %dma_wait3A_1246 = tpu.memref_slice %arg8[%dma_wait3A_1242, %dma_wait3A_1244, %dma_wait3A_1245] : memref<3x128x64xf32, #tpu.memory_space<vmem>> -> memref<1x128x64xf32, #tpu.memory_space<vmem>>
    %dma_wait3A_1247 = tpu.memref_squeeze %dma_wait3A_1246 : memref<1x128x64xf32, #tpu.memory_space<vmem>> -> memref<128x64xf32, #tpu.memory_space<vmem>>
    %dma_wait3A_1248 = arith.constant 0 : i32
    %dma_wait3A_1249 = tpu.memref_slice %arg4[%add3A_1226, %dma_wait3A_1248] : memref<65536x64xf32, #tpu.memory_space<hbm>> -> memref<128x64xf32, #tpu.memory_space<hbm>>
    %dma_wait3A_1250 = tpu.memref_slice %arg11[%dma_wait3A_1243] : memref<3x!tpu.dma_semaphore, #tpu.memory_space<semaphore_mem>> -> memref<1x!tpu.dma_semaphore, #tpu.memory_space<semaphore_mem>>
    %dma_wait3A_1251 = tpu.memref_squeeze %dma_wait3A_1250 : memref<1x!tpu.dma_semaphore, #tpu.memory_space<semaphore_mem>> -> memref<!tpu.dma_semaphore, #tpu.memory_space<semaphore_mem>>
    %dma_wait3A_1252 = arith.constant 0 : i32
    %dma_wait3A_1253 = arith.constant 0 : i32
    %dma_wait3A_1254 = tpu.memref_slice %arg8[%dma_wait3A_1242, %dma_wait3A_1252, %dma_wait3A_1253] : memref<3x128x64xf32, #tpu.memory_space<vmem>> -> memref<1x128x64xf32, #tpu.memory_space<vmem>>
    %dma_wait3A_1255 = tpu.memref_squeeze %dma_wait3A_1254 : memref<1x128x64xf32, #tpu.memory_space<vmem>> -> memref<128x64xf32, #tpu.memory_space<vmem>>
    %dma_wait3A_1256 = arith.constant 0 : i32
    %dma_wait3A_1257 = tpu.memref_slice %arg4[%add3A_1226, %dma_wait3A_1256] : memref<65536x64xf32, #tpu.memory_space<hbm>> -> memref<128x64xf32, #tpu.memory_space<hbm>>
    tpu.wait_dma2 semaphore(%dma_wait3A_1251 : memref<!tpu.dma_semaphore, #tpu.memory_space<semaphore_mem>>) src(%dma_wait3A_1257 : memref<128x64xf32, #tpu.memory_space<hbm>>) dst(%dma_wait3A_1255 : memref<128x64xf32, #tpu.memory_space<vmem>>)
    %dma_start3A_1258 = arith.constant 0 : i32
    %dma_start3A_1259 = arith.constant 0 : i32
    %dma_start3A_1260 = arith.constant 0 : i32
    %dma_start3A_1261 = arith.constant 0 : i32
    %dma_start3A_1262 = tpu.memref_slice %arg7[%dma_start3A_1258, %dma_start3A_1260, %dma_start3A_1261] : memref<3x128x128xf32, #tpu.memory_space<vmem>> -> memref<1x128x128xf32, #tpu.memory_space<vmem>>
    %dma_start3A_1263 = tpu.memref_squeeze %dma_start3A_1262 : memref<1x128x128xf32, #tpu.memory_space<vmem>> -> memref<128x128xf32, #tpu.memory_space<vmem>>
    %dma_start3A_1264 = arith.constant 0 : i32
    %dma_start3A_1265 = tpu.memref_slice %arg5[%add3A_1226, %dma_start3A_1264] : memref<65536x192xf32, #tpu.memory_space<hbm>> -> memref<128x128xf32, #tpu.memory_space<hbm>>
    %dma_start3A_1266 = tpu.memref_slice %arg12[%dma_start3A_1259] : memref<3x!tpu.dma_semaphore, #tpu.memory_space<semaphore_mem>> -> memref<1x!tpu.dma_semaphore, #tpu.memory_space<semaphore_mem>>
    %dma_start3A_1267 = tpu.memref_squeeze %dma_start3A_1266 : memref<1x!tpu.dma_semaphore, #tpu.memory_space<semaphore_mem>> -> memref<!tpu.dma_semaphore, #tpu.memory_space<semaphore_mem>>
    %dma_start3A_1268 = arith.constant 0 : i32
    %dma_start3A_1269 = tpu.memref_slice %arg5[%add3A_1226, %dma_start3A_1268] : memref<65536x192xf32, #tpu.memory_space<hbm>> -> memref<128x128xf32, #tpu.memory_space<hbm>>
    %dma_start3A_1270 = arith.constant 0 : i32
    %dma_start3A_1271 = arith.constant 0 : i32
    %dma_start3A_1272 = tpu.memref_slice %arg7[%dma_start3A_1258, %dma_start3A_1270, %dma_start3A_1271] : memref<3x128x128xf32, #tpu.memory_space<vmem>> -> memref<1x128x128xf32, #tpu.memory_space<vmem>>
    %dma_start3A_1273 = tpu.memref_squeeze %dma_start3A_1272 : memref<1x128x128xf32, #tpu.memory_space<vmem>> -> memref<128x128xf32, #tpu.memory_space<vmem>>
    tpu.enqueue_dma source(%dma_start3A_1273 : memref<128x128xf32, #tpu.memory_space<vmem>>) target(%dma_start3A_1269 : memref<128x128xf32, #tpu.memory_space<hbm>>) target_semaphore(%dma_start3A_1267 : memref<!tpu.dma_semaphore, #tpu.memory_space<semaphore_mem>>)
    %dma_start3A_1274 = arith.constant 0 : i32
    %dma_start3A_1275 = arith.constant 0 : i32
    %dma_start3A_1276 = arith.constant 0 : i32
    %dma_start3A_1277 = arith.constant 0 : i32
    %dma_start3A_1278 = tpu.memref_slice %arg8[%dma_start3A_1274, %dma_start3A_1276, %dma_start3A_1277] : memref<3x128x64xf32, #tpu.memory_space<vmem>> -> memref<1x128x64xf32, #tpu.memory_space<vmem>>
    %dma_start3A_1279 = tpu.memref_squeeze %dma_start3A_1278 : memref<1x128x64xf32, #tpu.memory_space<vmem>> -> memref<128x64xf32, #tpu.memory_space<vmem>>
    %dma_start3A_1280 = arith.constant 128 : i32
    %dma_start3A_1281 = tpu.memref_slice %arg5[%add3A_1226, %dma_start3A_1280] : memref<65536x192xf32, #tpu.memory_space<hbm>> -> memref<128x64xf32, #tpu.memory_space<hbm>>
    %dma_start3A_1282 = tpu.memref_slice %arg12[%dma_start3A_1275] : memref<3x!tpu.dma_semaphore, #tpu.memory_space<semaphore_mem>> -> memref<1x!tpu.dma_semaphore, #tpu.memory_space<semaphore_mem>>
    %dma_start3A_1283 = tpu.memref_squeeze %dma_start3A_1282 : memref<1x!tpu.dma_semaphore, #tpu.memory_space<semaphore_mem>> -> memref<!tpu.dma_semaphore, #tpu.memory_space<semaphore_mem>>
    %dma_start3A_1284 = arith.constant 128 : i32
    %dma_start3A_1285 = tpu.memref_slice %arg5[%add3A_1226, %dma_start3A_1284] : memref<65536x192xf32, #tpu.memory_space<hbm>> -> memref<128x64xf32, #tpu.memory_space<hbm>>
    %dma_start3A_1286 = arith.constant 0 : i32
    %dma_start3A_1287 = arith.constant 0 : i32
    %dma_start3A_1288 = tpu.memref_slice %arg8[%dma_start3A_1274, %dma_start3A_1286, %dma_start3A_1287] : memref<3x128x64xf32, #tpu.memory_space<vmem>> -> memref<1x128x64xf32, #tpu.memory_space<vmem>>
    %dma_start3A_1289 = tpu.memref_squeeze %dma_start3A_1288 : memref<1x128x64xf32, #tpu.memory_space<vmem>> -> memref<128x64xf32, #tpu.memory_space<vmem>>
    tpu.enqueue_dma source(%dma_start3A_1289 : memref<128x64xf32, #tpu.memory_space<vmem>>) target(%dma_start3A_1285 : memref<128x64xf32, #tpu.memory_space<hbm>>) target_semaphore(%dma_start3A_1283 : memref<!tpu.dma_semaphore, #tpu.memory_space<semaphore_mem>>)
    %add3A_1290 = arith.constant 1024 : i32
    %add3A_1291 = arith.addi %mul3A_2, %add3A_1290 : i32
    %dma_wait3A_1292 = arith.constant 2 : i32
    %dma_wait3A_1293 = arith.constant 2 : i32
    %dma_wait3A_1294 = arith.constant 0 : i32
    %dma_wait3A_1295 = arith.constant 0 : i32
    %dma_wait3A_1296 = tpu.memref_slice %arg7[%dma_wait3A_1292, %dma_wait3A_1294, %dma_wait3A_1295] : memref<3x128x128xf32, #tpu.memory_space<vmem>> -> memref<1x128x128xf32, #tpu.memory_space<vmem>>
    %dma_wait3A_1297 = tpu.memref_squeeze %dma_wait3A_1296 : memref<1x128x128xf32, #tpu.memory_space<vmem>> -> memref<128x128xf32, #tpu.memory_space<vmem>>
    %dma_wait3A_1298 = arith.constant 0 : i32
    %dma_wait3A_1299 = tpu.memref_slice %arg5[%add3A_1291, %dma_wait3A_1298] : memref<65536x192xf32, #tpu.memory_space<hbm>> -> memref<128x128xf32, #tpu.memory_space<hbm>>
    %dma_wait3A_1300 = tpu.memref_slice %arg12[%dma_wait3A_1293] : memref<3x!tpu.dma_semaphore, #tpu.memory_space<semaphore_mem>> -> memref<1x!tpu.dma_semaphore, #tpu.memory_space<semaphore_mem>>
    %dma_wait3A_1301 = tpu.memref_squeeze %dma_wait3A_1300 : memref<1x!tpu.dma_semaphore, #tpu.memory_space<semaphore_mem>> -> memref<!tpu.dma_semaphore, #tpu.memory_space<semaphore_mem>>
    %dma_wait3A_1302 = arith.constant 0 : i32
    %dma_wait3A_1303 = tpu.memref_slice %arg5[%add3A_1291, %dma_wait3A_1302] : memref<65536x192xf32, #tpu.memory_space<hbm>> -> memref<128x128xf32, #tpu.memory_space<hbm>>
    %dma_wait3A_1304 = arith.constant 0 : i32
    %dma_wait3A_1305 = arith.constant 0 : i32
    %dma_wait3A_1306 = tpu.memref_slice %arg7[%dma_wait3A_1292, %dma_wait3A_1304, %dma_wait3A_1305] : memref<3x128x128xf32, #tpu.memory_space<vmem>> -> memref<1x128x128xf32, #tpu.memory_space<vmem>>
    %dma_wait3A_1307 = tpu.memref_squeeze %dma_wait3A_1306 : memref<1x128x128xf32, #tpu.memory_space<vmem>> -> memref<128x128xf32, #tpu.memory_space<vmem>>
    tpu.wait_dma2 semaphore(%dma_wait3A_1301 : memref<!tpu.dma_semaphore, #tpu.memory_space<semaphore_mem>>) src(%dma_wait3A_1307 : memref<128x128xf32, #tpu.memory_space<vmem>>) dst(%dma_wait3A_1303 : memref<128x128xf32, #tpu.memory_space<hbm>>)
    %dma_wait3A_1308 = arith.constant 2 : i32
    %dma_wait3A_1309 = arith.constant 2 : i32
    %dma_wait3A_1310 = arith.constant 0 : i32
    %dma_wait3A_1311 = arith.constant 0 : i32
    %dma_wait3A_1312 = tpu.memref_slice %arg8[%dma_wait3A_1308, %dma_wait3A_1310, %dma_wait3A_1311] : memref<3x128x64xf32, #tpu.memory_space<vmem>> -> memref<1x128x64xf32, #tpu.memory_space<vmem>>
    %dma_wait3A_1313 = tpu.memref_squeeze %dma_wait3A_1312 : memref<1x128x64xf32, #tpu.memory_space<vmem>> -> memref<128x64xf32, #tpu.memory_space<vmem>>
    %dma_wait3A_1314 = arith.constant 128 : i32
    %dma_wait3A_1315 = tpu.memref_slice %arg5[%add3A_1291, %dma_wait3A_1314] : memref<65536x192xf32, #tpu.memory_space<hbm>> -> memref<128x64xf32, #tpu.memory_space<hbm>>
    %dma_wait3A_1316 = tpu.memref_slice %arg12[%dma_wait3A_1309] : memref<3x!tpu.dma_semaphore, #tpu.memory_space<semaphore_mem>> -> memref<1x!tpu.dma_semaphore, #tpu.memory_space<semaphore_mem>>
    %dma_wait3A_1317 = tpu.memref_squeeze %dma_wait3A_1316 : memref<1x!tpu.dma_semaphore, #tpu.memory_space<semaphore_mem>> -> memref<!tpu.dma_semaphore, #tpu.memory_space<semaphore_mem>>
    %dma_wait3A_1318 = arith.constant 128 : i32
    %dma_wait3A_1319 = tpu.memref_slice %arg5[%add3A_1291, %dma_wait3A_1318] : memref<65536x192xf32, #tpu.memory_space<hbm>> -> memref<128x64xf32, #tpu.memory_space<hbm>>
    %dma_wait3A_1320 = arith.constant 0 : i32
    %dma_wait3A_1321 = arith.constant 0 : i32
    %dma_wait3A_1322 = tpu.memref_slice %arg8[%dma_wait3A_1308, %dma_wait3A_1320, %dma_wait3A_1321] : memref<3x128x64xf32, #tpu.memory_space<vmem>> -> memref<1x128x64xf32, #tpu.memory_space<vmem>>
    %dma_wait3A_1323 = tpu.memref_squeeze %dma_wait3A_1322 : memref<1x128x64xf32, #tpu.memory_space<vmem>> -> memref<128x64xf32, #tpu.memory_space<vmem>>
    tpu.wait_dma2 semaphore(%dma_wait3A_1317 : memref<!tpu.dma_semaphore, #tpu.memory_space<semaphore_mem>>) src(%dma_wait3A_1323 : memref<128x64xf32, #tpu.memory_space<vmem>>) dst(%dma_wait3A_1319 : memref<128x64xf32, #tpu.memory_space<hbm>>)
    %add3A_1324 = arith.constant 1408 : i32
    %add3A_1325 = arith.addi %mul3A_2, %add3A_1324 : i32
    %dma_start3A_1326 = arith.constant 11 : i32
    %dma_start3A_1327 = arith.constant 2 : i32
    %dma_start3A_1328 = arith.constant 2 : i32
    %dma_start3A_1329 = arith.constant 0 : i32
    %dma_start3A_1330 = arith.constant 0 : i32
    %dma_start3A_1331 = tpu.memref_slice %arg7[%dma_start3A_1327, %dma_start3A_1329, %dma_start3A_1330] : memref<3x128x128xf32, #tpu.memory_space<vmem>> -> memref<1x128x128xf32, #tpu.memory_space<vmem>>
    %dma_start3A_1332 = tpu.memref_squeeze %dma_start3A_1331 : memref<1x128x128xf32, #tpu.memory_space<vmem>> -> memref<128x128xf32, #tpu.memory_space<vmem>>
    %dma_start3A_1333 = arith.constant 0 : i32
    %dma_start3A_1334 = tpu.memref_slice %arg6[%dma_start3A_1326, %dma_start3A_1333] : memref<16x128xi32, #tpu.memory_space<vmem>> -> memref<1x128xi32, #tpu.memory_space<vmem>>
    %dma_start3A_1335 = tpu.memref_squeeze %dma_start3A_1334 : memref<1x128xi32, #tpu.memory_space<vmem>> -> memref<128xi32, #tpu.memory_space<vmem>>
    %dma_start3A_1336 = arith.constant 0 : i32
    %dma_start3A_1337 = arith.constant 0 : i32
    %dma_start3A_1338 = tpu.memref_slice %arg9[%dma_start3A_1336, %dma_start3A_1337] : memref<16x128xf32, #tpu.memory_space<vmem_shared>> -> memref<16x128xf32, #tpu.memory_space<vmem_shared>>
    %dma_start3A_1339 = tpu.memref_slice %arg10[%dma_start3A_1328] : memref<3x!tpu.dma_semaphore, #tpu.memory_space<semaphore_mem>> -> memref<1x!tpu.dma_semaphore, #tpu.memory_space<semaphore_mem>>
    %dma_start3A_1340 = tpu.memref_squeeze %dma_start3A_1339 : memref<1x!tpu.dma_semaphore, #tpu.memory_space<semaphore_mem>> -> memref<!tpu.dma_semaphore, #tpu.memory_space<semaphore_mem>>
    tpu.enqueue_indirect_dma source(%dma_start3A_1338 : memref<16x128xf32, #tpu.memory_space<vmem_shared>>) target(%dma_start3A_1332 : memref<128x128xf32, #tpu.memory_space<vmem>>) offsets(%dma_start3A_1335 : memref<128xi32, #tpu.memory_space<vmem>>) semaphore(%dma_start3A_1340 : memref<!tpu.dma_semaphore, #tpu.memory_space<semaphore_mem>>)
    %dma_start3A_1341 = arith.constant 2 : i32
    %dma_start3A_1342 = arith.constant 2 : i32
    %dma_start3A_1343 = arith.constant 0 : i32
    %dma_start3A_1344 = arith.constant 0 : i32
    %dma_start3A_1345 = tpu.memref_slice %arg8[%dma_start3A_1341, %dma_start3A_1343, %dma_start3A_1344] : memref<3x128x64xf32, #tpu.memory_space<vmem>> -> memref<1x128x64xf32, #tpu.memory_space<vmem>>
    %dma_start3A_1346 = tpu.memref_squeeze %dma_start3A_1345 : memref<1x128x64xf32, #tpu.memory_space<vmem>> -> memref<128x64xf32, #tpu.memory_space<vmem>>
    %dma_start3A_1347 = arith.constant 0 : i32
    %dma_start3A_1348 = tpu.memref_slice %arg4[%add3A_1325, %dma_start3A_1347] : memref<65536x64xf32, #tpu.memory_space<hbm>> -> memref<128x64xf32, #tpu.memory_space<hbm>>
    %dma_start3A_1349 = tpu.memref_slice %arg11[%dma_start3A_1342] : memref<3x!tpu.dma_semaphore, #tpu.memory_space<semaphore_mem>> -> memref<1x!tpu.dma_semaphore, #tpu.memory_space<semaphore_mem>>
    %dma_start3A_1350 = tpu.memref_squeeze %dma_start3A_1349 : memref<1x!tpu.dma_semaphore, #tpu.memory_space<semaphore_mem>> -> memref<!tpu.dma_semaphore, #tpu.memory_space<semaphore_mem>>
    %dma_start3A_1351 = arith.constant 0 : i32
    %dma_start3A_1352 = arith.constant 0 : i32
    %dma_start3A_1353 = tpu.memref_slice %arg8[%dma_start3A_1341, %dma_start3A_1351, %dma_start3A_1352] : memref<3x128x64xf32, #tpu.memory_space<vmem>> -> memref<1x128x64xf32, #tpu.memory_space<vmem>>
    %dma_start3A_1354 = tpu.memref_squeeze %dma_start3A_1353 : memref<1x128x64xf32, #tpu.memory_space<vmem>> -> memref<128x64xf32, #tpu.memory_space<vmem>>
    %dma_start3A_1355 = arith.constant 0 : i32
    %dma_start3A_1356 = tpu.memref_slice %arg4[%add3A_1325, %dma_start3A_1355] : memref<65536x64xf32, #tpu.memory_space<hbm>> -> memref<128x64xf32, #tpu.memory_space<hbm>>
    tpu.enqueue_dma source(%dma_start3A_1356 : memref<128x64xf32, #tpu.memory_space<hbm>>) target(%dma_start3A_1354 : memref<128x64xf32, #tpu.memory_space<vmem>>) target_semaphore(%dma_start3A_1350 : memref<!tpu.dma_semaphore, #tpu.memory_space<semaphore_mem>>)
    %add3A_1357 = arith.constant 1280 : i32
    %add3A_1358 = arith.addi %mul3A_2, %add3A_1357 : i32
    %dma_wait3A_1359 = arith.constant 10 : i32
    %dma_wait3A_1360 = arith.constant 1 : i32
    %dma_wait3A_1361 = arith.constant 1 : i32
    %dma_wait3A_1362 = arith.constant 0 : i32
    %dma_wait3A_1363 = arith.constant 0 : i32
    %dma_wait3A_1364 = tpu.memref_slice %arg7[%dma_wait3A_1360, %dma_wait3A_1362, %dma_wait3A_1363] : memref<3x128x128xf32, #tpu.memory_space<vmem>> -> memref<1x128x128xf32, #tpu.memory_space<vmem>>
    %dma_wait3A_1365 = tpu.memref_squeeze %dma_wait3A_1364 : memref<1x128x128xf32, #tpu.memory_space<vmem>> -> memref<128x128xf32, #tpu.memory_space<vmem>>
    %dma_wait3A_1366 = arith.constant 0 : i32
    %dma_wait3A_1367 = tpu.memref_slice %arg6[%dma_wait3A_1359, %dma_wait3A_1366] : memref<16x128xi32, #tpu.memory_space<vmem>> -> memref<1x128xi32, #tpu.memory_space<vmem>>
    %dma_wait3A_1368 = tpu.memref_squeeze %dma_wait3A_1367 : memref<1x128xi32, #tpu.memory_space<vmem>> -> memref<128xi32, #tpu.memory_space<vmem>>
    %dma_wait3A_1369 = arith.constant 0 : i32
    %dma_wait3A_1370 = arith.constant 0 : i32
    %dma_wait3A_1371 = tpu.memref_slice %arg9[%dma_wait3A_1369, %dma_wait3A_1370] : memref<16x128xf32, #tpu.memory_space<vmem_shared>> -> memref<16x128xf32, #tpu.memory_space<vmem_shared>>
    %dma_wait3A_1372 = tpu.memref_slice %arg10[%dma_wait3A_1361] : memref<3x!tpu.dma_semaphore, #tpu.memory_space<semaphore_mem>> -> memref<1x!tpu.dma_semaphore, #tpu.memory_space<semaphore_mem>>
    %dma_wait3A_1373 = tpu.memref_squeeze %dma_wait3A_1372 : memref<1x!tpu.dma_semaphore, #tpu.memory_space<semaphore_mem>> -> memref<!tpu.dma_semaphore, #tpu.memory_space<semaphore_mem>>
    tpu.wait_indirect_dma semaphore(%dma_wait3A_1373 : memref<!tpu.dma_semaphore, #tpu.memory_space<semaphore_mem>>) src(%dma_wait3A_1371 : memref<16x128xf32, #tpu.memory_space<vmem_shared>>) dst(%dma_wait3A_1365 : memref<128x128xf32, #tpu.memory_space<vmem>>)
    %dma_wait3A_1374 = arith.constant 1 : i32
    %dma_wait3A_1375 = arith.constant 1 : i32
    %dma_wait3A_1376 = arith.constant 0 : i32
    %dma_wait3A_1377 = arith.constant 0 : i32
    %dma_wait3A_1378 = tpu.memref_slice %arg8[%dma_wait3A_1374, %dma_wait3A_1376, %dma_wait3A_1377] : memref<3x128x64xf32, #tpu.memory_space<vmem>> -> memref<1x128x64xf32, #tpu.memory_space<vmem>>
    %dma_wait3A_1379 = tpu.memref_squeeze %dma_wait3A_1378 : memref<1x128x64xf32, #tpu.memory_space<vmem>> -> memref<128x64xf32, #tpu.memory_space<vmem>>
    %dma_wait3A_1380 = arith.constant 0 : i32
    %dma_wait3A_1381 = tpu.memref_slice %arg4[%add3A_1358, %dma_wait3A_1380] : memref<65536x64xf32, #tpu.memory_space<hbm>> -> memref<128x64xf32, #tpu.memory_space<hbm>>
    %dma_wait3A_1382 = tpu.memref_slice %arg11[%dma_wait3A_1375] : memref<3x!tpu.dma_semaphore, #tpu.memory_space<semaphore_mem>> -> memref<1x!tpu.dma_semaphore, #tpu.memory_space<semaphore_mem>>
    %dma_wait3A_1383 = tpu.memref_squeeze %dma_wait3A_1382 : memref<1x!tpu.dma_semaphore, #tpu.memory_space<semaphore_mem>> -> memref<!tpu.dma_semaphore, #tpu.memory_space<semaphore_mem>>
    %dma_wait3A_1384 = arith.constant 0 : i32
    %dma_wait3A_1385 = arith.constant 0 : i32
    %dma_wait3A_1386 = tpu.memref_slice %arg8[%dma_wait3A_1374, %dma_wait3A_1384, %dma_wait3A_1385] : memref<3x128x64xf32, #tpu.memory_space<vmem>> -> memref<1x128x64xf32, #tpu.memory_space<vmem>>
    %dma_wait3A_1387 = tpu.memref_squeeze %dma_wait3A_1386 : memref<1x128x64xf32, #tpu.memory_space<vmem>> -> memref<128x64xf32, #tpu.memory_space<vmem>>
    %dma_wait3A_1388 = arith.constant 0 : i32
    %dma_wait3A_1389 = tpu.memref_slice %arg4[%add3A_1358, %dma_wait3A_1388] : memref<65536x64xf32, #tpu.memory_space<hbm>> -> memref<128x64xf32, #tpu.memory_space<hbm>>
    tpu.wait_dma2 semaphore(%dma_wait3A_1383 : memref<!tpu.dma_semaphore, #tpu.memory_space<semaphore_mem>>) src(%dma_wait3A_1389 : memref<128x64xf32, #tpu.memory_space<hbm>>) dst(%dma_wait3A_1387 : memref<128x64xf32, #tpu.memory_space<vmem>>)
    %dma_start3A_1390 = arith.constant 1 : i32
    %dma_start3A_1391 = arith.constant 1 : i32
    %dma_start3A_1392 = arith.constant 0 : i32
    %dma_start3A_1393 = arith.constant 0 : i32
    %dma_start3A_1394 = tpu.memref_slice %arg7[%dma_start3A_1390, %dma_start3A_1392, %dma_start3A_1393] : memref<3x128x128xf32, #tpu.memory_space<vmem>> -> memref<1x128x128xf32, #tpu.memory_space<vmem>>
    %dma_start3A_1395 = tpu.memref_squeeze %dma_start3A_1394 : memref<1x128x128xf32, #tpu.memory_space<vmem>> -> memref<128x128xf32, #tpu.memory_space<vmem>>
    %dma_start3A_1396 = arith.constant 0 : i32
    %dma_start3A_1397 = tpu.memref_slice %arg5[%add3A_1358, %dma_start3A_1396] : memref<65536x192xf32, #tpu.memory_space<hbm>> -> memref<128x128xf32, #tpu.memory_space<hbm>>
    %dma_start3A_1398 = tpu.memref_slice %arg12[%dma_start3A_1391] : memref<3x!tpu.dma_semaphore, #tpu.memory_space<semaphore_mem>> -> memref<1x!tpu.dma_semaphore, #tpu.memory_space<semaphore_mem>>
    %dma_start3A_1399 = tpu.memref_squeeze %dma_start3A_1398 : memref<1x!tpu.dma_semaphore, #tpu.memory_space<semaphore_mem>> -> memref<!tpu.dma_semaphore, #tpu.memory_space<semaphore_mem>>
    %dma_start3A_1400 = arith.constant 0 : i32
    %dma_start3A_1401 = tpu.memref_slice %arg5[%add3A_1358, %dma_start3A_1400] : memref<65536x192xf32, #tpu.memory_space<hbm>> -> memref<128x128xf32, #tpu.memory_space<hbm>>
    %dma_start3A_1402 = arith.constant 0 : i32
    %dma_start3A_1403 = arith.constant 0 : i32
    %dma_start3A_1404 = tpu.memref_slice %arg7[%dma_start3A_1390, %dma_start3A_1402, %dma_start3A_1403] : memref<3x128x128xf32, #tpu.memory_space<vmem>> -> memref<1x128x128xf32, #tpu.memory_space<vmem>>
    %dma_start3A_1405 = tpu.memref_squeeze %dma_start3A_1404 : memref<1x128x128xf32, #tpu.memory_space<vmem>> -> memref<128x128xf32, #tpu.memory_space<vmem>>
    tpu.enqueue_dma source(%dma_start3A_1405 : memref<128x128xf32, #tpu.memory_space<vmem>>) target(%dma_start3A_1401 : memref<128x128xf32, #tpu.memory_space<hbm>>) target_semaphore(%dma_start3A_1399 : memref<!tpu.dma_semaphore, #tpu.memory_space<semaphore_mem>>)
    %dma_start3A_1406 = arith.constant 1 : i32
    %dma_start3A_1407 = arith.constant 1 : i32
    %dma_start3A_1408 = arith.constant 0 : i32
    %dma_start3A_1409 = arith.constant 0 : i32
    %dma_start3A_1410 = tpu.memref_slice %arg8[%dma_start3A_1406, %dma_start3A_1408, %dma_start3A_1409] : memref<3x128x64xf32, #tpu.memory_space<vmem>> -> memref<1x128x64xf32, #tpu.memory_space<vmem>>
    %dma_start3A_1411 = tpu.memref_squeeze %dma_start3A_1410 : memref<1x128x64xf32, #tpu.memory_space<vmem>> -> memref<128x64xf32, #tpu.memory_space<vmem>>
    %dma_start3A_1412 = arith.constant 128 : i32
    %dma_start3A_1413 = tpu.memref_slice %arg5[%add3A_1358, %dma_start3A_1412] : memref<65536x192xf32, #tpu.memory_space<hbm>> -> memref<128x64xf32, #tpu.memory_space<hbm>>
    %dma_start3A_1414 = tpu.memref_slice %arg12[%dma_start3A_1407] : memref<3x!tpu.dma_semaphore, #tpu.memory_space<semaphore_mem>> -> memref<1x!tpu.dma_semaphore, #tpu.memory_space<semaphore_mem>>
    %dma_start3A_1415 = tpu.memref_squeeze %dma_start3A_1414 : memref<1x!tpu.dma_semaphore, #tpu.memory_space<semaphore_mem>> -> memref<!tpu.dma_semaphore, #tpu.memory_space<semaphore_mem>>
    %dma_start3A_1416 = arith.constant 128 : i32
    %dma_start3A_1417 = tpu.memref_slice %arg5[%add3A_1358, %dma_start3A_1416] : memref<65536x192xf32, #tpu.memory_space<hbm>> -> memref<128x64xf32, #tpu.memory_space<hbm>>
    %dma_start3A_1418 = arith.constant 0 : i32
    %dma_start3A_1419 = arith.constant 0 : i32
    %dma_start3A_1420 = tpu.memref_slice %arg8[%dma_start3A_1406, %dma_start3A_1418, %dma_start3A_1419] : memref<3x128x64xf32, #tpu.memory_space<vmem>> -> memref<1x128x64xf32, #tpu.memory_space<vmem>>
    %dma_start3A_1421 = tpu.memref_squeeze %dma_start3A_1420 : memref<1x128x64xf32, #tpu.memory_space<vmem>> -> memref<128x64xf32, #tpu.memory_space<vmem>>
    tpu.enqueue_dma source(%dma_start3A_1421 : memref<128x64xf32, #tpu.memory_space<vmem>>) target(%dma_start3A_1417 : memref<128x64xf32, #tpu.memory_space<hbm>>) target_semaphore(%dma_start3A_1415 : memref<!tpu.dma_semaphore, #tpu.memory_space<semaphore_mem>>)
    %add3A_1422 = arith.constant 1152 : i32
    %add3A_1423 = arith.addi %mul3A_2, %add3A_1422 : i32
    %dma_wait3A_1424 = arith.constant 0 : i32
    %dma_wait3A_1425 = arith.constant 0 : i32
    %dma_wait3A_1426 = arith.constant 0 : i32
    %dma_wait3A_1427 = arith.constant 0 : i32
    %dma_wait3A_1428 = tpu.memref_slice %arg7[%dma_wait3A_1424, %dma_wait3A_1426, %dma_wait3A_1427] : memref<3x128x128xf32, #tpu.memory_space<vmem>> -> memref<1x128x128xf32, #tpu.memory_space<vmem>>
    %dma_wait3A_1429 = tpu.memref_squeeze %dma_wait3A_1428 : memref<1x128x128xf32, #tpu.memory_space<vmem>> -> memref<128x128xf32, #tpu.memory_space<vmem>>
    %dma_wait3A_1430 = arith.constant 0 : i32
    %dma_wait3A_1431 = tpu.memref_slice %arg5[%add3A_1423, %dma_wait3A_1430] : memref<65536x192xf32, #tpu.memory_space<hbm>> -> memref<128x128xf32, #tpu.memory_space<hbm>>
    %dma_wait3A_1432 = tpu.memref_slice %arg12[%dma_wait3A_1425] : memref<3x!tpu.dma_semaphore, #tpu.memory_space<semaphore_mem>> -> memref<1x!tpu.dma_semaphore, #tpu.memory_space<semaphore_mem>>
    %dma_wait3A_1433 = tpu.memref_squeeze %dma_wait3A_1432 : memref<1x!tpu.dma_semaphore, #tpu.memory_space<semaphore_mem>> -> memref<!tpu.dma_semaphore, #tpu.memory_space<semaphore_mem>>
    %dma_wait3A_1434 = arith.constant 0 : i32
    %dma_wait3A_1435 = tpu.memref_slice %arg5[%add3A_1423, %dma_wait3A_1434] : memref<65536x192xf32, #tpu.memory_space<hbm>> -> memref<128x128xf32, #tpu.memory_space<hbm>>
    %dma_wait3A_1436 = arith.constant 0 : i32
    %dma_wait3A_1437 = arith.constant 0 : i32
    %dma_wait3A_1438 = tpu.memref_slice %arg7[%dma_wait3A_1424, %dma_wait3A_1436, %dma_wait3A_1437] : memref<3x128x128xf32, #tpu.memory_space<vmem>> -> memref<1x128x128xf32, #tpu.memory_space<vmem>>
    %dma_wait3A_1439 = tpu.memref_squeeze %dma_wait3A_1438 : memref<1x128x128xf32, #tpu.memory_space<vmem>> -> memref<128x128xf32, #tpu.memory_space<vmem>>
    tpu.wait_dma2 semaphore(%dma_wait3A_1433 : memref<!tpu.dma_semaphore, #tpu.memory_space<semaphore_mem>>) src(%dma_wait3A_1439 : memref<128x128xf32, #tpu.memory_space<vmem>>) dst(%dma_wait3A_1435 : memref<128x128xf32, #tpu.memory_space<hbm>>)
    %dma_wait3A_1440 = arith.constant 0 : i32
    %dma_wait3A_1441 = arith.constant 0 : i32
    %dma_wait3A_1442 = arith.constant 0 : i32
    %dma_wait3A_1443 = arith.constant 0 : i32
    %dma_wait3A_1444 = tpu.memref_slice %arg8[%dma_wait3A_1440, %dma_wait3A_1442, %dma_wait3A_1443] : memref<3x128x64xf32, #tpu.memory_space<vmem>> -> memref<1x128x64xf32, #tpu.memory_space<vmem>>
    %dma_wait3A_1445 = tpu.memref_squeeze %dma_wait3A_1444 : memref<1x128x64xf32, #tpu.memory_space<vmem>> -> memref<128x64xf32, #tpu.memory_space<vmem>>
    %dma_wait3A_1446 = arith.constant 128 : i32
    %dma_wait3A_1447 = tpu.memref_slice %arg5[%add3A_1423, %dma_wait3A_1446] : memref<65536x192xf32, #tpu.memory_space<hbm>> -> memref<128x64xf32, #tpu.memory_space<hbm>>
    %dma_wait3A_1448 = tpu.memref_slice %arg12[%dma_wait3A_1441] : memref<3x!tpu.dma_semaphore, #tpu.memory_space<semaphore_mem>> -> memref<1x!tpu.dma_semaphore, #tpu.memory_space<semaphore_mem>>
    %dma_wait3A_1449 = tpu.memref_squeeze %dma_wait3A_1448 : memref<1x!tpu.dma_semaphore, #tpu.memory_space<semaphore_mem>> -> memref<!tpu.dma_semaphore, #tpu.memory_space<semaphore_mem>>
    %dma_wait3A_1450 = arith.constant 128 : i32
    %dma_wait3A_1451 = tpu.memref_slice %arg5[%add3A_1423, %dma_wait3A_1450] : memref<65536x192xf32, #tpu.memory_space<hbm>> -> memref<128x64xf32, #tpu.memory_space<hbm>>
    %dma_wait3A_1452 = arith.constant 0 : i32
    %dma_wait3A_1453 = arith.constant 0 : i32
    %dma_wait3A_1454 = tpu.memref_slice %arg8[%dma_wait3A_1440, %dma_wait3A_1452, %dma_wait3A_1453] : memref<3x128x64xf32, #tpu.memory_space<vmem>> -> memref<1x128x64xf32, #tpu.memory_space<vmem>>
    %dma_wait3A_1455 = tpu.memref_squeeze %dma_wait3A_1454 : memref<1x128x64xf32, #tpu.memory_space<vmem>> -> memref<128x64xf32, #tpu.memory_space<vmem>>
    tpu.wait_dma2 semaphore(%dma_wait3A_1449 : memref<!tpu.dma_semaphore, #tpu.memory_space<semaphore_mem>>) src(%dma_wait3A_1455 : memref<128x64xf32, #tpu.memory_space<vmem>>) dst(%dma_wait3A_1451 : memref<128x64xf32, #tpu.memory_space<hbm>>)
    %add3A_1456 = arith.constant 1536 : i32
    %add3A_1457 = arith.addi %mul3A_2, %add3A_1456 : i32
    %dma_start3A_1458 = arith.constant 12 : i32
    %dma_start3A_1459 = arith.constant 0 : i32
    %dma_start3A_1460 = arith.constant 0 : i32
    %dma_start3A_1461 = arith.constant 0 : i32
    %dma_start3A_1462 = arith.constant 0 : i32
    %dma_start3A_1463 = tpu.memref_slice %arg7[%dma_start3A_1459, %dma_start3A_1461, %dma_start3A_1462] : memref<3x128x128xf32, #tpu.memory_space<vmem>> -> memref<1x128x128xf32, #tpu.memory_space<vmem>>
    %dma_start3A_1464 = tpu.memref_squeeze %dma_start3A_1463 : memref<1x128x128xf32, #tpu.memory_space<vmem>> -> memref<128x128xf32, #tpu.memory_space<vmem>>
    %dma_start3A_1465 = arith.constant 0 : i32
    %dma_start3A_1466 = tpu.memref_slice %arg6[%dma_start3A_1458, %dma_start3A_1465] : memref<16x128xi32, #tpu.memory_space<vmem>> -> memref<1x128xi32, #tpu.memory_space<vmem>>
    %dma_start3A_1467 = tpu.memref_squeeze %dma_start3A_1466 : memref<1x128xi32, #tpu.memory_space<vmem>> -> memref<128xi32, #tpu.memory_space<vmem>>
    %dma_start3A_1468 = arith.constant 0 : i32
    %dma_start3A_1469 = arith.constant 0 : i32
    %dma_start3A_1470 = tpu.memref_slice %arg9[%dma_start3A_1468, %dma_start3A_1469] : memref<16x128xf32, #tpu.memory_space<vmem_shared>> -> memref<16x128xf32, #tpu.memory_space<vmem_shared>>
    %dma_start3A_1471 = tpu.memref_slice %arg10[%dma_start3A_1460] : memref<3x!tpu.dma_semaphore, #tpu.memory_space<semaphore_mem>> -> memref<1x!tpu.dma_semaphore, #tpu.memory_space<semaphore_mem>>
    %dma_start3A_1472 = tpu.memref_squeeze %dma_start3A_1471 : memref<1x!tpu.dma_semaphore, #tpu.memory_space<semaphore_mem>> -> memref<!tpu.dma_semaphore, #tpu.memory_space<semaphore_mem>>
    tpu.enqueue_indirect_dma source(%dma_start3A_1470 : memref<16x128xf32, #tpu.memory_space<vmem_shared>>) target(%dma_start3A_1464 : memref<128x128xf32, #tpu.memory_space<vmem>>) offsets(%dma_start3A_1467 : memref<128xi32, #tpu.memory_space<vmem>>) semaphore(%dma_start3A_1472 : memref<!tpu.dma_semaphore, #tpu.memory_space<semaphore_mem>>)
    %dma_start3A_1473 = arith.constant 0 : i32
    %dma_start3A_1474 = arith.constant 0 : i32
    %dma_start3A_1475 = arith.constant 0 : i32
    %dma_start3A_1476 = arith.constant 0 : i32
    %dma_start3A_1477 = tpu.memref_slice %arg8[%dma_start3A_1473, %dma_start3A_1475, %dma_start3A_1476] : memref<3x128x64xf32, #tpu.memory_space<vmem>> -> memref<1x128x64xf32, #tpu.memory_space<vmem>>
    %dma_start3A_1478 = tpu.memref_squeeze %dma_start3A_1477 : memref<1x128x64xf32, #tpu.memory_space<vmem>> -> memref<128x64xf32, #tpu.memory_space<vmem>>
    %dma_start3A_1479 = arith.constant 0 : i32
    %dma_start3A_1480 = tpu.memref_slice %arg4[%add3A_1457, %dma_start3A_1479] : memref<65536x64xf32, #tpu.memory_space<hbm>> -> memref<128x64xf32, #tpu.memory_space<hbm>>
    %dma_start3A_1481 = tpu.memref_slice %arg11[%dma_start3A_1474] : memref<3x!tpu.dma_semaphore, #tpu.memory_space<semaphore_mem>> -> memref<1x!tpu.dma_semaphore, #tpu.memory_space<semaphore_mem>>
    %dma_start3A_1482 = tpu.memref_squeeze %dma_start3A_1481 : memref<1x!tpu.dma_semaphore, #tpu.memory_space<semaphore_mem>> -> memref<!tpu.dma_semaphore, #tpu.memory_space<semaphore_mem>>
    %dma_start3A_1483 = arith.constant 0 : i32
    %dma_start3A_1484 = arith.constant 0 : i32
    %dma_start3A_1485 = tpu.memref_slice %arg8[%dma_start3A_1473, %dma_start3A_1483, %dma_start3A_1484] : memref<3x128x64xf32, #tpu.memory_space<vmem>> -> memref<1x128x64xf32, #tpu.memory_space<vmem>>
    %dma_start3A_1486 = tpu.memref_squeeze %dma_start3A_1485 : memref<1x128x64xf32, #tpu.memory_space<vmem>> -> memref<128x64xf32, #tpu.memory_space<vmem>>
    %dma_start3A_1487 = arith.constant 0 : i32
    %dma_start3A_1488 = tpu.memref_slice %arg4[%add3A_1457, %dma_start3A_1487] : memref<65536x64xf32, #tpu.memory_space<hbm>> -> memref<128x64xf32, #tpu.memory_space<hbm>>
    tpu.enqueue_dma source(%dma_start3A_1488 : memref<128x64xf32, #tpu.memory_space<hbm>>) target(%dma_start3A_1486 : memref<128x64xf32, #tpu.memory_space<vmem>>) target_semaphore(%dma_start3A_1482 : memref<!tpu.dma_semaphore, #tpu.memory_space<semaphore_mem>>)
    %add3A_1489 = arith.constant 1408 : i32
    %add3A_1490 = arith.addi %mul3A_2, %add3A_1489 : i32
    %dma_wait3A_1491 = arith.constant 11 : i32
    %dma_wait3A_1492 = arith.constant 2 : i32
    %dma_wait3A_1493 = arith.constant 2 : i32
    %dma_wait3A_1494 = arith.constant 0 : i32
    %dma_wait3A_1495 = arith.constant 0 : i32
    %dma_wait3A_1496 = tpu.memref_slice %arg7[%dma_wait3A_1492, %dma_wait3A_1494, %dma_wait3A_1495] : memref<3x128x128xf32, #tpu.memory_space<vmem>> -> memref<1x128x128xf32, #tpu.memory_space<vmem>>
    %dma_wait3A_1497 = tpu.memref_squeeze %dma_wait3A_1496 : memref<1x128x128xf32, #tpu.memory_space<vmem>> -> memref<128x128xf32, #tpu.memory_space<vmem>>
    %dma_wait3A_1498 = arith.constant 0 : i32
    %dma_wait3A_1499 = tpu.memref_slice %arg6[%dma_wait3A_1491, %dma_wait3A_1498] : memref<16x128xi32, #tpu.memory_space<vmem>> -> memref<1x128xi32, #tpu.memory_space<vmem>>
    %dma_wait3A_1500 = tpu.memref_squeeze %dma_wait3A_1499 : memref<1x128xi32, #tpu.memory_space<vmem>> -> memref<128xi32, #tpu.memory_space<vmem>>
    %dma_wait3A_1501 = arith.constant 0 : i32
    %dma_wait3A_1502 = arith.constant 0 : i32
    %dma_wait3A_1503 = tpu.memref_slice %arg9[%dma_wait3A_1501, %dma_wait3A_1502] : memref<16x128xf32, #tpu.memory_space<vmem_shared>> -> memref<16x128xf32, #tpu.memory_space<vmem_shared>>
    %dma_wait3A_1504 = tpu.memref_slice %arg10[%dma_wait3A_1493] : memref<3x!tpu.dma_semaphore, #tpu.memory_space<semaphore_mem>> -> memref<1x!tpu.dma_semaphore, #tpu.memory_space<semaphore_mem>>
    %dma_wait3A_1505 = tpu.memref_squeeze %dma_wait3A_1504 : memref<1x!tpu.dma_semaphore, #tpu.memory_space<semaphore_mem>> -> memref<!tpu.dma_semaphore, #tpu.memory_space<semaphore_mem>>
    tpu.wait_indirect_dma semaphore(%dma_wait3A_1505 : memref<!tpu.dma_semaphore, #tpu.memory_space<semaphore_mem>>) src(%dma_wait3A_1503 : memref<16x128xf32, #tpu.memory_space<vmem_shared>>) dst(%dma_wait3A_1497 : memref<128x128xf32, #tpu.memory_space<vmem>>)
    %dma_wait3A_1506 = arith.constant 2 : i32
    %dma_wait3A_1507 = arith.constant 2 : i32
    %dma_wait3A_1508 = arith.constant 0 : i32
    %dma_wait3A_1509 = arith.constant 0 : i32
    %dma_wait3A_1510 = tpu.memref_slice %arg8[%dma_wait3A_1506, %dma_wait3A_1508, %dma_wait3A_1509] : memref<3x128x64xf32, #tpu.memory_space<vmem>> -> memref<1x128x64xf32, #tpu.memory_space<vmem>>
    %dma_wait3A_1511 = tpu.memref_squeeze %dma_wait3A_1510 : memref<1x128x64xf32, #tpu.memory_space<vmem>> -> memref<128x64xf32, #tpu.memory_space<vmem>>
    %dma_wait3A_1512 = arith.constant 0 : i32
    %dma_wait3A_1513 = tpu.memref_slice %arg4[%add3A_1490, %dma_wait3A_1512] : memref<65536x64xf32, #tpu.memory_space<hbm>> -> memref<128x64xf32, #tpu.memory_space<hbm>>
    %dma_wait3A_1514 = tpu.memref_slice %arg11[%dma_wait3A_1507] : memref<3x!tpu.dma_semaphore, #tpu.memory_space<semaphore_mem>> -> memref<1x!tpu.dma_semaphore, #tpu.memory_space<semaphore_mem>>
    %dma_wait3A_1515 = tpu.memref_squeeze %dma_wait3A_1514 : memref<1x!tpu.dma_semaphore, #tpu.memory_space<semaphore_mem>> -> memref<!tpu.dma_semaphore, #tpu.memory_space<semaphore_mem>>
    %dma_wait3A_1516 = arith.constant 0 : i32
    %dma_wait3A_1517 = arith.constant 0 : i32
    %dma_wait3A_1518 = tpu.memref_slice %arg8[%dma_wait3A_1506, %dma_wait3A_1516, %dma_wait3A_1517] : memref<3x128x64xf32, #tpu.memory_space<vmem>> -> memref<1x128x64xf32, #tpu.memory_space<vmem>>
    %dma_wait3A_1519 = tpu.memref_squeeze %dma_wait3A_1518 : memref<1x128x64xf32, #tpu.memory_space<vmem>> -> memref<128x64xf32, #tpu.memory_space<vmem>>
    %dma_wait3A_1520 = arith.constant 0 : i32
    %dma_wait3A_1521 = tpu.memref_slice %arg4[%add3A_1490, %dma_wait3A_1520] : memref<65536x64xf32, #tpu.memory_space<hbm>> -> memref<128x64xf32, #tpu.memory_space<hbm>>
    tpu.wait_dma2 semaphore(%dma_wait3A_1515 : memref<!tpu.dma_semaphore, #tpu.memory_space<semaphore_mem>>) src(%dma_wait3A_1521 : memref<128x64xf32, #tpu.memory_space<hbm>>) dst(%dma_wait3A_1519 : memref<128x64xf32, #tpu.memory_space<vmem>>)
    %dma_start3A_1522 = arith.constant 2 : i32
    %dma_start3A_1523 = arith.constant 2 : i32
    %dma_start3A_1524 = arith.constant 0 : i32
    %dma_start3A_1525 = arith.constant 0 : i32
    %dma_start3A_1526 = tpu.memref_slice %arg7[%dma_start3A_1522, %dma_start3A_1524, %dma_start3A_1525] : memref<3x128x128xf32, #tpu.memory_space<vmem>> -> memref<1x128x128xf32, #tpu.memory_space<vmem>>
    %dma_start3A_1527 = tpu.memref_squeeze %dma_start3A_1526 : memref<1x128x128xf32, #tpu.memory_space<vmem>> -> memref<128x128xf32, #tpu.memory_space<vmem>>
    %dma_start3A_1528 = arith.constant 0 : i32
    %dma_start3A_1529 = tpu.memref_slice %arg5[%add3A_1490, %dma_start3A_1528] : memref<65536x192xf32, #tpu.memory_space<hbm>> -> memref<128x128xf32, #tpu.memory_space<hbm>>
    %dma_start3A_1530 = tpu.memref_slice %arg12[%dma_start3A_1523] : memref<3x!tpu.dma_semaphore, #tpu.memory_space<semaphore_mem>> -> memref<1x!tpu.dma_semaphore, #tpu.memory_space<semaphore_mem>>
    %dma_start3A_1531 = tpu.memref_squeeze %dma_start3A_1530 : memref<1x!tpu.dma_semaphore, #tpu.memory_space<semaphore_mem>> -> memref<!tpu.dma_semaphore, #tpu.memory_space<semaphore_mem>>
    %dma_start3A_1532 = arith.constant 0 : i32
    %dma_start3A_1533 = tpu.memref_slice %arg5[%add3A_1490, %dma_start3A_1532] : memref<65536x192xf32, #tpu.memory_space<hbm>> -> memref<128x128xf32, #tpu.memory_space<hbm>>
    %dma_start3A_1534 = arith.constant 0 : i32
    %dma_start3A_1535 = arith.constant 0 : i32
    %dma_start3A_1536 = tpu.memref_slice %arg7[%dma_start3A_1522, %dma_start3A_1534, %dma_start3A_1535] : memref<3x128x128xf32, #tpu.memory_space<vmem>> -> memref<1x128x128xf32, #tpu.memory_space<vmem>>
    %dma_start3A_1537 = tpu.memref_squeeze %dma_start3A_1536 : memref<1x128x128xf32, #tpu.memory_space<vmem>> -> memref<128x128xf32, #tpu.memory_space<vmem>>
    tpu.enqueue_dma source(%dma_start3A_1537 : memref<128x128xf32, #tpu.memory_space<vmem>>) target(%dma_start3A_1533 : memref<128x128xf32, #tpu.memory_space<hbm>>) target_semaphore(%dma_start3A_1531 : memref<!tpu.dma_semaphore, #tpu.memory_space<semaphore_mem>>)
    %dma_start3A_1538 = arith.constant 2 : i32
    %dma_start3A_1539 = arith.constant 2 : i32
    %dma_start3A_1540 = arith.constant 0 : i32
    %dma_start3A_1541 = arith.constant 0 : i32
    %dma_start3A_1542 = tpu.memref_slice %arg8[%dma_start3A_1538, %dma_start3A_1540, %dma_start3A_1541] : memref<3x128x64xf32, #tpu.memory_space<vmem>> -> memref<1x128x64xf32, #tpu.memory_space<vmem>>
    %dma_start3A_1543 = tpu.memref_squeeze %dma_start3A_1542 : memref<1x128x64xf32, #tpu.memory_space<vmem>> -> memref<128x64xf32, #tpu.memory_space<vmem>>
    %dma_start3A_1544 = arith.constant 128 : i32
    %dma_start3A_1545 = tpu.memref_slice %arg5[%add3A_1490, %dma_start3A_1544] : memref<65536x192xf32, #tpu.memory_space<hbm>> -> memref<128x64xf32, #tpu.memory_space<hbm>>
    %dma_start3A_1546 = tpu.memref_slice %arg12[%dma_start3A_1539] : memref<3x!tpu.dma_semaphore, #tpu.memory_space<semaphore_mem>> -> memref<1x!tpu.dma_semaphore, #tpu.memory_space<semaphore_mem>>
    %dma_start3A_1547 = tpu.memref_squeeze %dma_start3A_1546 : memref<1x!tpu.dma_semaphore, #tpu.memory_space<semaphore_mem>> -> memref<!tpu.dma_semaphore, #tpu.memory_space<semaphore_mem>>
    %dma_start3A_1548 = arith.constant 128 : i32
    %dma_start3A_1549 = tpu.memref_slice %arg5[%add3A_1490, %dma_start3A_1548] : memref<65536x192xf32, #tpu.memory_space<hbm>> -> memref<128x64xf32, #tpu.memory_space<hbm>>
    %dma_start3A_1550 = arith.constant 0 : i32
    %dma_start3A_1551 = arith.constant 0 : i32
    %dma_start3A_1552 = tpu.memref_slice %arg8[%dma_start3A_1538, %dma_start3A_1550, %dma_start3A_1551] : memref<3x128x64xf32, #tpu.memory_space<vmem>> -> memref<1x128x64xf32, #tpu.memory_space<vmem>>
    %dma_start3A_1553 = tpu.memref_squeeze %dma_start3A_1552 : memref<1x128x64xf32, #tpu.memory_space<vmem>> -> memref<128x64xf32, #tpu.memory_space<vmem>>
    tpu.enqueue_dma source(%dma_start3A_1553 : memref<128x64xf32, #tpu.memory_space<vmem>>) target(%dma_start3A_1549 : memref<128x64xf32, #tpu.memory_space<hbm>>) target_semaphore(%dma_start3A_1547 : memref<!tpu.dma_semaphore, #tpu.memory_space<semaphore_mem>>)
    %add3A_1554 = arith.constant 1280 : i32
    %add3A_1555 = arith.addi %mul3A_2, %add3A_1554 : i32
    %dma_wait3A_1556 = arith.constant 1 : i32
    %dma_wait3A_1557 = arith.constant 1 : i32
    %dma_wait3A_1558 = arith.constant 0 : i32
    %dma_wait3A_1559 = arith.constant 0 : i32
    %dma_wait3A_1560 = tpu.memref_slice %arg7[%dma_wait3A_1556, %dma_wait3A_1558, %dma_wait3A_1559] : memref<3x128x128xf32, #tpu.memory_space<vmem>> -> memref<1x128x128xf32, #tpu.memory_space<vmem>>
    %dma_wait3A_1561 = tpu.memref_squeeze %dma_wait3A_1560 : memref<1x128x128xf32, #tpu.memory_space<vmem>> -> memref<128x128xf32, #tpu.memory_space<vmem>>
    %dma_wait3A_1562 = arith.constant 0 : i32
    %dma_wait3A_1563 = tpu.memref_slice %arg5[%add3A_1555, %dma_wait3A_1562] : memref<65536x192xf32, #tpu.memory_space<hbm>> -> memref<128x128xf32, #tpu.memory_space<hbm>>
    %dma_wait3A_1564 = tpu.memref_slice %arg12[%dma_wait3A_1557] : memref<3x!tpu.dma_semaphore, #tpu.memory_space<semaphore_mem>> -> memref<1x!tpu.dma_semaphore, #tpu.memory_space<semaphore_mem>>
    %dma_wait3A_1565 = tpu.memref_squeeze %dma_wait3A_1564 : memref<1x!tpu.dma_semaphore, #tpu.memory_space<semaphore_mem>> -> memref<!tpu.dma_semaphore, #tpu.memory_space<semaphore_mem>>
    %dma_wait3A_1566 = arith.constant 0 : i32
    %dma_wait3A_1567 = tpu.memref_slice %arg5[%add3A_1555, %dma_wait3A_1566] : memref<65536x192xf32, #tpu.memory_space<hbm>> -> memref<128x128xf32, #tpu.memory_space<hbm>>
    %dma_wait3A_1568 = arith.constant 0 : i32
    %dma_wait3A_1569 = arith.constant 0 : i32
    %dma_wait3A_1570 = tpu.memref_slice %arg7[%dma_wait3A_1556, %dma_wait3A_1568, %dma_wait3A_1569] : memref<3x128x128xf32, #tpu.memory_space<vmem>> -> memref<1x128x128xf32, #tpu.memory_space<vmem>>
    %dma_wait3A_1571 = tpu.memref_squeeze %dma_wait3A_1570 : memref<1x128x128xf32, #tpu.memory_space<vmem>> -> memref<128x128xf32, #tpu.memory_space<vmem>>
    tpu.wait_dma2 semaphore(%dma_wait3A_1565 : memref<!tpu.dma_semaphore, #tpu.memory_space<semaphore_mem>>) src(%dma_wait3A_1571 : memref<128x128xf32, #tpu.memory_space<vmem>>) dst(%dma_wait3A_1567 : memref<128x128xf32, #tpu.memory_space<hbm>>)
    %dma_wait3A_1572 = arith.constant 1 : i32
    %dma_wait3A_1573 = arith.constant 1 : i32
    %dma_wait3A_1574 = arith.constant 0 : i32
    %dma_wait3A_1575 = arith.constant 0 : i32
    %dma_wait3A_1576 = tpu.memref_slice %arg8[%dma_wait3A_1572, %dma_wait3A_1574, %dma_wait3A_1575] : memref<3x128x64xf32, #tpu.memory_space<vmem>> -> memref<1x128x64xf32, #tpu.memory_space<vmem>>
    %dma_wait3A_1577 = tpu.memref_squeeze %dma_wait3A_1576 : memref<1x128x64xf32, #tpu.memory_space<vmem>> -> memref<128x64xf32, #tpu.memory_space<vmem>>
    %dma_wait3A_1578 = arith.constant 128 : i32
    %dma_wait3A_1579 = tpu.memref_slice %arg5[%add3A_1555, %dma_wait3A_1578] : memref<65536x192xf32, #tpu.memory_space<hbm>> -> memref<128x64xf32, #tpu.memory_space<hbm>>
    %dma_wait3A_1580 = tpu.memref_slice %arg12[%dma_wait3A_1573] : memref<3x!tpu.dma_semaphore, #tpu.memory_space<semaphore_mem>> -> memref<1x!tpu.dma_semaphore, #tpu.memory_space<semaphore_mem>>
    %dma_wait3A_1581 = tpu.memref_squeeze %dma_wait3A_1580 : memref<1x!tpu.dma_semaphore, #tpu.memory_space<semaphore_mem>> -> memref<!tpu.dma_semaphore, #tpu.memory_space<semaphore_mem>>
    %dma_wait3A_1582 = arith.constant 128 : i32
    %dma_wait3A_1583 = tpu.memref_slice %arg5[%add3A_1555, %dma_wait3A_1582] : memref<65536x192xf32, #tpu.memory_space<hbm>> -> memref<128x64xf32, #tpu.memory_space<hbm>>
    %dma_wait3A_1584 = arith.constant 0 : i32
    %dma_wait3A_1585 = arith.constant 0 : i32
    %dma_wait3A_1586 = tpu.memref_slice %arg8[%dma_wait3A_1572, %dma_wait3A_1584, %dma_wait3A_1585] : memref<3x128x64xf32, #tpu.memory_space<vmem>> -> memref<1x128x64xf32, #tpu.memory_space<vmem>>
    %dma_wait3A_1587 = tpu.memref_squeeze %dma_wait3A_1586 : memref<1x128x64xf32, #tpu.memory_space<vmem>> -> memref<128x64xf32, #tpu.memory_space<vmem>>
    tpu.wait_dma2 semaphore(%dma_wait3A_1581 : memref<!tpu.dma_semaphore, #tpu.memory_space<semaphore_mem>>) src(%dma_wait3A_1587 : memref<128x64xf32, #tpu.memory_space<vmem>>) dst(%dma_wait3A_1583 : memref<128x64xf32, #tpu.memory_space<hbm>>)
    %add3A_1588 = arith.constant 1664 : i32
    %add3A_1589 = arith.addi %mul3A_2, %add3A_1588 : i32
    %dma_start3A_1590 = arith.constant 13 : i32
    %dma_start3A_1591 = arith.constant 1 : i32
    %dma_start3A_1592 = arith.constant 1 : i32
    %dma_start3A_1593 = arith.constant 0 : i32
    %dma_start3A_1594 = arith.constant 0 : i32
    %dma_start3A_1595 = tpu.memref_slice %arg7[%dma_start3A_1591, %dma_start3A_1593, %dma_start3A_1594] : memref<3x128x128xf32, #tpu.memory_space<vmem>> -> memref<1x128x128xf32, #tpu.memory_space<vmem>>
    %dma_start3A_1596 = tpu.memref_squeeze %dma_start3A_1595 : memref<1x128x128xf32, #tpu.memory_space<vmem>> -> memref<128x128xf32, #tpu.memory_space<vmem>>
    %dma_start3A_1597 = arith.constant 0 : i32
    %dma_start3A_1598 = tpu.memref_slice %arg6[%dma_start3A_1590, %dma_start3A_1597] : memref<16x128xi32, #tpu.memory_space<vmem>> -> memref<1x128xi32, #tpu.memory_space<vmem>>
    %dma_start3A_1599 = tpu.memref_squeeze %dma_start3A_1598 : memref<1x128xi32, #tpu.memory_space<vmem>> -> memref<128xi32, #tpu.memory_space<vmem>>
    %dma_start3A_1600 = arith.constant 0 : i32
    %dma_start3A_1601 = arith.constant 0 : i32
    %dma_start3A_1602 = tpu.memref_slice %arg9[%dma_start3A_1600, %dma_start3A_1601] : memref<16x128xf32, #tpu.memory_space<vmem_shared>> -> memref<16x128xf32, #tpu.memory_space<vmem_shared>>
    %dma_start3A_1603 = tpu.memref_slice %arg10[%dma_start3A_1592] : memref<3x!tpu.dma_semaphore, #tpu.memory_space<semaphore_mem>> -> memref<1x!tpu.dma_semaphore, #tpu.memory_space<semaphore_mem>>
    %dma_start3A_1604 = tpu.memref_squeeze %dma_start3A_1603 : memref<1x!tpu.dma_semaphore, #tpu.memory_space<semaphore_mem>> -> memref<!tpu.dma_semaphore, #tpu.memory_space<semaphore_mem>>
    tpu.enqueue_indirect_dma source(%dma_start3A_1602 : memref<16x128xf32, #tpu.memory_space<vmem_shared>>) target(%dma_start3A_1596 : memref<128x128xf32, #tpu.memory_space<vmem>>) offsets(%dma_start3A_1599 : memref<128xi32, #tpu.memory_space<vmem>>) semaphore(%dma_start3A_1604 : memref<!tpu.dma_semaphore, #tpu.memory_space<semaphore_mem>>)
    %dma_start3A_1605 = arith.constant 1 : i32
    %dma_start3A_1606 = arith.constant 1 : i32
    %dma_start3A_1607 = arith.constant 0 : i32
    %dma_start3A_1608 = arith.constant 0 : i32
    %dma_start3A_1609 = tpu.memref_slice %arg8[%dma_start3A_1605, %dma_start3A_1607, %dma_start3A_1608] : memref<3x128x64xf32, #tpu.memory_space<vmem>> -> memref<1x128x64xf32, #tpu.memory_space<vmem>>
    %dma_start3A_1610 = tpu.memref_squeeze %dma_start3A_1609 : memref<1x128x64xf32, #tpu.memory_space<vmem>> -> memref<128x64xf32, #tpu.memory_space<vmem>>
    %dma_start3A_1611 = arith.constant 0 : i32
    %dma_start3A_1612 = tpu.memref_slice %arg4[%add3A_1589, %dma_start3A_1611] : memref<65536x64xf32, #tpu.memory_space<hbm>> -> memref<128x64xf32, #tpu.memory_space<hbm>>
    %dma_start3A_1613 = tpu.memref_slice %arg11[%dma_start3A_1606] : memref<3x!tpu.dma_semaphore, #tpu.memory_space<semaphore_mem>> -> memref<1x!tpu.dma_semaphore, #tpu.memory_space<semaphore_mem>>
    %dma_start3A_1614 = tpu.memref_squeeze %dma_start3A_1613 : memref<1x!tpu.dma_semaphore, #tpu.memory_space<semaphore_mem>> -> memref<!tpu.dma_semaphore, #tpu.memory_space<semaphore_mem>>
    %dma_start3A_1615 = arith.constant 0 : i32
    %dma_start3A_1616 = arith.constant 0 : i32
    %dma_start3A_1617 = tpu.memref_slice %arg8[%dma_start3A_1605, %dma_start3A_1615, %dma_start3A_1616] : memref<3x128x64xf32, #tpu.memory_space<vmem>> -> memref<1x128x64xf32, #tpu.memory_space<vmem>>
    %dma_start3A_1618 = tpu.memref_squeeze %dma_start3A_1617 : memref<1x128x64xf32, #tpu.memory_space<vmem>> -> memref<128x64xf32, #tpu.memory_space<vmem>>
    %dma_start3A_1619 = arith.constant 0 : i32
    %dma_start3A_1620 = tpu.memref_slice %arg4[%add3A_1589, %dma_start3A_1619] : memref<65536x64xf32, #tpu.memory_space<hbm>> -> memref<128x64xf32, #tpu.memory_space<hbm>>
    tpu.enqueue_dma source(%dma_start3A_1620 : memref<128x64xf32, #tpu.memory_space<hbm>>) target(%dma_start3A_1618 : memref<128x64xf32, #tpu.memory_space<vmem>>) target_semaphore(%dma_start3A_1614 : memref<!tpu.dma_semaphore, #tpu.memory_space<semaphore_mem>>)
    %add3A_1621 = arith.constant 1536 : i32
    %add3A_1622 = arith.addi %mul3A_2, %add3A_1621 : i32
    %dma_wait3A_1623 = arith.constant 12 : i32
    %dma_wait3A_1624 = arith.constant 0 : i32
    %dma_wait3A_1625 = arith.constant 0 : i32
    %dma_wait3A_1626 = arith.constant 0 : i32
    %dma_wait3A_1627 = arith.constant 0 : i32
    %dma_wait3A_1628 = tpu.memref_slice %arg7[%dma_wait3A_1624, %dma_wait3A_1626, %dma_wait3A_1627] : memref<3x128x128xf32, #tpu.memory_space<vmem>> -> memref<1x128x128xf32, #tpu.memory_space<vmem>>
    %dma_wait3A_1629 = tpu.memref_squeeze %dma_wait3A_1628 : memref<1x128x128xf32, #tpu.memory_space<vmem>> -> memref<128x128xf32, #tpu.memory_space<vmem>>
    %dma_wait3A_1630 = arith.constant 0 : i32
    %dma_wait3A_1631 = tpu.memref_slice %arg6[%dma_wait3A_1623, %dma_wait3A_1630] : memref<16x128xi32, #tpu.memory_space<vmem>> -> memref<1x128xi32, #tpu.memory_space<vmem>>
    %dma_wait3A_1632 = tpu.memref_squeeze %dma_wait3A_1631 : memref<1x128xi32, #tpu.memory_space<vmem>> -> memref<128xi32, #tpu.memory_space<vmem>>
    %dma_wait3A_1633 = arith.constant 0 : i32
    %dma_wait3A_1634 = arith.constant 0 : i32
    %dma_wait3A_1635 = tpu.memref_slice %arg9[%dma_wait3A_1633, %dma_wait3A_1634] : memref<16x128xf32, #tpu.memory_space<vmem_shared>> -> memref<16x128xf32, #tpu.memory_space<vmem_shared>>
    %dma_wait3A_1636 = tpu.memref_slice %arg10[%dma_wait3A_1625] : memref<3x!tpu.dma_semaphore, #tpu.memory_space<semaphore_mem>> -> memref<1x!tpu.dma_semaphore, #tpu.memory_space<semaphore_mem>>
    %dma_wait3A_1637 = tpu.memref_squeeze %dma_wait3A_1636 : memref<1x!tpu.dma_semaphore, #tpu.memory_space<semaphore_mem>> -> memref<!tpu.dma_semaphore, #tpu.memory_space<semaphore_mem>>
    tpu.wait_indirect_dma semaphore(%dma_wait3A_1637 : memref<!tpu.dma_semaphore, #tpu.memory_space<semaphore_mem>>) src(%dma_wait3A_1635 : memref<16x128xf32, #tpu.memory_space<vmem_shared>>) dst(%dma_wait3A_1629 : memref<128x128xf32, #tpu.memory_space<vmem>>)
    %dma_wait3A_1638 = arith.constant 0 : i32
    %dma_wait3A_1639 = arith.constant 0 : i32
    %dma_wait3A_1640 = arith.constant 0 : i32
    %dma_wait3A_1641 = arith.constant 0 : i32
    %dma_wait3A_1642 = tpu.memref_slice %arg8[%dma_wait3A_1638, %dma_wait3A_1640, %dma_wait3A_1641] : memref<3x128x64xf32, #tpu.memory_space<vmem>> -> memref<1x128x64xf32, #tpu.memory_space<vmem>>
    %dma_wait3A_1643 = tpu.memref_squeeze %dma_wait3A_1642 : memref<1x128x64xf32, #tpu.memory_space<vmem>> -> memref<128x64xf32, #tpu.memory_space<vmem>>
    %dma_wait3A_1644 = arith.constant 0 : i32
    %dma_wait3A_1645 = tpu.memref_slice %arg4[%add3A_1622, %dma_wait3A_1644] : memref<65536x64xf32, #tpu.memory_space<hbm>> -> memref<128x64xf32, #tpu.memory_space<hbm>>
    %dma_wait3A_1646 = tpu.memref_slice %arg11[%dma_wait3A_1639] : memref<3x!tpu.dma_semaphore, #tpu.memory_space<semaphore_mem>> -> memref<1x!tpu.dma_semaphore, #tpu.memory_space<semaphore_mem>>
    %dma_wait3A_1647 = tpu.memref_squeeze %dma_wait3A_1646 : memref<1x!tpu.dma_semaphore, #tpu.memory_space<semaphore_mem>> -> memref<!tpu.dma_semaphore, #tpu.memory_space<semaphore_mem>>
    %dma_wait3A_1648 = arith.constant 0 : i32
    %dma_wait3A_1649 = arith.constant 0 : i32
    %dma_wait3A_1650 = tpu.memref_slice %arg8[%dma_wait3A_1638, %dma_wait3A_1648, %dma_wait3A_1649] : memref<3x128x64xf32, #tpu.memory_space<vmem>> -> memref<1x128x64xf32, #tpu.memory_space<vmem>>
    %dma_wait3A_1651 = tpu.memref_squeeze %dma_wait3A_1650 : memref<1x128x64xf32, #tpu.memory_space<vmem>> -> memref<128x64xf32, #tpu.memory_space<vmem>>
    %dma_wait3A_1652 = arith.constant 0 : i32
    %dma_wait3A_1653 = tpu.memref_slice %arg4[%add3A_1622, %dma_wait3A_1652] : memref<65536x64xf32, #tpu.memory_space<hbm>> -> memref<128x64xf32, #tpu.memory_space<hbm>>
    tpu.wait_dma2 semaphore(%dma_wait3A_1647 : memref<!tpu.dma_semaphore, #tpu.memory_space<semaphore_mem>>) src(%dma_wait3A_1653 : memref<128x64xf32, #tpu.memory_space<hbm>>) dst(%dma_wait3A_1651 : memref<128x64xf32, #tpu.memory_space<vmem>>)
    %dma_start3A_1654 = arith.constant 0 : i32
    %dma_start3A_1655 = arith.constant 0 : i32
    %dma_start3A_1656 = arith.constant 0 : i32
    %dma_start3A_1657 = arith.constant 0 : i32
    %dma_start3A_1658 = tpu.memref_slice %arg7[%dma_start3A_1654, %dma_start3A_1656, %dma_start3A_1657] : memref<3x128x128xf32, #tpu.memory_space<vmem>> -> memref<1x128x128xf32, #tpu.memory_space<vmem>>
    %dma_start3A_1659 = tpu.memref_squeeze %dma_start3A_1658 : memref<1x128x128xf32, #tpu.memory_space<vmem>> -> memref<128x128xf32, #tpu.memory_space<vmem>>
    %dma_start3A_1660 = arith.constant 0 : i32
    %dma_start3A_1661 = tpu.memref_slice %arg5[%add3A_1622, %dma_start3A_1660] : memref<65536x192xf32, #tpu.memory_space<hbm>> -> memref<128x128xf32, #tpu.memory_space<hbm>>
    %dma_start3A_1662 = tpu.memref_slice %arg12[%dma_start3A_1655] : memref<3x!tpu.dma_semaphore, #tpu.memory_space<semaphore_mem>> -> memref<1x!tpu.dma_semaphore, #tpu.memory_space<semaphore_mem>>
    %dma_start3A_1663 = tpu.memref_squeeze %dma_start3A_1662 : memref<1x!tpu.dma_semaphore, #tpu.memory_space<semaphore_mem>> -> memref<!tpu.dma_semaphore, #tpu.memory_space<semaphore_mem>>
    %dma_start3A_1664 = arith.constant 0 : i32
    %dma_start3A_1665 = tpu.memref_slice %arg5[%add3A_1622, %dma_start3A_1664] : memref<65536x192xf32, #tpu.memory_space<hbm>> -> memref<128x128xf32, #tpu.memory_space<hbm>>
    %dma_start3A_1666 = arith.constant 0 : i32
    %dma_start3A_1667 = arith.constant 0 : i32
    %dma_start3A_1668 = tpu.memref_slice %arg7[%dma_start3A_1654, %dma_start3A_1666, %dma_start3A_1667] : memref<3x128x128xf32, #tpu.memory_space<vmem>> -> memref<1x128x128xf32, #tpu.memory_space<vmem>>
    %dma_start3A_1669 = tpu.memref_squeeze %dma_start3A_1668 : memref<1x128x128xf32, #tpu.memory_space<vmem>> -> memref<128x128xf32, #tpu.memory_space<vmem>>
    tpu.enqueue_dma source(%dma_start3A_1669 : memref<128x128xf32, #tpu.memory_space<vmem>>) target(%dma_start3A_1665 : memref<128x128xf32, #tpu.memory_space<hbm>>) target_semaphore(%dma_start3A_1663 : memref<!tpu.dma_semaphore, #tpu.memory_space<semaphore_mem>>)
    %dma_start3A_1670 = arith.constant 0 : i32
    %dma_start3A_1671 = arith.constant 0 : i32
    %dma_start3A_1672 = arith.constant 0 : i32
    %dma_start3A_1673 = arith.constant 0 : i32
    %dma_start3A_1674 = tpu.memref_slice %arg8[%dma_start3A_1670, %dma_start3A_1672, %dma_start3A_1673] : memref<3x128x64xf32, #tpu.memory_space<vmem>> -> memref<1x128x64xf32, #tpu.memory_space<vmem>>
    %dma_start3A_1675 = tpu.memref_squeeze %dma_start3A_1674 : memref<1x128x64xf32, #tpu.memory_space<vmem>> -> memref<128x64xf32, #tpu.memory_space<vmem>>
    %dma_start3A_1676 = arith.constant 128 : i32
    %dma_start3A_1677 = tpu.memref_slice %arg5[%add3A_1622, %dma_start3A_1676] : memref<65536x192xf32, #tpu.memory_space<hbm>> -> memref<128x64xf32, #tpu.memory_space<hbm>>
    %dma_start3A_1678 = tpu.memref_slice %arg12[%dma_start3A_1671] : memref<3x!tpu.dma_semaphore, #tpu.memory_space<semaphore_mem>> -> memref<1x!tpu.dma_semaphore, #tpu.memory_space<semaphore_mem>>
    %dma_start3A_1679 = tpu.memref_squeeze %dma_start3A_1678 : memref<1x!tpu.dma_semaphore, #tpu.memory_space<semaphore_mem>> -> memref<!tpu.dma_semaphore, #tpu.memory_space<semaphore_mem>>
    %dma_start3A_1680 = arith.constant 128 : i32
    %dma_start3A_1681 = tpu.memref_slice %arg5[%add3A_1622, %dma_start3A_1680] : memref<65536x192xf32, #tpu.memory_space<hbm>> -> memref<128x64xf32, #tpu.memory_space<hbm>>
    %dma_start3A_1682 = arith.constant 0 : i32
    %dma_start3A_1683 = arith.constant 0 : i32
    %dma_start3A_1684 = tpu.memref_slice %arg8[%dma_start3A_1670, %dma_start3A_1682, %dma_start3A_1683] : memref<3x128x64xf32, #tpu.memory_space<vmem>> -> memref<1x128x64xf32, #tpu.memory_space<vmem>>
    %dma_start3A_1685 = tpu.memref_squeeze %dma_start3A_1684 : memref<1x128x64xf32, #tpu.memory_space<vmem>> -> memref<128x64xf32, #tpu.memory_space<vmem>>
    tpu.enqueue_dma source(%dma_start3A_1685 : memref<128x64xf32, #tpu.memory_space<vmem>>) target(%dma_start3A_1681 : memref<128x64xf32, #tpu.memory_space<hbm>>) target_semaphore(%dma_start3A_1679 : memref<!tpu.dma_semaphore, #tpu.memory_space<semaphore_mem>>)
    %add3A_1686 = arith.constant 1408 : i32
    %add3A_1687 = arith.addi %mul3A_2, %add3A_1686 : i32
    %dma_wait3A_1688 = arith.constant 2 : i32
    %dma_wait3A_1689 = arith.constant 2 : i32
    %dma_wait3A_1690 = arith.constant 0 : i32
    %dma_wait3A_1691 = arith.constant 0 : i32
    %dma_wait3A_1692 = tpu.memref_slice %arg7[%dma_wait3A_1688, %dma_wait3A_1690, %dma_wait3A_1691] : memref<3x128x128xf32, #tpu.memory_space<vmem>> -> memref<1x128x128xf32, #tpu.memory_space<vmem>>
    %dma_wait3A_1693 = tpu.memref_squeeze %dma_wait3A_1692 : memref<1x128x128xf32, #tpu.memory_space<vmem>> -> memref<128x128xf32, #tpu.memory_space<vmem>>
    %dma_wait3A_1694 = arith.constant 0 : i32
    %dma_wait3A_1695 = tpu.memref_slice %arg5[%add3A_1687, %dma_wait3A_1694] : memref<65536x192xf32, #tpu.memory_space<hbm>> -> memref<128x128xf32, #tpu.memory_space<hbm>>
    %dma_wait3A_1696 = tpu.memref_slice %arg12[%dma_wait3A_1689] : memref<3x!tpu.dma_semaphore, #tpu.memory_space<semaphore_mem>> -> memref<1x!tpu.dma_semaphore, #tpu.memory_space<semaphore_mem>>
    %dma_wait3A_1697 = tpu.memref_squeeze %dma_wait3A_1696 : memref<1x!tpu.dma_semaphore, #tpu.memory_space<semaphore_mem>> -> memref<!tpu.dma_semaphore, #tpu.memory_space<semaphore_mem>>
    %dma_wait3A_1698 = arith.constant 0 : i32
    %dma_wait3A_1699 = tpu.memref_slice %arg5[%add3A_1687, %dma_wait3A_1698] : memref<65536x192xf32, #tpu.memory_space<hbm>> -> memref<128x128xf32, #tpu.memory_space<hbm>>
    %dma_wait3A_1700 = arith.constant 0 : i32
    %dma_wait3A_1701 = arith.constant 0 : i32
    %dma_wait3A_1702 = tpu.memref_slice %arg7[%dma_wait3A_1688, %dma_wait3A_1700, %dma_wait3A_1701] : memref<3x128x128xf32, #tpu.memory_space<vmem>> -> memref<1x128x128xf32, #tpu.memory_space<vmem>>
    %dma_wait3A_1703 = tpu.memref_squeeze %dma_wait3A_1702 : memref<1x128x128xf32, #tpu.memory_space<vmem>> -> memref<128x128xf32, #tpu.memory_space<vmem>>
    tpu.wait_dma2 semaphore(%dma_wait3A_1697 : memref<!tpu.dma_semaphore, #tpu.memory_space<semaphore_mem>>) src(%dma_wait3A_1703 : memref<128x128xf32, #tpu.memory_space<vmem>>) dst(%dma_wait3A_1699 : memref<128x128xf32, #tpu.memory_space<hbm>>)
    %dma_wait3A_1704 = arith.constant 2 : i32
    %dma_wait3A_1705 = arith.constant 2 : i32
    %dma_wait3A_1706 = arith.constant 0 : i32
    %dma_wait3A_1707 = arith.constant 0 : i32
    %dma_wait3A_1708 = tpu.memref_slice %arg8[%dma_wait3A_1704, %dma_wait3A_1706, %dma_wait3A_1707] : memref<3x128x64xf32, #tpu.memory_space<vmem>> -> memref<1x128x64xf32, #tpu.memory_space<vmem>>
    %dma_wait3A_1709 = tpu.memref_squeeze %dma_wait3A_1708 : memref<1x128x64xf32, #tpu.memory_space<vmem>> -> memref<128x64xf32, #tpu.memory_space<vmem>>
    %dma_wait3A_1710 = arith.constant 128 : i32
    %dma_wait3A_1711 = tpu.memref_slice %arg5[%add3A_1687, %dma_wait3A_1710] : memref<65536x192xf32, #tpu.memory_space<hbm>> -> memref<128x64xf32, #tpu.memory_space<hbm>>
    %dma_wait3A_1712 = tpu.memref_slice %arg12[%dma_wait3A_1705] : memref<3x!tpu.dma_semaphore, #tpu.memory_space<semaphore_mem>> -> memref<1x!tpu.dma_semaphore, #tpu.memory_space<semaphore_mem>>
    %dma_wait3A_1713 = tpu.memref_squeeze %dma_wait3A_1712 : memref<1x!tpu.dma_semaphore, #tpu.memory_space<semaphore_mem>> -> memref<!tpu.dma_semaphore, #tpu.memory_space<semaphore_mem>>
    %dma_wait3A_1714 = arith.constant 128 : i32
    %dma_wait3A_1715 = tpu.memref_slice %arg5[%add3A_1687, %dma_wait3A_1714] : memref<65536x192xf32, #tpu.memory_space<hbm>> -> memref<128x64xf32, #tpu.memory_space<hbm>>
    %dma_wait3A_1716 = arith.constant 0 : i32
    %dma_wait3A_1717 = arith.constant 0 : i32
    %dma_wait3A_1718 = tpu.memref_slice %arg8[%dma_wait3A_1704, %dma_wait3A_1716, %dma_wait3A_1717] : memref<3x128x64xf32, #tpu.memory_space<vmem>> -> memref<1x128x64xf32, #tpu.memory_space<vmem>>
    %dma_wait3A_1719 = tpu.memref_squeeze %dma_wait3A_1718 : memref<1x128x64xf32, #tpu.memory_space<vmem>> -> memref<128x64xf32, #tpu.memory_space<vmem>>
    tpu.wait_dma2 semaphore(%dma_wait3A_1713 : memref<!tpu.dma_semaphore, #tpu.memory_space<semaphore_mem>>) src(%dma_wait3A_1719 : memref<128x64xf32, #tpu.memory_space<vmem>>) dst(%dma_wait3A_1715 : memref<128x64xf32, #tpu.memory_space<hbm>>)
    %add3A_1720 = arith.constant 1792 : i32
    %add3A_1721 = arith.addi %mul3A_2, %add3A_1720 : i32
    %dma_start3A_1722 = arith.constant 14 : i32
    %dma_start3A_1723 = arith.constant 2 : i32
    %dma_start3A_1724 = arith.constant 2 : i32
    %dma_start3A_1725 = arith.constant 0 : i32
    %dma_start3A_1726 = arith.constant 0 : i32
    %dma_start3A_1727 = tpu.memref_slice %arg7[%dma_start3A_1723, %dma_start3A_1725, %dma_start3A_1726] : memref<3x128x128xf32, #tpu.memory_space<vmem>> -> memref<1x128x128xf32, #tpu.memory_space<vmem>>
    %dma_start3A_1728 = tpu.memref_squeeze %dma_start3A_1727 : memref<1x128x128xf32, #tpu.memory_space<vmem>> -> memref<128x128xf32, #tpu.memory_space<vmem>>
    %dma_start3A_1729 = arith.constant 0 : i32
    %dma_start3A_1730 = tpu.memref_slice %arg6[%dma_start3A_1722, %dma_start3A_1729] : memref<16x128xi32, #tpu.memory_space<vmem>> -> memref<1x128xi32, #tpu.memory_space<vmem>>
    %dma_start3A_1731 = tpu.memref_squeeze %dma_start3A_1730 : memref<1x128xi32, #tpu.memory_space<vmem>> -> memref<128xi32, #tpu.memory_space<vmem>>
    %dma_start3A_1732 = arith.constant 0 : i32
    %dma_start3A_1733 = arith.constant 0 : i32
    %dma_start3A_1734 = tpu.memref_slice %arg9[%dma_start3A_1732, %dma_start3A_1733] : memref<16x128xf32, #tpu.memory_space<vmem_shared>> -> memref<16x128xf32, #tpu.memory_space<vmem_shared>>
    %dma_start3A_1735 = tpu.memref_slice %arg10[%dma_start3A_1724] : memref<3x!tpu.dma_semaphore, #tpu.memory_space<semaphore_mem>> -> memref<1x!tpu.dma_semaphore, #tpu.memory_space<semaphore_mem>>
    %dma_start3A_1736 = tpu.memref_squeeze %dma_start3A_1735 : memref<1x!tpu.dma_semaphore, #tpu.memory_space<semaphore_mem>> -> memref<!tpu.dma_semaphore, #tpu.memory_space<semaphore_mem>>
    tpu.enqueue_indirect_dma source(%dma_start3A_1734 : memref<16x128xf32, #tpu.memory_space<vmem_shared>>) target(%dma_start3A_1728 : memref<128x128xf32, #tpu.memory_space<vmem>>) offsets(%dma_start3A_1731 : memref<128xi32, #tpu.memory_space<vmem>>) semaphore(%dma_start3A_1736 : memref<!tpu.dma_semaphore, #tpu.memory_space<semaphore_mem>>)
    %dma_start3A_1737 = arith.constant 2 : i32
    %dma_start3A_1738 = arith.constant 2 : i32
    %dma_start3A_1739 = arith.constant 0 : i32
    %dma_start3A_1740 = arith.constant 0 : i32
    %dma_start3A_1741 = tpu.memref_slice %arg8[%dma_start3A_1737, %dma_start3A_1739, %dma_start3A_1740] : memref<3x128x64xf32, #tpu.memory_space<vmem>> -> memref<1x128x64xf32, #tpu.memory_space<vmem>>
    %dma_start3A_1742 = tpu.memref_squeeze %dma_start3A_1741 : memref<1x128x64xf32, #tpu.memory_space<vmem>> -> memref<128x64xf32, #tpu.memory_space<vmem>>
    %dma_start3A_1743 = arith.constant 0 : i32
    %dma_start3A_1744 = tpu.memref_slice %arg4[%add3A_1721, %dma_start3A_1743] : memref<65536x64xf32, #tpu.memory_space<hbm>> -> memref<128x64xf32, #tpu.memory_space<hbm>>
    %dma_start3A_1745 = tpu.memref_slice %arg11[%dma_start3A_1738] : memref<3x!tpu.dma_semaphore, #tpu.memory_space<semaphore_mem>> -> memref<1x!tpu.dma_semaphore, #tpu.memory_space<semaphore_mem>>
    %dma_start3A_1746 = tpu.memref_squeeze %dma_start3A_1745 : memref<1x!tpu.dma_semaphore, #tpu.memory_space<semaphore_mem>> -> memref<!tpu.dma_semaphore, #tpu.memory_space<semaphore_mem>>
    %dma_start3A_1747 = arith.constant 0 : i32
    %dma_start3A_1748 = arith.constant 0 : i32
    %dma_start3A_1749 = tpu.memref_slice %arg8[%dma_start3A_1737, %dma_start3A_1747, %dma_start3A_1748] : memref<3x128x64xf32, #tpu.memory_space<vmem>> -> memref<1x128x64xf32, #tpu.memory_space<vmem>>
    %dma_start3A_1750 = tpu.memref_squeeze %dma_start3A_1749 : memref<1x128x64xf32, #tpu.memory_space<vmem>> -> memref<128x64xf32, #tpu.memory_space<vmem>>
    %dma_start3A_1751 = arith.constant 0 : i32
    %dma_start3A_1752 = tpu.memref_slice %arg4[%add3A_1721, %dma_start3A_1751] : memref<65536x64xf32, #tpu.memory_space<hbm>> -> memref<128x64xf32, #tpu.memory_space<hbm>>
    tpu.enqueue_dma source(%dma_start3A_1752 : memref<128x64xf32, #tpu.memory_space<hbm>>) target(%dma_start3A_1750 : memref<128x64xf32, #tpu.memory_space<vmem>>) target_semaphore(%dma_start3A_1746 : memref<!tpu.dma_semaphore, #tpu.memory_space<semaphore_mem>>)
    %add3A_1753 = arith.constant 1664 : i32
    %add3A_1754 = arith.addi %mul3A_2, %add3A_1753 : i32
    %dma_wait3A_1755 = arith.constant 13 : i32
    %dma_wait3A_1756 = arith.constant 1 : i32
    %dma_wait3A_1757 = arith.constant 1 : i32
    %dma_wait3A_1758 = arith.constant 0 : i32
    %dma_wait3A_1759 = arith.constant 0 : i32
    %dma_wait3A_1760 = tpu.memref_slice %arg7[%dma_wait3A_1756, %dma_wait3A_1758, %dma_wait3A_1759] : memref<3x128x128xf32, #tpu.memory_space<vmem>> -> memref<1x128x128xf32, #tpu.memory_space<vmem>>
    %dma_wait3A_1761 = tpu.memref_squeeze %dma_wait3A_1760 : memref<1x128x128xf32, #tpu.memory_space<vmem>> -> memref<128x128xf32, #tpu.memory_space<vmem>>
    %dma_wait3A_1762 = arith.constant 0 : i32
    %dma_wait3A_1763 = tpu.memref_slice %arg6[%dma_wait3A_1755, %dma_wait3A_1762] : memref<16x128xi32, #tpu.memory_space<vmem>> -> memref<1x128xi32, #tpu.memory_space<vmem>>
    %dma_wait3A_1764 = tpu.memref_squeeze %dma_wait3A_1763 : memref<1x128xi32, #tpu.memory_space<vmem>> -> memref<128xi32, #tpu.memory_space<vmem>>
    %dma_wait3A_1765 = arith.constant 0 : i32
    %dma_wait3A_1766 = arith.constant 0 : i32
    %dma_wait3A_1767 = tpu.memref_slice %arg9[%dma_wait3A_1765, %dma_wait3A_1766] : memref<16x128xf32, #tpu.memory_space<vmem_shared>> -> memref<16x128xf32, #tpu.memory_space<vmem_shared>>
    %dma_wait3A_1768 = tpu.memref_slice %arg10[%dma_wait3A_1757] : memref<3x!tpu.dma_semaphore, #tpu.memory_space<semaphore_mem>> -> memref<1x!tpu.dma_semaphore, #tpu.memory_space<semaphore_mem>>
    %dma_wait3A_1769 = tpu.memref_squeeze %dma_wait3A_1768 : memref<1x!tpu.dma_semaphore, #tpu.memory_space<semaphore_mem>> -> memref<!tpu.dma_semaphore, #tpu.memory_space<semaphore_mem>>
    tpu.wait_indirect_dma semaphore(%dma_wait3A_1769 : memref<!tpu.dma_semaphore, #tpu.memory_space<semaphore_mem>>) src(%dma_wait3A_1767 : memref<16x128xf32, #tpu.memory_space<vmem_shared>>) dst(%dma_wait3A_1761 : memref<128x128xf32, #tpu.memory_space<vmem>>)
    %dma_wait3A_1770 = arith.constant 1 : i32
    %dma_wait3A_1771 = arith.constant 1 : i32
    %dma_wait3A_1772 = arith.constant 0 : i32
    %dma_wait3A_1773 = arith.constant 0 : i32
    %dma_wait3A_1774 = tpu.memref_slice %arg8[%dma_wait3A_1770, %dma_wait3A_1772, %dma_wait3A_1773] : memref<3x128x64xf32, #tpu.memory_space<vmem>> -> memref<1x128x64xf32, #tpu.memory_space<vmem>>
    %dma_wait3A_1775 = tpu.memref_squeeze %dma_wait3A_1774 : memref<1x128x64xf32, #tpu.memory_space<vmem>> -> memref<128x64xf32, #tpu.memory_space<vmem>>
    %dma_wait3A_1776 = arith.constant 0 : i32
    %dma_wait3A_1777 = tpu.memref_slice %arg4[%add3A_1754, %dma_wait3A_1776] : memref<65536x64xf32, #tpu.memory_space<hbm>> -> memref<128x64xf32, #tpu.memory_space<hbm>>
    %dma_wait3A_1778 = tpu.memref_slice %arg11[%dma_wait3A_1771] : memref<3x!tpu.dma_semaphore, #tpu.memory_space<semaphore_mem>> -> memref<1x!tpu.dma_semaphore, #tpu.memory_space<semaphore_mem>>
    %dma_wait3A_1779 = tpu.memref_squeeze %dma_wait3A_1778 : memref<1x!tpu.dma_semaphore, #tpu.memory_space<semaphore_mem>> -> memref<!tpu.dma_semaphore, #tpu.memory_space<semaphore_mem>>
    %dma_wait3A_1780 = arith.constant 0 : i32
    %dma_wait3A_1781 = arith.constant 0 : i32
    %dma_wait3A_1782 = tpu.memref_slice %arg8[%dma_wait3A_1770, %dma_wait3A_1780, %dma_wait3A_1781] : memref<3x128x64xf32, #tpu.memory_space<vmem>> -> memref<1x128x64xf32, #tpu.memory_space<vmem>>
    %dma_wait3A_1783 = tpu.memref_squeeze %dma_wait3A_1782 : memref<1x128x64xf32, #tpu.memory_space<vmem>> -> memref<128x64xf32, #tpu.memory_space<vmem>>
    %dma_wait3A_1784 = arith.constant 0 : i32
    %dma_wait3A_1785 = tpu.memref_slice %arg4[%add3A_1754, %dma_wait3A_1784] : memref<65536x64xf32, #tpu.memory_space<hbm>> -> memref<128x64xf32, #tpu.memory_space<hbm>>
    tpu.wait_dma2 semaphore(%dma_wait3A_1779 : memref<!tpu.dma_semaphore, #tpu.memory_space<semaphore_mem>>) src(%dma_wait3A_1785 : memref<128x64xf32, #tpu.memory_space<hbm>>) dst(%dma_wait3A_1783 : memref<128x64xf32, #tpu.memory_space<vmem>>)
    %dma_start3A_1786 = arith.constant 1 : i32
    %dma_start3A_1787 = arith.constant 1 : i32
    %dma_start3A_1788 = arith.constant 0 : i32
    %dma_start3A_1789 = arith.constant 0 : i32
    %dma_start3A_1790 = tpu.memref_slice %arg7[%dma_start3A_1786, %dma_start3A_1788, %dma_start3A_1789] : memref<3x128x128xf32, #tpu.memory_space<vmem>> -> memref<1x128x128xf32, #tpu.memory_space<vmem>>
    %dma_start3A_1791 = tpu.memref_squeeze %dma_start3A_1790 : memref<1x128x128xf32, #tpu.memory_space<vmem>> -> memref<128x128xf32, #tpu.memory_space<vmem>>
    %dma_start3A_1792 = arith.constant 0 : i32
    %dma_start3A_1793 = tpu.memref_slice %arg5[%add3A_1754, %dma_start3A_1792] : memref<65536x192xf32, #tpu.memory_space<hbm>> -> memref<128x128xf32, #tpu.memory_space<hbm>>
    %dma_start3A_1794 = tpu.memref_slice %arg12[%dma_start3A_1787] : memref<3x!tpu.dma_semaphore, #tpu.memory_space<semaphore_mem>> -> memref<1x!tpu.dma_semaphore, #tpu.memory_space<semaphore_mem>>
    %dma_start3A_1795 = tpu.memref_squeeze %dma_start3A_1794 : memref<1x!tpu.dma_semaphore, #tpu.memory_space<semaphore_mem>> -> memref<!tpu.dma_semaphore, #tpu.memory_space<semaphore_mem>>
    %dma_start3A_1796 = arith.constant 0 : i32
    %dma_start3A_1797 = tpu.memref_slice %arg5[%add3A_1754, %dma_start3A_1796] : memref<65536x192xf32, #tpu.memory_space<hbm>> -> memref<128x128xf32, #tpu.memory_space<hbm>>
    %dma_start3A_1798 = arith.constant 0 : i32
    %dma_start3A_1799 = arith.constant 0 : i32
    %dma_start3A_1800 = tpu.memref_slice %arg7[%dma_start3A_1786, %dma_start3A_1798, %dma_start3A_1799] : memref<3x128x128xf32, #tpu.memory_space<vmem>> -> memref<1x128x128xf32, #tpu.memory_space<vmem>>
    %dma_start3A_1801 = tpu.memref_squeeze %dma_start3A_1800 : memref<1x128x128xf32, #tpu.memory_space<vmem>> -> memref<128x128xf32, #tpu.memory_space<vmem>>
    tpu.enqueue_dma source(%dma_start3A_1801 : memref<128x128xf32, #tpu.memory_space<vmem>>) target(%dma_start3A_1797 : memref<128x128xf32, #tpu.memory_space<hbm>>) target_semaphore(%dma_start3A_1795 : memref<!tpu.dma_semaphore, #tpu.memory_space<semaphore_mem>>)
    %dma_start3A_1802 = arith.constant 1 : i32
    %dma_start3A_1803 = arith.constant 1 : i32
    %dma_start3A_1804 = arith.constant 0 : i32
    %dma_start3A_1805 = arith.constant 0 : i32
    %dma_start3A_1806 = tpu.memref_slice %arg8[%dma_start3A_1802, %dma_start3A_1804, %dma_start3A_1805] : memref<3x128x64xf32, #tpu.memory_space<vmem>> -> memref<1x128x64xf32, #tpu.memory_space<vmem>>
    %dma_start3A_1807 = tpu.memref_squeeze %dma_start3A_1806 : memref<1x128x64xf32, #tpu.memory_space<vmem>> -> memref<128x64xf32, #tpu.memory_space<vmem>>
    %dma_start3A_1808 = arith.constant 128 : i32
    %dma_start3A_1809 = tpu.memref_slice %arg5[%add3A_1754, %dma_start3A_1808] : memref<65536x192xf32, #tpu.memory_space<hbm>> -> memref<128x64xf32, #tpu.memory_space<hbm>>
    %dma_start3A_1810 = tpu.memref_slice %arg12[%dma_start3A_1803] : memref<3x!tpu.dma_semaphore, #tpu.memory_space<semaphore_mem>> -> memref<1x!tpu.dma_semaphore, #tpu.memory_space<semaphore_mem>>
    %dma_start3A_1811 = tpu.memref_squeeze %dma_start3A_1810 : memref<1x!tpu.dma_semaphore, #tpu.memory_space<semaphore_mem>> -> memref<!tpu.dma_semaphore, #tpu.memory_space<semaphore_mem>>
    %dma_start3A_1812 = arith.constant 128 : i32
    %dma_start3A_1813 = tpu.memref_slice %arg5[%add3A_1754, %dma_start3A_1812] : memref<65536x192xf32, #tpu.memory_space<hbm>> -> memref<128x64xf32, #tpu.memory_space<hbm>>
    %dma_start3A_1814 = arith.constant 0 : i32
    %dma_start3A_1815 = arith.constant 0 : i32
    %dma_start3A_1816 = tpu.memref_slice %arg8[%dma_start3A_1802, %dma_start3A_1814, %dma_start3A_1815] : memref<3x128x64xf32, #tpu.memory_space<vmem>> -> memref<1x128x64xf32, #tpu.memory_space<vmem>>
    %dma_start3A_1817 = tpu.memref_squeeze %dma_start3A_1816 : memref<1x128x64xf32, #tpu.memory_space<vmem>> -> memref<128x64xf32, #tpu.memory_space<vmem>>
    tpu.enqueue_dma source(%dma_start3A_1817 : memref<128x64xf32, #tpu.memory_space<vmem>>) target(%dma_start3A_1813 : memref<128x64xf32, #tpu.memory_space<hbm>>) target_semaphore(%dma_start3A_1811 : memref<!tpu.dma_semaphore, #tpu.memory_space<semaphore_mem>>)
    %add3A_1818 = arith.constant 1536 : i32
    %add3A_1819 = arith.addi %mul3A_2, %add3A_1818 : i32
    %dma_wait3A_1820 = arith.constant 0 : i32
    %dma_wait3A_1821 = arith.constant 0 : i32
    %dma_wait3A_1822 = arith.constant 0 : i32
    %dma_wait3A_1823 = arith.constant 0 : i32
    %dma_wait3A_1824 = tpu.memref_slice %arg7[%dma_wait3A_1820, %dma_wait3A_1822, %dma_wait3A_1823] : memref<3x128x128xf32, #tpu.memory_space<vmem>> -> memref<1x128x128xf32, #tpu.memory_space<vmem>>
    %dma_wait3A_1825 = tpu.memref_squeeze %dma_wait3A_1824 : memref<1x128x128xf32, #tpu.memory_space<vmem>> -> memref<128x128xf32, #tpu.memory_space<vmem>>
    %dma_wait3A_1826 = arith.constant 0 : i32
    %dma_wait3A_1827 = tpu.memref_slice %arg5[%add3A_1819, %dma_wait3A_1826] : memref<65536x192xf32, #tpu.memory_space<hbm>> -> memref<128x128xf32, #tpu.memory_space<hbm>>
    %dma_wait3A_1828 = tpu.memref_slice %arg12[%dma_wait3A_1821] : memref<3x!tpu.dma_semaphore, #tpu.memory_space<semaphore_mem>> -> memref<1x!tpu.dma_semaphore, #tpu.memory_space<semaphore_mem>>
    %dma_wait3A_1829 = tpu.memref_squeeze %dma_wait3A_1828 : memref<1x!tpu.dma_semaphore, #tpu.memory_space<semaphore_mem>> -> memref<!tpu.dma_semaphore, #tpu.memory_space<semaphore_mem>>
    %dma_wait3A_1830 = arith.constant 0 : i32
    %dma_wait3A_1831 = tpu.memref_slice %arg5[%add3A_1819, %dma_wait3A_1830] : memref<65536x192xf32, #tpu.memory_space<hbm>> -> memref<128x128xf32, #tpu.memory_space<hbm>>
    %dma_wait3A_1832 = arith.constant 0 : i32
    %dma_wait3A_1833 = arith.constant 0 : i32
    %dma_wait3A_1834 = tpu.memref_slice %arg7[%dma_wait3A_1820, %dma_wait3A_1832, %dma_wait3A_1833] : memref<3x128x128xf32, #tpu.memory_space<vmem>> -> memref<1x128x128xf32, #tpu.memory_space<vmem>>
    %dma_wait3A_1835 = tpu.memref_squeeze %dma_wait3A_1834 : memref<1x128x128xf32, #tpu.memory_space<vmem>> -> memref<128x128xf32, #tpu.memory_space<vmem>>
    tpu.wait_dma2 semaphore(%dma_wait3A_1829 : memref<!tpu.dma_semaphore, #tpu.memory_space<semaphore_mem>>) src(%dma_wait3A_1835 : memref<128x128xf32, #tpu.memory_space<vmem>>) dst(%dma_wait3A_1831 : memref<128x128xf32, #tpu.memory_space<hbm>>)
    %dma_wait3A_1836 = arith.constant 0 : i32
    %dma_wait3A_1837 = arith.constant 0 : i32
    %dma_wait3A_1838 = arith.constant 0 : i32
    %dma_wait3A_1839 = arith.constant 0 : i32
    %dma_wait3A_1840 = tpu.memref_slice %arg8[%dma_wait3A_1836, %dma_wait3A_1838, %dma_wait3A_1839] : memref<3x128x64xf32, #tpu.memory_space<vmem>> -> memref<1x128x64xf32, #tpu.memory_space<vmem>>
    %dma_wait3A_1841 = tpu.memref_squeeze %dma_wait3A_1840 : memref<1x128x64xf32, #tpu.memory_space<vmem>> -> memref<128x64xf32, #tpu.memory_space<vmem>>
    %dma_wait3A_1842 = arith.constant 128 : i32
    %dma_wait3A_1843 = tpu.memref_slice %arg5[%add3A_1819, %dma_wait3A_1842] : memref<65536x192xf32, #tpu.memory_space<hbm>> -> memref<128x64xf32, #tpu.memory_space<hbm>>
    %dma_wait3A_1844 = tpu.memref_slice %arg12[%dma_wait3A_1837] : memref<3x!tpu.dma_semaphore, #tpu.memory_space<semaphore_mem>> -> memref<1x!tpu.dma_semaphore, #tpu.memory_space<semaphore_mem>>
    %dma_wait3A_1845 = tpu.memref_squeeze %dma_wait3A_1844 : memref<1x!tpu.dma_semaphore, #tpu.memory_space<semaphore_mem>> -> memref<!tpu.dma_semaphore, #tpu.memory_space<semaphore_mem>>
    %dma_wait3A_1846 = arith.constant 128 : i32
    %dma_wait3A_1847 = tpu.memref_slice %arg5[%add3A_1819, %dma_wait3A_1846] : memref<65536x192xf32, #tpu.memory_space<hbm>> -> memref<128x64xf32, #tpu.memory_space<hbm>>
    %dma_wait3A_1848 = arith.constant 0 : i32
    %dma_wait3A_1849 = arith.constant 0 : i32
    %dma_wait3A_1850 = tpu.memref_slice %arg8[%dma_wait3A_1836, %dma_wait3A_1848, %dma_wait3A_1849] : memref<3x128x64xf32, #tpu.memory_space<vmem>> -> memref<1x128x64xf32, #tpu.memory_space<vmem>>
    %dma_wait3A_1851 = tpu.memref_squeeze %dma_wait3A_1850 : memref<1x128x64xf32, #tpu.memory_space<vmem>> -> memref<128x64xf32, #tpu.memory_space<vmem>>
    tpu.wait_dma2 semaphore(%dma_wait3A_1845 : memref<!tpu.dma_semaphore, #tpu.memory_space<semaphore_mem>>) src(%dma_wait3A_1851 : memref<128x64xf32, #tpu.memory_space<vmem>>) dst(%dma_wait3A_1847 : memref<128x64xf32, #tpu.memory_space<hbm>>)
    %add3A_1852 = arith.constant 1920 : i32
    %add3A_1853 = arith.addi %mul3A_2, %add3A_1852 : i32
    %dma_start3A_1854 = arith.constant 15 : i32
    %dma_start3A_1855 = arith.constant 0 : i32
    %dma_start3A_1856 = arith.constant 0 : i32
    %dma_start3A_1857 = arith.constant 0 : i32
    %dma_start3A_1858 = arith.constant 0 : i32
    %dma_start3A_1859 = tpu.memref_slice %arg7[%dma_start3A_1855, %dma_start3A_1857, %dma_start3A_1858] : memref<3x128x128xf32, #tpu.memory_space<vmem>> -> memref<1x128x128xf32, #tpu.memory_space<vmem>>
    %dma_start3A_1860 = tpu.memref_squeeze %dma_start3A_1859 : memref<1x128x128xf32, #tpu.memory_space<vmem>> -> memref<128x128xf32, #tpu.memory_space<vmem>>
    %dma_start3A_1861 = arith.constant 0 : i32
    %dma_start3A_1862 = tpu.memref_slice %arg6[%dma_start3A_1854, %dma_start3A_1861] : memref<16x128xi32, #tpu.memory_space<vmem>> -> memref<1x128xi32, #tpu.memory_space<vmem>>
    %dma_start3A_1863 = tpu.memref_squeeze %dma_start3A_1862 : memref<1x128xi32, #tpu.memory_space<vmem>> -> memref<128xi32, #tpu.memory_space<vmem>>
    %dma_start3A_1864 = arith.constant 0 : i32
    %dma_start3A_1865 = arith.constant 0 : i32
    %dma_start3A_1866 = tpu.memref_slice %arg9[%dma_start3A_1864, %dma_start3A_1865] : memref<16x128xf32, #tpu.memory_space<vmem_shared>> -> memref<16x128xf32, #tpu.memory_space<vmem_shared>>
    %dma_start3A_1867 = tpu.memref_slice %arg10[%dma_start3A_1856] : memref<3x!tpu.dma_semaphore, #tpu.memory_space<semaphore_mem>> -> memref<1x!tpu.dma_semaphore, #tpu.memory_space<semaphore_mem>>
    %dma_start3A_1868 = tpu.memref_squeeze %dma_start3A_1867 : memref<1x!tpu.dma_semaphore, #tpu.memory_space<semaphore_mem>> -> memref<!tpu.dma_semaphore, #tpu.memory_space<semaphore_mem>>
    tpu.enqueue_indirect_dma source(%dma_start3A_1866 : memref<16x128xf32, #tpu.memory_space<vmem_shared>>) target(%dma_start3A_1860 : memref<128x128xf32, #tpu.memory_space<vmem>>) offsets(%dma_start3A_1863 : memref<128xi32, #tpu.memory_space<vmem>>) semaphore(%dma_start3A_1868 : memref<!tpu.dma_semaphore, #tpu.memory_space<semaphore_mem>>)
    %dma_start3A_1869 = arith.constant 0 : i32
    %dma_start3A_1870 = arith.constant 0 : i32
    %dma_start3A_1871 = arith.constant 0 : i32
    %dma_start3A_1872 = arith.constant 0 : i32
    %dma_start3A_1873 = tpu.memref_slice %arg8[%dma_start3A_1869, %dma_start3A_1871, %dma_start3A_1872] : memref<3x128x64xf32, #tpu.memory_space<vmem>> -> memref<1x128x64xf32, #tpu.memory_space<vmem>>
    %dma_start3A_1874 = tpu.memref_squeeze %dma_start3A_1873 : memref<1x128x64xf32, #tpu.memory_space<vmem>> -> memref<128x64xf32, #tpu.memory_space<vmem>>
    %dma_start3A_1875 = arith.constant 0 : i32
    %dma_start3A_1876 = tpu.memref_slice %arg4[%add3A_1853, %dma_start3A_1875] : memref<65536x64xf32, #tpu.memory_space<hbm>> -> memref<128x64xf32, #tpu.memory_space<hbm>>
    %dma_start3A_1877 = tpu.memref_slice %arg11[%dma_start3A_1870] : memref<3x!tpu.dma_semaphore, #tpu.memory_space<semaphore_mem>> -> memref<1x!tpu.dma_semaphore, #tpu.memory_space<semaphore_mem>>
    %dma_start3A_1878 = tpu.memref_squeeze %dma_start3A_1877 : memref<1x!tpu.dma_semaphore, #tpu.memory_space<semaphore_mem>> -> memref<!tpu.dma_semaphore, #tpu.memory_space<semaphore_mem>>
    %dma_start3A_1879 = arith.constant 0 : i32
    %dma_start3A_1880 = arith.constant 0 : i32
    %dma_start3A_1881 = tpu.memref_slice %arg8[%dma_start3A_1869, %dma_start3A_1879, %dma_start3A_1880] : memref<3x128x64xf32, #tpu.memory_space<vmem>> -> memref<1x128x64xf32, #tpu.memory_space<vmem>>
    %dma_start3A_1882 = tpu.memref_squeeze %dma_start3A_1881 : memref<1x128x64xf32, #tpu.memory_space<vmem>> -> memref<128x64xf32, #tpu.memory_space<vmem>>
    %dma_start3A_1883 = arith.constant 0 : i32
    %dma_start3A_1884 = tpu.memref_slice %arg4[%add3A_1853, %dma_start3A_1883] : memref<65536x64xf32, #tpu.memory_space<hbm>> -> memref<128x64xf32, #tpu.memory_space<hbm>>
    tpu.enqueue_dma source(%dma_start3A_1884 : memref<128x64xf32, #tpu.memory_space<hbm>>) target(%dma_start3A_1882 : memref<128x64xf32, #tpu.memory_space<vmem>>) target_semaphore(%dma_start3A_1878 : memref<!tpu.dma_semaphore, #tpu.memory_space<semaphore_mem>>)
    %add3A_1885 = arith.constant 1792 : i32
    %add3A_1886 = arith.addi %mul3A_2, %add3A_1885 : i32
    %dma_wait3A_1887 = arith.constant 14 : i32
    %dma_wait3A_1888 = arith.constant 2 : i32
    %dma_wait3A_1889 = arith.constant 2 : i32
    %dma_wait3A_1890 = arith.constant 0 : i32
    %dma_wait3A_1891 = arith.constant 0 : i32
    %dma_wait3A_1892 = tpu.memref_slice %arg7[%dma_wait3A_1888, %dma_wait3A_1890, %dma_wait3A_1891] : memref<3x128x128xf32, #tpu.memory_space<vmem>> -> memref<1x128x128xf32, #tpu.memory_space<vmem>>
    %dma_wait3A_1893 = tpu.memref_squeeze %dma_wait3A_1892 : memref<1x128x128xf32, #tpu.memory_space<vmem>> -> memref<128x128xf32, #tpu.memory_space<vmem>>
    %dma_wait3A_1894 = arith.constant 0 : i32
    %dma_wait3A_1895 = tpu.memref_slice %arg6[%dma_wait3A_1887, %dma_wait3A_1894] : memref<16x128xi32, #tpu.memory_space<vmem>> -> memref<1x128xi32, #tpu.memory_space<vmem>>
    %dma_wait3A_1896 = tpu.memref_squeeze %dma_wait3A_1895 : memref<1x128xi32, #tpu.memory_space<vmem>> -> memref<128xi32, #tpu.memory_space<vmem>>
    %dma_wait3A_1897 = arith.constant 0 : i32
    %dma_wait3A_1898 = arith.constant 0 : i32
    %dma_wait3A_1899 = tpu.memref_slice %arg9[%dma_wait3A_1897, %dma_wait3A_1898] : memref<16x128xf32, #tpu.memory_space<vmem_shared>> -> memref<16x128xf32, #tpu.memory_space<vmem_shared>>
    %dma_wait3A_1900 = tpu.memref_slice %arg10[%dma_wait3A_1889] : memref<3x!tpu.dma_semaphore, #tpu.memory_space<semaphore_mem>> -> memref<1x!tpu.dma_semaphore, #tpu.memory_space<semaphore_mem>>
    %dma_wait3A_1901 = tpu.memref_squeeze %dma_wait3A_1900 : memref<1x!tpu.dma_semaphore, #tpu.memory_space<semaphore_mem>> -> memref<!tpu.dma_semaphore, #tpu.memory_space<semaphore_mem>>
    tpu.wait_indirect_dma semaphore(%dma_wait3A_1901 : memref<!tpu.dma_semaphore, #tpu.memory_space<semaphore_mem>>) src(%dma_wait3A_1899 : memref<16x128xf32, #tpu.memory_space<vmem_shared>>) dst(%dma_wait3A_1893 : memref<128x128xf32, #tpu.memory_space<vmem>>)
    %dma_wait3A_1902 = arith.constant 2 : i32
    %dma_wait3A_1903 = arith.constant 2 : i32
    %dma_wait3A_1904 = arith.constant 0 : i32
    %dma_wait3A_1905 = arith.constant 0 : i32
    %dma_wait3A_1906 = tpu.memref_slice %arg8[%dma_wait3A_1902, %dma_wait3A_1904, %dma_wait3A_1905] : memref<3x128x64xf32, #tpu.memory_space<vmem>> -> memref<1x128x64xf32, #tpu.memory_space<vmem>>
    %dma_wait3A_1907 = tpu.memref_squeeze %dma_wait3A_1906 : memref<1x128x64xf32, #tpu.memory_space<vmem>> -> memref<128x64xf32, #tpu.memory_space<vmem>>
    %dma_wait3A_1908 = arith.constant 0 : i32
    %dma_wait3A_1909 = tpu.memref_slice %arg4[%add3A_1886, %dma_wait3A_1908] : memref<65536x64xf32, #tpu.memory_space<hbm>> -> memref<128x64xf32, #tpu.memory_space<hbm>>
    %dma_wait3A_1910 = tpu.memref_slice %arg11[%dma_wait3A_1903] : memref<3x!tpu.dma_semaphore, #tpu.memory_space<semaphore_mem>> -> memref<1x!tpu.dma_semaphore, #tpu.memory_space<semaphore_mem>>
    %dma_wait3A_1911 = tpu.memref_squeeze %dma_wait3A_1910 : memref<1x!tpu.dma_semaphore, #tpu.memory_space<semaphore_mem>> -> memref<!tpu.dma_semaphore, #tpu.memory_space<semaphore_mem>>
    %dma_wait3A_1912 = arith.constant 0 : i32
    %dma_wait3A_1913 = arith.constant 0 : i32
    %dma_wait3A_1914 = tpu.memref_slice %arg8[%dma_wait3A_1902, %dma_wait3A_1912, %dma_wait3A_1913] : memref<3x128x64xf32, #tpu.memory_space<vmem>> -> memref<1x128x64xf32, #tpu.memory_space<vmem>>
    %dma_wait3A_1915 = tpu.memref_squeeze %dma_wait3A_1914 : memref<1x128x64xf32, #tpu.memory_space<vmem>> -> memref<128x64xf32, #tpu.memory_space<vmem>>
    %dma_wait3A_1916 = arith.constant 0 : i32
    %dma_wait3A_1917 = tpu.memref_slice %arg4[%add3A_1886, %dma_wait3A_1916] : memref<65536x64xf32, #tpu.memory_space<hbm>> -> memref<128x64xf32, #tpu.memory_space<hbm>>
    tpu.wait_dma2 semaphore(%dma_wait3A_1911 : memref<!tpu.dma_semaphore, #tpu.memory_space<semaphore_mem>>) src(%dma_wait3A_1917 : memref<128x64xf32, #tpu.memory_space<hbm>>) dst(%dma_wait3A_1915 : memref<128x64xf32, #tpu.memory_space<vmem>>)
    %dma_start3A_1918 = arith.constant 2 : i32
    %dma_start3A_1919 = arith.constant 2 : i32
    %dma_start3A_1920 = arith.constant 0 : i32
    %dma_start3A_1921 = arith.constant 0 : i32
    %dma_start3A_1922 = tpu.memref_slice %arg7[%dma_start3A_1918, %dma_start3A_1920, %dma_start3A_1921] : memref<3x128x128xf32, #tpu.memory_space<vmem>> -> memref<1x128x128xf32, #tpu.memory_space<vmem>>
    %dma_start3A_1923 = tpu.memref_squeeze %dma_start3A_1922 : memref<1x128x128xf32, #tpu.memory_space<vmem>> -> memref<128x128xf32, #tpu.memory_space<vmem>>
    %dma_start3A_1924 = arith.constant 0 : i32
    %dma_start3A_1925 = tpu.memref_slice %arg5[%add3A_1886, %dma_start3A_1924] : memref<65536x192xf32, #tpu.memory_space<hbm>> -> memref<128x128xf32, #tpu.memory_space<hbm>>
    %dma_start3A_1926 = tpu.memref_slice %arg12[%dma_start3A_1919] : memref<3x!tpu.dma_semaphore, #tpu.memory_space<semaphore_mem>> -> memref<1x!tpu.dma_semaphore, #tpu.memory_space<semaphore_mem>>
    %dma_start3A_1927 = tpu.memref_squeeze %dma_start3A_1926 : memref<1x!tpu.dma_semaphore, #tpu.memory_space<semaphore_mem>> -> memref<!tpu.dma_semaphore, #tpu.memory_space<semaphore_mem>>
    %dma_start3A_1928 = arith.constant 0 : i32
    %dma_start3A_1929 = tpu.memref_slice %arg5[%add3A_1886, %dma_start3A_1928] : memref<65536x192xf32, #tpu.memory_space<hbm>> -> memref<128x128xf32, #tpu.memory_space<hbm>>
    %dma_start3A_1930 = arith.constant 0 : i32
    %dma_start3A_1931 = arith.constant 0 : i32
    %dma_start3A_1932 = tpu.memref_slice %arg7[%dma_start3A_1918, %dma_start3A_1930, %dma_start3A_1931] : memref<3x128x128xf32, #tpu.memory_space<vmem>> -> memref<1x128x128xf32, #tpu.memory_space<vmem>>
    %dma_start3A_1933 = tpu.memref_squeeze %dma_start3A_1932 : memref<1x128x128xf32, #tpu.memory_space<vmem>> -> memref<128x128xf32, #tpu.memory_space<vmem>>
    tpu.enqueue_dma source(%dma_start3A_1933 : memref<128x128xf32, #tpu.memory_space<vmem>>) target(%dma_start3A_1929 : memref<128x128xf32, #tpu.memory_space<hbm>>) target_semaphore(%dma_start3A_1927 : memref<!tpu.dma_semaphore, #tpu.memory_space<semaphore_mem>>)
    %dma_start3A_1934 = arith.constant 2 : i32
    %dma_start3A_1935 = arith.constant 2 : i32
    %dma_start3A_1936 = arith.constant 0 : i32
    %dma_start3A_1937 = arith.constant 0 : i32
    %dma_start3A_1938 = tpu.memref_slice %arg8[%dma_start3A_1934, %dma_start3A_1936, %dma_start3A_1937] : memref<3x128x64xf32, #tpu.memory_space<vmem>> -> memref<1x128x64xf32, #tpu.memory_space<vmem>>
    %dma_start3A_1939 = tpu.memref_squeeze %dma_start3A_1938 : memref<1x128x64xf32, #tpu.memory_space<vmem>> -> memref<128x64xf32, #tpu.memory_space<vmem>>
    %dma_start3A_1940 = arith.constant 128 : i32
    %dma_start3A_1941 = tpu.memref_slice %arg5[%add3A_1886, %dma_start3A_1940] : memref<65536x192xf32, #tpu.memory_space<hbm>> -> memref<128x64xf32, #tpu.memory_space<hbm>>
    %dma_start3A_1942 = tpu.memref_slice %arg12[%dma_start3A_1935] : memref<3x!tpu.dma_semaphore, #tpu.memory_space<semaphore_mem>> -> memref<1x!tpu.dma_semaphore, #tpu.memory_space<semaphore_mem>>
    %dma_start3A_1943 = tpu.memref_squeeze %dma_start3A_1942 : memref<1x!tpu.dma_semaphore, #tpu.memory_space<semaphore_mem>> -> memref<!tpu.dma_semaphore, #tpu.memory_space<semaphore_mem>>
    %dma_start3A_1944 = arith.constant 128 : i32
    %dma_start3A_1945 = tpu.memref_slice %arg5[%add3A_1886, %dma_start3A_1944] : memref<65536x192xf32, #tpu.memory_space<hbm>> -> memref<128x64xf32, #tpu.memory_space<hbm>>
    %dma_start3A_1946 = arith.constant 0 : i32
    %dma_start3A_1947 = arith.constant 0 : i32
    %dma_start3A_1948 = tpu.memref_slice %arg8[%dma_start3A_1934, %dma_start3A_1946, %dma_start3A_1947] : memref<3x128x64xf32, #tpu.memory_space<vmem>> -> memref<1x128x64xf32, #tpu.memory_space<vmem>>
    %dma_start3A_1949 = tpu.memref_squeeze %dma_start3A_1948 : memref<1x128x64xf32, #tpu.memory_space<vmem>> -> memref<128x64xf32, #tpu.memory_space<vmem>>
    tpu.enqueue_dma source(%dma_start3A_1949 : memref<128x64xf32, #tpu.memory_space<vmem>>) target(%dma_start3A_1945 : memref<128x64xf32, #tpu.memory_space<hbm>>) target_semaphore(%dma_start3A_1943 : memref<!tpu.dma_semaphore, #tpu.memory_space<semaphore_mem>>)
    %add3A_1950 = arith.constant 1920 : i32
    %add3A_1951 = arith.addi %mul3A_2, %add3A_1950 : i32
    %dma_wait3A_1952 = arith.constant 15 : i32
    %dma_wait3A_1953 = arith.constant 0 : i32
    %dma_wait3A_1954 = arith.constant 0 : i32
    %dma_wait3A_1955 = arith.constant 0 : i32
    %dma_wait3A_1956 = arith.constant 0 : i32
    %dma_wait3A_1957 = tpu.memref_slice %arg7[%dma_wait3A_1953, %dma_wait3A_1955, %dma_wait3A_1956] : memref<3x128x128xf32, #tpu.memory_space<vmem>> -> memref<1x128x128xf32, #tpu.memory_space<vmem>>
    %dma_wait3A_1958 = tpu.memref_squeeze %dma_wait3A_1957 : memref<1x128x128xf32, #tpu.memory_space<vmem>> -> memref<128x128xf32, #tpu.memory_space<vmem>>
    %dma_wait3A_1959 = arith.constant 0 : i32
    %dma_wait3A_1960 = tpu.memref_slice %arg6[%dma_wait3A_1952, %dma_wait3A_1959] : memref<16x128xi32, #tpu.memory_space<vmem>> -> memref<1x128xi32, #tpu.memory_space<vmem>>
    %dma_wait3A_1961 = tpu.memref_squeeze %dma_wait3A_1960 : memref<1x128xi32, #tpu.memory_space<vmem>> -> memref<128xi32, #tpu.memory_space<vmem>>
    %dma_wait3A_1962 = arith.constant 0 : i32
    %dma_wait3A_1963 = arith.constant 0 : i32
    %dma_wait3A_1964 = tpu.memref_slice %arg9[%dma_wait3A_1962, %dma_wait3A_1963] : memref<16x128xf32, #tpu.memory_space<vmem_shared>> -> memref<16x128xf32, #tpu.memory_space<vmem_shared>>
    %dma_wait3A_1965 = tpu.memref_slice %arg10[%dma_wait3A_1954] : memref<3x!tpu.dma_semaphore, #tpu.memory_space<semaphore_mem>> -> memref<1x!tpu.dma_semaphore, #tpu.memory_space<semaphore_mem>>
    %dma_wait3A_1966 = tpu.memref_squeeze %dma_wait3A_1965 : memref<1x!tpu.dma_semaphore, #tpu.memory_space<semaphore_mem>> -> memref<!tpu.dma_semaphore, #tpu.memory_space<semaphore_mem>>
    tpu.wait_indirect_dma semaphore(%dma_wait3A_1966 : memref<!tpu.dma_semaphore, #tpu.memory_space<semaphore_mem>>) src(%dma_wait3A_1964 : memref<16x128xf32, #tpu.memory_space<vmem_shared>>) dst(%dma_wait3A_1958 : memref<128x128xf32, #tpu.memory_space<vmem>>)
    %dma_wait3A_1967 = arith.constant 0 : i32
    %dma_wait3A_1968 = arith.constant 0 : i32
    %dma_wait3A_1969 = arith.constant 0 : i32
    %dma_wait3A_1970 = arith.constant 0 : i32
    %dma_wait3A_1971 = tpu.memref_slice %arg8[%dma_wait3A_1967, %dma_wait3A_1969, %dma_wait3A_1970] : memref<3x128x64xf32, #tpu.memory_space<vmem>> -> memref<1x128x64xf32, #tpu.memory_space<vmem>>
    %dma_wait3A_1972 = tpu.memref_squeeze %dma_wait3A_1971 : memref<1x128x64xf32, #tpu.memory_space<vmem>> -> memref<128x64xf32, #tpu.memory_space<vmem>>
    %dma_wait3A_1973 = arith.constant 0 : i32
    %dma_wait3A_1974 = tpu.memref_slice %arg4[%add3A_1951, %dma_wait3A_1973] : memref<65536x64xf32, #tpu.memory_space<hbm>> -> memref<128x64xf32, #tpu.memory_space<hbm>>
    %dma_wait3A_1975 = tpu.memref_slice %arg11[%dma_wait3A_1968] : memref<3x!tpu.dma_semaphore, #tpu.memory_space<semaphore_mem>> -> memref<1x!tpu.dma_semaphore, #tpu.memory_space<semaphore_mem>>
    %dma_wait3A_1976 = tpu.memref_squeeze %dma_wait3A_1975 : memref<1x!tpu.dma_semaphore, #tpu.memory_space<semaphore_mem>> -> memref<!tpu.dma_semaphore, #tpu.memory_space<semaphore_mem>>
    %dma_wait3A_1977 = arith.constant 0 : i32
    %dma_wait3A_1978 = arith.constant 0 : i32
    %dma_wait3A_1979 = tpu.memref_slice %arg8[%dma_wait3A_1967, %dma_wait3A_1977, %dma_wait3A_1978] : memref<3x128x64xf32, #tpu.memory_space<vmem>> -> memref<1x128x64xf32, #tpu.memory_space<vmem>>
    %dma_wait3A_1980 = tpu.memref_squeeze %dma_wait3A_1979 : memref<1x128x64xf32, #tpu.memory_space<vmem>> -> memref<128x64xf32, #tpu.memory_space<vmem>>
    %dma_wait3A_1981 = arith.constant 0 : i32
    %dma_wait3A_1982 = tpu.memref_slice %arg4[%add3A_1951, %dma_wait3A_1981] : memref<65536x64xf32, #tpu.memory_space<hbm>> -> memref<128x64xf32, #tpu.memory_space<hbm>>
    tpu.wait_dma2 semaphore(%dma_wait3A_1976 : memref<!tpu.dma_semaphore, #tpu.memory_space<semaphore_mem>>) src(%dma_wait3A_1982 : memref<128x64xf32, #tpu.memory_space<hbm>>) dst(%dma_wait3A_1980 : memref<128x64xf32, #tpu.memory_space<vmem>>)
    %dma_start3A_1983 = arith.constant 0 : i32
    %dma_start3A_1984 = arith.constant 0 : i32
    %dma_start3A_1985 = arith.constant 0 : i32
    %dma_start3A_1986 = arith.constant 0 : i32
    %dma_start3A_1987 = tpu.memref_slice %arg7[%dma_start3A_1983, %dma_start3A_1985, %dma_start3A_1986] : memref<3x128x128xf32, #tpu.memory_space<vmem>> -> memref<1x128x128xf32, #tpu.memory_space<vmem>>
    %dma_start3A_1988 = tpu.memref_squeeze %dma_start3A_1987 : memref<1x128x128xf32, #tpu.memory_space<vmem>> -> memref<128x128xf32, #tpu.memory_space<vmem>>
    %dma_start3A_1989 = arith.constant 0 : i32
    %dma_start3A_1990 = tpu.memref_slice %arg5[%add3A_1951, %dma_start3A_1989] : memref<65536x192xf32, #tpu.memory_space<hbm>> -> memref<128x128xf32, #tpu.memory_space<hbm>>
    %dma_start3A_1991 = tpu.memref_slice %arg12[%dma_start3A_1984] : memref<3x!tpu.dma_semaphore, #tpu.memory_space<semaphore_mem>> -> memref<1x!tpu.dma_semaphore, #tpu.memory_space<semaphore_mem>>
    %dma_start3A_1992 = tpu.memref_squeeze %dma_start3A_1991 : memref<1x!tpu.dma_semaphore, #tpu.memory_space<semaphore_mem>> -> memref<!tpu.dma_semaphore, #tpu.memory_space<semaphore_mem>>
    %dma_start3A_1993 = arith.constant 0 : i32
    %dma_start3A_1994 = tpu.memref_slice %arg5[%add3A_1951, %dma_start3A_1993] : memref<65536x192xf32, #tpu.memory_space<hbm>> -> memref<128x128xf32, #tpu.memory_space<hbm>>
    %dma_start3A_1995 = arith.constant 0 : i32
    %dma_start3A_1996 = arith.constant 0 : i32
    %dma_start3A_1997 = tpu.memref_slice %arg7[%dma_start3A_1983, %dma_start3A_1995, %dma_start3A_1996] : memref<3x128x128xf32, #tpu.memory_space<vmem>> -> memref<1x128x128xf32, #tpu.memory_space<vmem>>
    %dma_start3A_1998 = tpu.memref_squeeze %dma_start3A_1997 : memref<1x128x128xf32, #tpu.memory_space<vmem>> -> memref<128x128xf32, #tpu.memory_space<vmem>>
    tpu.enqueue_dma source(%dma_start3A_1998 : memref<128x128xf32, #tpu.memory_space<vmem>>) target(%dma_start3A_1994 : memref<128x128xf32, #tpu.memory_space<hbm>>) target_semaphore(%dma_start3A_1992 : memref<!tpu.dma_semaphore, #tpu.memory_space<semaphore_mem>>)
    %dma_start3A_1999 = arith.constant 0 : i32
    %dma_start3A_2000 = arith.constant 0 : i32
    %dma_start3A_2001 = arith.constant 0 : i32
    %dma_start3A_2002 = arith.constant 0 : i32
    %dma_start3A_2003 = tpu.memref_slice %arg8[%dma_start3A_1999, %dma_start3A_2001, %dma_start3A_2002] : memref<3x128x64xf32, #tpu.memory_space<vmem>> -> memref<1x128x64xf32, #tpu.memory_space<vmem>>
    %dma_start3A_2004 = tpu.memref_squeeze %dma_start3A_2003 : memref<1x128x64xf32, #tpu.memory_space<vmem>> -> memref<128x64xf32, #tpu.memory_space<vmem>>
    %dma_start3A_2005 = arith.constant 128 : i32
    %dma_start3A_2006 = tpu.memref_slice %arg5[%add3A_1951, %dma_start3A_2005] : memref<65536x192xf32, #tpu.memory_space<hbm>> -> memref<128x64xf32, #tpu.memory_space<hbm>>
    %dma_start3A_2007 = tpu.memref_slice %arg12[%dma_start3A_2000] : memref<3x!tpu.dma_semaphore, #tpu.memory_space<semaphore_mem>> -> memref<1x!tpu.dma_semaphore, #tpu.memory_space<semaphore_mem>>
    %dma_start3A_2008 = tpu.memref_squeeze %dma_start3A_2007 : memref<1x!tpu.dma_semaphore, #tpu.memory_space<semaphore_mem>> -> memref<!tpu.dma_semaphore, #tpu.memory_space<semaphore_mem>>
    %dma_start3A_2009 = arith.constant 128 : i32
    %dma_start3A_2010 = tpu.memref_slice %arg5[%add3A_1951, %dma_start3A_2009] : memref<65536x192xf32, #tpu.memory_space<hbm>> -> memref<128x64xf32, #tpu.memory_space<hbm>>
    %dma_start3A_2011 = arith.constant 0 : i32
    %dma_start3A_2012 = arith.constant 0 : i32
    %dma_start3A_2013 = tpu.memref_slice %arg8[%dma_start3A_1999, %dma_start3A_2011, %dma_start3A_2012] : memref<3x128x64xf32, #tpu.memory_space<vmem>> -> memref<1x128x64xf32, #tpu.memory_space<vmem>>
    %dma_start3A_2014 = tpu.memref_squeeze %dma_start3A_2013 : memref<1x128x64xf32, #tpu.memory_space<vmem>> -> memref<128x64xf32, #tpu.memory_space<vmem>>
    tpu.enqueue_dma source(%dma_start3A_2014 : memref<128x64xf32, #tpu.memory_space<vmem>>) target(%dma_start3A_2010 : memref<128x64xf32, #tpu.memory_space<hbm>>) target_semaphore(%dma_start3A_2008 : memref<!tpu.dma_semaphore, #tpu.memory_space<semaphore_mem>>)
    %add3A_2015 = arith.constant 1792 : i32
    %add3A_2016 = arith.addi %mul3A_2, %add3A_2015 : i32
    %dma_wait3A_2017 = arith.constant 2 : i32
    %dma_wait3A_2018 = arith.constant 2 : i32
    %dma_wait3A_2019 = arith.constant 0 : i32
    %dma_wait3A_2020 = arith.constant 0 : i32
    %dma_wait3A_2021 = tpu.memref_slice %arg7[%dma_wait3A_2017, %dma_wait3A_2019, %dma_wait3A_2020] : memref<3x128x128xf32, #tpu.memory_space<vmem>> -> memref<1x128x128xf32, #tpu.memory_space<vmem>>
    %dma_wait3A_2022 = tpu.memref_squeeze %dma_wait3A_2021 : memref<1x128x128xf32, #tpu.memory_space<vmem>> -> memref<128x128xf32, #tpu.memory_space<vmem>>
    %dma_wait3A_2023 = arith.constant 0 : i32
    %dma_wait3A_2024 = tpu.memref_slice %arg5[%add3A_2016, %dma_wait3A_2023] : memref<65536x192xf32, #tpu.memory_space<hbm>> -> memref<128x128xf32, #tpu.memory_space<hbm>>
    %dma_wait3A_2025 = tpu.memref_slice %arg12[%dma_wait3A_2018] : memref<3x!tpu.dma_semaphore, #tpu.memory_space<semaphore_mem>> -> memref<1x!tpu.dma_semaphore, #tpu.memory_space<semaphore_mem>>
    %dma_wait3A_2026 = tpu.memref_squeeze %dma_wait3A_2025 : memref<1x!tpu.dma_semaphore, #tpu.memory_space<semaphore_mem>> -> memref<!tpu.dma_semaphore, #tpu.memory_space<semaphore_mem>>
    %dma_wait3A_2027 = arith.constant 0 : i32
    %dma_wait3A_2028 = tpu.memref_slice %arg5[%add3A_2016, %dma_wait3A_2027] : memref<65536x192xf32, #tpu.memory_space<hbm>> -> memref<128x128xf32, #tpu.memory_space<hbm>>
    %dma_wait3A_2029 = arith.constant 0 : i32
    %dma_wait3A_2030 = arith.constant 0 : i32
    %dma_wait3A_2031 = tpu.memref_slice %arg7[%dma_wait3A_2017, %dma_wait3A_2029, %dma_wait3A_2030] : memref<3x128x128xf32, #tpu.memory_space<vmem>> -> memref<1x128x128xf32, #tpu.memory_space<vmem>>
    %dma_wait3A_2032 = tpu.memref_squeeze %dma_wait3A_2031 : memref<1x128x128xf32, #tpu.memory_space<vmem>> -> memref<128x128xf32, #tpu.memory_space<vmem>>
    tpu.wait_dma2 semaphore(%dma_wait3A_2026 : memref<!tpu.dma_semaphore, #tpu.memory_space<semaphore_mem>>) src(%dma_wait3A_2032 : memref<128x128xf32, #tpu.memory_space<vmem>>) dst(%dma_wait3A_2028 : memref<128x128xf32, #tpu.memory_space<hbm>>)
    %dma_wait3A_2033 = arith.constant 2 : i32
    %dma_wait3A_2034 = arith.constant 2 : i32
    %dma_wait3A_2035 = arith.constant 0 : i32
    %dma_wait3A_2036 = arith.constant 0 : i32
    %dma_wait3A_2037 = tpu.memref_slice %arg8[%dma_wait3A_2033, %dma_wait3A_2035, %dma_wait3A_2036] : memref<3x128x64xf32, #tpu.memory_space<vmem>> -> memref<1x128x64xf32, #tpu.memory_space<vmem>>
    %dma_wait3A_2038 = tpu.memref_squeeze %dma_wait3A_2037 : memref<1x128x64xf32, #tpu.memory_space<vmem>> -> memref<128x64xf32, #tpu.memory_space<vmem>>
    %dma_wait3A_2039 = arith.constant 128 : i32
    %dma_wait3A_2040 = tpu.memref_slice %arg5[%add3A_2016, %dma_wait3A_2039] : memref<65536x192xf32, #tpu.memory_space<hbm>> -> memref<128x64xf32, #tpu.memory_space<hbm>>
    %dma_wait3A_2041 = tpu.memref_slice %arg12[%dma_wait3A_2034] : memref<3x!tpu.dma_semaphore, #tpu.memory_space<semaphore_mem>> -> memref<1x!tpu.dma_semaphore, #tpu.memory_space<semaphore_mem>>
    %dma_wait3A_2042 = tpu.memref_squeeze %dma_wait3A_2041 : memref<1x!tpu.dma_semaphore, #tpu.memory_space<semaphore_mem>> -> memref<!tpu.dma_semaphore, #tpu.memory_space<semaphore_mem>>
    %dma_wait3A_2043 = arith.constant 128 : i32
    %dma_wait3A_2044 = tpu.memref_slice %arg5[%add3A_2016, %dma_wait3A_2043] : memref<65536x192xf32, #tpu.memory_space<hbm>> -> memref<128x64xf32, #tpu.memory_space<hbm>>
    %dma_wait3A_2045 = arith.constant 0 : i32
    %dma_wait3A_2046 = arith.constant 0 : i32
    %dma_wait3A_2047 = tpu.memref_slice %arg8[%dma_wait3A_2033, %dma_wait3A_2045, %dma_wait3A_2046] : memref<3x128x64xf32, #tpu.memory_space<vmem>> -> memref<1x128x64xf32, #tpu.memory_space<vmem>>
    %dma_wait3A_2048 = tpu.memref_squeeze %dma_wait3A_2047 : memref<1x128x64xf32, #tpu.memory_space<vmem>> -> memref<128x64xf32, #tpu.memory_space<vmem>>
    tpu.wait_dma2 semaphore(%dma_wait3A_2042 : memref<!tpu.dma_semaphore, #tpu.memory_space<semaphore_mem>>) src(%dma_wait3A_2048 : memref<128x64xf32, #tpu.memory_space<vmem>>) dst(%dma_wait3A_2044 : memref<128x64xf32, #tpu.memory_space<hbm>>)
    %add3A_2049 = arith.constant 1920 : i32
    %add3A_2050 = arith.addi %mul3A_2, %add3A_2049 : i32
    %dma_wait3A_2051 = arith.constant 0 : i32
    %dma_wait3A_2052 = arith.constant 0 : i32
    %dma_wait3A_2053 = arith.constant 0 : i32
    %dma_wait3A_2054 = arith.constant 0 : i32
    %dma_wait3A_2055 = tpu.memref_slice %arg7[%dma_wait3A_2051, %dma_wait3A_2053, %dma_wait3A_2054] : memref<3x128x128xf32, #tpu.memory_space<vmem>> -> memref<1x128x128xf32, #tpu.memory_space<vmem>>
    %dma_wait3A_2056 = tpu.memref_squeeze %dma_wait3A_2055 : memref<1x128x128xf32, #tpu.memory_space<vmem>> -> memref<128x128xf32, #tpu.memory_space<vmem>>
    %dma_wait3A_2057 = arith.constant 0 : i32
    %dma_wait3A_2058 = tpu.memref_slice %arg5[%add3A_2050, %dma_wait3A_2057] : memref<65536x192xf32, #tpu.memory_space<hbm>> -> memref<128x128xf32, #tpu.memory_space<hbm>>
    %dma_wait3A_2059 = tpu.memref_slice %arg12[%dma_wait3A_2052] : memref<3x!tpu.dma_semaphore, #tpu.memory_space<semaphore_mem>> -> memref<1x!tpu.dma_semaphore, #tpu.memory_space<semaphore_mem>>
    %dma_wait3A_2060 = tpu.memref_squeeze %dma_wait3A_2059 : memref<1x!tpu.dma_semaphore, #tpu.memory_space<semaphore_mem>> -> memref<!tpu.dma_semaphore, #tpu.memory_space<semaphore_mem>>
    %dma_wait3A_2061 = arith.constant 0 : i32
    %dma_wait3A_2062 = tpu.memref_slice %arg5[%add3A_2050, %dma_wait3A_2061] : memref<65536x192xf32, #tpu.memory_space<hbm>> -> memref<128x128xf32, #tpu.memory_space<hbm>>
    %dma_wait3A_2063 = arith.constant 0 : i32
    %dma_wait3A_2064 = arith.constant 0 : i32
    %dma_wait3A_2065 = tpu.memref_slice %arg7[%dma_wait3A_2051, %dma_wait3A_2063, %dma_wait3A_2064] : memref<3x128x128xf32, #tpu.memory_space<vmem>> -> memref<1x128x128xf32, #tpu.memory_space<vmem>>
    %dma_wait3A_2066 = tpu.memref_squeeze %dma_wait3A_2065 : memref<1x128x128xf32, #tpu.memory_space<vmem>> -> memref<128x128xf32, #tpu.memory_space<vmem>>
    tpu.wait_dma2 semaphore(%dma_wait3A_2060 : memref<!tpu.dma_semaphore, #tpu.memory_space<semaphore_mem>>) src(%dma_wait3A_2066 : memref<128x128xf32, #tpu.memory_space<vmem>>) dst(%dma_wait3A_2062 : memref<128x128xf32, #tpu.memory_space<hbm>>)
    %dma_wait3A_2067 = arith.constant 0 : i32
    %dma_wait3A_2068 = arith.constant 0 : i32
    %dma_wait3A_2069 = arith.constant 0 : i32
    %dma_wait3A_2070 = arith.constant 0 : i32
    %dma_wait3A_2071 = tpu.memref_slice %arg8[%dma_wait3A_2067, %dma_wait3A_2069, %dma_wait3A_2070] : memref<3x128x64xf32, #tpu.memory_space<vmem>> -> memref<1x128x64xf32, #tpu.memory_space<vmem>>
    %dma_wait3A_2072 = tpu.memref_squeeze %dma_wait3A_2071 : memref<1x128x64xf32, #tpu.memory_space<vmem>> -> memref<128x64xf32, #tpu.memory_space<vmem>>
    %dma_wait3A_2073 = arith.constant 128 : i32
    %dma_wait3A_2074 = tpu.memref_slice %arg5[%add3A_2050, %dma_wait3A_2073] : memref<65536x192xf32, #tpu.memory_space<hbm>> -> memref<128x64xf32, #tpu.memory_space<hbm>>
    %dma_wait3A_2075 = tpu.memref_slice %arg12[%dma_wait3A_2068] : memref<3x!tpu.dma_semaphore, #tpu.memory_space<semaphore_mem>> -> memref<1x!tpu.dma_semaphore, #tpu.memory_space<semaphore_mem>>
    %dma_wait3A_2076 = tpu.memref_squeeze %dma_wait3A_2075 : memref<1x!tpu.dma_semaphore, #tpu.memory_space<semaphore_mem>> -> memref<!tpu.dma_semaphore, #tpu.memory_space<semaphore_mem>>
    %dma_wait3A_2077 = arith.constant 128 : i32
    %dma_wait3A_2078 = tpu.memref_slice %arg5[%add3A_2050, %dma_wait3A_2077] : memref<65536x192xf32, #tpu.memory_space<hbm>> -> memref<128x64xf32, #tpu.memory_space<hbm>>
    %dma_wait3A_2079 = arith.constant 0 : i32
    %dma_wait3A_2080 = arith.constant 0 : i32
    %dma_wait3A_2081 = tpu.memref_slice %arg8[%dma_wait3A_2067, %dma_wait3A_2079, %dma_wait3A_2080] : memref<3x128x64xf32, #tpu.memory_space<vmem>> -> memref<1x128x64xf32, #tpu.memory_space<vmem>>
    %dma_wait3A_2082 = tpu.memref_squeeze %dma_wait3A_2081 : memref<1x128x64xf32, #tpu.memory_space<vmem>> -> memref<128x64xf32, #tpu.memory_space<vmem>>
    tpu.wait_dma2 semaphore(%dma_wait3A_2076 : memref<!tpu.dma_semaphore, #tpu.memory_space<semaphore_mem>>) src(%dma_wait3A_2082 : memref<128x64xf32, #tpu.memory_space<vmem>>) dst(%dma_wait3A_2078 : memref<128x64xf32, #tpu.memory_space<hbm>>)
    %add3A_2083 = arith.constant 1664 : i32
    %add3A_2084 = arith.addi %mul3A_2, %add3A_2083 : i32
    %dma_wait3A_2085 = arith.constant 1 : i32
    %dma_wait3A_2086 = arith.constant 1 : i32
    %dma_wait3A_2087 = arith.constant 0 : i32
    %dma_wait3A_2088 = arith.constant 0 : i32
    %dma_wait3A_2089 = tpu.memref_slice %arg7[%dma_wait3A_2085, %dma_wait3A_2087, %dma_wait3A_2088] : memref<3x128x128xf32, #tpu.memory_space<vmem>> -> memref<1x128x128xf32, #tpu.memory_space<vmem>>
    %dma_wait3A_2090 = tpu.memref_squeeze %dma_wait3A_2089 : memref<1x128x128xf32, #tpu.memory_space<vmem>> -> memref<128x128xf32, #tpu.memory_space<vmem>>
    %dma_wait3A_2091 = arith.constant 0 : i32
    %dma_wait3A_2092 = tpu.memref_slice %arg5[%add3A_2084, %dma_wait3A_2091] : memref<65536x192xf32, #tpu.memory_space<hbm>> -> memref<128x128xf32, #tpu.memory_space<hbm>>
    %dma_wait3A_2093 = tpu.memref_slice %arg12[%dma_wait3A_2086] : memref<3x!tpu.dma_semaphore, #tpu.memory_space<semaphore_mem>> -> memref<1x!tpu.dma_semaphore, #tpu.memory_space<semaphore_mem>>
    %dma_wait3A_2094 = tpu.memref_squeeze %dma_wait3A_2093 : memref<1x!tpu.dma_semaphore, #tpu.memory_space<semaphore_mem>> -> memref<!tpu.dma_semaphore, #tpu.memory_space<semaphore_mem>>
    %dma_wait3A_2095 = arith.constant 0 : i32
    %dma_wait3A_2096 = tpu.memref_slice %arg5[%add3A_2084, %dma_wait3A_2095] : memref<65536x192xf32, #tpu.memory_space<hbm>> -> memref<128x128xf32, #tpu.memory_space<hbm>>
    %dma_wait3A_2097 = arith.constant 0 : i32
    %dma_wait3A_2098 = arith.constant 0 : i32
    %dma_wait3A_2099 = tpu.memref_slice %arg7[%dma_wait3A_2085, %dma_wait3A_2097, %dma_wait3A_2098] : memref<3x128x128xf32, #tpu.memory_space<vmem>> -> memref<1x128x128xf32, #tpu.memory_space<vmem>>
    %dma_wait3A_2100 = tpu.memref_squeeze %dma_wait3A_2099 : memref<1x128x128xf32, #tpu.memory_space<vmem>> -> memref<128x128xf32, #tpu.memory_space<vmem>>
    tpu.wait_dma2 semaphore(%dma_wait3A_2094 : memref<!tpu.dma_semaphore, #tpu.memory_space<semaphore_mem>>) src(%dma_wait3A_2100 : memref<128x128xf32, #tpu.memory_space<vmem>>) dst(%dma_wait3A_2096 : memref<128x128xf32, #tpu.memory_space<hbm>>)
    %dma_wait3A_2101 = arith.constant 1 : i32
    %dma_wait3A_2102 = arith.constant 1 : i32
    %dma_wait3A_2103 = arith.constant 0 : i32
    %dma_wait3A_2104 = arith.constant 0 : i32
    %dma_wait3A_2105 = tpu.memref_slice %arg8[%dma_wait3A_2101, %dma_wait3A_2103, %dma_wait3A_2104] : memref<3x128x64xf32, #tpu.memory_space<vmem>> -> memref<1x128x64xf32, #tpu.memory_space<vmem>>
    %dma_wait3A_2106 = tpu.memref_squeeze %dma_wait3A_2105 : memref<1x128x64xf32, #tpu.memory_space<vmem>> -> memref<128x64xf32, #tpu.memory_space<vmem>>
    %dma_wait3A_2107 = arith.constant 128 : i32
    %dma_wait3A_2108 = tpu.memref_slice %arg5[%add3A_2084, %dma_wait3A_2107] : memref<65536x192xf32, #tpu.memory_space<hbm>> -> memref<128x64xf32, #tpu.memory_space<hbm>>
    %dma_wait3A_2109 = tpu.memref_slice %arg12[%dma_wait3A_2102] : memref<3x!tpu.dma_semaphore, #tpu.memory_space<semaphore_mem>> -> memref<1x!tpu.dma_semaphore, #tpu.memory_space<semaphore_mem>>
    %dma_wait3A_2110 = tpu.memref_squeeze %dma_wait3A_2109 : memref<1x!tpu.dma_semaphore, #tpu.memory_space<semaphore_mem>> -> memref<!tpu.dma_semaphore, #tpu.memory_space<semaphore_mem>>
    %dma_wait3A_2111 = arith.constant 128 : i32
    %dma_wait3A_2112 = tpu.memref_slice %arg5[%add3A_2084, %dma_wait3A_2111] : memref<65536x192xf32, #tpu.memory_space<hbm>> -> memref<128x64xf32, #tpu.memory_space<hbm>>
    %dma_wait3A_2113 = arith.constant 0 : i32
    %dma_wait3A_2114 = arith.constant 0 : i32
    %dma_wait3A_2115 = tpu.memref_slice %arg8[%dma_wait3A_2101, %dma_wait3A_2113, %dma_wait3A_2114] : memref<3x128x64xf32, #tpu.memory_space<vmem>> -> memref<1x128x64xf32, #tpu.memory_space<vmem>>
    %dma_wait3A_2116 = tpu.memref_squeeze %dma_wait3A_2115 : memref<1x128x64xf32, #tpu.memory_space<vmem>> -> memref<128x64xf32, #tpu.memory_space<vmem>>
    tpu.wait_dma2 semaphore(%dma_wait3A_2110 : memref<!tpu.dma_semaphore, #tpu.memory_space<semaphore_mem>>) src(%dma_wait3A_2116 : memref<128x64xf32, #tpu.memory_space<vmem>>) dst(%dma_wait3A_2112 : memref<128x64xf32, #tpu.memory_space<hbm>>)
    return
  }
}

module attributes {stable_mosaic.version = 14 : i64} {
  func.func @_mlp_segmax_body(%arg0: i32, %arg1: memref<4096x64xf32, #tpu.memory_space<vmem>>, %arg2: memref<4096x3xf32, #tpu.memory_space<vmem>>, %arg3: memref<128x128xi32, #tpu.memory_space<vmem>>, %arg4: memref<64x64xf32, #tpu.memory_space<vmem>>, %arg5: memref<3x64xf32, #tpu.memory_space<vmem>>, %arg6: memref<1x64xf32, #tpu.memory_space<vmem>>, %arg7: memref<64x128xf32, #tpu.memory_space<vmem>>, %arg8: memref<1x128xf32, #tpu.memory_space<vmem>>, %arg9: memref<16x128xf32, #tpu.memory_space<vmem>>, %arg10: memref<2x16xi32, #tpu.memory_space<vmem>>, %arg11: memref<2x16xi32, #tpu.memory_space<smem>>, %arg12: memref<4096x128xf32, #tpu.memory_space<vmem>>) attributes {dimension_semantics = [#tpu.dimension_semantics<arbitrary>], iteration_bounds = array<i64: 4>, scalar_prefetch = 0 : i64, scratch_operands = 3 : i64, tpu.core_type = #tpu.core_type<tc>, window_params = [{transform_indices = @transform_0, window_bounds = array<i64: 4096, 64>}, {transform_indices = @transform_1, window_bounds = array<i64: 4096, 3>}, {pipeline_mode = #tpu.pipeline_mode<synchronous>, transform_indices = @transform_2, window_bounds = array<i64: 128, 128>}, {pipeline_mode = #tpu.pipeline_mode<synchronous>, transform_indices = @transform_3, window_bounds = array<i64: 64, 64>}, {pipeline_mode = #tpu.pipeline_mode<synchronous>, transform_indices = @transform_4, window_bounds = array<i64: 3, 64>}, {pipeline_mode = #tpu.pipeline_mode<synchronous>, transform_indices = @transform_5, window_bounds = array<i64: 1, 64>}, {pipeline_mode = #tpu.pipeline_mode<synchronous>, transform_indices = @transform_6, window_bounds = array<i64: 64, 128>}, {pipeline_mode = #tpu.pipeline_mode<synchronous>, transform_indices = @transform_7, window_bounds = array<i64: 1, 128>}, {pipeline_mode = #tpu.pipeline_mode<synchronous>, transform_indices = @transform_8, window_bounds = array<i64: 16, 128>}]} {
    %get3A = arith.constant 0 : index
    %get3A_0 = arith.constant 0 : index
    %get3A_1 = vector.load %arg1[%get3A, %get3A_0] : memref<4096x64xf32, #tpu.memory_space<vmem>>, vector<4096x64xf32>
    %get3A_2 = arith.constant 0 : index
    %get3A_3 = arith.constant 0 : index
    %get3A_4 = vector.load %arg4[%get3A_2, %get3A_3] : memref<64x64xf32, #tpu.memory_space<vmem>>, vector<64x64xf32>
    %dot_general3A = arith.constant dense<0.000000e+00> : vector<4096x64xf32>
    %dot_general3A_5 = tpu.matmul %get3A_1, %get3A_4, %dot_general3A {dimension_numbers = #tpu.dot_dimension_numbers<[1], [0], [0], [1], [0, 0, 1, 1], [], []>, transpose_lhs_hint = false} : vector<4096x64xf32>, vector<64x64xf32>, vector<4096x64xf32> -> vector<4096x64xf32>
    %get3A_6 = arith.constant 0 : index
    %get3A_7 = arith.constant 0 : index
    %get3A_8 = vector.load %arg2[%get3A_6, %get3A_7] : memref<4096x3xf32, #tpu.memory_space<vmem>>, vector<4096x3xf32>
    %get3A_9 = arith.constant 0 : index
    %get3A_10 = arith.constant 0 : index
    %get3A_11 = vector.load %arg5[%get3A_9, %get3A_10] : memref<3x64xf32, #tpu.memory_space<vmem>>, vector<3x64xf32>
    %dot_general3A_12 = arith.constant dense<0.000000e+00> : vector<4096x64xf32>
    %dot_general3A_13 = tpu.matmul %get3A_8, %get3A_11, %dot_general3A_12 {dimension_numbers = #tpu.dot_dimension_numbers<[1], [0], [0], [1], [0, 0, 1, 1], [], []>, transpose_lhs_hint = false} : vector<4096x3xf32>, vector<3x64xf32>, vector<4096x64xf32> -> vector<4096x64xf32>
    %add3A = arith.addf %dot_general3A_5, %dot_general3A_13 : vector<4096x64xf32>
    %get3A_14 = arith.constant 0 : index
    %get3A_15 = arith.constant 0 : index
    %get3A_16 = vector.load %arg6[%get3A_14, %get3A_15] : memref<1x64xf32, #tpu.memory_space<vmem>>, vector<1x64xf32>
    %squeeze3A = vector.shape_cast %get3A_16 : vector<1x64xf32> to vector<64xf32>
    %broadcast_in_dim3A = vector.shape_cast %squeeze3A : vector<64xf32> to vector<1x64xf32>
    %add3A_17 = vector.broadcast %broadcast_in_dim3A : vector<1x64xf32> to vector<4096x64xf32>
    %add3A_18 = arith.addf %add3A, %add3A_17 : vector<4096x64xf32>
    %max3A = arith.constant 0.000000e+00 : f32
    %max3A_19 = vector.broadcast %max3A : f32 to vector<4096x64xf32>
    %max3A_20 = arith.maximumf %add3A_18, %max3A_19 : vector<4096x64xf32>
    %get3A_21 = arith.constant 0 : index
    %get3A_22 = arith.constant 0 : index
    %get3A_23 = vector.load %arg7[%get3A_21, %get3A_22] : memref<64x128xf32, #tpu.memory_space<vmem>>, vector<64x128xf32>
    %dot_general3A_24 = arith.constant dense<0.000000e+00> : vector<4096x128xf32>
    %dot_general3A_25 = tpu.matmul %max3A_20, %get3A_23, %dot_general3A_24 {dimension_numbers = #tpu.dot_dimension_numbers<[1], [0], [0], [1], [0, 0, 1, 1], [], []>, transpose_lhs_hint = false} : vector<4096x64xf32>, vector<64x128xf32>, vector<4096x128xf32> -> vector<4096x128xf32>
    %get3A_26 = arith.constant 0 : index
    %get3A_27 = arith.constant 0 : index
    %get3A_28 = vector.load %arg8[%get3A_26, %get3A_27] : memref<1x128xf32, #tpu.memory_space<vmem>>, vector<1x128xf32>
    %squeeze3A_29 = vector.shape_cast %get3A_28 : vector<1x128xf32> to vector<128xf32>
    %broadcast_in_dim3A_30 = vector.shape_cast %squeeze3A_29 : vector<128xf32> to vector<1x128xf32>
    %add3A_31 = vector.broadcast %broadcast_in_dim3A_30 : vector<1x128xf32> to vector<4096x128xf32>
    %add3A_32 = arith.addf %dot_general3A_25, %add3A_31 : vector<4096x128xf32>
    %max3A_33 = arith.constant 0.000000e+00 : f32
    %max3A_34 = vector.broadcast %max3A_33 : f32 to vector<4096x128xf32>
    %max3A_35 = arith.maximumf %add3A_32, %max3A_34 : vector<4096x128xf32>
    %eq3A = arith.constant 0 : i32
    %eq3A_36 = arith.cmpi eq, %arg0, %eq3A : i32
    %convert_element_type3A = arith.extui %eq3A_36 : i1 to i32
    %cond3A = arith.constant 0 : i32
    %cond3A_37 = arith.cmpi ne, %convert_element_type3A, %cond3A : i32
    scf.if %cond3A_37 {
      %get3A_1283 = arith.constant 0 : index
      %get3A_1284 = arith.constant 0 : index
      %get3A_1285 = vector.load %arg3[%get3A_1283, %get3A_1284] : memref<128x128xi32, #tpu.memory_space<vmem>>, vector<128x128xi32>
      %lt3A_1286 = arith.constant 1 : i32
      %lt3A_1287 = vector.broadcast %lt3A_1286 : i32 to vector<128x128xi32>
      %lt3A_1288 = arith.cmpi slt, %get3A_1285, %lt3A_1287 : vector<128x128xi32>
      %convert_element_type3A_1289 = arith.extui %lt3A_1288 : vector<128x128xi1> to vector<128x128xi32>
      %reduce_sum3A = vector.shape_cast %convert_element_type3A_1289 : vector<128x128xi32> to vector<1x128x128xi32>
      %reduce_sum3A_1290 = arith.constant dense<0> : vector<1xi32>
      %reduce_sum3A_1291 = vector.multi_reduction <add>, %reduce_sum3A, %reduce_sum3A_1290 [1, 2] : vector<1x128x128xi32> to vector<1xi32>
      %reduce_sum3A_1292 = vector.shape_cast %reduce_sum3A_1291 : vector<1xi32> to vector<1x1x1xi32>
      %reduce_sum3A_1293 = vector.extract %reduce_sum3A_1292[0, 0, 0] : i32 from vector<1x1x1xi32>
      %lt3A_1294 = arith.constant 2 : i32
      %lt3A_1295 = vector.broadcast %lt3A_1294 : i32 to vector<128x128xi32>
      %lt3A_1296 = arith.cmpi slt, %get3A_1285, %lt3A_1295 : vector<128x128xi32>
      %convert_element_type3A_1297 = arith.extui %lt3A_1296 : vector<128x128xi1> to vector<128x128xi32>
      %reduce_sum3A_1298 = vector.shape_cast %convert_element_type3A_1297 : vector<128x128xi32> to vector<1x128x128xi32>
      %reduce_sum3A_1299 = arith.constant dense<0> : vector<1xi32>
      %reduce_sum3A_1300 = vector.multi_reduction <add>, %reduce_sum3A_1298, %reduce_sum3A_1299 [1, 2] : vector<1x128x128xi32> to vector<1xi32>
      %reduce_sum3A_1301 = vector.shape_cast %reduce_sum3A_1300 : vector<1xi32> to vector<1x1x1xi32>
      %reduce_sum3A_1302 = vector.extract %reduce_sum3A_1301[0, 0, 0] : i32 from vector<1x1x1xi32>
      %lt3A_1303 = arith.constant 3 : i32
      %lt3A_1304 = vector.broadcast %lt3A_1303 : i32 to vector<128x128xi32>
      %lt3A_1305 = arith.cmpi slt, %get3A_1285, %lt3A_1304 : vector<128x128xi32>
      %convert_element_type3A_1306 = arith.extui %lt3A_1305 : vector<128x128xi1> to vector<128x128xi32>
      %reduce_sum3A_1307 = vector.shape_cast %convert_element_type3A_1306 : vector<128x128xi32> to vector<1x128x128xi32>
      %reduce_sum3A_1308 = arith.constant dense<0> : vector<1xi32>
      %reduce_sum3A_1309 = vector.multi_reduction <add>, %reduce_sum3A_1307, %reduce_sum3A_1308 [1, 2] : vector<1x128x128xi32> to vector<1xi32>
      %reduce_sum3A_1310 = vector.shape_cast %reduce_sum3A_1309 : vector<1xi32> to vector<1x1x1xi32>
      %reduce_sum3A_1311 = vector.extract %reduce_sum3A_1310[0, 0, 0] : i32 from vector<1x1x1xi32>
      %lt3A_1312 = arith.constant 4 : i32
      %lt3A_1313 = vector.broadcast %lt3A_1312 : i32 to vector<128x128xi32>
      %lt3A_1314 = arith.cmpi slt, %get3A_1285, %lt3A_1313 : vector<128x128xi32>
      %convert_element_type3A_1315 = arith.extui %lt3A_1314 : vector<128x128xi1> to vector<128x128xi32>
      %reduce_sum3A_1316 = vector.shape_cast %convert_element_type3A_1315 : vector<128x128xi32> to vector<1x128x128xi32>
      %reduce_sum3A_1317 = arith.constant dense<0> : vector<1xi32>
      %reduce_sum3A_1318 = vector.multi_reduction <add>, %reduce_sum3A_1316, %reduce_sum3A_1317 [1, 2] : vector<1x128x128xi32> to vector<1xi32>
      %reduce_sum3A_1319 = vector.shape_cast %reduce_sum3A_1318 : vector<1xi32> to vector<1x1x1xi32>
      %reduce_sum3A_1320 = vector.extract %reduce_sum3A_1319[0, 0, 0] : i32 from vector<1x1x1xi32>
      %lt3A_1321 = arith.constant 5 : i32
      %lt3A_1322 = vector.broadcast %lt3A_1321 : i32 to vector<128x128xi32>
      %lt3A_1323 = arith.cmpi slt, %get3A_1285, %lt3A_1322 : vector<128x128xi32>
      %convert_element_type3A_1324 = arith.extui %lt3A_1323 : vector<128x128xi1> to vector<128x128xi32>
      %reduce_sum3A_1325 = vector.shape_cast %convert_element_type3A_1324 : vector<128x128xi32> to vector<1x128x128xi32>
      %reduce_sum3A_1326 = arith.constant dense<0> : vector<1xi32>
      %reduce_sum3A_1327 = vector.multi_reduction <add>, %reduce_sum3A_1325, %reduce_sum3A_1326 [1, 2] : vector<1x128x128xi32> to vector<1xi32>
      %reduce_sum3A_1328 = vector.shape_cast %reduce_sum3A_1327 : vector<1xi32> to vector<1x1x1xi32>
      %reduce_sum3A_1329 = vector.extract %reduce_sum3A_1328[0, 0, 0] : i32 from vector<1x1x1xi32>
      %lt3A_1330 = arith.constant 6 : i32
      %lt3A_1331 = vector.broadcast %lt3A_1330 : i32 to vector<128x128xi32>
      %lt3A_1332 = arith.cmpi slt, %get3A_1285, %lt3A_1331 : vector<128x128xi32>
      %convert_element_type3A_1333 = arith.extui %lt3A_1332 : vector<128x128xi1> to vector<128x128xi32>
      %reduce_sum3A_1334 = vector.shape_cast %convert_element_type3A_1333 : vector<128x128xi32> to vector<1x128x128xi32>
      %reduce_sum3A_1335 = arith.constant dense<0> : vector<1xi32>
      %reduce_sum3A_1336 = vector.multi_reduction <add>, %reduce_sum3A_1334, %reduce_sum3A_1335 [1, 2] : vector<1x128x128xi32> to vector<1xi32>
      %reduce_sum3A_1337 = vector.shape_cast %reduce_sum3A_1336 : vector<1xi32> to vector<1x1x1xi32>
      %reduce_sum3A_1338 = vector.extract %reduce_sum3A_1337[0, 0, 0] : i32 from vector<1x1x1xi32>
      %lt3A_1339 = arith.constant 7 : i32
      %lt3A_1340 = vector.broadcast %lt3A_1339 : i32 to vector<128x128xi32>
      %lt3A_1341 = arith.cmpi slt, %get3A_1285, %lt3A_1340 : vector<128x128xi32>
      %convert_element_type3A_1342 = arith.extui %lt3A_1341 : vector<128x128xi1> to vector<128x128xi32>
      %reduce_sum3A_1343 = vector.shape_cast %convert_element_type3A_1342 : vector<128x128xi32> to vector<1x128x128xi32>
      %reduce_sum3A_1344 = arith.constant dense<0> : vector<1xi32>
      %reduce_sum3A_1345 = vector.multi_reduction <add>, %reduce_sum3A_1343, %reduce_sum3A_1344 [1, 2] : vector<1x128x128xi32> to vector<1xi32>
      %reduce_sum3A_1346 = vector.shape_cast %reduce_sum3A_1345 : vector<1xi32> to vector<1x1x1xi32>
      %reduce_sum3A_1347 = vector.extract %reduce_sum3A_1346[0, 0, 0] : i32 from vector<1x1x1xi32>
      %lt3A_1348 = arith.constant 8 : i32
      %lt3A_1349 = vector.broadcast %lt3A_1348 : i32 to vector<128x128xi32>
      %lt3A_1350 = arith.cmpi slt, %get3A_1285, %lt3A_1349 : vector<128x128xi32>
      %convert_element_type3A_1351 = arith.extui %lt3A_1350 : vector<128x128xi1> to vector<128x128xi32>
      %reduce_sum3A_1352 = vector.shape_cast %convert_element_type3A_1351 : vector<128x128xi32> to vector<1x128x128xi32>
      %reduce_sum3A_1353 = arith.constant dense<0> : vector<1xi32>
      %reduce_sum3A_1354 = vector.multi_reduction <add>, %reduce_sum3A_1352, %reduce_sum3A_1353 [1, 2] : vector<1x128x128xi32> to vector<1xi32>
      %reduce_sum3A_1355 = vector.shape_cast %reduce_sum3A_1354 : vector<1xi32> to vector<1x1x1xi32>
      %reduce_sum3A_1356 = vector.extract %reduce_sum3A_1355[0, 0, 0] : i32 from vector<1x1x1xi32>
      %lt3A_1357 = arith.constant 9 : i32
      %lt3A_1358 = vector.broadcast %lt3A_1357 : i32 to vector<128x128xi32>
      %lt3A_1359 = arith.cmpi slt, %get3A_1285, %lt3A_1358 : vector<128x128xi32>
      %convert_element_type3A_1360 = arith.extui %lt3A_1359 : vector<128x128xi1> to vector<128x128xi32>
      %reduce_sum3A_1361 = vector.shape_cast %convert_element_type3A_1360 : vector<128x128xi32> to vector<1x128x128xi32>
      %reduce_sum3A_1362 = arith.constant dense<0> : vector<1xi32>
      %reduce_sum3A_1363 = vector.multi_reduction <add>, %reduce_sum3A_1361, %reduce_sum3A_1362 [1, 2] : vector<1x128x128xi32> to vector<1xi32>
      %reduce_sum3A_1364 = vector.shape_cast %reduce_sum3A_1363 : vector<1xi32> to vector<1x1x1xi32>
      %reduce_sum3A_1365 = vector.extract %reduce_sum3A_1364[0, 0, 0] : i32 from vector<1x1x1xi32>
      %lt3A_1366 = arith.constant 10 : i32
      %lt3A_1367 = vector.broadcast %lt3A_1366 : i32 to vector<128x128xi32>
      %lt3A_1368 = arith.cmpi slt, %get3A_1285, %lt3A_1367 : vector<128x128xi32>
      %convert_element_type3A_1369 = arith.extui %lt3A_1368 : vector<128x128xi1> to vector<128x128xi32>
      %reduce_sum3A_1370 = vector.shape_cast %convert_element_type3A_1369 : vector<128x128xi32> to vector<1x128x128xi32>
      %reduce_sum3A_1371 = arith.constant dense<0> : vector<1xi32>
      %reduce_sum3A_1372 = vector.multi_reduction <add>, %reduce_sum3A_1370, %reduce_sum3A_1371 [1, 2] : vector<1x128x128xi32> to vector<1xi32>
      %reduce_sum3A_1373 = vector.shape_cast %reduce_sum3A_1372 : vector<1xi32> to vector<1x1x1xi32>
      %reduce_sum3A_1374 = vector.extract %reduce_sum3A_1373[0, 0, 0] : i32 from vector<1x1x1xi32>
      %lt3A_1375 = arith.constant 11 : i32
      %lt3A_1376 = vector.broadcast %lt3A_1375 : i32 to vector<128x128xi32>
      %lt3A_1377 = arith.cmpi slt, %get3A_1285, %lt3A_1376 : vector<128x128xi32>
      %convert_element_type3A_1378 = arith.extui %lt3A_1377 : vector<128x128xi1> to vector<128x128xi32>
      %reduce_sum3A_1379 = vector.shape_cast %convert_element_type3A_1378 : vector<128x128xi32> to vector<1x128x128xi32>
      %reduce_sum3A_1380 = arith.constant dense<0> : vector<1xi32>
      %reduce_sum3A_1381 = vector.multi_reduction <add>, %reduce_sum3A_1379, %reduce_sum3A_1380 [1, 2] : vector<1x128x128xi32> to vector<1xi32>
      %reduce_sum3A_1382 = vector.shape_cast %reduce_sum3A_1381 : vector<1xi32> to vector<1x1x1xi32>
      %reduce_sum3A_1383 = vector.extract %reduce_sum3A_1382[0, 0, 0] : i32 from vector<1x1x1xi32>
      %lt3A_1384 = arith.constant 12 : i32
      %lt3A_1385 = vector.broadcast %lt3A_1384 : i32 to vector<128x128xi32>
      %lt3A_1386 = arith.cmpi slt, %get3A_1285, %lt3A_1385 : vector<128x128xi32>
      %convert_element_type3A_1387 = arith.extui %lt3A_1386 : vector<128x128xi1> to vector<128x128xi32>
      %reduce_sum3A_1388 = vector.shape_cast %convert_element_type3A_1387 : vector<128x128xi32> to vector<1x128x128xi32>
      %reduce_sum3A_1389 = arith.constant dense<0> : vector<1xi32>
      %reduce_sum3A_1390 = vector.multi_reduction <add>, %reduce_sum3A_1388, %reduce_sum3A_1389 [1, 2] : vector<1x128x128xi32> to vector<1xi32>
      %reduce_sum3A_1391 = vector.shape_cast %reduce_sum3A_1390 : vector<1xi32> to vector<1x1x1xi32>
      %reduce_sum3A_1392 = vector.extract %reduce_sum3A_1391[0, 0, 0] : i32 from vector<1x1x1xi32>
      %lt3A_1393 = arith.constant 13 : i32
      %lt3A_1394 = vector.broadcast %lt3A_1393 : i32 to vector<128x128xi32>
      %lt3A_1395 = arith.cmpi slt, %get3A_1285, %lt3A_1394 : vector<128x128xi32>
      %convert_element_type3A_1396 = arith.extui %lt3A_1395 : vector<128x128xi1> to vector<128x128xi32>
      %reduce_sum3A_1397 = vector.shape_cast %convert_element_type3A_1396 : vector<128x128xi32> to vector<1x128x128xi32>
      %reduce_sum3A_1398 = arith.constant dense<0> : vector<1xi32>
      %reduce_sum3A_1399 = vector.multi_reduction <add>, %reduce_sum3A_1397, %reduce_sum3A_1398 [1, 2] : vector<1x128x128xi32> to vector<1xi32>
      %reduce_sum3A_1400 = vector.shape_cast %reduce_sum3A_1399 : vector<1xi32> to vector<1x1x1xi32>
      %reduce_sum3A_1401 = vector.extract %reduce_sum3A_1400[0, 0, 0] : i32 from vector<1x1x1xi32>
      %lt3A_1402 = arith.constant 14 : i32
      %lt3A_1403 = vector.broadcast %lt3A_1402 : i32 to vector<128x128xi32>
      %lt3A_1404 = arith.cmpi slt, %get3A_1285, %lt3A_1403 : vector<128x128xi32>
      %convert_element_type3A_1405 = arith.extui %lt3A_1404 : vector<128x128xi1> to vector<128x128xi32>
      %reduce_sum3A_1406 = vector.shape_cast %convert_element_type3A_1405 : vector<128x128xi32> to vector<1x128x128xi32>
      %reduce_sum3A_1407 = arith.constant dense<0> : vector<1xi32>
      %reduce_sum3A_1408 = vector.multi_reduction <add>, %reduce_sum3A_1406, %reduce_sum3A_1407 [1, 2] : vector<1x128x128xi32> to vector<1xi32>
      %reduce_sum3A_1409 = vector.shape_cast %reduce_sum3A_1408 : vector<1xi32> to vector<1x1x1xi32>
      %reduce_sum3A_1410 = vector.extract %reduce_sum3A_1409[0, 0, 0] : i32 from vector<1x1x1xi32>
      %lt3A_1411 = arith.constant 15 : i32
      %lt3A_1412 = vector.broadcast %lt3A_1411 : i32 to vector<128x128xi32>
      %lt3A_1413 = arith.cmpi slt, %get3A_1285, %lt3A_1412 : vector<128x128xi32>
      %convert_element_type3A_1414 = arith.extui %lt3A_1413 : vector<128x128xi1> to vector<128x128xi32>
      %reduce_sum3A_1415 = vector.shape_cast %convert_element_type3A_1414 : vector<128x128xi32> to vector<1x128x128xi32>
      %reduce_sum3A_1416 = arith.constant dense<0> : vector<1xi32>
      %reduce_sum3A_1417 = vector.multi_reduction <add>, %reduce_sum3A_1415, %reduce_sum3A_1416 [1, 2] : vector<1x128x128xi32> to vector<1xi32>
      %reduce_sum3A_1418 = vector.shape_cast %reduce_sum3A_1417 : vector<1xi32> to vector<1x1x1xi32>
      %reduce_sum3A_1419 = vector.extract %reduce_sum3A_1418[0, 0, 0] : i32 from vector<1x1x1xi32>
      %broadcast_in_dim3A_1420 = vector.broadcast %reduce_sum3A_1293 : i32 to vector<1x1xi32>
      %broadcast_in_dim3A_1421 = vector.broadcast %reduce_sum3A_1302 : i32 to vector<1x1xi32>
      %broadcast_in_dim3A_1422 = vector.broadcast %reduce_sum3A_1311 : i32 to vector<1x1xi32>
      %broadcast_in_dim3A_1423 = vector.broadcast %reduce_sum3A_1320 : i32 to vector<1x1xi32>
      %broadcast_in_dim3A_1424 = vector.broadcast %reduce_sum3A_1329 : i32 to vector<1x1xi32>
      %broadcast_in_dim3A_1425 = vector.broadcast %reduce_sum3A_1338 : i32 to vector<1x1xi32>
      %broadcast_in_dim3A_1426 = vector.broadcast %reduce_sum3A_1347 : i32 to vector<1x1xi32>
      %broadcast_in_dim3A_1427 = vector.broadcast %reduce_sum3A_1356 : i32 to vector<1x1xi32>
      %broadcast_in_dim3A_1428 = vector.broadcast %reduce_sum3A_1365 : i32 to vector<1x1xi32>
      %broadcast_in_dim3A_1429 = vector.broadcast %reduce_sum3A_1374 : i32 to vector<1x1xi32>
      %broadcast_in_dim3A_1430 = vector.broadcast %reduce_sum3A_1383 : i32 to vector<1x1xi32>
      %broadcast_in_dim3A_1431 = vector.broadcast %reduce_sum3A_1392 : i32 to vector<1x1xi32>
      %broadcast_in_dim3A_1432 = vector.broadcast %reduce_sum3A_1401 : i32 to vector<1x1xi32>
      %broadcast_in_dim3A_1433 = vector.broadcast %reduce_sum3A_1410 : i32 to vector<1x1xi32>
      %broadcast_in_dim3A_1434 = vector.broadcast %reduce_sum3A_1419 : i32 to vector<1x1xi32>
      %broadcast_in_dim3A_1435 = arith.constant 0 : i32
      %broadcast_in_dim3A_1436 = vector.broadcast %broadcast_in_dim3A_1435 : i32 to vector<1x1xi32>
      %concatenate3A_1437 = tpu.concatenate %broadcast_in_dim3A_1436, %broadcast_in_dim3A_1420, %broadcast_in_dim3A_1421, %broadcast_in_dim3A_1422, %broadcast_in_dim3A_1423, %broadcast_in_dim3A_1424, %broadcast_in_dim3A_1425, %broadcast_in_dim3A_1426, %broadcast_in_dim3A_1427, %broadcast_in_dim3A_1428, %broadcast_in_dim3A_1429, %broadcast_in_dim3A_1430, %broadcast_in_dim3A_1431, %broadcast_in_dim3A_1432, %broadcast_in_dim3A_1433, %broadcast_in_dim3A_1434 in 1 : vector<1x1xi32>, vector<1x1xi32>, vector<1x1xi32>, vector<1x1xi32>, vector<1x1xi32>, vector<1x1xi32>, vector<1x1xi32>, vector<1x1xi32>, vector<1x1xi32>, vector<1x1xi32>, vector<1x1xi32>, vector<1x1xi32>, vector<1x1xi32>, vector<1x1xi32>, vector<1x1xi32>, vector<1x1xi32> -> vector<1x16xi32>
      %broadcast_in_dim3A_1438 = arith.constant 16384 : i32
      %broadcast_in_dim3A_1439 = vector.broadcast %broadcast_in_dim3A_1438 : i32 to vector<1x1xi32>
      %concatenate3A_1440 = tpu.concatenate %broadcast_in_dim3A_1420, %broadcast_in_dim3A_1421, %broadcast_in_dim3A_1422, %broadcast_in_dim3A_1423, %broadcast_in_dim3A_1424, %broadcast_in_dim3A_1425, %broadcast_in_dim3A_1426, %broadcast_in_dim3A_1427, %broadcast_in_dim3A_1428, %broadcast_in_dim3A_1429, %broadcast_in_dim3A_1430, %broadcast_in_dim3A_1431, %broadcast_in_dim3A_1432, %broadcast_in_dim3A_1433, %broadcast_in_dim3A_1434, %broadcast_in_dim3A_1439 in 1 : vector<1x1xi32>, vector<1x1xi32>, vector<1x1xi32>, vector<1x1xi32>, vector<1x1xi32>, vector<1x1xi32>, vector<1x1xi32>, vector<1x1xi32>, vector<1x1xi32>, vector<1x1xi32>, vector<1x1xi32>, vector<1x1xi32>, vector<1x1xi32>, vector<1x1xi32>, vector<1x1xi32>, vector<1x1xi32> -> vector<1x16xi32>
      %swap3A_1441 = arith.constant 0 : index
      %swap3A_1442 = arith.constant 0 : index
      %swap3A_1443 = vector.load %arg10[%swap3A_1441, %swap3A_1442] : memref<2x16xi32, #tpu.memory_space<vmem>>, vector<1x16xi32>
      tpu.vector_store %arg10[%swap3A_1441, %swap3A_1442], %concatenate3A_1437 {strides = array<i32>} : memref<2x16xi32, #tpu.memory_space<vmem>>, vector<1x16xi32>,
      %swap3A_1444 = arith.constant 1 : index
      %swap3A_1445 = arith.constant 0 : index
      %swap3A_1446 = vector.load %arg10[%swap3A_1444, %swap3A_1445] : memref<2x16xi32, #tpu.memory_space<vmem>>, vector<1x16xi32>
      tpu.vector_store %arg10[%swap3A_1444, %swap3A_1445], %concatenate3A_1440 {strides = array<i32>} : memref<2x16xi32, #tpu.memory_space<vmem>>, vector<1x16xi32>,
      %swap3A_1447 = arith.constant 0 : i32
      %swap3A_1448 = arith.constant 0 : index
      %swap3A_1449 = arith.constant 0 : index
      %swap3A_1450 = memref.load %arg11[%swap3A_1448, %swap3A_1449] : memref<2x16xi32, #tpu.memory_space<smem>>
      memref.store %swap3A_1447, %arg11[%swap3A_1448, %swap3A_1449] : memref<2x16xi32, #tpu.memory_space<smem>>
      %swap3A_1451 = arith.constant 1 : index
      %swap3A_1452 = arith.constant 0 : index
      %swap3A_1453 = memref.load %arg11[%swap3A_1451, %swap3A_1452] : memref<2x16xi32, #tpu.memory_space<smem>>
      memref.store %reduce_sum3A_1293, %arg11[%swap3A_1451, %swap3A_1452] : memref<2x16xi32, #tpu.memory_space<smem>>
      %swap3A_1454 = arith.constant 0 : index
      %swap3A_1455 = arith.constant 1 : index
      %swap3A_1456 = memref.load %arg11[%swap3A_1454, %swap3A_1455] : memref<2x16xi32, #tpu.memory_space<smem>>
      memref.store %reduce_sum3A_1293, %arg11[%swap3A_1454, %swap3A_1455] : memref<2x16xi32, #tpu.memory_space<smem>>
      %swap3A_1457 = arith.constant 1 : index
      %swap3A_1458 = arith.constant 1 : index
      %swap3A_1459 = memref.load %arg11[%swap3A_1457, %swap3A_1458] : memref<2x16xi32, #tpu.memory_space<smem>>
      memref.store %reduce_sum3A_1302, %arg11[%swap3A_1457, %swap3A_1458] : memref<2x16xi32, #tpu.memory_space<smem>>
      %swap3A_1460 = arith.constant 0 : index
      %swap3A_1461 = arith.constant 2 : index
      %swap3A_1462 = memref.load %arg11[%swap3A_1460, %swap3A_1461] : memref<2x16xi32, #tpu.memory_space<smem>>
      memref.store %reduce_sum3A_1302, %arg11[%swap3A_1460, %swap3A_1461] : memref<2x16xi32, #tpu.memory_space<smem>>
      %swap3A_1463 = arith.constant 1 : index
      %swap3A_1464 = arith.constant 2 : index
      %swap3A_1465 = memref.load %arg11[%swap3A_1463, %swap3A_1464] : memref<2x16xi32, #tpu.memory_space<smem>>
      memref.store %reduce_sum3A_1311, %arg11[%swap3A_1463, %swap3A_1464] : memref<2x16xi32, #tpu.memory_space<smem>>
      %swap3A_1466 = arith.constant 0 : index
      %swap3A_1467 = arith.constant 3 : index
      %swap3A_1468 = memref.load %arg11[%swap3A_1466, %swap3A_1467] : memref<2x16xi32, #tpu.memory_space<smem>>
      memref.store %reduce_sum3A_1311, %arg11[%swap3A_1466, %swap3A_1467] : memref<2x16xi32, #tpu.memory_space<smem>>
      %swap3A_1469 = arith.constant 1 : index
      %swap3A_1470 = arith.constant 3 : index
      %swap3A_1471 = memref.load %arg11[%swap3A_1469, %swap3A_1470] : memref<2x16xi32, #tpu.memory_space<smem>>
      memref.store %reduce_sum3A_1320, %arg11[%swap3A_1469, %swap3A_1470] : memref<2x16xi32, #tpu.memory_space<smem>>
      %swap3A_1472 = arith.constant 0 : index
      %swap3A_1473 = arith.constant 4 : index
      %swap3A_1474 = memref.load %arg11[%swap3A_1472, %swap3A_1473] : memref<2x16xi32, #tpu.memory_space<smem>>
      memref.store %reduce_sum3A_1320, %arg11[%swap3A_1472, %swap3A_1473] : memref<2x16xi32, #tpu.memory_space<smem>>
      %swap3A_1475 = arith.constant 1 : index
      %swap3A_1476 = arith.constant 4 : index
      %swap3A_1477 = memref.load %arg11[%swap3A_1475, %swap3A_1476] : memref<2x16xi32, #tpu.memory_space<smem>>
      memref.store %reduce_sum3A_1329, %arg11[%swap3A_1475, %swap3A_1476] : memref<2x16xi32, #tpu.memory_space<smem>>
      %swap3A_1478 = arith.constant 0 : index
      %swap3A_1479 = arith.constant 5 : index
      %swap3A_1480 = memref.load %arg11[%swap3A_1478, %swap3A_1479] : memref<2x16xi32, #tpu.memory_space<smem>>
      memref.store %reduce_sum3A_1329, %arg11[%swap3A_1478, %swap3A_1479] : memref<2x16xi32, #tpu.memory_space<smem>>
      %swap3A_1481 = arith.constant 1 : index
      %swap3A_1482 = arith.constant 5 : index
      %swap3A_1483 = memref.load %arg11[%swap3A_1481, %swap3A_1482] : memref<2x16xi32, #tpu.memory_space<smem>>
      memref.store %reduce_sum3A_1338, %arg11[%swap3A_1481, %swap3A_1482] : memref<2x16xi32, #tpu.memory_space<smem>>
      %swap3A_1484 = arith.constant 0 : index
      %swap3A_1485 = arith.constant 6 : index
      %swap3A_1486 = memref.load %arg11[%swap3A_1484, %swap3A_1485] : memref<2x16xi32, #tpu.memory_space<smem>>
      memref.store %reduce_sum3A_1338, %arg11[%swap3A_1484, %swap3A_1485] : memref<2x16xi32, #tpu.memory_space<smem>>
      %swap3A_1487 = arith.constant 1 : index
      %swap3A_1488 = arith.constant 6 : index
      %swap3A_1489 = memref.load %arg11[%swap3A_1487, %swap3A_1488] : memref<2x16xi32, #tpu.memory_space<smem>>
      memref.store %reduce_sum3A_1347, %arg11[%swap3A_1487, %swap3A_1488] : memref<2x16xi32, #tpu.memory_space<smem>>
      %swap3A_1490 = arith.constant 0 : index
      %swap3A_1491 = arith.constant 7 : index
      %swap3A_1492 = memref.load %arg11[%swap3A_1490, %swap3A_1491] : memref<2x16xi32, #tpu.memory_space<smem>>
      memref.store %reduce_sum3A_1347, %arg11[%swap3A_1490, %swap3A_1491] : memref<2x16xi32, #tpu.memory_space<smem>>
      %swap3A_1493 = arith.constant 1 : index
      %swap3A_1494 = arith.constant 7 : index
      %swap3A_1495 = memref.load %arg11[%swap3A_1493, %swap3A_1494] : memref<2x16xi32, #tpu.memory_space<smem>>
      memref.store %reduce_sum3A_1356, %arg11[%swap3A_1493, %swap3A_1494] : memref<2x16xi32, #tpu.memory_space<smem>>
      %swap3A_1496 = arith.constant 0 : index
      %swap3A_1497 = arith.constant 8 : index
      %swap3A_1498 = memref.load %arg11[%swap3A_1496, %swap3A_1497] : memref<2x16xi32, #tpu.memory_space<smem>>
      memref.store %reduce_sum3A_1356, %arg11[%swap3A_1496, %swap3A_1497] : memref<2x16xi32, #tpu.memory_space<smem>>
      %swap3A_1499 = arith.constant 1 : index
      %swap3A_1500 = arith.constant 8 : index
      %swap3A_1501 = memref.load %arg11[%swap3A_1499, %swap3A_1500] : memref<2x16xi32, #tpu.memory_space<smem>>
      memref.store %reduce_sum3A_1365, %arg11[%swap3A_1499, %swap3A_1500] : memref<2x16xi32, #tpu.memory_space<smem>>
      %swap3A_1502 = arith.constant 0 : index
      %swap3A_1503 = arith.constant 9 : index
      %swap3A_1504 = memref.load %arg11[%swap3A_1502, %swap3A_1503] : memref<2x16xi32, #tpu.memory_space<smem>>
      memref.store %reduce_sum3A_1365, %arg11[%swap3A_1502, %swap3A_1503] : memref<2x16xi32, #tpu.memory_space<smem>>
      %swap3A_1505 = arith.constant 1 : index
      %swap3A_1506 = arith.constant 9 : index
      %swap3A_1507 = memref.load %arg11[%swap3A_1505, %swap3A_1506] : memref<2x16xi32, #tpu.memory_space<smem>>
      memref.store %reduce_sum3A_1374, %arg11[%swap3A_1505, %swap3A_1506] : memref<2x16xi32, #tpu.memory_space<smem>>
      %swap3A_1508 = arith.constant 0 : index
      %swap3A_1509 = arith.constant 10 : index
      %swap3A_1510 = memref.load %arg11[%swap3A_1508, %swap3A_1509] : memref<2x16xi32, #tpu.memory_space<smem>>
      memref.store %reduce_sum3A_1374, %arg11[%swap3A_1508, %swap3A_1509] : memref<2x16xi32, #tpu.memory_space<smem>>
      %swap3A_1511 = arith.constant 1 : index
      %swap3A_1512 = arith.constant 10 : index
      %swap3A_1513 = memref.load %arg11[%swap3A_1511, %swap3A_1512] : memref<2x16xi32, #tpu.memory_space<smem>>
      memref.store %reduce_sum3A_1383, %arg11[%swap3A_1511, %swap3A_1512] : memref<2x16xi32, #tpu.memory_space<smem>>
      %swap3A_1514 = arith.constant 0 : index
      %swap3A_1515 = arith.constant 11 : index
      %swap3A_1516 = memref.load %arg11[%swap3A_1514, %swap3A_1515] : memref<2x16xi32, #tpu.memory_space<smem>>
      memref.store %reduce_sum3A_1383, %arg11[%swap3A_1514, %swap3A_1515] : memref<2x16xi32, #tpu.memory_space<smem>>
      %swap3A_1517 = arith.constant 1 : index
      %swap3A_1518 = arith.constant 11 : index
      %swap3A_1519 = memref.load %arg11[%swap3A_1517, %swap3A_1518] : memref<2x16xi32, #tpu.memory_space<smem>>
      memref.store %reduce_sum3A_1392, %arg11[%swap3A_1517, %swap3A_1518] : memref<2x16xi32, #tpu.memory_space<smem>>
      %swap3A_1520 = arith.constant 0 : index
      %swap3A_1521 = arith.constant 12 : index
      %swap3A_1522 = memref.load %arg11[%swap3A_1520, %swap3A_1521] : memref<2x16xi32, #tpu.memory_space<smem>>
      memref.store %reduce_sum3A_1392, %arg11[%swap3A_1520, %swap3A_1521] : memref<2x16xi32, #tpu.memory_space<smem>>
      %swap3A_1523 = arith.constant 1 : index
      %swap3A_1524 = arith.constant 12 : index
      %swap3A_1525 = memref.load %arg11[%swap3A_1523, %swap3A_1524] : memref<2x16xi32, #tpu.memory_space<smem>>
      memref.store %reduce_sum3A_1401, %arg11[%swap3A_1523, %swap3A_1524] : memref<2x16xi32, #tpu.memory_space<smem>>
      %swap3A_1526 = arith.constant 0 : index
      %swap3A_1527 = arith.constant 13 : index
      %swap3A_1528 = memref.load %arg11[%swap3A_1526, %swap3A_1527] : memref<2x16xi32, #tpu.memory_space<smem>>
      memref.store %reduce_sum3A_1401, %arg11[%swap3A_1526, %swap3A_1527] : memref<2x16xi32, #tpu.memory_space<smem>>
      %swap3A_1529 = arith.constant 1 : index
      %swap3A_1530 = arith.constant 13 : index
      %swap3A_1531 = memref.load %arg11[%swap3A_1529, %swap3A_1530] : memref<2x16xi32, #tpu.memory_space<smem>>
      memref.store %reduce_sum3A_1410, %arg11[%swap3A_1529, %swap3A_1530] : memref<2x16xi32, #tpu.memory_space<smem>>
      %swap3A_1532 = arith.constant 0 : index
      %swap3A_1533 = arith.constant 14 : index
      %swap3A_1534 = memref.load %arg11[%swap3A_1532, %swap3A_1533] : memref<2x16xi32, #tpu.memory_space<smem>>
      memref.store %reduce_sum3A_1410, %arg11[%swap3A_1532, %swap3A_1533] : memref<2x16xi32, #tpu.memory_space<smem>>
      %swap3A_1535 = arith.constant 1 : index
      %swap3A_1536 = arith.constant 14 : index
      %swap3A_1537 = memref.load %arg11[%swap3A_1535, %swap3A_1536] : memref<2x16xi32, #tpu.memory_space<smem>>
      memref.store %reduce_sum3A_1419, %arg11[%swap3A_1535, %swap3A_1536] : memref<2x16xi32, #tpu.memory_space<smem>>
      %swap3A_1538 = arith.constant 0 : index
      %swap3A_1539 = arith.constant 15 : index
      %swap3A_1540 = memref.load %arg11[%swap3A_1538, %swap3A_1539] : memref<2x16xi32, #tpu.memory_space<smem>>
      memref.store %reduce_sum3A_1419, %arg11[%swap3A_1538, %swap3A_1539] : memref<2x16xi32, #tpu.memory_space<smem>>
      %swap3A_1541 = arith.constant 16384 : i32
      %swap3A_1542 = arith.constant 1 : index
      %swap3A_1543 = arith.constant 15 : index
      %swap3A_1544 = memref.load %arg11[%swap3A_1542, %swap3A_1543] : memref<2x16xi32, #tpu.memory_space<smem>>
      memref.store %swap3A_1541, %arg11[%swap3A_1542, %swap3A_1543] : memref<2x16xi32, #tpu.memory_space<smem>>
      %broadcast_in_dim3A_1545 = arith.constant 0xFF800000 : f32
      %broadcast_in_dim3A_1546 = vector.broadcast %broadcast_in_dim3A_1545 : f32 to vector<16x128xf32>
      %swap3A_1547 = arith.constant 0 : index
      %swap3A_1548 = arith.constant 0 : index
      %swap3A_1549 = vector.load %arg9[%swap3A_1547, %swap3A_1548] : memref<16x128xf32, #tpu.memory_space<vmem>>, vector<16x128xf32>
      tpu.vector_store %arg9[%swap3A_1547, %swap3A_1548], %broadcast_in_dim3A_1546 {strides = array<i32>} : memref<16x128xf32, #tpu.memory_space<vmem>>, vector<16x128xf32>,
    } else {
    }
    %swap3A = arith.constant 0 : index
    %swap3A_38 = arith.constant 0 : index
    %swap3A_39 = vector.load %arg12[%swap3A, %swap3A_38] : memref<4096x128xf32, #tpu.memory_space<vmem>>, vector<4096x128xf32>
    tpu.vector_store %arg12[%swap3A, %swap3A_38], %max3A_35 {strides = array<i32>} : memref<4096x128xf32, #tpu.memory_space<vmem>>, vector<4096x128xf32>,
    %mul3A = arith.constant 4096 : i32
    %mul3A_40 = arith.muli %arg0, %mul3A : i32
    %reshape3A = vector.shape_cast %max3A_35 : vector<4096x128xf32> to vector<64x8x8x128xf32>
    %reduce_max3A = arith.constant dense<0xFF800000> : vector<64x8x128xf32>
    %reduce_max3A_41 = vector.multi_reduction <maximumf>, %reshape3A, %reduce_max3A [1] : vector<64x8x8x128xf32> to vector<64x8x128xf32>
    %reshape3A_42 = vector.shape_cast %reduce_max3A_41 : vector<64x8x128xf32> to vector<512x128xf32>
    %get3A_43 = arith.constant 0 : index
    %get3A_44 = arith.constant 0 : index
    %get3A_45 = vector.load %arg10[%get3A_43, %get3A_44] : memref<2x16xi32, #tpu.memory_space<vmem>>, vector<1x16xi32>
    %sub3A = vector.broadcast %mul3A_40 : i32 to vector<1x16xi32>
    %sub3A_46 = arith.subi %get3A_45, %sub3A : vector<1x16xi32>
    %jit3A = arith.constant 0 : i32
    %jit3A_47 = arith.constant 4096 : i32
    %max3A_48 = vector.broadcast %jit3A : i32 to vector<1x16xi32>
    %max3A_49 = arith.maxsi %max3A_48, %sub3A_46 : vector<1x16xi32>
    %min3A = vector.broadcast %jit3A_47 : i32 to vector<1x16xi32>
    %min3A_50 = arith.minsi %min3A, %max3A_49 : vector<1x16xi32>
    %get3A_51 = arith.constant 1 : index
    %get3A_52 = arith.constant 0 : index
    %get3A_53 = vector.load %arg10[%get3A_51, %get3A_52] : memref<2x16xi32, #tpu.memory_space<vmem>>, vector<1x16xi32>
    %sub3A_54 = vector.broadcast %mul3A_40 : i32 to vector<1x16xi32>
    %sub3A_55 = arith.subi %get3A_53, %sub3A_54 : vector<1x16xi32>
    %jit3A_56 = arith.constant 0 : i32
    %jit3A_57 = arith.constant 4096 : i32
    %max3A_58 = vector.broadcast %jit3A_56 : i32 to vector<1x16xi32>
    %max3A_59 = arith.maxsi %max3A_58, %sub3A_55 : vector<1x16xi32>
    %min3A_60 = vector.broadcast %jit3A_57 : i32 to vector<1x16xi32>
    %min3A_61 = arith.minsi %min3A_60, %max3A_59 : vector<1x16xi32>
    %add3A_62 = arith.constant 63 : i32
    %add3A_63 = vector.broadcast %add3A_62 : i32 to vector<1x16xi32>
    %add3A_64 = arith.addi %min3A_50, %add3A_63 : vector<1x16xi32>
    %shift_right_arithmetic3A = arith.constant 6 : i32
    %shift_right_arithmetic3A_65 = vector.broadcast %shift_right_arithmetic3A : i32 to vector<1x16xi32>
    %shift_right_arithmetic3A_66 = arith.shrsi %add3A_64, %shift_right_arithmetic3A_65 : vector<1x16xi32>
    %shift_left3A = arith.constant 3 : i32
    %shift_left3A_67 = vector.broadcast %shift_left3A : i32 to vector<1x16xi32>
    %shift_left3A_68 = arith.shli %shift_right_arithmetic3A_66, %shift_left3A_67 : vector<1x16xi32>
    %shift_right_arithmetic3A_69 = arith.constant 6 : i32
    %shift_right_arithmetic3A_70 = vector.broadcast %shift_right_arithmetic3A_69 : i32 to vector<1x16xi32>
    %shift_right_arithmetic3A_71 = arith.shrsi %min3A_61, %shift_right_arithmetic3A_70 : vector<1x16xi32>
    %shift_left3A_72 = arith.constant 3 : i32
    %shift_left3A_73 = vector.broadcast %shift_left3A_72 : i32 to vector<1x16xi32>
    %shift_left3A_74 = arith.shli %shift_right_arithmetic3A_71, %shift_left3A_73 : vector<1x16xi32>
    %iota3A = tpu.iota {dimensions = array<i32: 0>} : vector<512x16xi32>
    %ge3A = vector.broadcast %shift_left3A_68 : vector<1x16xi32> to vector<512x16xi32>
    %ge3A_75 = arith.cmpi sge, %iota3A, %ge3A : vector<512x16xi32>
    %lt3A = vector.broadcast %shift_left3A_74 : vector<1x16xi32> to vector<512x16xi32>
    %lt3A_76 = arith.cmpi slt, %iota3A, %lt3A : vector<512x16xi32>
    %and3A = arith.andi %ge3A_75, %lt3A_76 : vector<512x16xi1>
    %iota3A_77 = tpu.iota {dimensions = array<i32: 0>} : vector<64x1xi32>
    %slice3A = vector.extract_strided_slice %and3A {offsets = [0, 0], sizes = [512, 1], strides = [1, 1]} : vector<512x16xi1> to vector<512x1xi1>
    %jit3A_78 = arith.constant 0xFF800000 : f32
    %broadcast_in_dim3A_79 = vector.shape_cast %slice3A : vector<512x1xi1> to vector<512x1xi1>
    %broadcast_in_dim3A_80 = vector.broadcast %broadcast_in_dim3A_79 : vector<512x1xi1> to vector<512x128xi1>
    %broadcast_in_dim3A_81 = vector.broadcast %jit3A_78 : f32 to vector<512x128xf32>
    %select_n3A = arith.select %broadcast_in_dim3A_80, %reshape3A_42, %broadcast_in_dim3A_81 : vector<512x128xi1>, vector<512x128xf32>
    %reduce_max3A_82 = arith.constant dense<0xFF800000> : vector<128xf32>
    %reduce_max3A_83 = vector.multi_reduction <maximumf>, %select_n3A, %reduce_max3A_82 [0] : vector<512x128xf32> to vector<128xf32>
    %broadcast_in_dim3A_84 = vector.shape_cast %reduce_max3A_83 : vector<128xf32> to vector<1x128xf32>
    %get3A_85 = arith.constant 0 : index
    %get3A_86 = arith.constant 0 : index
    %get3A_87 = memref.load %arg11[%get3A_85, %get3A_86] : memref<2x16xi32, #tpu.memory_space<smem>>
    %sub3A_88 = arith.subi %get3A_87, %mul3A_40 : i32
    %jit3A_89 = arith.constant 0 : i32
    %jit3A_90 = arith.constant 4096 : i32
    %max3A_91 = arith.maxsi %jit3A_89, %sub3A_88 : i32
    %min3A_92 = arith.minsi %jit3A_90, %max3A_91 : i32
    %get3A_93 = arith.constant 1 : index
    %get3A_94 = arith.constant 0 : index
    %get3A_95 = memref.load %arg11[%get3A_93, %get3A_94] : memref<2x16xi32, #tpu.memory_space<smem>>
    %sub3A_96 = arith.subi %get3A_95, %mul3A_40 : i32
    %jit3A_97 = arith.constant 0 : i32
    %jit3A_98 = arith.constant 4096 : i32
    %max3A_99 = arith.maxsi %jit3A_97, %sub3A_96 : i32
    %min3A_100 = arith.minsi %jit3A_98, %max3A_99 : i32
    %min3A_101 = arith.constant 4032 : i32
    %min3A_102 = arith.minsi %min3A_92, %min3A_101 : i32
    %sub3A_103 = arith.constant 64 : i32
    %sub3A_104 = arith.subi %min3A_100, %sub3A_103 : i32
    %jit3A_105 = arith.constant 0 : i32
    %jit3A_106 = arith.constant 4032 : i32
    %max3A_107 = arith.maxsi %jit3A_105, %sub3A_104 : i32
    %min3A_108 = arith.minsi %jit3A_106, %max3A_107 : i32
    %get3A_109 = arith.index_cast %min3A_102 : i32 to index
    %get3A_110 = arith.constant 0 : index
    %get3A_111 = vector.load %arg12[%get3A_109, %get3A_110] : memref<4096x128xf32, #tpu.memory_space<vmem>>, vector<64x128xf32>
    %add3A_112 = vector.broadcast %min3A_102 : i32 to vector<64x1xi32>
    %add3A_113 = arith.addi %iota3A_77, %add3A_112 : vector<64x1xi32>
    %ge3A_114 = vector.broadcast %min3A_92 : i32 to vector<64x1xi32>
    %ge3A_115 = arith.cmpi sge, %add3A_113, %ge3A_114 : vector<64x1xi32>
    %add3A_116 = vector.broadcast %min3A_102 : i32 to vector<64x1xi32>
    %add3A_117 = arith.addi %iota3A_77, %add3A_116 : vector<64x1xi32>
    %lt3A_118 = vector.broadcast %min3A_100 : i32 to vector<64x1xi32>
    %lt3A_119 = arith.cmpi slt, %add3A_117, %lt3A_118 : vector<64x1xi32>
    %and3A_120 = arith.andi %ge3A_115, %lt3A_119 : vector<64x1xi1>
    %jit3A_121 = arith.constant 0xFF800000 : f32
    %broadcast_in_dim3A_122 = vector.shape_cast %and3A_120 : vector<64x1xi1> to vector<64x1xi1>
    %broadcast_in_dim3A_123 = vector.broadcast %broadcast_in_dim3A_122 : vector<64x1xi1> to vector<64x128xi1>
    %broadcast_in_dim3A_124 = vector.broadcast %jit3A_121 : f32 to vector<64x128xf32>
    %select_n3A_125 = arith.select %broadcast_in_dim3A_123, %get3A_111, %broadcast_in_dim3A_124 : vector<64x128xi1>, vector<64x128xf32>
    %reduce_max3A_126 = arith.constant dense<0xFF800000> : vector<128xf32>
    %reduce_max3A_127 = vector.multi_reduction <maximumf>, %select_n3A_125, %reduce_max3A_126 [0] : vector<64x128xf32> to vector<128xf32>
    %broadcast_in_dim3A_128 = vector.shape_cast %reduce_max3A_127 : vector<128xf32> to vector<1x128xf32>
    %get3A_129 = arith.index_cast %min3A_108 : i32 to index
    %get3A_130 = arith.constant 0 : index
    %get3A_131 = vector.load %arg12[%get3A_129, %get3A_130] : memref<4096x128xf32, #tpu.memory_space<vmem>>, vector<64x128xf32>
    %add3A_132 = vector.broadcast %min3A_108 : i32 to vector<64x1xi32>
    %add3A_133 = arith.addi %iota3A_77, %add3A_132 : vector<64x1xi32>
    %ge3A_134 = vector.broadcast %min3A_92 : i32 to vector<64x1xi32>
    %ge3A_135 = arith.cmpi sge, %add3A_133, %ge3A_134 : vector<64x1xi32>
    %add3A_136 = vector.broadcast %min3A_108 : i32 to vector<64x1xi32>
    %add3A_137 = arith.addi %iota3A_77, %add3A_136 : vector<64x1xi32>
    %lt3A_138 = vector.broadcast %min3A_100 : i32 to vector<64x1xi32>
    %lt3A_139 = arith.cmpi slt, %add3A_137, %lt3A_138 : vector<64x1xi32>
    %and3A_140 = arith.andi %ge3A_135, %lt3A_139 : vector<64x1xi1>
    %jit3A_141 = arith.constant 0xFF800000 : f32
    %broadcast_in_dim3A_142 = vector.shape_cast %and3A_140 : vector<64x1xi1> to vector<64x1xi1>
    %broadcast_in_dim3A_143 = vector.broadcast %broadcast_in_dim3A_142 : vector<64x1xi1> to vector<64x128xi1>
    %broadcast_in_dim3A_144 = vector.broadcast %jit3A_141 : f32 to vector<64x128xf32>
    %select_n3A_145 = arith.select %broadcast_in_dim3A_143, %get3A_131, %broadcast_in_dim3A_144 : vector<64x128xi1>, vector<64x128xf32>
    %reduce_max3A_146 = arith.constant dense<0xFF800000> : vector<128xf32>
    %reduce_max3A_147 = vector.multi_reduction <maximumf>, %select_n3A_145, %reduce_max3A_146 [0] : vector<64x128xf32> to vector<128xf32>
    %broadcast_in_dim3A_148 = vector.shape_cast %reduce_max3A_147 : vector<128xf32> to vector<1x128xf32>
    %max3A_149 = arith.maximumf %broadcast_in_dim3A_128, %broadcast_in_dim3A_148 : vector<1x128xf32>
    %max3A_150 = arith.maximumf %broadcast_in_dim3A_84, %max3A_149 : vector<1x128xf32>
    %slice3A_151 = vector.extract_strided_slice %and3A {offsets = [0, 1], sizes = [512, 1], strides = [1, 1]} : vector<512x16xi1> to vector<512x1xi1>
    %jit3A_152 = arith.constant 0xFF800000 : f32
    %broadcast_in_dim3A_153 = vector.shape_cast %slice3A_151 : vector<512x1xi1> to vector<512x1xi1>
    %broadcast_in_dim3A_154 = vector.broadcast %broadcast_in_dim3A_153 : vector<512x1xi1> to vector<512x128xi1>
    %broadcast_in_dim3A_155 = vector.broadcast %jit3A_152 : f32 to vector<512x128xf32>
    %select_n3A_156 = arith.select %broadcast_in_dim3A_154, %reshape3A_42, %broadcast_in_dim3A_155 : vector<512x128xi1>, vector<512x128xf32>
    %reduce_max3A_157 = arith.constant dense<0xFF800000> : vector<128xf32>
    %reduce_max3A_158 = vector.multi_reduction <maximumf>, %select_n3A_156, %reduce_max3A_157 [0] : vector<512x128xf32> to vector<128xf32>
    %broadcast_in_dim3A_159 = vector.shape_cast %reduce_max3A_158 : vector<128xf32> to vector<1x128xf32>
    %get3A_160 = arith.constant 0 : index
    %get3A_161 = arith.constant 1 : index
    %get3A_162 = memref.load %arg11[%get3A_160, %get3A_161] : memref<2x16xi32, #tpu.memory_space<smem>>
    %sub3A_163 = arith.subi %get3A_162, %mul3A_40 : i32
    %jit3A_164 = arith.constant 0 : i32
    %jit3A_165 = arith.constant 4096 : i32
    %max3A_166 = arith.maxsi %jit3A_164, %sub3A_163 : i32
    %min3A_167 = arith.minsi %jit3A_165, %max3A_166 : i32
    %get3A_168 = arith.constant 1 : index
    %get3A_169 = arith.constant 1 : index
    %get3A_170 = memref.load %arg11[%get3A_168, %get3A_169] : memref<2x16xi32, #tpu.memory_space<smem>>
    %sub3A_171 = arith.subi %get3A_170, %mul3A_40 : i32
    %jit3A_172 = arith.constant 0 : i32
    %jit3A_173 = arith.constant 4096 : i32
    %max3A_174 = arith.maxsi %jit3A_172, %sub3A_171 : i32
    %min3A_175 = arith.minsi %jit3A_173, %max3A_174 : i32
    %min3A_176 = arith.constant 4032 : i32
    %min3A_177 = arith.minsi %min3A_167, %min3A_176 : i32
    %sub3A_178 = arith.constant 64 : i32
    %sub3A_179 = arith.subi %min3A_175, %sub3A_178 : i32
    %jit3A_180 = arith.constant 0 : i32
    %jit3A_181 = arith.constant 4032 : i32
    %max3A_182 = arith.maxsi %jit3A_180, %sub3A_179 : i32
    %min3A_183 = arith.minsi %jit3A_181, %max3A_182 : i32
    %get3A_184 = arith.index_cast %min3A_177 : i32 to index
    %get3A_185 = arith.constant 0 : index
    %get3A_186 = vector.load %arg12[%get3A_184, %get3A_185] : memref<4096x128xf32, #tpu.memory_space<vmem>>, vector<64x128xf32>
    %add3A_187 = vector.broadcast %min3A_177 : i32 to vector<64x1xi32>
    %add3A_188 = arith.addi %iota3A_77, %add3A_187 : vector<64x1xi32>
    %ge3A_189 = vector.broadcast %min3A_167 : i32 to vector<64x1xi32>
    %ge3A_190 = arith.cmpi sge, %add3A_188, %ge3A_189 : vector<64x1xi32>
    %add3A_191 = vector.broadcast %min3A_177 : i32 to vector<64x1xi32>
    %add3A_192 = arith.addi %iota3A_77, %add3A_191 : vector<64x1xi32>
    %lt3A_193 = vector.broadcast %min3A_175 : i32 to vector<64x1xi32>
    %lt3A_194 = arith.cmpi slt, %add3A_192, %lt3A_193 : vector<64x1xi32>
    %and3A_195 = arith.andi %ge3A_190, %lt3A_194 : vector<64x1xi1>
    %jit3A_196 = arith.constant 0xFF800000 : f32
    %broadcast_in_dim3A_197 = vector.shape_cast %and3A_195 : vector<64x1xi1> to vector<64x1xi1>
    %broadcast_in_dim3A_198 = vector.broadcast %broadcast_in_dim3A_197 : vector<64x1xi1> to vector<64x128xi1>
    %broadcast_in_dim3A_199 = vector.broadcast %jit3A_196 : f32 to vector<64x128xf32>
    %select_n3A_200 = arith.select %broadcast_in_dim3A_198, %get3A_186, %broadcast_in_dim3A_199 : vector<64x128xi1>, vector<64x128xf32>
    %reduce_max3A_201 = arith.constant dense<0xFF800000> : vector<128xf32>
    %reduce_max3A_202 = vector.multi_reduction <maximumf>, %select_n3A_200, %reduce_max3A_201 [0] : vector<64x128xf32> to vector<128xf32>
    %broadcast_in_dim3A_203 = vector.shape_cast %reduce_max3A_202 : vector<128xf32> to vector<1x128xf32>
    %get3A_204 = arith.index_cast %min3A_183 : i32 to index
    %get3A_205 = arith.constant 0 : index
    %get3A_206 = vector.load %arg12[%get3A_204, %get3A_205] : memref<4096x128xf32, #tpu.memory_space<vmem>>, vector<64x128xf32>
    %add3A_207 = vector.broadcast %min3A_183 : i32 to vector<64x1xi32>
    %add3A_208 = arith.addi %iota3A_77, %add3A_207 : vector<64x1xi32>
    %ge3A_209 = vector.broadcast %min3A_167 : i32 to vector<64x1xi32>
    %ge3A_210 = arith.cmpi sge, %add3A_208, %ge3A_209 : vector<64x1xi32>
    %add3A_211 = vector.broadcast %min3A_183 : i32 to vector<64x1xi32>
    %add3A_212 = arith.addi %iota3A_77, %add3A_211 : vector<64x1xi32>
    %lt3A_213 = vector.broadcast %min3A_175 : i32 to vector<64x1xi32>
    %lt3A_214 = arith.cmpi slt, %add3A_212, %lt3A_213 : vector<64x1xi32>
    %and3A_215 = arith.andi %ge3A_210, %lt3A_214 : vector<64x1xi1>
    %jit3A_216 = arith.constant 0xFF800000 : f32
    %broadcast_in_dim3A_217 = vector.shape_cast %and3A_215 : vector<64x1xi1> to vector<64x1xi1>
    %broadcast_in_dim3A_218 = vector.broadcast %broadcast_in_dim3A_217 : vector<64x1xi1> to vector<64x128xi1>
    %broadcast_in_dim3A_219 = vector.broadcast %jit3A_216 : f32 to vector<64x128xf32>
    %select_n3A_220 = arith.select %broadcast_in_dim3A_218, %get3A_206, %broadcast_in_dim3A_219 : vector<64x128xi1>, vector<64x128xf32>
    %reduce_max3A_221 = arith.constant dense<0xFF800000> : vector<128xf32>
    %reduce_max3A_222 = vector.multi_reduction <maximumf>, %select_n3A_220, %reduce_max3A_221 [0] : vector<64x128xf32> to vector<128xf32>
    %broadcast_in_dim3A_223 = vector.shape_cast %reduce_max3A_222 : vector<128xf32> to vector<1x128xf32>
    %max3A_224 = arith.maximumf %broadcast_in_dim3A_203, %broadcast_in_dim3A_223 : vector<1x128xf32>
    %max3A_225 = arith.maximumf %broadcast_in_dim3A_159, %max3A_224 : vector<1x128xf32>
    %slice3A_226 = vector.extract_strided_slice %and3A {offsets = [0, 2], sizes = [512, 1], strides = [1, 1]} : vector<512x16xi1> to vector<512x1xi1>
    %jit3A_227 = arith.constant 0xFF800000 : f32
    %broadcast_in_dim3A_228 = vector.shape_cast %slice3A_226 : vector<512x1xi1> to vector<512x1xi1>
    %broadcast_in_dim3A_229 = vector.broadcast %broadcast_in_dim3A_228 : vector<512x1xi1> to vector<512x128xi1>
    %broadcast_in_dim3A_230 = vector.broadcast %jit3A_227 : f32 to vector<512x128xf32>
    %select_n3A_231 = arith.select %broadcast_in_dim3A_229, %reshape3A_42, %broadcast_in_dim3A_230 : vector<512x128xi1>, vector<512x128xf32>
    %reduce_max3A_232 = arith.constant dense<0xFF800000> : vector<128xf32>
    %reduce_max3A_233 = vector.multi_reduction <maximumf>, %select_n3A_231, %reduce_max3A_232 [0] : vector<512x128xf32> to vector<128xf32>
    %broadcast_in_dim3A_234 = vector.shape_cast %reduce_max3A_233 : vector<128xf32> to vector<1x128xf32>
    %get3A_235 = arith.constant 0 : index
    %get3A_236 = arith.constant 2 : index
    %get3A_237 = memref.load %arg11[%get3A_235, %get3A_236] : memref<2x16xi32, #tpu.memory_space<smem>>
    %sub3A_238 = arith.subi %get3A_237, %mul3A_40 : i32
    %jit3A_239 = arith.constant 0 : i32
    %jit3A_240 = arith.constant 4096 : i32
    %max3A_241 = arith.maxsi %jit3A_239, %sub3A_238 : i32
    %min3A_242 = arith.minsi %jit3A_240, %max3A_241 : i32
    %get3A_243 = arith.constant 1 : index
    %get3A_244 = arith.constant 2 : index
    %get3A_245 = memref.load %arg11[%get3A_243, %get3A_244] : memref<2x16xi32, #tpu.memory_space<smem>>
    %sub3A_246 = arith.subi %get3A_245, %mul3A_40 : i32
    %jit3A_247 = arith.constant 0 : i32
    %jit3A_248 = arith.constant 4096 : i32
    %max3A_249 = arith.maxsi %jit3A_247, %sub3A_246 : i32
    %min3A_250 = arith.minsi %jit3A_248, %max3A_249 : i32
    %min3A_251 = arith.constant 4032 : i32
    %min3A_252 = arith.minsi %min3A_242, %min3A_251 : i32
    %sub3A_253 = arith.constant 64 : i32
    %sub3A_254 = arith.subi %min3A_250, %sub3A_253 : i32
    %jit3A_255 = arith.constant 0 : i32
    %jit3A_256 = arith.constant 4032 : i32
    %max3A_257 = arith.maxsi %jit3A_255, %sub3A_254 : i32
    %min3A_258 = arith.minsi %jit3A_256, %max3A_257 : i32
    %get3A_259 = arith.index_cast %min3A_252 : i32 to index
    %get3A_260 = arith.constant 0 : index
    %get3A_261 = vector.load %arg12[%get3A_259, %get3A_260] : memref<4096x128xf32, #tpu.memory_space<vmem>>, vector<64x128xf32>
    %add3A_262 = vector.broadcast %min3A_252 : i32 to vector<64x1xi32>
    %add3A_263 = arith.addi %iota3A_77, %add3A_262 : vector<64x1xi32>
    %ge3A_264 = vector.broadcast %min3A_242 : i32 to vector<64x1xi32>
    %ge3A_265 = arith.cmpi sge, %add3A_263, %ge3A_264 : vector<64x1xi32>
    %add3A_266 = vector.broadcast %min3A_252 : i32 to vector<64x1xi32>
    %add3A_267 = arith.addi %iota3A_77, %add3A_266 : vector<64x1xi32>
    %lt3A_268 = vector.broadcast %min3A_250 : i32 to vector<64x1xi32>
    %lt3A_269 = arith.cmpi slt, %add3A_267, %lt3A_268 : vector<64x1xi32>
    %and3A_270 = arith.andi %ge3A_265, %lt3A_269 : vector<64x1xi1>
    %jit3A_271 = arith.constant 0xFF800000 : f32
    %broadcast_in_dim3A_272 = vector.shape_cast %and3A_270 : vector<64x1xi1> to vector<64x1xi1>
    %broadcast_in_dim3A_273 = vector.broadcast %broadcast_in_dim3A_272 : vector<64x1xi1> to vector<64x128xi1>
    %broadcast_in_dim3A_274 = vector.broadcast %jit3A_271 : f32 to vector<64x128xf32>
    %select_n3A_275 = arith.select %broadcast_in_dim3A_273, %get3A_261, %broadcast_in_dim3A_274 : vector<64x128xi1>, vector<64x128xf32>
    %reduce_max3A_276 = arith.constant dense<0xFF800000> : vector<128xf32>
    %reduce_max3A_277 = vector.multi_reduction <maximumf>, %select_n3A_275, %reduce_max3A_276 [0] : vector<64x128xf32> to vector<128xf32>
    %broadcast_in_dim3A_278 = vector.shape_cast %reduce_max3A_277 : vector<128xf32> to vector<1x128xf32>
    %get3A_279 = arith.index_cast %min3A_258 : i32 to index
    %get3A_280 = arith.constant 0 : index
    %get3A_281 = vector.load %arg12[%get3A_279, %get3A_280] : memref<4096x128xf32, #tpu.memory_space<vmem>>, vector<64x128xf32>
    %add3A_282 = vector.broadcast %min3A_258 : i32 to vector<64x1xi32>
    %add3A_283 = arith.addi %iota3A_77, %add3A_282 : vector<64x1xi32>
    %ge3A_284 = vector.broadcast %min3A_242 : i32 to vector<64x1xi32>
    %ge3A_285 = arith.cmpi sge, %add3A_283, %ge3A_284 : vector<64x1xi32>
    %add3A_286 = vector.broadcast %min3A_258 : i32 to vector<64x1xi32>
    %add3A_287 = arith.addi %iota3A_77, %add3A_286 : vector<64x1xi32>
    %lt3A_288 = vector.broadcast %min3A_250 : i32 to vector<64x1xi32>
    %lt3A_289 = arith.cmpi slt, %add3A_287, %lt3A_288 : vector<64x1xi32>
    %and3A_290 = arith.andi %ge3A_285, %lt3A_289 : vector<64x1xi1>
    %jit3A_291 = arith.constant 0xFF800000 : f32
    %broadcast_in_dim3A_292 = vector.shape_cast %and3A_290 : vector<64x1xi1> to vector<64x1xi1>
    %broadcast_in_dim3A_293 = vector.broadcast %broadcast_in_dim3A_292 : vector<64x1xi1> to vector<64x128xi1>
    %broadcast_in_dim3A_294 = vector.broadcast %jit3A_291 : f32 to vector<64x128xf32>
    %select_n3A_295 = arith.select %broadcast_in_dim3A_293, %get3A_281, %broadcast_in_dim3A_294 : vector<64x128xi1>, vector<64x128xf32>
    %reduce_max3A_296 = arith.constant dense<0xFF800000> : vector<128xf32>
    %reduce_max3A_297 = vector.multi_reduction <maximumf>, %select_n3A_295, %reduce_max3A_296 [0] : vector<64x128xf32> to vector<128xf32>
    %broadcast_in_dim3A_298 = vector.shape_cast %reduce_max3A_297 : vector<128xf32> to vector<1x128xf32>
    %max3A_299 = arith.maximumf %broadcast_in_dim3A_278, %broadcast_in_dim3A_298 : vector<1x128xf32>
    %max3A_300 = arith.maximumf %broadcast_in_dim3A_234, %max3A_299 : vector<1x128xf32>
    %slice3A_301 = vector.extract_strided_slice %and3A {offsets = [0, 3], sizes = [512, 1], strides = [1, 1]} : vector<512x16xi1> to vector<512x1xi1>
    %jit3A_302 = arith.constant 0xFF800000 : f32
    %broadcast_in_dim3A_303 = vector.shape_cast %slice3A_301 : vector<512x1xi1> to vector<512x1xi1>
    %broadcast_in_dim3A_304 = vector.broadcast %broadcast_in_dim3A_303 : vector<512x1xi1> to vector<512x128xi1>
    %broadcast_in_dim3A_305 = vector.broadcast %jit3A_302 : f32 to vector<512x128xf32>
    %select_n3A_306 = arith.select %broadcast_in_dim3A_304, %reshape3A_42, %broadcast_in_dim3A_305 : vector<512x128xi1>, vector<512x128xf32>
    %reduce_max3A_307 = arith.constant dense<0xFF800000> : vector<128xf32>
    %reduce_max3A_308 = vector.multi_reduction <maximumf>, %select_n3A_306, %reduce_max3A_307 [0] : vector<512x128xf32> to vector<128xf32>
    %broadcast_in_dim3A_309 = vector.shape_cast %reduce_max3A_308 : vector<128xf32> to vector<1x128xf32>
    %get3A_310 = arith.constant 0 : index
    %get3A_311 = arith.constant 3 : index
    %get3A_312 = memref.load %arg11[%get3A_310, %get3A_311] : memref<2x16xi32, #tpu.memory_space<smem>>
    %sub3A_313 = arith.subi %get3A_312, %mul3A_40 : i32
    %jit3A_314 = arith.constant 0 : i32
    %jit3A_315 = arith.constant 4096 : i32
    %max3A_316 = arith.maxsi %jit3A_314, %sub3A_313 : i32
    %min3A_317 = arith.minsi %jit3A_315, %max3A_316 : i32
    %get3A_318 = arith.constant 1 : index
    %get3A_319 = arith.constant 3 : index
    %get3A_320 = memref.load %arg11[%get3A_318, %get3A_319] : memref<2x16xi32, #tpu.memory_space<smem>>
    %sub3A_321 = arith.subi %get3A_320, %mul3A_40 : i32
    %jit3A_322 = arith.constant 0 : i32
    %jit3A_323 = arith.constant 4096 : i32
    %max3A_324 = arith.maxsi %jit3A_322, %sub3A_321 : i32
    %min3A_325 = arith.minsi %jit3A_323, %max3A_324 : i32
    %min3A_326 = arith.constant 4032 : i32
    %min3A_327 = arith.minsi %min3A_317, %min3A_326 : i32
    %sub3A_328 = arith.constant 64 : i32
    %sub3A_329 = arith.subi %min3A_325, %sub3A_328 : i32
    %jit3A_330 = arith.constant 0 : i32
    %jit3A_331 = arith.constant 4032 : i32
    %max3A_332 = arith.maxsi %jit3A_330, %sub3A_329 : i32
    %min3A_333 = arith.minsi %jit3A_331, %max3A_332 : i32
    %get3A_334 = arith.index_cast %min3A_327 : i32 to index
    %get3A_335 = arith.constant 0 : index
    %get3A_336 = vector.load %arg12[%get3A_334, %get3A_335] : memref<4096x128xf32, #tpu.memory_space<vmem>>, vector<64x128xf32>
    %add3A_337 = vector.broadcast %min3A_327 : i32 to vector<64x1xi32>
    %add3A_338 = arith.addi %iota3A_77, %add3A_337 : vector<64x1xi32>
    %ge3A_339 = vector.broadcast %min3A_317 : i32 to vector<64x1xi32>
    %ge3A_340 = arith.cmpi sge, %add3A_338, %ge3A_339 : vector<64x1xi32>
    %add3A_341 = vector.broadcast %min3A_327 : i32 to vector<64x1xi32>
    %add3A_342 = arith.addi %iota3A_77, %add3A_341 : vector<64x1xi32>
    %lt3A_343 = vector.broadcast %min3A_325 : i32 to vector<64x1xi32>
    %lt3A_344 = arith.cmpi slt, %add3A_342, %lt3A_343 : vector<64x1xi32>
    %and3A_345 = arith.andi %ge3A_340, %lt3A_344 : vector<64x1xi1>
    %jit3A_346 = arith.constant 0xFF800000 : f32
    %broadcast_in_dim3A_347 = vector.shape_cast %and3A_345 : vector<64x1xi1> to vector<64x1xi1>
    %broadcast_in_dim3A_348 = vector.broadcast %broadcast_in_dim3A_347 : vector<64x1xi1> to vector<64x128xi1>
    %broadcast_in_dim3A_349 = vector.broadcast %jit3A_346 : f32 to vector<64x128xf32>
    %select_n3A_350 = arith.select %broadcast_in_dim3A_348, %get3A_336, %broadcast_in_dim3A_349 : vector<64x128xi1>, vector<64x128xf32>
    %reduce_max3A_351 = arith.constant dense<0xFF800000> : vector<128xf32>
    %reduce_max3A_352 = vector.multi_reduction <maximumf>, %select_n3A_350, %reduce_max3A_351 [0] : vector<64x128xf32> to vector<128xf32>
    %broadcast_in_dim3A_353 = vector.shape_cast %reduce_max3A_352 : vector<128xf32> to vector<1x128xf32>
    %get3A_354 = arith.index_cast %min3A_333 : i32 to index
    %get3A_355 = arith.constant 0 : index
    %get3A_356 = vector.load %arg12[%get3A_354, %get3A_355] : memref<4096x128xf32, #tpu.memory_space<vmem>>, vector<64x128xf32>
    %add3A_357 = vector.broadcast %min3A_333 : i32 to vector<64x1xi32>
    %add3A_358 = arith.addi %iota3A_77, %add3A_357 : vector<64x1xi32>
    %ge3A_359 = vector.broadcast %min3A_317 : i32 to vector<64x1xi32>
    %ge3A_360 = arith.cmpi sge, %add3A_358, %ge3A_359 : vector<64x1xi32>
    %add3A_361 = vector.broadcast %min3A_333 : i32 to vector<64x1xi32>
    %add3A_362 = arith.addi %iota3A_77, %add3A_361 : vector<64x1xi32>
    %lt3A_363 = vector.broadcast %min3A_325 : i32 to vector<64x1xi32>
    %lt3A_364 = arith.cmpi slt, %add3A_362, %lt3A_363 : vector<64x1xi32>
    %and3A_365 = arith.andi %ge3A_360, %lt3A_364 : vector<64x1xi1>
    %jit3A_366 = arith.constant 0xFF800000 : f32
    %broadcast_in_dim3A_367 = vector.shape_cast %and3A_365 : vector<64x1xi1> to vector<64x1xi1>
    %broadcast_in_dim3A_368 = vector.broadcast %broadcast_in_dim3A_367 : vector<64x1xi1> to vector<64x128xi1>
    %broadcast_in_dim3A_369 = vector.broadcast %jit3A_366 : f32 to vector<64x128xf32>
    %select_n3A_370 = arith.select %broadcast_in_dim3A_368, %get3A_356, %broadcast_in_dim3A_369 : vector<64x128xi1>, vector<64x128xf32>
    %reduce_max3A_371 = arith.constant dense<0xFF800000> : vector<128xf32>
    %reduce_max3A_372 = vector.multi_reduction <maximumf>, %select_n3A_370, %reduce_max3A_371 [0] : vector<64x128xf32> to vector<128xf32>
    %broadcast_in_dim3A_373 = vector.shape_cast %reduce_max3A_372 : vector<128xf32> to vector<1x128xf32>
    %max3A_374 = arith.maximumf %broadcast_in_dim3A_353, %broadcast_in_dim3A_373 : vector<1x128xf32>
    %max3A_375 = arith.maximumf %broadcast_in_dim3A_309, %max3A_374 : vector<1x128xf32>
    %slice3A_376 = vector.extract_strided_slice %and3A {offsets = [0, 4], sizes = [512, 1], strides = [1, 1]} : vector<512x16xi1> to vector<512x1xi1>
    %jit3A_377 = arith.constant 0xFF800000 : f32
    %broadcast_in_dim3A_378 = vector.shape_cast %slice3A_376 : vector<512x1xi1> to vector<512x1xi1>
    %broadcast_in_dim3A_379 = vector.broadcast %broadcast_in_dim3A_378 : vector<512x1xi1> to vector<512x128xi1>
    %broadcast_in_dim3A_380 = vector.broadcast %jit3A_377 : f32 to vector<512x128xf32>
    %select_n3A_381 = arith.select %broadcast_in_dim3A_379, %reshape3A_42, %broadcast_in_dim3A_380 : vector<512x128xi1>, vector<512x128xf32>
    %reduce_max3A_382 = arith.constant dense<0xFF800000> : vector<128xf32>
    %reduce_max3A_383 = vector.multi_reduction <maximumf>, %select_n3A_381, %reduce_max3A_382 [0] : vector<512x128xf32> to vector<128xf32>
    %broadcast_in_dim3A_384 = vector.shape_cast %reduce_max3A_383 : vector<128xf32> to vector<1x128xf32>
    %get3A_385 = arith.constant 0 : index
    %get3A_386 = arith.constant 4 : index
    %get3A_387 = memref.load %arg11[%get3A_385, %get3A_386] : memref<2x16xi32, #tpu.memory_space<smem>>
    %sub3A_388 = arith.subi %get3A_387, %mul3A_40 : i32
    %jit3A_389 = arith.constant 0 : i32
    %jit3A_390 = arith.constant 4096 : i32
    %max3A_391 = arith.maxsi %jit3A_389, %sub3A_388 : i32
    %min3A_392 = arith.minsi %jit3A_390, %max3A_391 : i32
    %get3A_393 = arith.constant 1 : index
    %get3A_394 = arith.constant 4 : index
    %get3A_395 = memref.load %arg11[%get3A_393, %get3A_394] : memref<2x16xi32, #tpu.memory_space<smem>>
    %sub3A_396 = arith.subi %get3A_395, %mul3A_40 : i32
    %jit3A_397 = arith.constant 0 : i32
    %jit3A_398 = arith.constant 4096 : i32
    %max3A_399 = arith.maxsi %jit3A_397, %sub3A_396 : i32
    %min3A_400 = arith.minsi %jit3A_398, %max3A_399 : i32
    %min3A_401 = arith.constant 4032 : i32
    %min3A_402 = arith.minsi %min3A_392, %min3A_401 : i32
    %sub3A_403 = arith.constant 64 : i32
    %sub3A_404 = arith.subi %min3A_400, %sub3A_403 : i32
    %jit3A_405 = arith.constant 0 : i32
    %jit3A_406 = arith.constant 4032 : i32
    %max3A_407 = arith.maxsi %jit3A_405, %sub3A_404 : i32
    %min3A_408 = arith.minsi %jit3A_406, %max3A_407 : i32
    %get3A_409 = arith.index_cast %min3A_402 : i32 to index
    %get3A_410 = arith.constant 0 : index
    %get3A_411 = vector.load %arg12[%get3A_409, %get3A_410] : memref<4096x128xf32, #tpu.memory_space<vmem>>, vector<64x128xf32>
    %add3A_412 = vector.broadcast %min3A_402 : i32 to vector<64x1xi32>
    %add3A_413 = arith.addi %iota3A_77, %add3A_412 : vector<64x1xi32>
    %ge3A_414 = vector.broadcast %min3A_392 : i32 to vector<64x1xi32>
    %ge3A_415 = arith.cmpi sge, %add3A_413, %ge3A_414 : vector<64x1xi32>
    %add3A_416 = vector.broadcast %min3A_402 : i32 to vector<64x1xi32>
    %add3A_417 = arith.addi %iota3A_77, %add3A_416 : vector<64x1xi32>
    %lt3A_418 = vector.broadcast %min3A_400 : i32 to vector<64x1xi32>
    %lt3A_419 = arith.cmpi slt, %add3A_417, %lt3A_418 : vector<64x1xi32>
    %and3A_420 = arith.andi %ge3A_415, %lt3A_419 : vector<64x1xi1>
    %jit3A_421 = arith.constant 0xFF800000 : f32
    %broadcast_in_dim3A_422 = vector.shape_cast %and3A_420 : vector<64x1xi1> to vector<64x1xi1>
    %broadcast_in_dim3A_423 = vector.broadcast %broadcast_in_dim3A_422 : vector<64x1xi1> to vector<64x128xi1>
    %broadcast_in_dim3A_424 = vector.broadcast %jit3A_421 : f32 to vector<64x128xf32>
    %select_n3A_425 = arith.select %broadcast_in_dim3A_423, %get3A_411, %broadcast_in_dim3A_424 : vector<64x128xi1>, vector<64x128xf32>
    %reduce_max3A_426 = arith.constant dense<0xFF800000> : vector<128xf32>
    %reduce_max3A_427 = vector.multi_reduction <maximumf>, %select_n3A_425, %reduce_max3A_426 [0] : vector<64x128xf32> to vector<128xf32>
    %broadcast_in_dim3A_428 = vector.shape_cast %reduce_max3A_427 : vector<128xf32> to vector<1x128xf32>
    %get3A_429 = arith.index_cast %min3A_408 : i32 to index
    %get3A_430 = arith.constant 0 : index
    %get3A_431 = vector.load %arg12[%get3A_429, %get3A_430] : memref<4096x128xf32, #tpu.memory_space<vmem>>, vector<64x128xf32>
    %add3A_432 = vector.broadcast %min3A_408 : i32 to vector<64x1xi32>
    %add3A_433 = arith.addi %iota3A_77, %add3A_432 : vector<64x1xi32>
    %ge3A_434 = vector.broadcast %min3A_392 : i32 to vector<64x1xi32>
    %ge3A_435 = arith.cmpi sge, %add3A_433, %ge3A_434 : vector<64x1xi32>
    %add3A_436 = vector.broadcast %min3A_408 : i32 to vector<64x1xi32>
    %add3A_437 = arith.addi %iota3A_77, %add3A_436 : vector<64x1xi32>
    %lt3A_438 = vector.broadcast %min3A_400 : i32 to vector<64x1xi32>
    %lt3A_439 = arith.cmpi slt, %add3A_437, %lt3A_438 : vector<64x1xi32>
    %and3A_440 = arith.andi %ge3A_435, %lt3A_439 : vector<64x1xi1>
    %jit3A_441 = arith.constant 0xFF800000 : f32
    %broadcast_in_dim3A_442 = vector.shape_cast %and3A_440 : vector<64x1xi1> to vector<64x1xi1>
    %broadcast_in_dim3A_443 = vector.broadcast %broadcast_in_dim3A_442 : vector<64x1xi1> to vector<64x128xi1>
    %broadcast_in_dim3A_444 = vector.broadcast %jit3A_441 : f32 to vector<64x128xf32>
    %select_n3A_445 = arith.select %broadcast_in_dim3A_443, %get3A_431, %broadcast_in_dim3A_444 : vector<64x128xi1>, vector<64x128xf32>
    %reduce_max3A_446 = arith.constant dense<0xFF800000> : vector<128xf32>
    %reduce_max3A_447 = vector.multi_reduction <maximumf>, %select_n3A_445, %reduce_max3A_446 [0] : vector<64x128xf32> to vector<128xf32>
    %broadcast_in_dim3A_448 = vector.shape_cast %reduce_max3A_447 : vector<128xf32> to vector<1x128xf32>
    %max3A_449 = arith.maximumf %broadcast_in_dim3A_428, %broadcast_in_dim3A_448 : vector<1x128xf32>
    %max3A_450 = arith.maximumf %broadcast_in_dim3A_384, %max3A_449 : vector<1x128xf32>
    %slice3A_451 = vector.extract_strided_slice %and3A {offsets = [0, 5], sizes = [512, 1], strides = [1, 1]} : vector<512x16xi1> to vector<512x1xi1>
    %jit3A_452 = arith.constant 0xFF800000 : f32
    %broadcast_in_dim3A_453 = vector.shape_cast %slice3A_451 : vector<512x1xi1> to vector<512x1xi1>
    %broadcast_in_dim3A_454 = vector.broadcast %broadcast_in_dim3A_453 : vector<512x1xi1> to vector<512x128xi1>
    %broadcast_in_dim3A_455 = vector.broadcast %jit3A_452 : f32 to vector<512x128xf32>
    %select_n3A_456 = arith.select %broadcast_in_dim3A_454, %reshape3A_42, %broadcast_in_dim3A_455 : vector<512x128xi1>, vector<512x128xf32>
    %reduce_max3A_457 = arith.constant dense<0xFF800000> : vector<128xf32>
    %reduce_max3A_458 = vector.multi_reduction <maximumf>, %select_n3A_456, %reduce_max3A_457 [0] : vector<512x128xf32> to vector<128xf32>
    %broadcast_in_dim3A_459 = vector.shape_cast %reduce_max3A_458 : vector<128xf32> to vector<1x128xf32>
    %get3A_460 = arith.constant 0 : index
    %get3A_461 = arith.constant 5 : index
    %get3A_462 = memref.load %arg11[%get3A_460, %get3A_461] : memref<2x16xi32, #tpu.memory_space<smem>>
    %sub3A_463 = arith.subi %get3A_462, %mul3A_40 : i32
    %jit3A_464 = arith.constant 0 : i32
    %jit3A_465 = arith.constant 4096 : i32
    %max3A_466 = arith.maxsi %jit3A_464, %sub3A_463 : i32
    %min3A_467 = arith.minsi %jit3A_465, %max3A_466 : i32
    %get3A_468 = arith.constant 1 : index
    %get3A_469 = arith.constant 5 : index
    %get3A_470 = memref.load %arg11[%get3A_468, %get3A_469] : memref<2x16xi32, #tpu.memory_space<smem>>
    %sub3A_471 = arith.subi %get3A_470, %mul3A_40 : i32
    %jit3A_472 = arith.constant 0 : i32
    %jit3A_473 = arith.constant 4096 : i32
    %max3A_474 = arith.maxsi %jit3A_472, %sub3A_471 : i32
    %min3A_475 = arith.minsi %jit3A_473, %max3A_474 : i32
    %min3A_476 = arith.constant 4032 : i32
    %min3A_477 = arith.minsi %min3A_467, %min3A_476 : i32
    %sub3A_478 = arith.constant 64 : i32
    %sub3A_479 = arith.subi %min3A_475, %sub3A_478 : i32
    %jit3A_480 = arith.constant 0 : i32
    %jit3A_481 = arith.constant 4032 : i32
    %max3A_482 = arith.maxsi %jit3A_480, %sub3A_479 : i32
    %min3A_483 = arith.minsi %jit3A_481, %max3A_482 : i32
    %get3A_484 = arith.index_cast %min3A_477 : i32 to index
    %get3A_485 = arith.constant 0 : index
    %get3A_486 = vector.load %arg12[%get3A_484, %get3A_485] : memref<4096x128xf32, #tpu.memory_space<vmem>>, vector<64x128xf32>
    %add3A_487 = vector.broadcast %min3A_477 : i32 to vector<64x1xi32>
    %add3A_488 = arith.addi %iota3A_77, %add3A_487 : vector<64x1xi32>
    %ge3A_489 = vector.broadcast %min3A_467 : i32 to vector<64x1xi32>
    %ge3A_490 = arith.cmpi sge, %add3A_488, %ge3A_489 : vector<64x1xi32>
    %add3A_491 = vector.broadcast %min3A_477 : i32 to vector<64x1xi32>
    %add3A_492 = arith.addi %iota3A_77, %add3A_491 : vector<64x1xi32>
    %lt3A_493 = vector.broadcast %min3A_475 : i32 to vector<64x1xi32>
    %lt3A_494 = arith.cmpi slt, %add3A_492, %lt3A_493 : vector<64x1xi32>
    %and3A_495 = arith.andi %ge3A_490, %lt3A_494 : vector<64x1xi1>
    %jit3A_496 = arith.constant 0xFF800000 : f32
    %broadcast_in_dim3A_497 = vector.shape_cast %and3A_495 : vector<64x1xi1> to vector<64x1xi1>
    %broadcast_in_dim3A_498 = vector.broadcast %broadcast_in_dim3A_497 : vector<64x1xi1> to vector<64x128xi1>
    %broadcast_in_dim3A_499 = vector.broadcast %jit3A_496 : f32 to vector<64x128xf32>
    %select_n3A_500 = arith.select %broadcast_in_dim3A_498, %get3A_486, %broadcast_in_dim3A_499 : vector<64x128xi1>, vector<64x128xf32>
    %reduce_max3A_501 = arith.constant dense<0xFF800000> : vector<128xf32>
    %reduce_max3A_502 = vector.multi_reduction <maximumf>, %select_n3A_500, %reduce_max3A_501 [0] : vector<64x128xf32> to vector<128xf32>
    %broadcast_in_dim3A_503 = vector.shape_cast %reduce_max3A_502 : vector<128xf32> to vector<1x128xf32>
    %get3A_504 = arith.index_cast %min3A_483 : i32 to index
    %get3A_505 = arith.constant 0 : index
    %get3A_506 = vector.load %arg12[%get3A_504, %get3A_505] : memref<4096x128xf32, #tpu.memory_space<vmem>>, vector<64x128xf32>
    %add3A_507 = vector.broadcast %min3A_483 : i32 to vector<64x1xi32>
    %add3A_508 = arith.addi %iota3A_77, %add3A_507 : vector<64x1xi32>
    %ge3A_509 = vector.broadcast %min3A_467 : i32 to vector<64x1xi32>
    %ge3A_510 = arith.cmpi sge, %add3A_508, %ge3A_509 : vector<64x1xi32>
    %add3A_511 = vector.broadcast %min3A_483 : i32 to vector<64x1xi32>
    %add3A_512 = arith.addi %iota3A_77, %add3A_511 : vector<64x1xi32>
    %lt3A_513 = vector.broadcast %min3A_475 : i32 to vector<64x1xi32>
    %lt3A_514 = arith.cmpi slt, %add3A_512, %lt3A_513 : vector<64x1xi32>
    %and3A_515 = arith.andi %ge3A_510, %lt3A_514 : vector<64x1xi1>
    %jit3A_516 = arith.constant 0xFF800000 : f32
    %broadcast_in_dim3A_517 = vector.shape_cast %and3A_515 : vector<64x1xi1> to vector<64x1xi1>
    %broadcast_in_dim3A_518 = vector.broadcast %broadcast_in_dim3A_517 : vector<64x1xi1> to vector<64x128xi1>
    %broadcast_in_dim3A_519 = vector.broadcast %jit3A_516 : f32 to vector<64x128xf32>
    %select_n3A_520 = arith.select %broadcast_in_dim3A_518, %get3A_506, %broadcast_in_dim3A_519 : vector<64x128xi1>, vector<64x128xf32>
    %reduce_max3A_521 = arith.constant dense<0xFF800000> : vector<128xf32>
    %reduce_max3A_522 = vector.multi_reduction <maximumf>, %select_n3A_520, %reduce_max3A_521 [0] : vector<64x128xf32> to vector<128xf32>
    %broadcast_in_dim3A_523 = vector.shape_cast %reduce_max3A_522 : vector<128xf32> to vector<1x128xf32>
    %max3A_524 = arith.maximumf %broadcast_in_dim3A_503, %broadcast_in_dim3A_523 : vector<1x128xf32>
    %max3A_525 = arith.maximumf %broadcast_in_dim3A_459, %max3A_524 : vector<1x128xf32>
    %slice3A_526 = vector.extract_strided_slice %and3A {offsets = [0, 6], sizes = [512, 1], strides = [1, 1]} : vector<512x16xi1> to vector<512x1xi1>
    %jit3A_527 = arith.constant 0xFF800000 : f32
    %broadcast_in_dim3A_528 = vector.shape_cast %slice3A_526 : vector<512x1xi1> to vector<512x1xi1>
    %broadcast_in_dim3A_529 = vector.broadcast %broadcast_in_dim3A_528 : vector<512x1xi1> to vector<512x128xi1>
    %broadcast_in_dim3A_530 = vector.broadcast %jit3A_527 : f32 to vector<512x128xf32>
    %select_n3A_531 = arith.select %broadcast_in_dim3A_529, %reshape3A_42, %broadcast_in_dim3A_530 : vector<512x128xi1>, vector<512x128xf32>
    %reduce_max3A_532 = arith.constant dense<0xFF800000> : vector<128xf32>
    %reduce_max3A_533 = vector.multi_reduction <maximumf>, %select_n3A_531, %reduce_max3A_532 [0] : vector<512x128xf32> to vector<128xf32>
    %broadcast_in_dim3A_534 = vector.shape_cast %reduce_max3A_533 : vector<128xf32> to vector<1x128xf32>
    %get3A_535 = arith.constant 0 : index
    %get3A_536 = arith.constant 6 : index
    %get3A_537 = memref.load %arg11[%get3A_535, %get3A_536] : memref<2x16xi32, #tpu.memory_space<smem>>
    %sub3A_538 = arith.subi %get3A_537, %mul3A_40 : i32
    %jit3A_539 = arith.constant 0 : i32
    %jit3A_540 = arith.constant 4096 : i32
    %max3A_541 = arith.maxsi %jit3A_539, %sub3A_538 : i32
    %min3A_542 = arith.minsi %jit3A_540, %max3A_541 : i32
    %get3A_543 = arith.constant 1 : index
    %get3A_544 = arith.constant 6 : index
    %get3A_545 = memref.load %arg11[%get3A_543, %get3A_544] : memref<2x16xi32, #tpu.memory_space<smem>>
    %sub3A_546 = arith.subi %get3A_545, %mul3A_40 : i32
    %jit3A_547 = arith.constant 0 : i32
    %jit3A_548 = arith.constant 4096 : i32
    %max3A_549 = arith.maxsi %jit3A_547, %sub3A_546 : i32
    %min3A_550 = arith.minsi %jit3A_548, %max3A_549 : i32
    %min3A_551 = arith.constant 4032 : i32
    %min3A_552 = arith.minsi %min3A_542, %min3A_551 : i32
    %sub3A_553 = arith.constant 64 : i32
    %sub3A_554 = arith.subi %min3A_550, %sub3A_553 : i32
    %jit3A_555 = arith.constant 0 : i32
    %jit3A_556 = arith.constant 4032 : i32
    %max3A_557 = arith.maxsi %jit3A_555, %sub3A_554 : i32
    %min3A_558 = arith.minsi %jit3A_556, %max3A_557 : i32
    %get3A_559 = arith.index_cast %min3A_552 : i32 to index
    %get3A_560 = arith.constant 0 : index
    %get3A_561 = vector.load %arg12[%get3A_559, %get3A_560] : memref<4096x128xf32, #tpu.memory_space<vmem>>, vector<64x128xf32>
    %add3A_562 = vector.broadcast %min3A_552 : i32 to vector<64x1xi32>
    %add3A_563 = arith.addi %iota3A_77, %add3A_562 : vector<64x1xi32>
    %ge3A_564 = vector.broadcast %min3A_542 : i32 to vector<64x1xi32>
    %ge3A_565 = arith.cmpi sge, %add3A_563, %ge3A_564 : vector<64x1xi32>
    %add3A_566 = vector.broadcast %min3A_552 : i32 to vector<64x1xi32>
    %add3A_567 = arith.addi %iota3A_77, %add3A_566 : vector<64x1xi32>
    %lt3A_568 = vector.broadcast %min3A_550 : i32 to vector<64x1xi32>
    %lt3A_569 = arith.cmpi slt, %add3A_567, %lt3A_568 : vector<64x1xi32>
    %and3A_570 = arith.andi %ge3A_565, %lt3A_569 : vector<64x1xi1>
    %jit3A_571 = arith.constant 0xFF800000 : f32
    %broadcast_in_dim3A_572 = vector.shape_cast %and3A_570 : vector<64x1xi1> to vector<64x1xi1>
    %broadcast_in_dim3A_573 = vector.broadcast %broadcast_in_dim3A_572 : vector<64x1xi1> to vector<64x128xi1>
    %broadcast_in_dim3A_574 = vector.broadcast %jit3A_571 : f32 to vector<64x128xf32>
    %select_n3A_575 = arith.select %broadcast_in_dim3A_573, %get3A_561, %broadcast_in_dim3A_574 : vector<64x128xi1>, vector<64x128xf32>
    %reduce_max3A_576 = arith.constant dense<0xFF800000> : vector<128xf32>
    %reduce_max3A_577 = vector.multi_reduction <maximumf>, %select_n3A_575, %reduce_max3A_576 [0] : vector<64x128xf32> to vector<128xf32>
    %broadcast_in_dim3A_578 = vector.shape_cast %reduce_max3A_577 : vector<128xf32> to vector<1x128xf32>
    %get3A_579 = arith.index_cast %min3A_558 : i32 to index
    %get3A_580 = arith.constant 0 : index
    %get3A_581 = vector.load %arg12[%get3A_579, %get3A_580] : memref<4096x128xf32, #tpu.memory_space<vmem>>, vector<64x128xf32>
    %add3A_582 = vector.broadcast %min3A_558 : i32 to vector<64x1xi32>
    %add3A_583 = arith.addi %iota3A_77, %add3A_582 : vector<64x1xi32>
    %ge3A_584 = vector.broadcast %min3A_542 : i32 to vector<64x1xi32>
    %ge3A_585 = arith.cmpi sge, %add3A_583, %ge3A_584 : vector<64x1xi32>
    %add3A_586 = vector.broadcast %min3A_558 : i32 to vector<64x1xi32>
    %add3A_587 = arith.addi %iota3A_77, %add3A_586 : vector<64x1xi32>
    %lt3A_588 = vector.broadcast %min3A_550 : i32 to vector<64x1xi32>
    %lt3A_589 = arith.cmpi slt, %add3A_587, %lt3A_588 : vector<64x1xi32>
    %and3A_590 = arith.andi %ge3A_585, %lt3A_589 : vector<64x1xi1>
    %jit3A_591 = arith.constant 0xFF800000 : f32
    %broadcast_in_dim3A_592 = vector.shape_cast %and3A_590 : vector<64x1xi1> to vector<64x1xi1>
    %broadcast_in_dim3A_593 = vector.broadcast %broadcast_in_dim3A_592 : vector<64x1xi1> to vector<64x128xi1>
    %broadcast_in_dim3A_594 = vector.broadcast %jit3A_591 : f32 to vector<64x128xf32>
    %select_n3A_595 = arith.select %broadcast_in_dim3A_593, %get3A_581, %broadcast_in_dim3A_594 : vector<64x128xi1>, vector<64x128xf32>
    %reduce_max3A_596 = arith.constant dense<0xFF800000> : vector<128xf32>
    %reduce_max3A_597 = vector.multi_reduction <maximumf>, %select_n3A_595, %reduce_max3A_596 [0] : vector<64x128xf32> to vector<128xf32>
    %broadcast_in_dim3A_598 = vector.shape_cast %reduce_max3A_597 : vector<128xf32> to vector<1x128xf32>
    %max3A_599 = arith.maximumf %broadcast_in_dim3A_578, %broadcast_in_dim3A_598 : vector<1x128xf32>
    %max3A_600 = arith.maximumf %broadcast_in_dim3A_534, %max3A_599 : vector<1x128xf32>
    %slice3A_601 = vector.extract_strided_slice %and3A {offsets = [0, 7], sizes = [512, 1], strides = [1, 1]} : vector<512x16xi1> to vector<512x1xi1>
    %jit3A_602 = arith.constant 0xFF800000 : f32
    %broadcast_in_dim3A_603 = vector.shape_cast %slice3A_601 : vector<512x1xi1> to vector<512x1xi1>
    %broadcast_in_dim3A_604 = vector.broadcast %broadcast_in_dim3A_603 : vector<512x1xi1> to vector<512x128xi1>
    %broadcast_in_dim3A_605 = vector.broadcast %jit3A_602 : f32 to vector<512x128xf32>
    %select_n3A_606 = arith.select %broadcast_in_dim3A_604, %reshape3A_42, %broadcast_in_dim3A_605 : vector<512x128xi1>, vector<512x128xf32>
    %reduce_max3A_607 = arith.constant dense<0xFF800000> : vector<128xf32>
    %reduce_max3A_608 = vector.multi_reduction <maximumf>, %select_n3A_606, %reduce_max3A_607 [0] : vector<512x128xf32> to vector<128xf32>
    %broadcast_in_dim3A_609 = vector.shape_cast %reduce_max3A_608 : vector<128xf32> to vector<1x128xf32>
    %get3A_610 = arith.constant 0 : index
    %get3A_611 = arith.constant 7 : index
    %get3A_612 = memref.load %arg11[%get3A_610, %get3A_611] : memref<2x16xi32, #tpu.memory_space<smem>>
    %sub3A_613 = arith.subi %get3A_612, %mul3A_40 : i32
    %jit3A_614 = arith.constant 0 : i32
    %jit3A_615 = arith.constant 4096 : i32
    %max3A_616 = arith.maxsi %jit3A_614, %sub3A_613 : i32
    %min3A_617 = arith.minsi %jit3A_615, %max3A_616 : i32
    %get3A_618 = arith.constant 1 : index
    %get3A_619 = arith.constant 7 : index
    %get3A_620 = memref.load %arg11[%get3A_618, %get3A_619] : memref<2x16xi32, #tpu.memory_space<smem>>
    %sub3A_621 = arith.subi %get3A_620, %mul3A_40 : i32
    %jit3A_622 = arith.constant 0 : i32
    %jit3A_623 = arith.constant 4096 : i32
    %max3A_624 = arith.maxsi %jit3A_622, %sub3A_621 : i32
    %min3A_625 = arith.minsi %jit3A_623, %max3A_624 : i32
    %min3A_626 = arith.constant 4032 : i32
    %min3A_627 = arith.minsi %min3A_617, %min3A_626 : i32
    %sub3A_628 = arith.constant 64 : i32
    %sub3A_629 = arith.subi %min3A_625, %sub3A_628 : i32
    %jit3A_630 = arith.constant 0 : i32
    %jit3A_631 = arith.constant 4032 : i32
    %max3A_632 = arith.maxsi %jit3A_630, %sub3A_629 : i32
    %min3A_633 = arith.minsi %jit3A_631, %max3A_632 : i32
    %get3A_634 = arith.index_cast %min3A_627 : i32 to index
    %get3A_635 = arith.constant 0 : index
    %get3A_636 = vector.load %arg12[%get3A_634, %get3A_635] : memref<4096x128xf32, #tpu.memory_space<vmem>>, vector<64x128xf32>
    %add3A_637 = vector.broadcast %min3A_627 : i32 to vector<64x1xi32>
    %add3A_638 = arith.addi %iota3A_77, %add3A_637 : vector<64x1xi32>
    %ge3A_639 = vector.broadcast %min3A_617 : i32 to vector<64x1xi32>
    %ge3A_640 = arith.cmpi sge, %add3A_638, %ge3A_639 : vector<64x1xi32>
    %add3A_641 = vector.broadcast %min3A_627 : i32 to vector<64x1xi32>
    %add3A_642 = arith.addi %iota3A_77, %add3A_641 : vector<64x1xi32>
    %lt3A_643 = vector.broadcast %min3A_625 : i32 to vector<64x1xi32>
    %lt3A_644 = arith.cmpi slt, %add3A_642, %lt3A_643 : vector<64x1xi32>
    %and3A_645 = arith.andi %ge3A_640, %lt3A_644 : vector<64x1xi1>
    %jit3A_646 = arith.constant 0xFF800000 : f32
    %broadcast_in_dim3A_647 = vector.shape_cast %and3A_645 : vector<64x1xi1> to vector<64x1xi1>
    %broadcast_in_dim3A_648 = vector.broadcast %broadcast_in_dim3A_647 : vector<64x1xi1> to vector<64x128xi1>
    %broadcast_in_dim3A_649 = vector.broadcast %jit3A_646 : f32 to vector<64x128xf32>
    %select_n3A_650 = arith.select %broadcast_in_dim3A_648, %get3A_636, %broadcast_in_dim3A_649 : vector<64x128xi1>, vector<64x128xf32>
    %reduce_max3A_651 = arith.constant dense<0xFF800000> : vector<128xf32>
    %reduce_max3A_652 = vector.multi_reduction <maximumf>, %select_n3A_650, %reduce_max3A_651 [0] : vector<64x128xf32> to vector<128xf32>
    %broadcast_in_dim3A_653 = vector.shape_cast %reduce_max3A_652 : vector<128xf32> to vector<1x128xf32>
    %get3A_654 = arith.index_cast %min3A_633 : i32 to index
    %get3A_655 = arith.constant 0 : index
    %get3A_656 = vector.load %arg12[%get3A_654, %get3A_655] : memref<4096x128xf32, #tpu.memory_space<vmem>>, vector<64x128xf32>
    %add3A_657 = vector.broadcast %min3A_633 : i32 to vector<64x1xi32>
    %add3A_658 = arith.addi %iota3A_77, %add3A_657 : vector<64x1xi32>
    %ge3A_659 = vector.broadcast %min3A_617 : i32 to vector<64x1xi32>
    %ge3A_660 = arith.cmpi sge, %add3A_658, %ge3A_659 : vector<64x1xi32>
    %add3A_661 = vector.broadcast %min3A_633 : i32 to vector<64x1xi32>
    %add3A_662 = arith.addi %iota3A_77, %add3A_661 : vector<64x1xi32>
    %lt3A_663 = vector.broadcast %min3A_625 : i32 to vector<64x1xi32>
    %lt3A_664 = arith.cmpi slt, %add3A_662, %lt3A_663 : vector<64x1xi32>
    %and3A_665 = arith.andi %ge3A_660, %lt3A_664 : vector<64x1xi1>
    %jit3A_666 = arith.constant 0xFF800000 : f32
    %broadcast_in_dim3A_667 = vector.shape_cast %and3A_665 : vector<64x1xi1> to vector<64x1xi1>
    %broadcast_in_dim3A_668 = vector.broadcast %broadcast_in_dim3A_667 : vector<64x1xi1> to vector<64x128xi1>
    %broadcast_in_dim3A_669 = vector.broadcast %jit3A_666 : f32 to vector<64x128xf32>
    %select_n3A_670 = arith.select %broadcast_in_dim3A_668, %get3A_656, %broadcast_in_dim3A_669 : vector<64x128xi1>, vector<64x128xf32>
    %reduce_max3A_671 = arith.constant dense<0xFF800000> : vector<128xf32>
    %reduce_max3A_672 = vector.multi_reduction <maximumf>, %select_n3A_670, %reduce_max3A_671 [0] : vector<64x128xf32> to vector<128xf32>
    %broadcast_in_dim3A_673 = vector.shape_cast %reduce_max3A_672 : vector<128xf32> to vector<1x128xf32>
    %max3A_674 = arith.maximumf %broadcast_in_dim3A_653, %broadcast_in_dim3A_673 : vector<1x128xf32>
    %max3A_675 = arith.maximumf %broadcast_in_dim3A_609, %max3A_674 : vector<1x128xf32>
    %slice3A_676 = vector.extract_strided_slice %and3A {offsets = [0, 8], sizes = [512, 1], strides = [1, 1]} : vector<512x16xi1> to vector<512x1xi1>
    %jit3A_677 = arith.constant 0xFF800000 : f32
    %broadcast_in_dim3A_678 = vector.shape_cast %slice3A_676 : vector<512x1xi1> to vector<512x1xi1>
    %broadcast_in_dim3A_679 = vector.broadcast %broadcast_in_dim3A_678 : vector<512x1xi1> to vector<512x128xi1>
    %broadcast_in_dim3A_680 = vector.broadcast %jit3A_677 : f32 to vector<512x128xf32>
    %select_n3A_681 = arith.select %broadcast_in_dim3A_679, %reshape3A_42, %broadcast_in_dim3A_680 : vector<512x128xi1>, vector<512x128xf32>
    %reduce_max3A_682 = arith.constant dense<0xFF800000> : vector<128xf32>
    %reduce_max3A_683 = vector.multi_reduction <maximumf>, %select_n3A_681, %reduce_max3A_682 [0] : vector<512x128xf32> to vector<128xf32>
    %broadcast_in_dim3A_684 = vector.shape_cast %reduce_max3A_683 : vector<128xf32> to vector<1x128xf32>
    %get3A_685 = arith.constant 0 : index
    %get3A_686 = arith.constant 8 : index
    %get3A_687 = memref.load %arg11[%get3A_685, %get3A_686] : memref<2x16xi32, #tpu.memory_space<smem>>
    %sub3A_688 = arith.subi %get3A_687, %mul3A_40 : i32
    %jit3A_689 = arith.constant 0 : i32
    %jit3A_690 = arith.constant 4096 : i32
    %max3A_691 = arith.maxsi %jit3A_689, %sub3A_688 : i32
    %min3A_692 = arith.minsi %jit3A_690, %max3A_691 : i32
    %get3A_693 = arith.constant 1 : index
    %get3A_694 = arith.constant 8 : index
    %get3A_695 = memref.load %arg11[%get3A_693, %get3A_694] : memref<2x16xi32, #tpu.memory_space<smem>>
    %sub3A_696 = arith.subi %get3A_695, %mul3A_40 : i32
    %jit3A_697 = arith.constant 0 : i32
    %jit3A_698 = arith.constant 4096 : i32
    %max3A_699 = arith.maxsi %jit3A_697, %sub3A_696 : i32
    %min3A_700 = arith.minsi %jit3A_698, %max3A_699 : i32
    %min3A_701 = arith.constant 4032 : i32
    %min3A_702 = arith.minsi %min3A_692, %min3A_701 : i32
    %sub3A_703 = arith.constant 64 : i32
    %sub3A_704 = arith.subi %min3A_700, %sub3A_703 : i32
    %jit3A_705 = arith.constant 0 : i32
    %jit3A_706 = arith.constant 4032 : i32
    %max3A_707 = arith.maxsi %jit3A_705, %sub3A_704 : i32
    %min3A_708 = arith.minsi %jit3A_706, %max3A_707 : i32
    %get3A_709 = arith.index_cast %min3A_702 : i32 to index
    %get3A_710 = arith.constant 0 : index
    %get3A_711 = vector.load %arg12[%get3A_709, %get3A_710] : memref<4096x128xf32, #tpu.memory_space<vmem>>, vector<64x128xf32>
    %add3A_712 = vector.broadcast %min3A_702 : i32 to vector<64x1xi32>
    %add3A_713 = arith.addi %iota3A_77, %add3A_712 : vector<64x1xi32>
    %ge3A_714 = vector.broadcast %min3A_692 : i32 to vector<64x1xi32>
    %ge3A_715 = arith.cmpi sge, %add3A_713, %ge3A_714 : vector<64x1xi32>
    %add3A_716 = vector.broadcast %min3A_702 : i32 to vector<64x1xi32>
    %add3A_717 = arith.addi %iota3A_77, %add3A_716 : vector<64x1xi32>
    %lt3A_718 = vector.broadcast %min3A_700 : i32 to vector<64x1xi32>
    %lt3A_719 = arith.cmpi slt, %add3A_717, %lt3A_718 : vector<64x1xi32>
    %and3A_720 = arith.andi %ge3A_715, %lt3A_719 : vector<64x1xi1>
    %jit3A_721 = arith.constant 0xFF800000 : f32
    %broadcast_in_dim3A_722 = vector.shape_cast %and3A_720 : vector<64x1xi1> to vector<64x1xi1>
    %broadcast_in_dim3A_723 = vector.broadcast %broadcast_in_dim3A_722 : vector<64x1xi1> to vector<64x128xi1>
    %broadcast_in_dim3A_724 = vector.broadcast %jit3A_721 : f32 to vector<64x128xf32>
    %select_n3A_725 = arith.select %broadcast_in_dim3A_723, %get3A_711, %broadcast_in_dim3A_724 : vector<64x128xi1>, vector<64x128xf32>
    %reduce_max3A_726 = arith.constant dense<0xFF800000> : vector<128xf32>
    %reduce_max3A_727 = vector.multi_reduction <maximumf>, %select_n3A_725, %reduce_max3A_726 [0] : vector<64x128xf32> to vector<128xf32>
    %broadcast_in_dim3A_728 = vector.shape_cast %reduce_max3A_727 : vector<128xf32> to vector<1x128xf32>
    %get3A_729 = arith.index_cast %min3A_708 : i32 to index
    %get3A_730 = arith.constant 0 : index
    %get3A_731 = vector.load %arg12[%get3A_729, %get3A_730] : memref<4096x128xf32, #tpu.memory_space<vmem>>, vector<64x128xf32>
    %add3A_732 = vector.broadcast %min3A_708 : i32 to vector<64x1xi32>
    %add3A_733 = arith.addi %iota3A_77, %add3A_732 : vector<64x1xi32>
    %ge3A_734 = vector.broadcast %min3A_692 : i32 to vector<64x1xi32>
    %ge3A_735 = arith.cmpi sge, %add3A_733, %ge3A_734 : vector<64x1xi32>
    %add3A_736 = vector.broadcast %min3A_708 : i32 to vector<64x1xi32>
    %add3A_737 = arith.addi %iota3A_77, %add3A_736 : vector<64x1xi32>
    %lt3A_738 = vector.broadcast %min3A_700 : i32 to vector<64x1xi32>
    %lt3A_739 = arith.cmpi slt, %add3A_737, %lt3A_738 : vector<64x1xi32>
    %and3A_740 = arith.andi %ge3A_735, %lt3A_739 : vector<64x1xi1>
    %jit3A_741 = arith.constant 0xFF800000 : f32
    %broadcast_in_dim3A_742 = vector.shape_cast %and3A_740 : vector<64x1xi1> to vector<64x1xi1>
    %broadcast_in_dim3A_743 = vector.broadcast %broadcast_in_dim3A_742 : vector<64x1xi1> to vector<64x128xi1>
    %broadcast_in_dim3A_744 = vector.broadcast %jit3A_741 : f32 to vector<64x128xf32>
    %select_n3A_745 = arith.select %broadcast_in_dim3A_743, %get3A_731, %broadcast_in_dim3A_744 : vector<64x128xi1>, vector<64x128xf32>
    %reduce_max3A_746 = arith.constant dense<0xFF800000> : vector<128xf32>
    %reduce_max3A_747 = vector.multi_reduction <maximumf>, %select_n3A_745, %reduce_max3A_746 [0] : vector<64x128xf32> to vector<128xf32>
    %broadcast_in_dim3A_748 = vector.shape_cast %reduce_max3A_747 : vector<128xf32> to vector<1x128xf32>
    %max3A_749 = arith.maximumf %broadcast_in_dim3A_728, %broadcast_in_dim3A_748 : vector<1x128xf32>
    %max3A_750 = arith.maximumf %broadcast_in_dim3A_684, %max3A_749 : vector<1x128xf32>
    %slice3A_751 = vector.extract_strided_slice %and3A {offsets = [0, 9], sizes = [512, 1], strides = [1, 1]} : vector<512x16xi1> to vector<512x1xi1>
    %jit3A_752 = arith.constant 0xFF800000 : f32
    %broadcast_in_dim3A_753 = vector.shape_cast %slice3A_751 : vector<512x1xi1> to vector<512x1xi1>
    %broadcast_in_dim3A_754 = vector.broadcast %broadcast_in_dim3A_753 : vector<512x1xi1> to vector<512x128xi1>
    %broadcast_in_dim3A_755 = vector.broadcast %jit3A_752 : f32 to vector<512x128xf32>
    %select_n3A_756 = arith.select %broadcast_in_dim3A_754, %reshape3A_42, %broadcast_in_dim3A_755 : vector<512x128xi1>, vector<512x128xf32>
    %reduce_max3A_757 = arith.constant dense<0xFF800000> : vector<128xf32>
    %reduce_max3A_758 = vector.multi_reduction <maximumf>, %select_n3A_756, %reduce_max3A_757 [0] : vector<512x128xf32> to vector<128xf32>
    %broadcast_in_dim3A_759 = vector.shape_cast %reduce_max3A_758 : vector<128xf32> to vector<1x128xf32>
    %get3A_760 = arith.constant 0 : index
    %get3A_761 = arith.constant 9 : index
    %get3A_762 = memref.load %arg11[%get3A_760, %get3A_761] : memref<2x16xi32, #tpu.memory_space<smem>>
    %sub3A_763 = arith.subi %get3A_762, %mul3A_40 : i32
    %jit3A_764 = arith.constant 0 : i32
    %jit3A_765 = arith.constant 4096 : i32
    %max3A_766 = arith.maxsi %jit3A_764, %sub3A_763 : i32
    %min3A_767 = arith.minsi %jit3A_765, %max3A_766 : i32
    %get3A_768 = arith.constant 1 : index
    %get3A_769 = arith.constant 9 : index
    %get3A_770 = memref.load %arg11[%get3A_768, %get3A_769] : memref<2x16xi32, #tpu.memory_space<smem>>
    %sub3A_771 = arith.subi %get3A_770, %mul3A_40 : i32
    %jit3A_772 = arith.constant 0 : i32
    %jit3A_773 = arith.constant 4096 : i32
    %max3A_774 = arith.maxsi %jit3A_772, %sub3A_771 : i32
    %min3A_775 = arith.minsi %jit3A_773, %max3A_774 : i32
    %min3A_776 = arith.constant 4032 : i32
    %min3A_777 = arith.minsi %min3A_767, %min3A_776 : i32
    %sub3A_778 = arith.constant 64 : i32
    %sub3A_779 = arith.subi %min3A_775, %sub3A_778 : i32
    %jit3A_780 = arith.constant 0 : i32
    %jit3A_781 = arith.constant 4032 : i32
    %max3A_782 = arith.maxsi %jit3A_780, %sub3A_779 : i32
    %min3A_783 = arith.minsi %jit3A_781, %max3A_782 : i32
    %get3A_784 = arith.index_cast %min3A_777 : i32 to index
    %get3A_785 = arith.constant 0 : index
    %get3A_786 = vector.load %arg12[%get3A_784, %get3A_785] : memref<4096x128xf32, #tpu.memory_space<vmem>>, vector<64x128xf32>
    %add3A_787 = vector.broadcast %min3A_777 : i32 to vector<64x1xi32>
    %add3A_788 = arith.addi %iota3A_77, %add3A_787 : vector<64x1xi32>
    %ge3A_789 = vector.broadcast %min3A_767 : i32 to vector<64x1xi32>
    %ge3A_790 = arith.cmpi sge, %add3A_788, %ge3A_789 : vector<64x1xi32>
    %add3A_791 = vector.broadcast %min3A_777 : i32 to vector<64x1xi32>
    %add3A_792 = arith.addi %iota3A_77, %add3A_791 : vector<64x1xi32>
    %lt3A_793 = vector.broadcast %min3A_775 : i32 to vector<64x1xi32>
    %lt3A_794 = arith.cmpi slt, %add3A_792, %lt3A_793 : vector<64x1xi32>
    %and3A_795 = arith.andi %ge3A_790, %lt3A_794 : vector<64x1xi1>
    %jit3A_796 = arith.constant 0xFF800000 : f32
    %broadcast_in_dim3A_797 = vector.shape_cast %and3A_795 : vector<64x1xi1> to vector<64x1xi1>
    %broadcast_in_dim3A_798 = vector.broadcast %broadcast_in_dim3A_797 : vector<64x1xi1> to vector<64x128xi1>
    %broadcast_in_dim3A_799 = vector.broadcast %jit3A_796 : f32 to vector<64x128xf32>
    %select_n3A_800 = arith.select %broadcast_in_dim3A_798, %get3A_786, %broadcast_in_dim3A_799 : vector<64x128xi1>, vector<64x128xf32>
    %reduce_max3A_801 = arith.constant dense<0xFF800000> : vector<128xf32>
    %reduce_max3A_802 = vector.multi_reduction <maximumf>, %select_n3A_800, %reduce_max3A_801 [0] : vector<64x128xf32> to vector<128xf32>
    %broadcast_in_dim3A_803 = vector.shape_cast %reduce_max3A_802 : vector<128xf32> to vector<1x128xf32>
    %get3A_804 = arith.index_cast %min3A_783 : i32 to index
    %get3A_805 = arith.constant 0 : index
    %get3A_806 = vector.load %arg12[%get3A_804, %get3A_805] : memref<4096x128xf32, #tpu.memory_space<vmem>>, vector<64x128xf32>
    %add3A_807 = vector.broadcast %min3A_783 : i32 to vector<64x1xi32>
    %add3A_808 = arith.addi %iota3A_77, %add3A_807 : vector<64x1xi32>
    %ge3A_809 = vector.broadcast %min3A_767 : i32 to vector<64x1xi32>
    %ge3A_810 = arith.cmpi sge, %add3A_808, %ge3A_809 : vector<64x1xi32>
    %add3A_811 = vector.broadcast %min3A_783 : i32 to vector<64x1xi32>
    %add3A_812 = arith.addi %iota3A_77, %add3A_811 : vector<64x1xi32>
    %lt3A_813 = vector.broadcast %min3A_775 : i32 to vector<64x1xi32>
    %lt3A_814 = arith.cmpi slt, %add3A_812, %lt3A_813 : vector<64x1xi32>
    %and3A_815 = arith.andi %ge3A_810, %lt3A_814 : vector<64x1xi1>
    %jit3A_816 = arith.constant 0xFF800000 : f32
    %broadcast_in_dim3A_817 = vector.shape_cast %and3A_815 : vector<64x1xi1> to vector<64x1xi1>
    %broadcast_in_dim3A_818 = vector.broadcast %broadcast_in_dim3A_817 : vector<64x1xi1> to vector<64x128xi1>
    %broadcast_in_dim3A_819 = vector.broadcast %jit3A_816 : f32 to vector<64x128xf32>
    %select_n3A_820 = arith.select %broadcast_in_dim3A_818, %get3A_806, %broadcast_in_dim3A_819 : vector<64x128xi1>, vector<64x128xf32>
    %reduce_max3A_821 = arith.constant dense<0xFF800000> : vector<128xf32>
    %reduce_max3A_822 = vector.multi_reduction <maximumf>, %select_n3A_820, %reduce_max3A_821 [0] : vector<64x128xf32> to vector<128xf32>
    %broadcast_in_dim3A_823 = vector.shape_cast %reduce_max3A_822 : vector<128xf32> to vector<1x128xf32>
    %max3A_824 = arith.maximumf %broadcast_in_dim3A_803, %broadcast_in_dim3A_823 : vector<1x128xf32>
    %max3A_825 = arith.maximumf %broadcast_in_dim3A_759, %max3A_824 : vector<1x128xf32>
    %slice3A_826 = vector.extract_strided_slice %and3A {offsets = [0, 10], sizes = [512, 1], strides = [1, 1]} : vector<512x16xi1> to vector<512x1xi1>
    %jit3A_827 = arith.constant 0xFF800000 : f32
    %broadcast_in_dim3A_828 = vector.shape_cast %slice3A_826 : vector<512x1xi1> to vector<512x1xi1>
    %broadcast_in_dim3A_829 = vector.broadcast %broadcast_in_dim3A_828 : vector<512x1xi1> to vector<512x128xi1>
    %broadcast_in_dim3A_830 = vector.broadcast %jit3A_827 : f32 to vector<512x128xf32>
    %select_n3A_831 = arith.select %broadcast_in_dim3A_829, %reshape3A_42, %broadcast_in_dim3A_830 : vector<512x128xi1>, vector<512x128xf32>
    %reduce_max3A_832 = arith.constant dense<0xFF800000> : vector<128xf32>
    %reduce_max3A_833 = vector.multi_reduction <maximumf>, %select_n3A_831, %reduce_max3A_832 [0] : vector<512x128xf32> to vector<128xf32>
    %broadcast_in_dim3A_834 = vector.shape_cast %reduce_max3A_833 : vector<128xf32> to vector<1x128xf32>
    %get3A_835 = arith.constant 0 : index
    %get3A_836 = arith.constant 10 : index
    %get3A_837 = memref.load %arg11[%get3A_835, %get3A_836] : memref<2x16xi32, #tpu.memory_space<smem>>
    %sub3A_838 = arith.subi %get3A_837, %mul3A_40 : i32
    %jit3A_839 = arith.constant 0 : i32
    %jit3A_840 = arith.constant 4096 : i32
    %max3A_841 = arith.maxsi %jit3A_839, %sub3A_838 : i32
    %min3A_842 = arith.minsi %jit3A_840, %max3A_841 : i32
    %get3A_843 = arith.constant 1 : index
    %get3A_844 = arith.constant 10 : index
    %get3A_845 = memref.load %arg11[%get3A_843, %get3A_844] : memref<2x16xi32, #tpu.memory_space<smem>>
    %sub3A_846 = arith.subi %get3A_845, %mul3A_40 : i32
    %jit3A_847 = arith.constant 0 : i32
    %jit3A_848 = arith.constant 4096 : i32
    %max3A_849 = arith.maxsi %jit3A_847, %sub3A_846 : i32
    %min3A_850 = arith.minsi %jit3A_848, %max3A_849 : i32
    %min3A_851 = arith.constant 4032 : i32
    %min3A_852 = arith.minsi %min3A_842, %min3A_851 : i32
    %sub3A_853 = arith.constant 64 : i32
    %sub3A_854 = arith.subi %min3A_850, %sub3A_853 : i32
    %jit3A_855 = arith.constant 0 : i32
    %jit3A_856 = arith.constant 4032 : i32
    %max3A_857 = arith.maxsi %jit3A_855, %sub3A_854 : i32
    %min3A_858 = arith.minsi %jit3A_856, %max3A_857 : i32
    %get3A_859 = arith.index_cast %min3A_852 : i32 to index
    %get3A_860 = arith.constant 0 : index
    %get3A_861 = vector.load %arg12[%get3A_859, %get3A_860] : memref<4096x128xf32, #tpu.memory_space<vmem>>, vector<64x128xf32>
    %add3A_862 = vector.broadcast %min3A_852 : i32 to vector<64x1xi32>
    %add3A_863 = arith.addi %iota3A_77, %add3A_862 : vector<64x1xi32>
    %ge3A_864 = vector.broadcast %min3A_842 : i32 to vector<64x1xi32>
    %ge3A_865 = arith.cmpi sge, %add3A_863, %ge3A_864 : vector<64x1xi32>
    %add3A_866 = vector.broadcast %min3A_852 : i32 to vector<64x1xi32>
    %add3A_867 = arith.addi %iota3A_77, %add3A_866 : vector<64x1xi32>
    %lt3A_868 = vector.broadcast %min3A_850 : i32 to vector<64x1xi32>
    %lt3A_869 = arith.cmpi slt, %add3A_867, %lt3A_868 : vector<64x1xi32>
    %and3A_870 = arith.andi %ge3A_865, %lt3A_869 : vector<64x1xi1>
    %jit3A_871 = arith.constant 0xFF800000 : f32
    %broadcast_in_dim3A_872 = vector.shape_cast %and3A_870 : vector<64x1xi1> to vector<64x1xi1>
    %broadcast_in_dim3A_873 = vector.broadcast %broadcast_in_dim3A_872 : vector<64x1xi1> to vector<64x128xi1>
    %broadcast_in_dim3A_874 = vector.broadcast %jit3A_871 : f32 to vector<64x128xf32>
    %select_n3A_875 = arith.select %broadcast_in_dim3A_873, %get3A_861, %broadcast_in_dim3A_874 : vector<64x128xi1>, vector<64x128xf32>
    %reduce_max3A_876 = arith.constant dense<0xFF800000> : vector<128xf32>
    %reduce_max3A_877 = vector.multi_reduction <maximumf>, %select_n3A_875, %reduce_max3A_876 [0] : vector<64x128xf32> to vector<128xf32>
    %broadcast_in_dim3A_878 = vector.shape_cast %reduce_max3A_877 : vector<128xf32> to vector<1x128xf32>
    %get3A_879 = arith.index_cast %min3A_858 : i32 to index
    %get3A_880 = arith.constant 0 : index
    %get3A_881 = vector.load %arg12[%get3A_879, %get3A_880] : memref<4096x128xf32, #tpu.memory_space<vmem>>, vector<64x128xf32>
    %add3A_882 = vector.broadcast %min3A_858 : i32 to vector<64x1xi32>
    %add3A_883 = arith.addi %iota3A_77, %add3A_882 : vector<64x1xi32>
    %ge3A_884 = vector.broadcast %min3A_842 : i32 to vector<64x1xi32>
    %ge3A_885 = arith.cmpi sge, %add3A_883, %ge3A_884 : vector<64x1xi32>
    %add3A_886 = vector.broadcast %min3A_858 : i32 to vector<64x1xi32>
    %add3A_887 = arith.addi %iota3A_77, %add3A_886 : vector<64x1xi32>
    %lt3A_888 = vector.broadcast %min3A_850 : i32 to vector<64x1xi32>
    %lt3A_889 = arith.cmpi slt, %add3A_887, %lt3A_888 : vector<64x1xi32>
    %and3A_890 = arith.andi %ge3A_885, %lt3A_889 : vector<64x1xi1>
    %jit3A_891 = arith.constant 0xFF800000 : f32
    %broadcast_in_dim3A_892 = vector.shape_cast %and3A_890 : vector<64x1xi1> to vector<64x1xi1>
    %broadcast_in_dim3A_893 = vector.broadcast %broadcast_in_dim3A_892 : vector<64x1xi1> to vector<64x128xi1>
    %broadcast_in_dim3A_894 = vector.broadcast %jit3A_891 : f32 to vector<64x128xf32>
    %select_n3A_895 = arith.select %broadcast_in_dim3A_893, %get3A_881, %broadcast_in_dim3A_894 : vector<64x128xi1>, vector<64x128xf32>
    %reduce_max3A_896 = arith.constant dense<0xFF800000> : vector<128xf32>
    %reduce_max3A_897 = vector.multi_reduction <maximumf>, %select_n3A_895, %reduce_max3A_896 [0] : vector<64x128xf32> to vector<128xf32>
    %broadcast_in_dim3A_898 = vector.shape_cast %reduce_max3A_897 : vector<128xf32> to vector<1x128xf32>
    %max3A_899 = arith.maximumf %broadcast_in_dim3A_878, %broadcast_in_dim3A_898 : vector<1x128xf32>
    %max3A_900 = arith.maximumf %broadcast_in_dim3A_834, %max3A_899 : vector<1x128xf32>
    %slice3A_901 = vector.extract_strided_slice %and3A {offsets = [0, 11], sizes = [512, 1], strides = [1, 1]} : vector<512x16xi1> to vector<512x1xi1>
    %jit3A_902 = arith.constant 0xFF800000 : f32
    %broadcast_in_dim3A_903 = vector.shape_cast %slice3A_901 : vector<512x1xi1> to vector<512x1xi1>
    %broadcast_in_dim3A_904 = vector.broadcast %broadcast_in_dim3A_903 : vector<512x1xi1> to vector<512x128xi1>
    %broadcast_in_dim3A_905 = vector.broadcast %jit3A_902 : f32 to vector<512x128xf32>
    %select_n3A_906 = arith.select %broadcast_in_dim3A_904, %reshape3A_42, %broadcast_in_dim3A_905 : vector<512x128xi1>, vector<512x128xf32>
    %reduce_max3A_907 = arith.constant dense<0xFF800000> : vector<128xf32>
    %reduce_max3A_908 = vector.multi_reduction <maximumf>, %select_n3A_906, %reduce_max3A_907 [0] : vector<512x128xf32> to vector<128xf32>
    %broadcast_in_dim3A_909 = vector.shape_cast %reduce_max3A_908 : vector<128xf32> to vector<1x128xf32>
    %get3A_910 = arith.constant 0 : index
    %get3A_911 = arith.constant 11 : index
    %get3A_912 = memref.load %arg11[%get3A_910, %get3A_911] : memref<2x16xi32, #tpu.memory_space<smem>>
    %sub3A_913 = arith.subi %get3A_912, %mul3A_40 : i32
    %jit3A_914 = arith.constant 0 : i32
    %jit3A_915 = arith.constant 4096 : i32
    %max3A_916 = arith.maxsi %jit3A_914, %sub3A_913 : i32
    %min3A_917 = arith.minsi %jit3A_915, %max3A_916 : i32
    %get3A_918 = arith.constant 1 : index
    %get3A_919 = arith.constant 11 : index
    %get3A_920 = memref.load %arg11[%get3A_918, %get3A_919] : memref<2x16xi32, #tpu.memory_space<smem>>
    %sub3A_921 = arith.subi %get3A_920, %mul3A_40 : i32
    %jit3A_922 = arith.constant 0 : i32
    %jit3A_923 = arith.constant 4096 : i32
    %max3A_924 = arith.maxsi %jit3A_922, %sub3A_921 : i32
    %min3A_925 = arith.minsi %jit3A_923, %max3A_924 : i32
    %min3A_926 = arith.constant 4032 : i32
    %min3A_927 = arith.minsi %min3A_917, %min3A_926 : i32
    %sub3A_928 = arith.constant 64 : i32
    %sub3A_929 = arith.subi %min3A_925, %sub3A_928 : i32
    %jit3A_930 = arith.constant 0 : i32
    %jit3A_931 = arith.constant 4032 : i32
    %max3A_932 = arith.maxsi %jit3A_930, %sub3A_929 : i32
    %min3A_933 = arith.minsi %jit3A_931, %max3A_932 : i32
    %get3A_934 = arith.index_cast %min3A_927 : i32 to index
    %get3A_935 = arith.constant 0 : index
    %get3A_936 = vector.load %arg12[%get3A_934, %get3A_935] : memref<4096x128xf32, #tpu.memory_space<vmem>>, vector<64x128xf32>
    %add3A_937 = vector.broadcast %min3A_927 : i32 to vector<64x1xi32>
    %add3A_938 = arith.addi %iota3A_77, %add3A_937 : vector<64x1xi32>
    %ge3A_939 = vector.broadcast %min3A_917 : i32 to vector<64x1xi32>
    %ge3A_940 = arith.cmpi sge, %add3A_938, %ge3A_939 : vector<64x1xi32>
    %add3A_941 = vector.broadcast %min3A_927 : i32 to vector<64x1xi32>
    %add3A_942 = arith.addi %iota3A_77, %add3A_941 : vector<64x1xi32>
    %lt3A_943 = vector.broadcast %min3A_925 : i32 to vector<64x1xi32>
    %lt3A_944 = arith.cmpi slt, %add3A_942, %lt3A_943 : vector<64x1xi32>
    %and3A_945 = arith.andi %ge3A_940, %lt3A_944 : vector<64x1xi1>
    %jit3A_946 = arith.constant 0xFF800000 : f32
    %broadcast_in_dim3A_947 = vector.shape_cast %and3A_945 : vector<64x1xi1> to vector<64x1xi1>
    %broadcast_in_dim3A_948 = vector.broadcast %broadcast_in_dim3A_947 : vector<64x1xi1> to vector<64x128xi1>
    %broadcast_in_dim3A_949 = vector.broadcast %jit3A_946 : f32 to vector<64x128xf32>
    %select_n3A_950 = arith.select %broadcast_in_dim3A_948, %get3A_936, %broadcast_in_dim3A_949 : vector<64x128xi1>, vector<64x128xf32>
    %reduce_max3A_951 = arith.constant dense<0xFF800000> : vector<128xf32>
    %reduce_max3A_952 = vector.multi_reduction <maximumf>, %select_n3A_950, %reduce_max3A_951 [0] : vector<64x128xf32> to vector<128xf32>
    %broadcast_in_dim3A_953 = vector.shape_cast %reduce_max3A_952 : vector<128xf32> to vector<1x128xf32>
    %get3A_954 = arith.index_cast %min3A_933 : i32 to index
    %get3A_955 = arith.constant 0 : index
    %get3A_956 = vector.load %arg12[%get3A_954, %get3A_955] : memref<4096x128xf32, #tpu.memory_space<vmem>>, vector<64x128xf32>
    %add3A_957 = vector.broadcast %min3A_933 : i32 to vector<64x1xi32>
    %add3A_958 = arith.addi %iota3A_77, %add3A_957 : vector<64x1xi32>
    %ge3A_959 = vector.broadcast %min3A_917 : i32 to vector<64x1xi32>
    %ge3A_960 = arith.cmpi sge, %add3A_958, %ge3A_959 : vector<64x1xi32>
    %add3A_961 = vector.broadcast %min3A_933 : i32 to vector<64x1xi32>
    %add3A_962 = arith.addi %iota3A_77, %add3A_961 : vector<64x1xi32>
    %lt3A_963 = vector.broadcast %min3A_925 : i32 to vector<64x1xi32>
    %lt3A_964 = arith.cmpi slt, %add3A_962, %lt3A_963 : vector<64x1xi32>
    %and3A_965 = arith.andi %ge3A_960, %lt3A_964 : vector<64x1xi1>
    %jit3A_966 = arith.constant 0xFF800000 : f32
    %broadcast_in_dim3A_967 = vector.shape_cast %and3A_965 : vector<64x1xi1> to vector<64x1xi1>
    %broadcast_in_dim3A_968 = vector.broadcast %broadcast_in_dim3A_967 : vector<64x1xi1> to vector<64x128xi1>
    %broadcast_in_dim3A_969 = vector.broadcast %jit3A_966 : f32 to vector<64x128xf32>
    %select_n3A_970 = arith.select %broadcast_in_dim3A_968, %get3A_956, %broadcast_in_dim3A_969 : vector<64x128xi1>, vector<64x128xf32>
    %reduce_max3A_971 = arith.constant dense<0xFF800000> : vector<128xf32>
    %reduce_max3A_972 = vector.multi_reduction <maximumf>, %select_n3A_970, %reduce_max3A_971 [0] : vector<64x128xf32> to vector<128xf32>
    %broadcast_in_dim3A_973 = vector.shape_cast %reduce_max3A_972 : vector<128xf32> to vector<1x128xf32>
    %max3A_974 = arith.maximumf %broadcast_in_dim3A_953, %broadcast_in_dim3A_973 : vector<1x128xf32>
    %max3A_975 = arith.maximumf %broadcast_in_dim3A_909, %max3A_974 : vector<1x128xf32>
    %slice3A_976 = vector.extract_strided_slice %and3A {offsets = [0, 12], sizes = [512, 1], strides = [1, 1]} : vector<512x16xi1> to vector<512x1xi1>
    %jit3A_977 = arith.constant 0xFF800000 : f32
    %broadcast_in_dim3A_978 = vector.shape_cast %slice3A_976 : vector<512x1xi1> to vector<512x1xi1>
    %broadcast_in_dim3A_979 = vector.broadcast %broadcast_in_dim3A_978 : vector<512x1xi1> to vector<512x128xi1>
    %broadcast_in_dim3A_980 = vector.broadcast %jit3A_977 : f32 to vector<512x128xf32>
    %select_n3A_981 = arith.select %broadcast_in_dim3A_979, %reshape3A_42, %broadcast_in_dim3A_980 : vector<512x128xi1>, vector<512x128xf32>
    %reduce_max3A_982 = arith.constant dense<0xFF800000> : vector<128xf32>
    %reduce_max3A_983 = vector.multi_reduction <maximumf>, %select_n3A_981, %reduce_max3A_982 [0] : vector<512x128xf32> to vector<128xf32>
    %broadcast_in_dim3A_984 = vector.shape_cast %reduce_max3A_983 : vector<128xf32> to vector<1x128xf32>
    %get3A_985 = arith.constant 0 : index
    %get3A_986 = arith.constant 12 : index
    %get3A_987 = memref.load %arg11[%get3A_985, %get3A_986] : memref<2x16xi32, #tpu.memory_space<smem>>
    %sub3A_988 = arith.subi %get3A_987, %mul3A_40 : i32
    %jit3A_989 = arith.constant 0 : i32
    %jit3A_990 = arith.constant 4096 : i32
    %max3A_991 = arith.maxsi %jit3A_989, %sub3A_988 : i32
    %min3A_992 = arith.minsi %jit3A_990, %max3A_991 : i32
    %get3A_993 = arith.constant 1 : index
    %get3A_994 = arith.constant 12 : index
    %get3A_995 = memref.load %arg11[%get3A_993, %get3A_994] : memref<2x16xi32, #tpu.memory_space<smem>>
    %sub3A_996 = arith.subi %get3A_995, %mul3A_40 : i32
    %jit3A_997 = arith.constant 0 : i32
    %jit3A_998 = arith.constant 4096 : i32
    %max3A_999 = arith.maxsi %jit3A_997, %sub3A_996 : i32
    %min3A_1000 = arith.minsi %jit3A_998, %max3A_999 : i32
    %min3A_1001 = arith.constant 4032 : i32
    %min3A_1002 = arith.minsi %min3A_992, %min3A_1001 : i32
    %sub3A_1003 = arith.constant 64 : i32
    %sub3A_1004 = arith.subi %min3A_1000, %sub3A_1003 : i32
    %jit3A_1005 = arith.constant 0 : i32
    %jit3A_1006 = arith.constant 4032 : i32
    %max3A_1007 = arith.maxsi %jit3A_1005, %sub3A_1004 : i32
    %min3A_1008 = arith.minsi %jit3A_1006, %max3A_1007 : i32
    %get3A_1009 = arith.index_cast %min3A_1002 : i32 to index
    %get3A_1010 = arith.constant 0 : index
    %get3A_1011 = vector.load %arg12[%get3A_1009, %get3A_1010] : memref<4096x128xf32, #tpu.memory_space<vmem>>, vector<64x128xf32>
    %add3A_1012 = vector.broadcast %min3A_1002 : i32 to vector<64x1xi32>
    %add3A_1013 = arith.addi %iota3A_77, %add3A_1012 : vector<64x1xi32>
    %ge3A_1014 = vector.broadcast %min3A_992 : i32 to vector<64x1xi32>
    %ge3A_1015 = arith.cmpi sge, %add3A_1013, %ge3A_1014 : vector<64x1xi32>
    %add3A_1016 = vector.broadcast %min3A_1002 : i32 to vector<64x1xi32>
    %add3A_1017 = arith.addi %iota3A_77, %add3A_1016 : vector<64x1xi32>
    %lt3A_1018 = vector.broadcast %min3A_1000 : i32 to vector<64x1xi32>
    %lt3A_1019 = arith.cmpi slt, %add3A_1017, %lt3A_1018 : vector<64x1xi32>
    %and3A_1020 = arith.andi %ge3A_1015, %lt3A_1019 : vector<64x1xi1>
    %jit3A_1021 = arith.constant 0xFF800000 : f32
    %broadcast_in_dim3A_1022 = vector.shape_cast %and3A_1020 : vector<64x1xi1> to vector<64x1xi1>
    %broadcast_in_dim3A_1023 = vector.broadcast %broadcast_in_dim3A_1022 : vector<64x1xi1> to vector<64x128xi1>
    %broadcast_in_dim3A_1024 = vector.broadcast %jit3A_1021 : f32 to vector<64x128xf32>
    %select_n3A_1025 = arith.select %broadcast_in_dim3A_1023, %get3A_1011, %broadcast_in_dim3A_1024 : vector<64x128xi1>, vector<64x128xf32>
    %reduce_max3A_1026 = arith.constant dense<0xFF800000> : vector<128xf32>
    %reduce_max3A_1027 = vector.multi_reduction <maximumf>, %select_n3A_1025, %reduce_max3A_1026 [0] : vector<64x128xf32> to vector<128xf32>
    %broadcast_in_dim3A_1028 = vector.shape_cast %reduce_max3A_1027 : vector<128xf32> to vector<1x128xf32>
    %get3A_1029 = arith.index_cast %min3A_1008 : i32 to index
    %get3A_1030 = arith.constant 0 : index
    %get3A_1031 = vector.load %arg12[%get3A_1029, %get3A_1030] : memref<4096x128xf32, #tpu.memory_space<vmem>>, vector<64x128xf32>
    %add3A_1032 = vector.broadcast %min3A_1008 : i32 to vector<64x1xi32>
    %add3A_1033 = arith.addi %iota3A_77, %add3A_1032 : vector<64x1xi32>
    %ge3A_1034 = vector.broadcast %min3A_992 : i32 to vector<64x1xi32>
    %ge3A_1035 = arith.cmpi sge, %add3A_1033, %ge3A_1034 : vector<64x1xi32>
    %add3A_1036 = vector.broadcast %min3A_1008 : i32 to vector<64x1xi32>
    %add3A_1037 = arith.addi %iota3A_77, %add3A_1036 : vector<64x1xi32>
    %lt3A_1038 = vector.broadcast %min3A_1000 : i32 to vector<64x1xi32>
    %lt3A_1039 = arith.cmpi slt, %add3A_1037, %lt3A_1038 : vector<64x1xi32>
    %and3A_1040 = arith.andi %ge3A_1035, %lt3A_1039 : vector<64x1xi1>
    %jit3A_1041 = arith.constant 0xFF800000 : f32
    %broadcast_in_dim3A_1042 = vector.shape_cast %and3A_1040 : vector<64x1xi1> to vector<64x1xi1>
    %broadcast_in_dim3A_1043 = vector.broadcast %broadcast_in_dim3A_1042 : vector<64x1xi1> to vector<64x128xi1>
    %broadcast_in_dim3A_1044 = vector.broadcast %jit3A_1041 : f32 to vector<64x128xf32>
    %select_n3A_1045 = arith.select %broadcast_in_dim3A_1043, %get3A_1031, %broadcast_in_dim3A_1044 : vector<64x128xi1>, vector<64x128xf32>
    %reduce_max3A_1046 = arith.constant dense<0xFF800000> : vector<128xf32>
    %reduce_max3A_1047 = vector.multi_reduction <maximumf>, %select_n3A_1045, %reduce_max3A_1046 [0] : vector<64x128xf32> to vector<128xf32>
    %broadcast_in_dim3A_1048 = vector.shape_cast %reduce_max3A_1047 : vector<128xf32> to vector<1x128xf32>
    %max3A_1049 = arith.maximumf %broadcast_in_dim3A_1028, %broadcast_in_dim3A_1048 : vector<1x128xf32>
    %max3A_1050 = arith.maximumf %broadcast_in_dim3A_984, %max3A_1049 : vector<1x128xf32>
    %slice3A_1051 = vector.extract_strided_slice %and3A {offsets = [0, 13], sizes = [512, 1], strides = [1, 1]} : vector<512x16xi1> to vector<512x1xi1>
    %jit3A_1052 = arith.constant 0xFF800000 : f32
    %broadcast_in_dim3A_1053 = vector.shape_cast %slice3A_1051 : vector<512x1xi1> to vector<512x1xi1>
    %broadcast_in_dim3A_1054 = vector.broadcast %broadcast_in_dim3A_1053 : vector<512x1xi1> to vector<512x128xi1>
    %broadcast_in_dim3A_1055 = vector.broadcast %jit3A_1052 : f32 to vector<512x128xf32>
    %select_n3A_1056 = arith.select %broadcast_in_dim3A_1054, %reshape3A_42, %broadcast_in_dim3A_1055 : vector<512x128xi1>, vector<512x128xf32>
    %reduce_max3A_1057 = arith.constant dense<0xFF800000> : vector<128xf32>
    %reduce_max3A_1058 = vector.multi_reduction <maximumf>, %select_n3A_1056, %reduce_max3A_1057 [0] : vector<512x128xf32> to vector<128xf32>
    %broadcast_in_dim3A_1059 = vector.shape_cast %reduce_max3A_1058 : vector<128xf32> to vector<1x128xf32>
    %get3A_1060 = arith.constant 0 : index
    %get3A_1061 = arith.constant 13 : index
    %get3A_1062 = memref.load %arg11[%get3A_1060, %get3A_1061] : memref<2x16xi32, #tpu.memory_space<smem>>
    %sub3A_1063 = arith.subi %get3A_1062, %mul3A_40 : i32
    %jit3A_1064 = arith.constant 0 : i32
    %jit3A_1065 = arith.constant 4096 : i32
    %max3A_1066 = arith.maxsi %jit3A_1064, %sub3A_1063 : i32
    %min3A_1067 = arith.minsi %jit3A_1065, %max3A_1066 : i32
    %get3A_1068 = arith.constant 1 : index
    %get3A_1069 = arith.constant 13 : index
    %get3A_1070 = memref.load %arg11[%get3A_1068, %get3A_1069] : memref<2x16xi32, #tpu.memory_space<smem>>
    %sub3A_1071 = arith.subi %get3A_1070, %mul3A_40 : i32
    %jit3A_1072 = arith.constant 0 : i32
    %jit3A_1073 = arith.constant 4096 : i32
    %max3A_1074 = arith.maxsi %jit3A_1072, %sub3A_1071 : i32
    %min3A_1075 = arith.minsi %jit3A_1073, %max3A_1074 : i32
    %min3A_1076 = arith.constant 4032 : i32
    %min3A_1077 = arith.minsi %min3A_1067, %min3A_1076 : i32
    %sub3A_1078 = arith.constant 64 : i32
    %sub3A_1079 = arith.subi %min3A_1075, %sub3A_1078 : i32
    %jit3A_1080 = arith.constant 0 : i32
    %jit3A_1081 = arith.constant 4032 : i32
    %max3A_1082 = arith.maxsi %jit3A_1080, %sub3A_1079 : i32
    %min3A_1083 = arith.minsi %jit3A_1081, %max3A_1082 : i32
    %get3A_1084 = arith.index_cast %min3A_1077 : i32 to index
    %get3A_1085 = arith.constant 0 : index
    %get3A_1086 = vector.load %arg12[%get3A_1084, %get3A_1085] : memref<4096x128xf32, #tpu.memory_space<vmem>>, vector<64x128xf32>
    %add3A_1087 = vector.broadcast %min3A_1077 : i32 to vector<64x1xi32>
    %add3A_1088 = arith.addi %iota3A_77, %add3A_1087 : vector<64x1xi32>
    %ge3A_1089 = vector.broadcast %min3A_1067 : i32 to vector<64x1xi32>
    %ge3A_1090 = arith.cmpi sge, %add3A_1088, %ge3A_1089 : vector<64x1xi32>
    %add3A_1091 = vector.broadcast %min3A_1077 : i32 to vector<64x1xi32>
    %add3A_1092 = arith.addi %iota3A_77, %add3A_1091 : vector<64x1xi32>
    %lt3A_1093 = vector.broadcast %min3A_1075 : i32 to vector<64x1xi32>
    %lt3A_1094 = arith.cmpi slt, %add3A_1092, %lt3A_1093 : vector<64x1xi32>
    %and3A_1095 = arith.andi %ge3A_1090, %lt3A_1094 : vector<64x1xi1>
    %jit3A_1096 = arith.constant 0xFF800000 : f32
    %broadcast_in_dim3A_1097 = vector.shape_cast %and3A_1095 : vector<64x1xi1> to vector<64x1xi1>
    %broadcast_in_dim3A_1098 = vector.broadcast %broadcast_in_dim3A_1097 : vector<64x1xi1> to vector<64x128xi1>
    %broadcast_in_dim3A_1099 = vector.broadcast %jit3A_1096 : f32 to vector<64x128xf32>
    %select_n3A_1100 = arith.select %broadcast_in_dim3A_1098, %get3A_1086, %broadcast_in_dim3A_1099 : vector<64x128xi1>, vector<64x128xf32>
    %reduce_max3A_1101 = arith.constant dense<0xFF800000> : vector<128xf32>
    %reduce_max3A_1102 = vector.multi_reduction <maximumf>, %select_n3A_1100, %reduce_max3A_1101 [0] : vector<64x128xf32> to vector<128xf32>
    %broadcast_in_dim3A_1103 = vector.shape_cast %reduce_max3A_1102 : vector<128xf32> to vector<1x128xf32>
    %get3A_1104 = arith.index_cast %min3A_1083 : i32 to index
    %get3A_1105 = arith.constant 0 : index
    %get3A_1106 = vector.load %arg12[%get3A_1104, %get3A_1105] : memref<4096x128xf32, #tpu.memory_space<vmem>>, vector<64x128xf32>
    %add3A_1107 = vector.broadcast %min3A_1083 : i32 to vector<64x1xi32>
    %add3A_1108 = arith.addi %iota3A_77, %add3A_1107 : vector<64x1xi32>
    %ge3A_1109 = vector.broadcast %min3A_1067 : i32 to vector<64x1xi32>
    %ge3A_1110 = arith.cmpi sge, %add3A_1108, %ge3A_1109 : vector<64x1xi32>
    %add3A_1111 = vector.broadcast %min3A_1083 : i32 to vector<64x1xi32>
    %add3A_1112 = arith.addi %iota3A_77, %add3A_1111 : vector<64x1xi32>
    %lt3A_1113 = vector.broadcast %min3A_1075 : i32 to vector<64x1xi32>
    %lt3A_1114 = arith.cmpi slt, %add3A_1112, %lt3A_1113 : vector<64x1xi32>
    %and3A_1115 = arith.andi %ge3A_1110, %lt3A_1114 : vector<64x1xi1>
    %jit3A_1116 = arith.constant 0xFF800000 : f32
    %broadcast_in_dim3A_1117 = vector.shape_cast %and3A_1115 : vector<64x1xi1> to vector<64x1xi1>
    %broadcast_in_dim3A_1118 = vector.broadcast %broadcast_in_dim3A_1117 : vector<64x1xi1> to vector<64x128xi1>
    %broadcast_in_dim3A_1119 = vector.broadcast %jit3A_1116 : f32 to vector<64x128xf32>
    %select_n3A_1120 = arith.select %broadcast_in_dim3A_1118, %get3A_1106, %broadcast_in_dim3A_1119 : vector<64x128xi1>, vector<64x128xf32>
    %reduce_max3A_1121 = arith.constant dense<0xFF800000> : vector<128xf32>
    %reduce_max3A_1122 = vector.multi_reduction <maximumf>, %select_n3A_1120, %reduce_max3A_1121 [0] : vector<64x128xf32> to vector<128xf32>
    %broadcast_in_dim3A_1123 = vector.shape_cast %reduce_max3A_1122 : vector<128xf32> to vector<1x128xf32>
    %max3A_1124 = arith.maximumf %broadcast_in_dim3A_1103, %broadcast_in_dim3A_1123 : vector<1x128xf32>
    %max3A_1125 = arith.maximumf %broadcast_in_dim3A_1059, %max3A_1124 : vector<1x128xf32>
    %slice3A_1126 = vector.extract_strided_slice %and3A {offsets = [0, 14], sizes = [512, 1], strides = [1, 1]} : vector<512x16xi1> to vector<512x1xi1>
    %jit3A_1127 = arith.constant 0xFF800000 : f32
    %broadcast_in_dim3A_1128 = vector.shape_cast %slice3A_1126 : vector<512x1xi1> to vector<512x1xi1>
    %broadcast_in_dim3A_1129 = vector.broadcast %broadcast_in_dim3A_1128 : vector<512x1xi1> to vector<512x128xi1>
    %broadcast_in_dim3A_1130 = vector.broadcast %jit3A_1127 : f32 to vector<512x128xf32>
    %select_n3A_1131 = arith.select %broadcast_in_dim3A_1129, %reshape3A_42, %broadcast_in_dim3A_1130 : vector<512x128xi1>, vector<512x128xf32>
    %reduce_max3A_1132 = arith.constant dense<0xFF800000> : vector<128xf32>
    %reduce_max3A_1133 = vector.multi_reduction <maximumf>, %select_n3A_1131, %reduce_max3A_1132 [0] : vector<512x128xf32> to vector<128xf32>
    %broadcast_in_dim3A_1134 = vector.shape_cast %reduce_max3A_1133 : vector<128xf32> to vector<1x128xf32>
    %get3A_1135 = arith.constant 0 : index
    %get3A_1136 = arith.constant 14 : index
    %get3A_1137 = memref.load %arg11[%get3A_1135, %get3A_1136] : memref<2x16xi32, #tpu.memory_space<smem>>
    %sub3A_1138 = arith.subi %get3A_1137, %mul3A_40 : i32
    %jit3A_1139 = arith.constant 0 : i32
    %jit3A_1140 = arith.constant 4096 : i32
    %max3A_1141 = arith.maxsi %jit3A_1139, %sub3A_1138 : i32
    %min3A_1142 = arith.minsi %jit3A_1140, %max3A_1141 : i32
    %get3A_1143 = arith.constant 1 : index
    %get3A_1144 = arith.constant 14 : index
    %get3A_1145 = memref.load %arg11[%get3A_1143, %get3A_1144] : memref<2x16xi32, #tpu.memory_space<smem>>
    %sub3A_1146 = arith.subi %get3A_1145, %mul3A_40 : i32
    %jit3A_1147 = arith.constant 0 : i32
    %jit3A_1148 = arith.constant 4096 : i32
    %max3A_1149 = arith.maxsi %jit3A_1147, %sub3A_1146 : i32
    %min3A_1150 = arith.minsi %jit3A_1148, %max3A_1149 : i32
    %min3A_1151 = arith.constant 4032 : i32
    %min3A_1152 = arith.minsi %min3A_1142, %min3A_1151 : i32
    %sub3A_1153 = arith.constant 64 : i32
    %sub3A_1154 = arith.subi %min3A_1150, %sub3A_1153 : i32
    %jit3A_1155 = arith.constant 0 : i32
    %jit3A_1156 = arith.constant 4032 : i32
    %max3A_1157 = arith.maxsi %jit3A_1155, %sub3A_1154 : i32
    %min3A_1158 = arith.minsi %jit3A_1156, %max3A_1157 : i32
    %get3A_1159 = arith.index_cast %min3A_1152 : i32 to index
    %get3A_1160 = arith.constant 0 : index
    %get3A_1161 = vector.load %arg12[%get3A_1159, %get3A_1160] : memref<4096x128xf32, #tpu.memory_space<vmem>>, vector<64x128xf32>
    %add3A_1162 = vector.broadcast %min3A_1152 : i32 to vector<64x1xi32>
    %add3A_1163 = arith.addi %iota3A_77, %add3A_1162 : vector<64x1xi32>
    %ge3A_1164 = vector.broadcast %min3A_1142 : i32 to vector<64x1xi32>
    %ge3A_1165 = arith.cmpi sge, %add3A_1163, %ge3A_1164 : vector<64x1xi32>
    %add3A_1166 = vector.broadcast %min3A_1152 : i32 to vector<64x1xi32>
    %add3A_1167 = arith.addi %iota3A_77, %add3A_1166 : vector<64x1xi32>
    %lt3A_1168 = vector.broadcast %min3A_1150 : i32 to vector<64x1xi32>
    %lt3A_1169 = arith.cmpi slt, %add3A_1167, %lt3A_1168 : vector<64x1xi32>
    %and3A_1170 = arith.andi %ge3A_1165, %lt3A_1169 : vector<64x1xi1>
    %jit3A_1171 = arith.constant 0xFF800000 : f32
    %broadcast_in_dim3A_1172 = vector.shape_cast %and3A_1170 : vector<64x1xi1> to vector<64x1xi1>
    %broadcast_in_dim3A_1173 = vector.broadcast %broadcast_in_dim3A_1172 : vector<64x1xi1> to vector<64x128xi1>
    %broadcast_in_dim3A_1174 = vector.broadcast %jit3A_1171 : f32 to vector<64x128xf32>
    %select_n3A_1175 = arith.select %broadcast_in_dim3A_1173, %get3A_1161, %broadcast_in_dim3A_1174 : vector<64x128xi1>, vector<64x128xf32>
    %reduce_max3A_1176 = arith.constant dense<0xFF800000> : vector<128xf32>
    %reduce_max3A_1177 = vector.multi_reduction <maximumf>, %select_n3A_1175, %reduce_max3A_1176 [0] : vector<64x128xf32> to vector<128xf32>
    %broadcast_in_dim3A_1178 = vector.shape_cast %reduce_max3A_1177 : vector<128xf32> to vector<1x128xf32>
    %get3A_1179 = arith.index_cast %min3A_1158 : i32 to index
    %get3A_1180 = arith.constant 0 : index
    %get3A_1181 = vector.load %arg12[%get3A_1179, %get3A_1180] : memref<4096x128xf32, #tpu.memory_space<vmem>>, vector<64x128xf32>
    %add3A_1182 = vector.broadcast %min3A_1158 : i32 to vector<64x1xi32>
    %add3A_1183 = arith.addi %iota3A_77, %add3A_1182 : vector<64x1xi32>
    %ge3A_1184 = vector.broadcast %min3A_1142 : i32 to vector<64x1xi32>
    %ge3A_1185 = arith.cmpi sge, %add3A_1183, %ge3A_1184 : vector<64x1xi32>
    %add3A_1186 = vector.broadcast %min3A_1158 : i32 to vector<64x1xi32>
    %add3A_1187 = arith.addi %iota3A_77, %add3A_1186 : vector<64x1xi32>
    %lt3A_1188 = vector.broadcast %min3A_1150 : i32 to vector<64x1xi32>
    %lt3A_1189 = arith.cmpi slt, %add3A_1187, %lt3A_1188 : vector<64x1xi32>
    %and3A_1190 = arith.andi %ge3A_1185, %lt3A_1189 : vector<64x1xi1>
    %jit3A_1191 = arith.constant 0xFF800000 : f32
    %broadcast_in_dim3A_1192 = vector.shape_cast %and3A_1190 : vector<64x1xi1> to vector<64x1xi1>
    %broadcast_in_dim3A_1193 = vector.broadcast %broadcast_in_dim3A_1192 : vector<64x1xi1> to vector<64x128xi1>
    %broadcast_in_dim3A_1194 = vector.broadcast %jit3A_1191 : f32 to vector<64x128xf32>
    %select_n3A_1195 = arith.select %broadcast_in_dim3A_1193, %get3A_1181, %broadcast_in_dim3A_1194 : vector<64x128xi1>, vector<64x128xf32>
    %reduce_max3A_1196 = arith.constant dense<0xFF800000> : vector<128xf32>
    %reduce_max3A_1197 = vector.multi_reduction <maximumf>, %select_n3A_1195, %reduce_max3A_1196 [0] : vector<64x128xf32> to vector<128xf32>
    %broadcast_in_dim3A_1198 = vector.shape_cast %reduce_max3A_1197 : vector<128xf32> to vector<1x128xf32>
    %max3A_1199 = arith.maximumf %broadcast_in_dim3A_1178, %broadcast_in_dim3A_1198 : vector<1x128xf32>
    %max3A_1200 = arith.maximumf %broadcast_in_dim3A_1134, %max3A_1199 : vector<1x128xf32>
    %slice3A_1201 = vector.extract_strided_slice %and3A {offsets = [0, 15], sizes = [512, 1], strides = [1, 1]} : vector<512x16xi1> to vector<512x1xi1>
    %jit3A_1202 = arith.constant 0xFF800000 : f32
    %broadcast_in_dim3A_1203 = vector.shape_cast %slice3A_1201 : vector<512x1xi1> to vector<512x1xi1>
    %broadcast_in_dim3A_1204 = vector.broadcast %broadcast_in_dim3A_1203 : vector<512x1xi1> to vector<512x128xi1>
    %broadcast_in_dim3A_1205 = vector.broadcast %jit3A_1202 : f32 to vector<512x128xf32>
    %select_n3A_1206 = arith.select %broadcast_in_dim3A_1204, %reshape3A_42, %broadcast_in_dim3A_1205 : vector<512x128xi1>, vector<512x128xf32>
    %reduce_max3A_1207 = arith.constant dense<0xFF800000> : vector<128xf32>
    %reduce_max3A_1208 = vector.multi_reduction <maximumf>, %select_n3A_1206, %reduce_max3A_1207 [0] : vector<512x128xf32> to vector<128xf32>
    %broadcast_in_dim3A_1209 = vector.shape_cast %reduce_max3A_1208 : vector<128xf32> to vector<1x128xf32>
    %get3A_1210 = arith.constant 0 : index
    %get3A_1211 = arith.constant 15 : index
    %get3A_1212 = memref.load %arg11[%get3A_1210, %get3A_1211] : memref<2x16xi32, #tpu.memory_space<smem>>
    %sub3A_1213 = arith.subi %get3A_1212, %mul3A_40 : i32
    %jit3A_1214 = arith.constant 0 : i32
    %jit3A_1215 = arith.constant 4096 : i32
    %max3A_1216 = arith.maxsi %jit3A_1214, %sub3A_1213 : i32
    %min3A_1217 = arith.minsi %jit3A_1215, %max3A_1216 : i32
    %get3A_1218 = arith.constant 1 : index
    %get3A_1219 = arith.constant 15 : index
    %get3A_1220 = memref.load %arg11[%get3A_1218, %get3A_1219] : memref<2x16xi32, #tpu.memory_space<smem>>
    %sub3A_1221 = arith.subi %get3A_1220, %mul3A_40 : i32
    %jit3A_1222 = arith.constant 0 : i32
    %jit3A_1223 = arith.constant 4096 : i32
    %max3A_1224 = arith.maxsi %jit3A_1222, %sub3A_1221 : i32
    %min3A_1225 = arith.minsi %jit3A_1223, %max3A_1224 : i32
    %min3A_1226 = arith.constant 4032 : i32
    %min3A_1227 = arith.minsi %min3A_1217, %min3A_1226 : i32
    %sub3A_1228 = arith.constant 64 : i32
    %sub3A_1229 = arith.subi %min3A_1225, %sub3A_1228 : i32
    %jit3A_1230 = arith.constant 0 : i32
    %jit3A_1231 = arith.constant 4032 : i32
    %max3A_1232 = arith.maxsi %jit3A_1230, %sub3A_1229 : i32
    %min3A_1233 = arith.minsi %jit3A_1231, %max3A_1232 : i32
    %get3A_1234 = arith.index_cast %min3A_1227 : i32 to index
    %get3A_1235 = arith.constant 0 : index
    %get3A_1236 = vector.load %arg12[%get3A_1234, %get3A_1235] : memref<4096x128xf32, #tpu.memory_space<vmem>>, vector<64x128xf32>
    %add3A_1237 = vector.broadcast %min3A_1227 : i32 to vector<64x1xi32>
    %add3A_1238 = arith.addi %iota3A_77, %add3A_1237 : vector<64x1xi32>
    %ge3A_1239 = vector.broadcast %min3A_1217 : i32 to vector<64x1xi32>
    %ge3A_1240 = arith.cmpi sge, %add3A_1238, %ge3A_1239 : vector<64x1xi32>
    %add3A_1241 = vector.broadcast %min3A_1227 : i32 to vector<64x1xi32>
    %add3A_1242 = arith.addi %iota3A_77, %add3A_1241 : vector<64x1xi32>
    %lt3A_1243 = vector.broadcast %min3A_1225 : i32 to vector<64x1xi32>
    %lt3A_1244 = arith.cmpi slt, %add3A_1242, %lt3A_1243 : vector<64x1xi32>
    %and3A_1245 = arith.andi %ge3A_1240, %lt3A_1244 : vector<64x1xi1>
    %jit3A_1246 = arith.constant 0xFF800000 : f32
    %broadcast_in_dim3A_1247 = vector.shape_cast %and3A_1245 : vector<64x1xi1> to vector<64x1xi1>
    %broadcast_in_dim3A_1248 = vector.broadcast %broadcast_in_dim3A_1247 : vector<64x1xi1> to vector<64x128xi1>
    %broadcast_in_dim3A_1249 = vector.broadcast %jit3A_1246 : f32 to vector<64x128xf32>
    %select_n3A_1250 = arith.select %broadcast_in_dim3A_1248, %get3A_1236, %broadcast_in_dim3A_1249 : vector<64x128xi1>, vector<64x128xf32>
    %reduce_max3A_1251 = arith.constant dense<0xFF800000> : vector<128xf32>
    %reduce_max3A_1252 = vector.multi_reduction <maximumf>, %select_n3A_1250, %reduce_max3A_1251 [0] : vector<64x128xf32> to vector<128xf32>
    %broadcast_in_dim3A_1253 = vector.shape_cast %reduce_max3A_1252 : vector<128xf32> to vector<1x128xf32>
    %get3A_1254 = arith.index_cast %min3A_1233 : i32 to index
    %get3A_1255 = arith.constant 0 : index
    %get3A_1256 = vector.load %arg12[%get3A_1254, %get3A_1255] : memref<4096x128xf32, #tpu.memory_space<vmem>>, vector<64x128xf32>
    %add3A_1257 = vector.broadcast %min3A_1233 : i32 to vector<64x1xi32>
    %add3A_1258 = arith.addi %iota3A_77, %add3A_1257 : vector<64x1xi32>
    %ge3A_1259 = vector.broadcast %min3A_1217 : i32 to vector<64x1xi32>
    %ge3A_1260 = arith.cmpi sge, %add3A_1258, %ge3A_1259 : vector<64x1xi32>
    %add3A_1261 = vector.broadcast %min3A_1233 : i32 to vector<64x1xi32>
    %add3A_1262 = arith.addi %iota3A_77, %add3A_1261 : vector<64x1xi32>
    %lt3A_1263 = vector.broadcast %min3A_1225 : i32 to vector<64x1xi32>
    %lt3A_1264 = arith.cmpi slt, %add3A_1262, %lt3A_1263 : vector<64x1xi32>
    %and3A_1265 = arith.andi %ge3A_1260, %lt3A_1264 : vector<64x1xi1>
    %jit3A_1266 = arith.constant 0xFF800000 : f32
    %broadcast_in_dim3A_1267 = vector.shape_cast %and3A_1265 : vector<64x1xi1> to vector<64x1xi1>
    %broadcast_in_dim3A_1268 = vector.broadcast %broadcast_in_dim3A_1267 : vector<64x1xi1> to vector<64x128xi1>
    %broadcast_in_dim3A_1269 = vector.broadcast %jit3A_1266 : f32 to vector<64x128xf32>
    %select_n3A_1270 = arith.select %broadcast_in_dim3A_1268, %get3A_1256, %broadcast_in_dim3A_1269 : vector<64x128xi1>, vector<64x128xf32>
    %reduce_max3A_1271 = arith.constant dense<0xFF800000> : vector<128xf32>
    %reduce_max3A_1272 = vector.multi_reduction <maximumf>, %select_n3A_1270, %reduce_max3A_1271 [0] : vector<64x128xf32> to vector<128xf32>
    %broadcast_in_dim3A_1273 = vector.shape_cast %reduce_max3A_1272 : vector<128xf32> to vector<1x128xf32>
    %max3A_1274 = arith.maximumf %broadcast_in_dim3A_1253, %broadcast_in_dim3A_1273 : vector<1x128xf32>
    %max3A_1275 = arith.maximumf %broadcast_in_dim3A_1209, %max3A_1274 : vector<1x128xf32>
    %get3A_1276 = arith.constant 0 : index
    %get3A_1277 = arith.constant 0 : index
    %get3A_1278 = vector.load %arg9[%get3A_1276, %get3A_1277] : memref<16x128xf32, #tpu.memory_space<vmem>>, vector<16x128xf32>
    %concatenate3A = tpu.concatenate %max3A_150, %max3A_225, %max3A_300, %max3A_375, %max3A_450, %max3A_525, %max3A_600, %max3A_675, %max3A_750, %max3A_825, %max3A_900, %max3A_975, %max3A_1050, %max3A_1125, %max3A_1200, %max3A_1275 in 0 : vector<1x128xf32>, vector<1x128xf32>, vector<1x128xf32>, vector<1x128xf32>, vector<1x128xf32>, vector<1x128xf32>, vector<1x128xf32>, vector<1x128xf32>, vector<1x128xf32>, vector<1x128xf32>, vector<1x128xf32>, vector<1x128xf32>, vector<1x128xf32>, vector<1x128xf32>, vector<1x128xf32>, vector<1x128xf32> -> vector<16x128xf32>
    %max3A_1279 = arith.maximumf %get3A_1278, %concatenate3A : vector<16x128xf32>
    %swap3A_1280 = arith.constant 0 : index
    %swap3A_1281 = arith.constant 0 : index
    %swap3A_1282 = vector.load %arg9[%swap3A_1280, %swap3A_1281] : memref<16x128xf32, #tpu.memory_space<vmem>>, vector<16x128xf32>
    tpu.vector_store %arg9[%swap3A_1280, %swap3A_1281], %max3A_1279 {strides = array<i32>} : memref<16x128xf32, #tpu.memory_space<vmem>>, vector<16x128xf32>,
    return
  }
  func.func @transform_0(%arg0: i32) -> (i32, i32) {
    %c0_i32 = arith.constant 0 : i32
    %c0_i32_0 = arith.constant 0 : i32
    return %arg0, %c0_i32 : i32, i32
  }
  func.func @transform_1(%arg0: i32) -> (i32, i32) {
    %c0_i32 = arith.constant 0 : i32
    %c0_i32_0 = arith.constant 0 : i32
    return %arg0, %c0_i32 : i32, i32
  }
  func.func @transform_2(%arg0: i32) -> (i32, i32) {
    %c0_i32 = arith.constant 0 : i32
    %c0_i32_0 = arith.constant 0 : i32
    %c0_i32_1 = arith.constant 0 : i32
    return %c0_i32, %c0_i32_0 : i32, i32
  }
  func.func @transform_3(%arg0: i32) -> (i32, i32) {
    %c0_i32 = arith.constant 0 : i32
    %c0_i32_0 = arith.constant 0 : i32
    %c0_i32_1 = arith.constant 0 : i32
    return %c0_i32, %c0_i32_0 : i32, i32
  }
  func.func @transform_4(%arg0: i32) -> (i32, i32) {
    %c0_i32 = arith.constant 0 : i32
    %c0_i32_0 = arith.constant 0 : i32
    %c0_i32_1 = arith.constant 0 : i32
    return %c0_i32, %c0_i32_0 : i32, i32
  }
  func.func @transform_5(%arg0: i32) -> (i32, i32) {
    %c0_i32 = arith.constant 0 : i32
    %c0_i32_0 = arith.constant 0 : i32
    %c0_i32_1 = arith.constant 0 : i32
    return %c0_i32, %c0_i32_0 : i32, i32
  }
  func.func @transform_6(%arg0: i32) -> (i32, i32) {
    %c0_i32 = arith.constant 0 : i32
    %c0_i32_0 = arith.constant 0 : i32
    %c0_i32_1 = arith.constant 0 : i32
    return %c0_i32, %c0_i32_0 : i32, i32
  }
  func.func @transform_7(%arg0: i32) -> (i32, i32) {
    %c0_i32 = arith.constant 0 : i32
    %c0_i32_0 = arith.constant 0 : i32
    %c0_i32_1 = arith.constant 0 : i32
    return %c0_i32, %c0_i32_0 : i32, i32
  }
  func.func @transform_8(%arg0: i32) -> (i32, i32) {
    %c0_i32 = arith.constant 0 : i32
    %c0_i32_0 = arith.constant 0 : i32
    %c0_i32_1 = arith.constant 0 : i32
    return %c0_i32, %c0_i32_0 : i32, i32
  }
}

</mosaic_0001>

<sc_bundles>
// kernel: kernel.4.cloned.1.call-start
scs
__scs_entry_jumppad:
0x0: {  	(pc) =	sbr.rel $0x88, $3  }
0x1: {  	(tag) =	ssettag $0x0;
	lr =	simm.s32 $0x1  }
0x2: {  	[smem:$0x3F97] =	sst lr;
	_ =	strace $0xD0000000  }
0x3: {  	_ = 	snop  }
0x4: {  	_ = 	snop  }
0x5: {  	_ = 	snop  }
0x6: {  	_ = 	snop  }
0x7: {  	_ = 	snop  }
__scs_overlays_trampoline_lowered:
0x8: {  	[smem:$0x3FA6] =	sst s0  }
0x9: {  	[smem:$0x3FA7] =	sst s1  }
0xa: {  	[smem:$0x3FA8] =	sst s2  }
0xb: {  	[smem:$0x3FA9] =	sst s3  }
0xc: {  	[smem:$0x3FAA] =	sst s4  }
0xd: {  	[smem:$0x3FAB] =	sst s5  }
0xe: {  	[smem:$0x3FAC] =	sst s6  }
0xf: {  	[smem:$0x3FAD] =	sst s7  }
0x10: {  	[smem:$0x3FAE] =	sst s8  }
0x11: {  	[smem:$0x3FAF] =	sst s9;
	s0 =	simm.s32 @!p0 $0x0  }
0x12: {  	s1 =	sld [smem:$0x3F95];
	s0 =	simm.s32 @p0 $0x1  }
0x13: {  	[smem:$0x3FB0] =	sst s0;
	s0 =	simm.s32 @!p1 $0x0  }
0x14: {  	s2 =	sld [smem:$0x3F94];
	s0 =	simm.s32 @p1 $0x1  }
0x15: {  	[smem:$0x3FB1] =	sst s0;
	s0 =	simm.s32 @!p2 $0x0  }
0x16: {  	s3 =	sld [smem:$0x3FDB];
	s0 =	simm.s32 @p2 $0x1  }
0x17: {  	s4 =	simm.s32 $0x1BF5;
	[smem:$0x3FB3] =	sst s0  }
0x18: {  	s0 =	sld [smem:$0x3F96];
	_ =	swait.ge [sflag:s4], $0x0  }
0x19: {  	s7 =	sld [smem:$0x3F97]  }
0x1a: {  	s8 =	sadd.s32 $0xFFFFE003, lr  }
0x1b: {  	s9 =	sadd.s32 $0xFFFFFEF7, lr;
	s5 =	simm.s32 $0xFFFFFFFF;
	p2 =	slt.u32 s8, $0xFFFFF086  }
0x1c: {  	p1 =	slt.u32 s9, $0xF7A;
	s5 =	simm.s32 @!p2 $0x0  }
0x1d: {  	s5 =	simm.s32 @p1 $0x1;
	p0 =	seq.s32 s7, s2  }
0x1e: {  	s7 =	smul.u32 @!p0 $0xF7A, s2;
	p2 =	seq.s32 @!p0 s5, $0x0  }
0x1f: {  	s9 =	smul.u32 $0xF7A, s1;
	s8 =	simm.s32 @!p0 $0x1BF5;
	p2 =	por !p2, p0  }
0x20: {  	[sflag:s8] =	ssyncset.s32 @!p0 $0xFFFFF086;
	s6 =	sadd.s32 @!p0 s3, s7;
	s7 =	simm.s32 @!p0 $0x108  }
0x21: {  	s3 =	sadd.s32 s3, s9;
	s6 =	sadd.s32 @!p0 $0x88, s6;
	s7 =	simm.s32 @p2 $0x1082  }
0x22: {  	[simem:s7], [sflag:s8] =	dma.local @!p0 [hbm:s6], $0xF7A  }
0x23: {  	s9 =	sor.u32 $0xD0000000, s2;
	s6 =	simm.s32 $0x108;
	_ =	swait.ge @!p0 [sflag:s8], $0x0  }
0x24: {  	s3 =	sadd.s32 $0x88, s3;
	s6 =	simm.s32 @!p1 $0x1082;
	[sflag:s4] =	ssyncset.s32 $0xFFFFF086  }
0x25: {  	[simem:s6], [sflag:s4] =	dma.local [hbm:s3], $0xF7A  }
0x26: {  	[smem:$0x3F97] =	sst s1;
	(tag) =	ssettag s2;
	_ =	strace s9  }
0x27: {  	s1 =	sld [smem:$0x3FA7]  }
0x28: {  	s2 =	sld [smem:$0x3FA8]  }
0x29: {  	s4 =	sld [smem:$0x3FAA]  }
0x2a: {  	p0 =	seq.s32 s5, $0x0;
	s5 =	sld [smem:$0x3FAB]  }
0x2b: {  	s6 =	sld [smem:$0x3FAC]  }
0x2c: {  	s7 =	sld [smem:$0x3FAD]  }
0x2d: {  	s3 =	simm.s32 $0x108;
	s8 =	sld [smem:$0x3FAE]  }
0x2e: {  	s3 =	simm.s32 @!p0 $0x1082;
	s9 =	sld [smem:$0x3FAF]  }
0x2f: {  	lr =	sadd.s32 s0, s3;
	s0 =	sld [smem:$0x3FA6]  }
0x30: {  	s3 =	sld [smem:$0x3FA9]  }
0x31: {  	[smem:$0x3FB2] =	sst s10  }
0x32: {  	s10 =	sld [smem:$0x3FB0];
	_ =	sdelay $0x3  }
0x33: {  	p0 =	seq.s32 s10, $0x1;
	s10 =	sld [smem:$0x3FB2];
	_ =	sdelay $0x3  }
0x34: {  	[smem:$0x3FB2] =	sst s10  }
0x35: {  	s10 =	sld [smem:$0x3FB1];
	_ =	sdelay $0x3  }
0x36: {  	p1 =	seq.s32 s10, $0x1;
	s10 =	sld [smem:$0x3FB2];
	_ =	sdelay $0x3  }
0x37: {  	[smem:$0x3FB2] =	sst s10  }
0x38: {  	s10 =	sld [smem:$0x3FB3]  }
0x39: {  	_ = 	snop;
	(pc) =	sbr.ind lr, $3  }
0x3a: {  	_ = 	snop  }
0x3b: {  	_ = 	snop  }
0x3c: {  	p2 =	seq.s32 s10, $0x1;
	s10 =	sld [smem:$0x3FB2]  }
0x3d: {  	_ =	shalt  }
0x3e: {  	_ =	shalt  }
0x3f: {  	_ =	shalt  }
0x40: {  	_ =	shalt  }
0x41: {  	_ =	shalt  }
0x42: {  	_ =	shalt  }
0x43: {  	_ =	shalt  }
0x44: {  	_ =	shalt  }
0x45: {  	_ =	shalt  }
0x46: {  	_ =	shalt  }
0x47: {  	_ =	shalt  }
0x48: {  	_ =	shalt  }
0x49: {  	_ =	shalt  }
0x4a: {  	_ =	shalt  }
0x4b: {  	_ =	shalt  }
0x4c: {  	_ =	shalt  }
0x4d: {  	_ =	shalt  }
0x4e: {  	_ =	shalt  }
0x4f: {  	_ =	shalt  }
0x50: {  	_ =	shalt  }
0x51: {  	_ =	shalt  }
0x52: {  	_ =	shalt  }
0x53: {  	_ =	shalt  }
0x54: {  	_ =	shalt  }
0x55: {  	_ =	shalt  }
0x56: {  	_ =	shalt  }
0x57: {  	_ =	shalt  }
0x58: {  	_ =	shalt  }
0x59: {  	_ =	shalt  }
0x5a: {  	_ =	shalt  }
0x5b: {  	_ =	shalt  }
0x5c: {  	_ =	shalt  }
0x5d: {  	_ =	shalt  }
0x5e: {  	_ =	shalt  }
0x5f: {  	_ =	shalt  }
0x60: {  	_ =	shalt  }
0x61: {  	_ =	shalt  }
0x62: {  	_ =	shalt  }
0x63: {  	_ =	shalt  }
0x64: {  	_ =	shalt  }
0x65: {  	_ =	shalt  }
0x66: {  	_ =	shalt  }
0x67: {  	_ =	shalt  }
0x68: {  	_ =	shalt  }
0x69: {  	_ =	shalt  }
0x6a: {  	_ =	shalt  }
0x6b: {  	_ =	shalt  }
0x6c: {  	_ =	shalt  }
0x6d: {  	_ =	shalt  }
0x6e: {  	_ =	shalt  }
0x6f: {  	_ =	shalt  }
0x70: {  	_ =	shalt  }
0x71: {  	_ =	shalt  }
0x72: {  	_ =	shalt  }
0x73: {  	_ =	shalt  }
0x74: {  	_ =	shalt  }
0x75: {  	_ =	shalt  }
0x76: {  	_ =	shalt  }
0x77: {  	_ =	shalt  }
0x78: {  	_ =	shalt  }
0x79: {  	_ =	shalt  }
0x7a: {  	_ =	shalt  }
0x7b: {  	_ =	shalt  }
0x7c: {  	_ =	shalt  }
0x7d: {  	_ =	shalt  }
0x7e: {  	_ =	shalt  }
0x7f: {  	_ =	shalt  }
0x80: {  	_ =	shalt  }
0x81: {  	_ =	shalt  }
0x82: {  	_ =	shalt  }
0x83: {  	_ =	shalt  }
0x84: {  	_ =	shalt  }
0x85: {  	_ =	shalt  }
0x86: {  	_ =	shalt  }
0x87: {  	_ =	shalt  }
.Lfunc_end0:
.L_simem_size_0:
called_computation_lowered:
.L_overlay_start_0:
0x88: {  	s2 =	sld [smem:$0x3FD9]  }
0x89: {  	s3 =	sld [smem:$0x3FFE];
	_ =	sdelay $0x1  }
0x8a: {  	s1 =	srdreg.scid  }
0x8b: {  	s0 =	sand.u32 $0x1, s1  }
0x8c: {  	s14 =	sshll.u32 s0, $0xA;
	s2 =	sadd.s32 s3, s2  }
0x8d: {  	s2 =	sadd.s32 s2, s14  }
0x8e: {  	[smem:$0x3FBE] =	sst s2  }
0x8f: {  	_ = 	snop  }
0x90: {  	s2 =	sld [smem:$0x3FD0];
	_ =	sdelay $0x2  }
0x91: {  	s4 =	simm.s32 $0xA;
	s5 =	simm.s32 $0x10;
	s15 =	sld [smem:$0x3FC4]  }
0x92: {  	[smem:s5], [sflag:s4] =	dma.local [hbm:s2], $0x1  }
0x93: {  	_ =	swait.eq [sflag:s4], $0x1  }
0x94: {  	[sflag:s4] =	ssyncset.done $0x0  }
0x95: {  	s16 =	sld [smem:$0x10];
	[sflag:s4] =	ssyncadd.s32 $0xFFFFFFFF  }
0x96: {  	s17 =	sld [smem:$0x12];
	(tm) =	ssettm $0x1  }
0x97: {  	s18 =	sld [smem:$0x3FFB];
	_ =	sdelay $0x3  }
0x98: {  	_ =	strace s18  }
0x99: {  	s5 =	sld [smem:$0x3FFC];
	_ =	sdelay $0x3  }
0x9a: {  	_ =	strace s5  }
0x9b: {  	s5 =	sld [smem:$0x3FFD];
	_ =	sdelay $0x3  }
0x9c: {  	_ =	strace s5  }
0x9d: {  	_ =	strace $0x8FFFFFFF  }
0x9e: {  	s19 =	sld [smem:$0x3FDB];
	_ =	sdelay $0x1  }
0x9f: {  	s6 =	simm.s32 $_scs_section_size  }
0xa0: {  	s7 =	simm.s32 $_size__tile_overlayer_lowered;
	s8 =	simm.s32 $_tile_overlayer_lowered  }
0xa1: {  	s22 =	simm.s32 $0x1BFF;
	s21 =	sshll.u32 s8, $0x1;
	s5 =	sadd.s32 s6, s19  }
0xa2: {  	s9 =	simm.s32 $0x0;
	s20 =	sshll.u32 s7, $0x1;
	s7 =	sadd.s32 s21, s5  }
0xa3: {  	[timem:s9], [sflag:s22] =	dma.local [hbm:s7], s20  }
0xa4: {  	_ =	swait.ge [sflag:s22], s20  }
0xa5: {  	s6 =	ssub.s32 $0x0, s20;
	[sflag:s22] =	ssyncset.done $0x0  }
0xa6: {  	[sflag:s22] =	ssyncadd.s32 s6;
	_ =	sdelay $0x1  }
0xa7: {  	s23 =	simm.s32 $0x1B8B  }
0xa8: {  	_ =	swait.ge [sflag:s23], $0x1  }
0xa9: {  	[sflag:s23] =	ssyncset.done $0x0  }
0xaa: {  	s25 =	simm.s32 $0x1B8E;
	s24 =	sld [smem:$0x3FFE];
	[sflag:s23] =	ssyncadd.s32 $0xFFFFFFFF  }
0xab: {  	s26 =	simm.s32 $execute0_lowered;
	[smem:$0x3FD2] =	sst s25  }
0xac: {  	s7 =	sshll.u32 s26, $0x1;
	_ =	strace $0x80000046;
	[dreg:$0x1] =	wrdreg $0xFFFFFFFF  }
0xad: {  	s28 =	simm.s32 $_size_execute0_lowered;
	s5 =	sadd.s32 s5, s7;
	[dreg:$0x0] =	wrdreg $0x0  }
0xae: {  	s7 =	sshll.u32 s28, $0x1;
	[dreg:$0x2] =	wrdreg s5  }
0xaf: {  	[dreg:$0x3] =	wrdreg s7  }
0xb0: {  	[dreg:$0x4] =	wrdreg $0xC0  }
0xb1: {  	_ =	task [dreg:s9], $0x5FFFF  }
0xb2: {  	[dreg:$0x1] =	wrdreg $0xFFFFFFFF  }
0xb3: {  	[dreg:$0x0] =	wrdreg $0x60  }
0xb4: {  	[dreg:$0x2] =	wrdreg s17  }
0xb5: {  	[dreg:$0x3] =	wrdreg s15  }
0xb6: {  	[dreg:$0x4] =	wrdreg s16  }
0xb7: {  	[dreg:$0x5] =	wrdreg s24  }
0xb8: {  	[dreg:$0x6] =	wrdreg $0x188000  }
0xb9: {  	[dreg:$0x7] =	wrdreg $0x9  }
0xba: {  	_ =	task.clear_ibuf [dreg:s9], $0x8FFFF;
	_ =	strace $0x90000046  }
0xbb: {  	s29 =	simm.s32 $0x9;
	_ =	strace $0x80000048  }
0xbc: {  	_ =	swait.ge [sflag:s29], $0x1  }
0xbd: {  	[sflag:s29] =	ssyncadd.s32 $0xFFFFFFFF  }
0xbe: {  	_ =	strace $0x90000048  }
0xbf: {  	_ =	sfence  }
0xc0: {  	s30 =	sld [smem:$0x0];
	_ =	sdelay $0x2  }
0xc1: {  	s31 =	sshll.u32 s1, $0xD;
	s1 =	sshrl.u32 s1, $0x2  }
0xc2: {  	s3 =	sand.u32 $0x4000, s31;
	s1 =	sadd.s32 s1, s30  }
0xc3: {  	s0 =	sor.u32 s3, s0;
	s1 =	sshll.u32 s1, $0x11  }
0xc4: {  	s0 =	sor.u32 s1, s0  }
0xc5: {  	s0 =	sadd.s32 $0x8F2B, s0  }
0xc6: {  	[sflag:s0] =	ssyncadd.remote.s32 $0x1  }
0xc7: {  	_ =	sfence.sel $0xFFFF  }
0xc8: {  	[dreg:$0x0] =	wrdreg $0xFFFFFFFF;
	(pc) =	sbr.abs _section_cstart, $3  }
0xc9: {  	[dreg:$0x1] =	wrdreg $0xFFFFFFFF  }
0xca: {  	_ =	task.clear_ibuf [dreg:s9], $0x2FFFF;
	_ =	strace $0x9FFFFFFF  }
0xcb: {  	(tm) =	ssettm $0x7FFFFFFF  }
tec
execute0_lowered:
.L_overlay_start_1:
0x0: {  	(tag) =	ssettag $0x1  }
0x1: {  	s0 =	rddreg [dreg:$0x0]  }
0x2: {  	s19 =	rddreg [dreg:$0x1]  }
0x3: {  	s4 =	rddreg [dreg:$0x2]  }
0x4: {  	s7 =	rddreg [dreg:$0x3]  }
0x5: {  	s1 =	rddreg [dreg:$0x4]  }
0x6: {  	s29 =	rddreg [dreg:$0x5];
	s5 =	srdreg.scid  }
0x7: {  	s3 =	stileid.u32;
	s2 =	simm.s32 $0x0;
	p1 =	por $0x0, $0x0  }
0x8: {  	[dreg:$0x6] =	wrdreg s0;
	s5 =	sand.u32 $0x1, s5;
	s6 =	sshll.u32 s3, $0x1  }
0x9: {  	[smem:$0x7FF] =	sst s2;
	p0 =	sne.s32 s3, $0x0;
	s3 =	simm.s32 $0x800  }
0xa: {  	s9 =	sor.u32 s5, s6;
	_ =	strace $0x80000047;
	s5 =	ssub.s32 $0x2, s5  }
0xb: {  	s28 =	sshrl.u32 @!p0 s1, $0x3;
	s8 =	sshll.u32 s9, $0x8;
	s6 =	sshll.u32 s9, $0xF  }
0xc: {  	s23 =	sshll.u32 s9, $0x10;
	s0 =	sadd.s32 s19, s8;
	s10 =	sor.u32 $0x10, s8  }
0xd: {  	s20 =	sadd.s32 s4, s6;
	s6 =	sadd.s32 $0x1800, s7;
	s7 =	sadd.s32 $0x1880, s7  }
0xe: {  	s11 =	sor.u32 $0x20, s8;
	s31 =	sor.u32 $0x30, s8;
	[dreg:$0x7] =	wrdreg s0  }
0xf: {  	s16 =	sor.u32 $0x40, s8;
	[dreg:$0x8] =	wrdreg s20;
	s9 =	sadd.s32 s6, s23  }
0x10: {  	s21 =	sshll.u32 s10, $0x7;
	s0 =	sadd.s32 s23, s7;
	[dreg:$0xa] =	wrdreg s9  }
0x11: {  	s24 =	sshll.u32 s11, $0x7;
	s26 =	sshll.u32 s10, $0x8;
	[dreg:$0xb] =	wrdreg s0  }
0x12: {  	s12 =	sshll.u32 s31, $0x7;
	s22 =	sadd.s32 s4, s21;
	s0 =	rddreg [dreg:$0x6]  }
0x13: {  	s14 =	sshll.u32 s11, $0x8;
	s25 =	sadd.s32 s4, s24;
	[dreg:$0x9] =	wrdreg s22  }
0x14: {  	s18 =	sshll.u32 s16, $0x7;
	s30 =	sadd.s32 s6, s26;
	[dreg:$0xc] =	wrdreg s25  }
0x15: {  	s20 =	sshll.u32 s31, $0x8;
	s9 =	sadd.s32 s26, s7;
	[dreg:$0xd] =	wrdreg s30  }
0x16: {  	s31 =	sor.u32 $0x60, s8;
	s13 =	sadd.s32 s4, s12;
	[dreg:$0xe] =	wrdreg s9  }
0x17: {  	s11 =	simm.s32 $0x8800;
	s15 =	sadd.s32 s6, s14;
	[dreg:$0xf] =	wrdreg s13  }
0x18: {  	s17 =	sadd.s32 s14, s7;
	s19 =	sadd.s32 s4, s18;
	[dreg:$0x10] =	wrdreg s15  }
0x19: {  	s21 =	sadd.s32 s6, s20;
	s23 =	sadd.s32 s20, s7;
	[dreg:$0x11] =	wrdreg s17  }
0x1a: {  	s26 =	sshll.u32 s16, $0x8;
	s12 =	sshll.u32 s31, $0x7;
	[dreg:$0x12] =	wrdreg s19  }
0x1b: {  	s16 =	sor.u32 $0x70, s8;
	s20 =	sshll.u32 s31, $0x8;
	[dreg:$0x13] =	wrdreg s21  }
0x1c: {  	s31 =	sor.u32 $0x90, s8;
	[dreg:$0x14] =	wrdreg s23;
	s30 =	sadd.s32 s6, s26  }
0x1d: {  	s22 =	sor.u32 $0x50, s8;
	s9 =	sadd.s32 s26, s7;
	[dreg:$0x16] =	wrdreg s30  }
0x1e: {  	s13 =	sadd.s32 s4, s12;
	s18 =	sshll.u32 s16, $0x7;
	[dreg:$0x17] =	wrdreg s9  }
0x1f: {  	s21 =	sadd.s32 s6, s20;
	s23 =	sadd.s32 s20, s7;
	[dreg:$0x18] =	wrdreg s13  }
0x20: {  	s26 =	sshll.u32 s16, $0x8;
	s12 =	sshll.u32 s31, $0x7;
	[dreg:$0x1c] =	wrdreg s21  }
0x21: {  	s16 =	sor.u32 $0xA0, s8;
	s19 =	sadd.s32 s4, s18;
	[dreg:$0x1d] =	wrdreg s23  }
0x22: {  	s20 =	sshll.u32 s31, $0x8;
	s30 =	sadd.s32 s6, s26;
	[dreg:$0x1b] =	wrdreg s19  }
0x23: {  	s31 =	sor.u32 $0xC0, s8;
	s9 =	sadd.s32 s26, s7;
	[dreg:$0x1f] =	wrdreg s30  }
0x24: {  	s24 =	sshll.u32 s22, $0x7;
	s13 =	sadd.s32 s4, s12;
	[smem:$0x7DF] =	sst s9  }
0x25: {  	s14 =	sshll.u32 s22, $0x8;
	s21 =	sadd.s32 s6, s20;
	[smem:$0x7E0] =	sst s13  }
0x26: {  	s22 =	sor.u32 $0x80, s8;
	s23 =	sadd.s32 s20, s7;
	[smem:$0x7E4] =	sst s21  }
0x27: {  	s18 =	sshll.u32 s16, $0x7;
	s25 =	sadd.s32 s4, s24;
	[smem:$0x7E5] =	sst s23  }
0x28: {  	s26 =	sshll.u32 s16, $0x8;
	s15 =	sadd.s32 s6, s14;
	[dreg:$0x15] =	wrdreg s25  }
0x29: {  	s17 =	sadd.s32 s14, s7;
	s24 =	sshll.u32 s22, $0x7;
	[dreg:$0x19] =	wrdreg s15  }
0x2a: {  	s14 =	sshll.u32 s22, $0x8;
	s19 =	sadd.s32 s4, s18;
	[dreg:$0x1a] =	wrdreg s17  }
0x2b: {  	s22 =	sor.u32 $0xB0, s8;
	s30 =	sadd.s32 s6, s26;
	[smem:$0x7E3] =	sst s19  }
0x2c: {  	s12 =	sadd.s32 s26, s7;
	s13 =	sshll.u32 s31, $0x7;
	[smem:$0x7E7] =	sst s30  }
0x2d: {  	s21 =	sshll.u32 s31, $0x8;
	s25 =	sadd.s32 s4, s24;
	[smem:$0x7E8] =	sst s12  }
0x2e: {  	s23 =	sor.u32 $0xE0, s8;
	s15 =	sadd.s32 s6, s14;
	[dreg:$0x1e] =	wrdreg s25  }
0x2f: {  	s17 =	sadd.s32 s14, s7;
	s24 =	sshll.u32 s22, $0x7;
	[smem:$0x7E1] =	sst s15  }
0x30: {  	s14 =	sadd.s32 s4, s13;
	s13 =	sshll.u32 s23, $0x8;
	[smem:$0x7E2] =	sst s17  }
0x31: {  	s25 =	sadd.s32 s4, s24;
	s15 =	sshll.u32 s22, $0x8;
	[smem:$0x7E9] =	sst s14  }
0x32: {  	s17 =	sor.u32 $0xD0, s8;
	s22 =	sadd.s32 s6, s21;
	s24 =	sadd.s32 s21, s7  }
0x33: {  	s8 =	sor.u32 $0xF0, s8;
	s14 =	sadd.s32 s6, s13;
	[smem:$0x7E6] =	sst s25  }
0x34: {  	s16 =	sadd.s32 s6, s15;
	s18 =	sadd.s32 s15, s7;
	[smem:$0x7ED] =	sst s22  }
0x35: {  	s19 =	sshll.u32 s17, $0x7;
	s25 =	sshll.u32 s23, $0x7;
	[smem:$0x7EE] =	sst s24  }
0x36: {  	s30 =	sshll.u32 s17, $0x8;
	s10 =	sshll.u32 s8, $0x7;
	[smem:$0x7F3] =	sst s14  }
0x37: {  	s15 =	sadd.s32 s13, s7;
	s14 =	simm.s32 $0x4800;
	[smem:$0x7EA] =	sst s16  }
0x38: {  	s23 =	simm.s32 $0x100;
	s24 =	simm.s32 $0x180;
	[smem:$0x7EB] =	sst s18  }
0x39: {  	s13 =	simm.s32 $0x300;
	s22 =	simm.s32 $0x680;
	[smem:$0x7F4] =	sst s15  }
0x3a: {  	s20 =	sadd.s32 s4, s19;
	s26 =	sadd.s32 s4, s25;
	[smem:$0x7F7] =	sst s23  }
0x3b: {  	s31 =	sadd.s32 s6, s30;
	s9 =	sadd.s32 s30, s7;
	[smem:$0x7F8] =	sst s24  }
0x3c: {  	s12 =	sadd.s32 s4, s10;
	s16 =	sshll.u32 s8, $0x8;
	[smem:$0x7FB] =	sst s13  }
0x3d: {  	s18 =	sshrl.u32 s5, $0x1;
	s10 =	simm.s32 $0x80;
	[smem:$0x7EC] =	sst s20  }
0x3e: {  	s4 =	simm.s32 $0xC800;
	s15 =	simm.s32 $0x10800;
	[smem:$0x7EF] =	sst s26  }
0x3f: {  	s8 =	simm.s32 $0x4;
	s25 =	simm.s32 $0x200;
	[smem:$0x7F0] =	sst s31  }
0x40: {  	s30 =	simm.s32 $0x280;
	s13 =	simm.s32 $0x9;
	[smem:$0x7F1] =	sst s9  }
0x41: {  	s24 =	simm.s32 $0x580;
	s23 =	simm.s32 $0x600;
	[smem:$0x7F2] =	sst s12  }
0x42: {  	s17 =	sadd.s32 s6, s16;
	s19 =	sadd.s32 s16, s7;
	s20 =	ssub.s32 s5, s18  }
0x43: {  	s26 =	simm.s32 $0xA;
	s21 =	smax.u32 s20, $0x1;
	s20 =	simm.s32 $0x380  }
0x44: {  	s9 =	simm.s32 $0x1;
	[smem:$0x7FC] =	sst s20;
	s20 =	sadd.s32 $0xFFFFFFFF, s21  }
0x45: {  	s7 =	simm.s32 $0x400;
	s12 =	simm.s32 $0x14800;
	p2 =	sne.s32 s20, $0x0  }
.Ltmp0:
0x46: {  	s18 =	simm.s32 $0x5;
	[smem:$0x7F9] =	sst s25;
	(pc) =	sbr.rel @!p2 .LBB2_1-.Ltmp0, $4  }
0x47: {  	s5 =	simm.s32 $0x7;
	s16 =	simm.s32 $0x6;
	[smem:$0x7FA] =	sst s30  }
0x48: {  	s6 =	simm.s32 $0x8;
	s31 =	simm.s32 $0x480;
	[smem:$0x7F5] =	sst s17  }
0x49: {  	s25 =	simm.s32 $0x500;
	[smem:$0x7F6] =	sst s19;
	s19 =	simm.s32 $0x2  }
0x4a: {  	s17 =	simm.s32 $0x3;
	[smem:$0x7FD] =	sst s31;
	s21 =	simm.s32 $0x700  }
0x4b: {  	s29 =	simm.s32 @!p0 $0x1C0A;
	s30 =	simm.s32 @!p0 $0xA  }
0x4c: {  	[spmem:s28], [sflag:s29] =	dma.local @!p0 [hbm:s0], $0x100  }
0x4d: {  	_ =	swait.ge @!p0 [sflag:s30], $0x100  }
0x4e: {  	[sflag:s30] =	ssyncset.done @!p0 $0x0  }
0x4f: {  	[sflag:s30] =	ssyncadd.s32 @!p0 $0xFFFFFF00  }
0x50: {  	[bflag:$0x0] =	sbarrier.arrive $0xFFFF  }
0x51: {  	s0 =	rddreg [dreg:$0x7]  }
0x52: {  	[tilespmem:s2], [sflag:$0xA] =	stream.linear.gather [hbm4b:s0+s2], $0x800, $0x38;
	[tilespmem:$0x18880] =	vst v63  }
0x53: {  	_ =	swait.ge [sflag:s26], $0x800  }
0x54: {  	[sflag:s26] =	ssyncset.done $0x0  }
0x55: {  	[sflag:s26] =	ssyncadd.s32 $0xFFFFF800  }
0x56: {  	[tilespmem:s3], [sflag:$0x1] =	stream.indirect.gather [spmem:s1], $0x80, s2, s10, $0xb8;
	[tilespmem:$0x18880] =	vst v63  }
0x57: {  	s0 =	rddreg [dreg:$0x8]  }
0x58: {  	[tilespmem:s4], [sflag:$0x4] =	stream.linear.gather [hbm4b:s0+s2], $0x4000, $0x38;
	[tilespmem:$0x18880] =	vst v63  }
0x59: {  	_ = 	snop  }
0x5a: {  	[tilespmem:s14], [sflag:$0x2] =	stream.indirect.gather [spmem:s1], $0x80, s10, s10, $0xb8;
	[tilespmem:$0x18880] =	vst v63  }
0x5b: {  	s0 =	rddreg [dreg:$0x9]  }
0x5c: {  	[tilespmem:s15], [sflag:$0x5] =	stream.linear.gather [hbm4b:s0+s2], $0x4000, $0x38;
	[tilespmem:$0x18880] =	vst v63  }
0x5d: {  	_ =	swait.ge [sflag:s9], $0x4000  }
0x5e: {  	[sflag:s9] =	ssyncset.done $0x0  }
0x5f: {  	[sflag:s9] =	ssyncadd.s32 $0xFFFFC000  }
0x60: {  	_ =	swait.ge [sflag:s8], $0x4000  }
0x61: {  	s0 =	rddreg [dreg:$0xa];
	[sflag:s8] =	ssyncset.done $0x0  }
0x62: {  	s31 =	rddreg [dreg:$0xb];
	[sflag:s8] =	ssyncadd.s32 $0xFFFFC000  }
0x63: {  	[hbm4b:s0+s7] =	stream.strided.scatter [tilespmem:s3], [sflag:$0x7], $0x4000, s3, s7, $0x38;
	[tilespmem:$0x18880] =	vst v63  }
0x64: {  	s0 =	sld [smem:$0x7F7]  }
0x65: {  	[hbm4b:s31+s7] =	stream.strided.scatter [tilespmem:s4], [sflag:$0x7], $0x4000, s3, s7, $0x38;
	[tilespmem:$0x18880] =	vst v63  }
0x66: {  	_ = 	snop  }
0x67: {  	[tilespmem:s11], [sflag:$0x3] =	stream.indirect.gather [spmem:s1], $0x80, s0, s10, $0xb8;
	[tilespmem:$0x18880] =	vst v63  }
0x68: {  	s31 =	rddreg [dreg:$0xc]  }
0x69: {  	[tilespmem:s12], [sflag:$0x6] =	stream.linear.gather [hbm4b:s31+s2], $0x4000, $0x38;
	[tilespmem:$0x18880] =	vst v63  }
0x6a: {  	_ =	swait.ge [sflag:s19], $0x4000  }
0x6b: {  	[sflag:s19] =	ssyncset.done $0x0  }
0x6c: {  	[sflag:s19] =	ssyncadd.s32 $0xFFFFC000  }
0x6d: {  	_ =	swait.ge [sflag:s18], $0x4000  }
0x6e: {  	[sflag:s18] =	ssyncset.done $0x0  }
0x6f: {  	s0 =	rddreg [dreg:$0xd];
	[sflag:s18] =	ssyncadd.s32 $0xFFFFC000  }
0x70: {  	[hbm4b:s0+s7] =	stream.strided.scatter [tilespmem:s14], [sflag:$0x8], $0x4000, s3, s7, $0x38;
	[tilespmem:$0x18880] =	vst v63  }
0x71: {  	s31 =	rddreg [dreg:$0xe]  }
0x72: {  	[hbm4b:s31+s7] =	stream.strided.scatter [tilespmem:s15], [sflag:$0x8], $0x4000, s3, s7, $0x38;
	[tilespmem:$0x18880] =	vst v63  }
0x73: {  	_ =	swait.ge [sflag:s5], $0x4000  }
0x74: {  	[sflag:s5] =	ssyncset.done $0x0  }
0x75: {  	[sflag:s5] =	ssyncadd.s32 $0xFFFFC000  }
0x76: {  	_ =	swait.ge [sflag:s5], $0x4000  }
0x77: {  	s0 =	sld [smem:$0x7F8]  }
0x78: {  	[sflag:s5] =	ssyncset.done $0x0  }
0x79: {  	[sflag:s5] =	ssyncadd.s32 $0xFFFFC000  }
0x7a: {  	[tilespmem:s3], [sflag:$0x1] =	stream.indirect.gather [spmem:s1], $0x80, s0, s10, $0xb8;
	[tilespmem:$0x18880] =	vst v63  }
0x7b: {  	s31 =	rddreg [dreg:$0xf]  }
0x7c: {  	[tilespmem:s4], [sflag:$0x4] =	stream.linear.gather [hbm4b:s31+s2], $0x4000, $0x38;
	[tilespmem:$0x18880] =	vst v63  }
0x7d: {  	_ =	swait.ge [sflag:s17], $0x4000  }
0x7e: {  	[sflag:s17] =	ssyncset.done $0x0  }
0x7f: {  	[sflag:s17] =	ssyncadd.s32 $0xFFFFC000  }
0x80: {  	_ =	swait.ge [sflag:s16], $0x4000  }
0x81: {  	[sflag:s16] =	ssyncset.done $0x0  }
0x82: {  	s0 =	rddreg [dreg:$0x10];
	[sflag:s16] =	ssyncadd.s32 $0xFFFFC000  }
0x83: {  	[hbm4b:s0+s7] =	stream.strided.scatter [tilespmem:s11], [sflag:$0x9], $0x4000, s3, s7, $0x38;
	[tilespmem:$0x18880] =	vst v63  }
0x84: {  	s31 =	rddreg [dreg:$0x11]  }
0x85: {  	[hbm4b:s31+s7] =	stream.strided.scatter [tilespmem:s12], [sflag:$0x9], $0x4000, s3, s7, $0x38;
	[tilespmem:$0x18880] =	vst v63  }
0x86: {  	_ =	swait.ge [sflag:s6], $0x4000  }
0x87: {  	[sflag:s6] =	ssyncset.done $0x0  }
0x88: {  	[sflag:s6] =	ssyncadd.s32 $0xFFFFC000  }
0x89: {  	_ =	swait.ge [sflag:s6], $0x4000  }
0x8a: {  	s0 =	sld [smem:$0x7F9]  }
0x8b: {  	[sflag:s6] =	ssyncset.done $0x0  }
0x8c: {  	[sflag:s6] =	ssyncadd.s32 $0xFFFFC000  }
0x8d: {  	[tilespmem:s14], [sflag:$0x2] =	stream.indirect.gather [spmem:s1], $0x80, s0, s10, $0xb8;
	[tilespmem:$0x18880] =	vst v63  }
0x8e: {  	s31 =	rddreg [dreg:$0x12]  }
0x8f: {  	[tilespmem:s15], [sflag:$0x5] =	stream.linear.gather [hbm4b:s31+s2], $0x4000, $0x38;
	[tilespmem:$0x18880] =	vst v63  }
0x90: {  	_ =	swait.ge [sflag:s9], $0x4000  }
0x91: {  	[sflag:s9] =	ssyncset.done $0x0  }
0x92: {  	[sflag:s9] =	ssyncadd.s32 $0xFFFFC000  }
0x93: {  	_ =	swait.ge [sflag:s8], $0x4000  }
0x94: {  	[sflag:s8] =	ssyncset.done $0x0  }
0x95: {  	s0 =	rddreg [dreg:$0x13];
	[sflag:s8] =	ssyncadd.s32 $0xFFFFC000  }
0x96: {  	[hbm4b:s0+s7] =	stream.strided.scatter [tilespmem:s3], [sflag:$0x7], $0x4000, s3, s7, $0x38;
	[tilespmem:$0x18880] =	vst v63  }
0x97: {  	s31 =	rddreg [dreg:$0x14]  }
0x98: {  	[hbm4b:s31+s7] =	stream.strided.scatter [tilespmem:s4], [sflag:$0x7], $0x4000, s3, s7, $0x38;
	[tilespmem:$0x18880] =	vst v63  }
0x99: {  	_ =	swait.ge [sflag:s13], $0x4000  }
0x9a: {  	[sflag:s13] =	ssyncset.done $0x0  }
0x9b: {  	[sflag:s13] =	ssyncadd.s32 $0xFFFFC000  }
0x9c: {  	_ =	swait.ge [sflag:s13], $0x4000  }
0x9d: {  	s0 =	sld [smem:$0x7FA]  }
0x9e: {  	[sflag:s13] =	ssyncset.done $0x0  }
0x9f: {  	[sflag:s13] =	ssyncadd.s32 $0xFFFFC000  }
0xa0: {  	[tilespmem:s11], [sflag:$0x3] =	stream.indirect.gather [spmem:s1], $0x80, s0, s10, $0xb8;
	[tilespmem:$0x18880] =	vst v63  }
0xa1: {  	s31 =	rddreg [dreg:$0x15]  }
0xa2: {  	[tilespmem:s12], [sflag:$0x6] =	stream.linear.gather [hbm4b:s31+s2], $0x4000, $0x38;
	[tilespmem:$0x18880] =	vst v63  }
0xa3: {  	_ =	swait.ge [sflag:s19], $0x4000  }
0xa4: {  	[sflag:s19] =	ssyncset.done $0x0  }
0xa5: {  	[sflag:s19] =	ssyncadd.s32 $0xFFFFC000  }
0xa6: {  	_ =	swait.ge [sflag:s18], $0x4000  }
0xa7: {  	[sflag:s18] =	ssyncset.done $0x0  }
0xa8: {  	s0 =	rddreg [dreg:$0x16];
	[sflag:s18] =	ssyncadd.s32 $0xFFFFC000  }
0xa9: {  	[hbm4b:s0+s7] =	stream.strided.scatter [tilespmem:s14], [sflag:$0x8], $0x4000, s3, s7, $0x38;
	[tilespmem:$0x18880] =	vst v63  }
0xaa: {  	s31 =	rddreg [dreg:$0x17]  }
0xab: {  	[hbm4b:s31+s7] =	stream.strided.scatter [tilespmem:s15], [sflag:$0x8], $0x4000, s3, s7, $0x38;
	[tilespmem:$0x18880] =	vst v63  }
0xac: {  	_ =	swait.ge [sflag:s5], $0x4000  }
0xad: {  	[sflag:s5] =	ssyncset.done $0x0  }
0xae: {  	[sflag:s5] =	ssyncadd.s32 $0xFFFFC000  }
0xaf: {  	_ =	swait.ge [sflag:s5], $0x4000  }
0xb0: {  	s0 =	sld [smem:$0x7FB]  }
0xb1: {  	[sflag:s5] =	ssyncset.done $0x0  }
0xb2: {  	[sflag:s5] =	ssyncadd.s32 $0xFFFFC000  }
0xb3: {  	[tilespmem:s3], [sflag:$0x1] =	stream.indirect.gather [spmem:s1], $0x80, s0, s10, $0xb8;
	[tilespmem:$0x18880] =	vst v63  }
0xb4: {  	s31 =	rddreg [dreg:$0x18]  }
0xb5: {  	[tilespmem:s4], [sflag:$0x4] =	stream.linear.gather [hbm4b:s31+s2], $0x4000, $0x38;
	[tilespmem:$0x18880] =	vst v63  }
0xb6: {  	_ =	swait.ge [sflag:s17], $0x4000  }
0xb7: {  	[sflag:s17] =	ssyncset.done $0x0  }
0xb8: {  	[sflag:s17] =	ssyncadd.s32 $0xFFFFC000  }
0xb9: {  	_ =	swait.ge [sflag:s16], $0x4000  }
0xba: {  	[sflag:s16] =	ssyncset.done $0x0  }
0xbb: {  	s0 =	rddreg [dreg:$0x19];
	[sflag:s16] =	ssyncadd.s32 $0xFFFFC000  }
0xbc: {  	[hbm4b:s0+s7] =	stream.strided.scatter [tilespmem:s11], [sflag:$0x9], $0x4000, s3, s7, $0x38;
	[tilespmem:$0x18880] =	vst v63  }
0xbd: {  	s31 =	rddreg [dreg:$0x1a]  }
0xbe: {  	[hbm4b:s31+s7] =	stream.strided.scatter [tilespmem:s12], [sflag:$0x9], $0x4000, s3, s7, $0x38;
	[tilespmem:$0x18880] =	vst v63  }
0xbf: {  	_ =	swait.ge [sflag:s6], $0x4000  }
0xc0: {  	[sflag:s6] =	ssyncset.done $0x0  }
0xc1: {  	[sflag:s6] =	ssyncadd.s32 $0xFFFFC000  }
0xc2: {  	_ =	swait.ge [sflag:s6], $0x4000  }
0xc3: {  	s0 =	sld [smem:$0x7FC]  }
0xc4: {  	[sflag:s6] =	ssyncset.done $0x0  }
0xc5: {  	[sflag:s6] =	ssyncadd.s32 $0xFFFFC000  }
0xc6: {  	[tilespmem:s14], [sflag:$0x2] =	stream.indirect.gather [spmem:s1], $0x80, s0, s10, $0xb8;
	[tilespmem:$0x18880] =	vst v63  }
0xc7: {  	s31 =	rddreg [dreg:$0x1b]  }
0xc8: {  	[tilespmem:s15], [sflag:$0x5] =	stream.linear.gather [hbm4b:s31+s2], $0x4000, $0x38;
	[tilespmem:$0x18880] =	vst v63  }
0xc9: {  	_ =	swait.ge [sflag:s9], $0x4000  }
0xca: {  	[sflag:s9] =	ssyncset.done $0x0  }
0xcb: {  	[sflag:s9] =	ssyncadd.s32 $0xFFFFC000  }
0xcc: {  	_ =	swait.ge [sflag:s8], $0x4000  }
0xcd: {  	[sflag:s8] =	ssyncset.done $0x0  }
0xce: {  	s0 =	rddreg [dreg:$0x1c];
	[sflag:s8] =	ssyncadd.s32 $0xFFFFC000  }
0xcf: {  	[hbm4b:s0+s7] =	stream.strided.scatter [tilespmem:s3], [sflag:$0x7], $0x4000, s3, s7, $0x38;
	[tilespmem:$0x18880] =	vst v63  }
0xd0: {  	s31 =	rddreg [dreg:$0x1d]  }
0xd1: {  	[hbm4b:s31+s7] =	stream.strided.scatter [tilespmem:s4], [sflag:$0x7], $0x4000, s3, s7, $0x38;
	[tilespmem:$0x18880] =	vst v63  }
0xd2: {  	_ =	swait.ge [sflag:s13], $0x4000  }
0xd3: {  	[sflag:s13] =	ssyncset.done $0x0  }
0xd4: {  	[sflag:s13] =	ssyncadd.s32 $0xFFFFC000  }
0xd5: {  	_ =	swait.ge [sflag:s13], $0x4000  }
0xd6: {  	[sflag:s13] =	ssyncset.done $0x0  }
0xd7: {  	[sflag:s13] =	ssyncadd.s32 $0xFFFFC000  }
0xd8: {  	[tilespmem:s11], [sflag:$0x3] =	stream.indirect.gather [spmem:s1], $0x80, s7, s10, $0xb8;
	[tilespmem:$0x18880] =	vst v63  }
0xd9: {  	s0 =	rddreg [dreg:$0x1e]  }
0xda: {  	[tilespmem:s12], [sflag:$0x6] =	stream.linear.gather [hbm4b:s0+s2], $0x4000, $0x38;
	[tilespmem:$0x18880] =	vst v63  }
0xdb: {  	_ =	swait.ge [sflag:s19], $0x4000  }
0xdc: {  	[sflag:s19] =	ssyncset.done $0x0  }
0xdd: {  	[sflag:s19] =	ssyncadd.s32 $0xFFFFC000  }
0xde: {  	_ =	swait.ge [sflag:s18], $0x4000  }
0xdf: {  	s0 =	rddreg [dreg:$0x1f];
	[sflag:s18] =	ssyncset.done $0x0  }
0xe0: {  	s31 =	sld [smem:$0x7DF];
	[sflag:s18] =	ssyncadd.s32 $0xFFFFC000  }
0xe1: {  	[hbm4b:s0+s7] =	stream.strided.scatter [tilespmem:s14], [sflag:$0x8], $0x4000, s3, s7, $0x38;
	[tilespmem:$0x18880] =	vst v63  }
0xe2: {  	_ = 	snop  }
0xe3: {  	[hbm4b:s31+s7] =	stream.strided.scatter [tilespmem:s15], [sflag:$0x8], $0x4000, s3, s7, $0x38;
	[tilespmem:$0x18880] =	vst v63  }
0xe4: {  	_ =	swait.ge [sflag:s5], $0x4000  }
0xe5: {  	[sflag:s5] =	ssyncset.done $0x0  }
0xe6: {  	[sflag:s5] =	ssyncadd.s32 $0xFFFFC000  }
0xe7: {  	_ =	swait.ge [sflag:s5], $0x4000  }
0xe8: {  	s0 =	sld [smem:$0x7FD]  }
0xe9: {  	[sflag:s5] =	ssyncset.done $0x0  }
0xea: {  	s31 =	sld [smem:$0x7E0];
	[sflag:s5] =	ssyncadd.s32 $0xFFFFC000  }
0xeb: {  	[tilespmem:s3], [sflag:$0x1] =	stream.indirect.gather [spmem:s1], $0x80, s0, s10, $0xb8;
	[tilespmem:$0x18880] =	vst v63  }
0xec: {  	_ = 	snop  }
0xed: {  	[tilespmem:s4], [sflag:$0x4] =	stream.linear.gather [hbm4b:s31+s2], $0x4000, $0x38;
	[tilespmem:$0x18880] =	vst v63  }
0xee: {  	_ =	swait.ge [sflag:s17], $0x4000  }
0xef: {  	[sflag:s17] =	ssyncset.done $0x0  }
0xf0: {  	[sflag:s17] =	ssyncadd.s32 $0xFFFFC000  }
0xf1: {  	_ =	swait.ge [sflag:s16], $0x4000  }
0xf2: {  	s0 =	sld [smem:$0x7E1]  }
0xf3: {  	[sflag:s16] =	ssyncset.done $0x0  }
0xf4: {  	s31 =	sld [smem:$0x7E2];
	[sflag:s16] =	ssyncadd.s32 $0xFFFFC000  }
0xf5: {  	[hbm4b:s0+s7] =	stream.strided.scatter [tilespmem:s11], [sflag:$0x9], $0x4000, s3, s7, $0x38;
	[tilespmem:$0x18880] =	vst v63  }
0xf6: {  	_ = 	snop  }
0xf7: {  	[hbm4b:s31+s7] =	stream.strided.scatter [tilespmem:s12], [sflag:$0x9], $0x4000, s3, s7, $0x38;
	[tilespmem:$0x18880] =	vst v63  }
0xf8: {  	_ =	swait.ge [sflag:s6], $0x4000  }
0xf9: {  	[sflag:s6] =	ssyncset.done $0x0  }
0xfa: {  	[sflag:s6] =	ssyncadd.s32 $0xFFFFC000  }
0xfb: {  	_ =	swait.ge [sflag:s6], $0x4000  }
0xfc: {  	[sflag:s6] =	ssyncset.done $0x0  }
0xfd: {  	s0 =	sld [smem:$0x7E3];
	[sflag:s6] =	ssyncadd.s32 $0xFFFFC000  }
0xfe: {  	[tilespmem:s14], [sflag:$0x2] =	stream.indirect.gather [spmem:s1], $0x80, s25, s10, $0xb8;
	[tilespmem:$0x18880] =	vst v63  }
0xff: {  	_ = 	snop  }
0x100: {  	[tilespmem:s15], [sflag:$0x5] =	stream.linear.gather [hbm4b:s0+s2], $0x4000, $0x38;
	[tilespmem:$0x18880] =	vst v63  }
0x101: {  	_ =	swait.ge [sflag:s9], $0x4000  }
0x102: {  	[sflag:s9] =	ssyncset.done $0x0  }
0x103: {  	[sflag:s9] =	ssyncadd.s32 $0xFFFFC000  }
0x104: {  	_ =	swait.ge [sflag:s8], $0x4000  }
0x105: {  	s25 =	sld [smem:$0x7E4]  }
0x106: {  	[sflag:s8] =	ssyncset.done $0x0  }
0x107: {  	s31 =	sld [smem:$0x7E5];
	[sflag:s8] =	ssyncadd.s32 $0xFFFFC000  }
0x108: {  	[hbm4b:s25+s7] =	stream.strided.scatter [tilespmem:s3], [sflag:$0x7], $0x4000, s3, s7, $0x38;
	[tilespmem:$0x18880] =	vst v63  }
0x109: {  	_ = 	snop  }
0x10a: {  	[hbm4b:s31+s7] =	stream.strided.scatter [tilespmem:s4], [sflag:$0x7], $0x4000, s3, s7, $0x38;
	[tilespmem:$0x18880] =	vst v63  }
0x10b: {  	_ =	swait.ge [sflag:s13], $0x4000  }
0x10c: {  	[sflag:s13] =	ssyncset.done $0x0  }
0x10d: {  	[sflag:s13] =	ssyncadd.s32 $0xFFFFC000  }
0x10e: {  	_ =	swait.ge [sflag:s13], $0x4000  }
0x10f: {  	[sflag:s13] =	ssyncset.done $0x0  }
0x110: {  	s25 =	sld [smem:$0x7E6];
	[sflag:s13] =	ssyncadd.s32 $0xFFFFC000  }
0x111: {  	[tilespmem:s11], [sflag:$0x3] =	stream.indirect.gather [spmem:s1], $0x80, s24, s10, $0xb8;
	[tilespmem:$0x18880] =	vst v63  }
0x112: {  	_ = 	snop  }
0x113: {  	[tilespmem:s12], [sflag:$0x6] =	stream.linear.gather [hbm4b:s25+s2], $0x4000, $0x38;
	[tilespmem:$0x18880] =	vst v63  }
0x114: {  	_ =	swait.ge [sflag:s19], $0x4000  }
0x115: {  	[sflag:s19] =	ssyncset.done $0x0  }
0x116: {  	[sflag:s19] =	ssyncadd.s32 $0xFFFFC000  }
0x117: {  	_ =	swait.ge [sflag:s18], $0x4000  }
0x118: {  	s25 =	sld [smem:$0x7E7]  }
0x119: {  	[sflag:s18] =	ssyncset.done $0x0  }
0x11a: {  	s31 =	sld [smem:$0x7E8];
	[sflag:s18] =	ssyncadd.s32 $0xFFFFC000  }
0x11b: {  	[hbm4b:s25+s7] =	stream.strided.scatter [tilespmem:s14], [sflag:$0x8], $0x4000, s3, s7, $0x38;
	[tilespmem:$0x18880] =	vst v63  }
0x11c: {  	_ = 	snop  }
0x11d: {  	[hbm4b:s31+s7] =	stream.strided.scatter [tilespmem:s15], [sflag:$0x8], $0x4000, s3, s7, $0x38;
	[tilespmem:$0x18880] =	vst v63  }
0x11e: {  	_ =	swait.ge [sflag:s5], $0x4000  }
0x11f: {  	[sflag:s5] =	ssyncset.done $0x0  }
0x120: {  	[sflag:s5] =	ssyncadd.s32 $0xFFFFC000  }
0x121: {  	_ =	swait.ge [sflag:s5], $0x4000  }
0x122: {  	[sflag:s5] =	ssyncset.done $0x0  }
0x123: {  	s24 =	sld [smem:$0x7E9];
	[sflag:s5] =	ssyncadd.s32 $0xFFFFC000  }
0x124: {  	[tilespmem:s3], [sflag:$0x1] =	stream.indirect.gather [spmem:s1], $0x80, s23, s10, $0xb8;
	[tilespmem:$0x18880] =	vst v63  }
0x125: {  	_ = 	snop  }
0x126: {  	[tilespmem:s4], [sflag:$0x4] =	stream.linear.gather [hbm4b:s24+s2], $0x4000, $0x38;
	[tilespmem:$0x18880] =	vst v63  }
0x127: {  	_ =	swait.ge [sflag:s17], $0x4000  }
0x128: {  	[sflag:s17] =	ssyncset.done $0x0  }
0x129: {  	[sflag:s17] =	ssyncadd.s32 $0xFFFFC000  }
0x12a: {  	_ =	swait.ge [sflag:s16], $0x4000  }
0x12b: {  	s25 =	sld [smem:$0x7EA]  }
0x12c: {  	[sflag:s16] =	ssyncset.done $0x0  }
0x12d: {  	s31 =	sld [smem:$0x7EB];
	[sflag:s16] =	ssyncadd.s32 $0xFFFFC000  }
0x12e: {  	[hbm4b:s25+s7] =	stream.strided.scatter [tilespmem:s11], [sflag:$0x9], $0x4000, s3, s7, $0x38;
	[tilespmem:$0x18880] =	vst v63  }
0x12f: {  	_ = 	snop  }
0x130: {  	[hbm4b:s31+s7] =	stream.strided.scatter [tilespmem:s12], [sflag:$0x9], $0x4000, s3, s7, $0x38;
	[tilespmem:$0x18880] =	vst v63  }
0x131: {  	_ =	swait.ge [sflag:s6], $0x4000  }
0x132: {  	[sflag:s6] =	ssyncset.done $0x0  }
0x133: {  	[sflag:s6] =	ssyncadd.s32 $0xFFFFC000  }
0x134: {  	_ =	swait.ge [sflag:s6], $0x4000  }
0x135: {  	[sflag:s6] =	ssyncset.done $0x0  }
0x136: {  	s23 =	sld [smem:$0x7EC];
	[sflag:s6] =	ssyncadd.s32 $0xFFFFC000  }
0x137: {  	[tilespmem:s14], [sflag:$0x2] =	stream.indirect.gather [spmem:s1], $0x80, s22, s10, $0xb8;
	[tilespmem:$0x18880] =	vst v63  }
0x138: {  	_ = 	snop  }
0x139: {  	[tilespmem:s15], [sflag:$0x5] =	stream.linear.gather [hbm4b:s23+s2], $0x4000, $0x38;
	[tilespmem:$0x18880] =	vst v63  }
0x13a: {  	_ =	swait.ge [sflag:s9], $0x4000  }
0x13b: {  	[sflag:s9] =	ssyncset.done $0x0  }
0x13c: {  	[sflag:s9] =	ssyncadd.s32 $0xFFFFC000  }
0x13d: {  	_ =	swait.ge [sflag:s8], $0x4000  }
0x13e: {  	s24 =	sld [smem:$0x7ED]  }
0x13f: {  	[sflag:s8] =	ssyncset.done $0x0  }
0x140: {  	s31 =	sld [smem:$0x7EE];
	[sflag:s8] =	ssyncadd.s32 $0xFFFFC000  }
0x141: {  	[hbm4b:s24+s7] =	stream.strided.scatter [tilespmem:s3], [sflag:$0x7], $0x4000, s3, s7, $0x38;
	[tilespmem:$0x18880] =	vst v63  }
0x142: {  	_ = 	snop  }
0x143: {  	[hbm4b:s31+s7] =	stream.strided.scatter [tilespmem:s4], [sflag:$0x7], $0x4000, s3, s7, $0x38;
	[tilespmem:$0x18880] =	vst v63  }
0x144: {  	_ =	swait.ge [sflag:s13], $0x4000  }
0x145: {  	[sflag:s13] =	ssyncset.done $0x0  }
0x146: {  	[sflag:s13] =	ssyncadd.s32 $0xFFFFC000  }
0x147: {  	_ =	swait.ge [sflag:s13], $0x4000  }
0x148: {  	[sflag:s13] =	ssyncset.done $0x0  }
0x149: {  	s25 =	sld [smem:$0x7EF];
	[sflag:s13] =	ssyncadd.s32 $0xFFFFC000  }
0x14a: {  	[tilespmem:s11], [sflag:$0x3] =	stream.indirect.gather [spmem:s1], $0x80, s21, s10, $0xb8;
	[tilespmem:$0x18880] =	vst v63  }
0x14b: {  	_ = 	snop  }
0x14c: {  	[tilespmem:s12], [sflag:$0x6] =	stream.linear.gather [hbm4b:s25+s2], $0x4000, $0x38;
	[tilespmem:$0x18880] =	vst v63  }
0x14d: {  	_ =	swait.ge [sflag:s19], $0x4000  }
0x14e: {  	[sflag:s19] =	ssyncset.done $0x0  }
0x14f: {  	[sflag:s19] =	ssyncadd.s32 $0xFFFFC000  }
0x150: {  	_ =	swait.ge [sflag:s18], $0x4000  }
0x151: {  	s21 =	sld [smem:$0x7F0]  }
0x152: {  	[sflag:s18] =	ssyncset.done $0x0  }
0x153: {  	s31 =	sld [smem:$0x7F1];
	[sflag:s18] =	ssyncadd.s32 $0xFFFFC000  }
0x154: {  	[hbm4b:s21+s7] =	stream.strided.scatter [tilespmem:s14], [sflag:$0x8], $0x4000, s3, s7, $0x38;
	[tilespmem:$0x18880] =	vst v63  }
0x155: {  	_ = 	snop  }
0x156: {  	[hbm4b:s31+s7] =	stream.strided.scatter [tilespmem:s15], [sflag:$0x8], $0x4000, s3, s7, $0x38;
	[tilespmem:$0x18880] =	vst v63  }
0x157: {  	_ =	swait.ge [sflag:s5], $0x4000  }
0x158: {  	[sflag:s5] =	ssyncset.done $0x0  }
0x159: {  	[sflag:s5] =	ssyncadd.s32 $0xFFFFC000  }
0x15a: {  	_ =	swait.ge [sflag:s5], $0x4000  }
0x15b: {  	[sflag:s5] =	ssyncset.done $0x0  }
0x15c: {  	s23 =	simm.s32 $0x780;
	s22 =	sld [smem:$0x7F2];
	[sflag:s5] =	ssyncadd.s32 $0xFFFFC000  }
0x15d: {  	[tilespmem:s3], [sflag:$0x1] =	stream.indirect.gather [spmem:s1], $0x80, s23, s10, $0xb8;
	[tilespmem:$0x18880] =	vst v63  }
0x15e: {  	_ = 	snop  }
0x15f: {  	[tilespmem:s4], [sflag:$0x4] =	stream.linear.gather [hbm4b:s22+s2], $0x4000, $0x38;
	[tilespmem:$0x18880] =	vst v63  }
0x160: {  	_ =	swait.ge [sflag:s17], $0x4000  }
0x161: {  	[sflag:s17] =	ssyncset.done $0x0  }
0x162: {  	[sflag:s17] =	ssyncadd.s32 $0xFFFFC000  }
0x163: {  	_ =	swait.ge [sflag:s16], $0x4000  }
0x164: {  	s24 =	sld [smem:$0x7F3]  }
0x165: {  	[sflag:s16] =	ssyncset.done $0x0  }
0x166: {  	s31 =	sld [smem:$0x7F4];
	[sflag:s16] =	ssyncadd.s32 $0xFFFFC000  }
0x167: {  	[hbm4b:s24+s7] =	stream.strided.scatter [tilespmem:s11], [sflag:$0x9], $0x4000, s3, s7, $0x38;
	[tilespmem:$0x18880] =	vst v63  }
0x168: {  	_ = 	snop  }
0x169: {  	[hbm4b:s31+s7] =	stream.strided.scatter [tilespmem:s12], [sflag:$0x9], $0x4000, s3, s7, $0x38;
	[tilespmem:$0x18880] =	vst v63  }
0x16a: {  	_ =	swait.ge [sflag:s9], $0x4000  }
0x16b: {  	[sflag:s9] =	ssyncset.done $0x0  }
0x16c: {  	[sflag:s9] =	ssyncadd.s32 $0xFFFFC000  }
0x16d: {  	_ =	swait.ge [sflag:s8], $0x4000  }
0x16e: {  	s25 =	sld [smem:$0x7F5]  }
0x16f: {  	[sflag:s8] =	ssyncset.done $0x0  }
0x170: {  	s31 =	sld [smem:$0x7F6];
	[sflag:s8] =	ssyncadd.s32 $0xFFFFC000  }
0x171: {  	[hbm4b:s25+s7] =	stream.strided.scatter [tilespmem:s3], [sflag:$0x7], $0x4000, s3, s7, $0x38;
	[tilespmem:$0x18880] =	vst v63  }
0x172: {  	_ = 	snop  }
0x173: {  	[hbm4b:s31+s7] =	stream.strided.scatter [tilespmem:s4], [sflag:$0x7], $0x4000, s3, s7, $0x38;
	[tilespmem:$0x18880] =	vst v63  }
0x174: {  	_ =	swait.ge [sflag:s13], $0x4000  }
0x175: {  	[sflag:s13] =	ssyncset.done $0x0  }
0x176: {  	[sflag:s13] =	ssyncadd.s32 $0xFFFFC000  }
0x177: {  	_ =	swait.ge [sflag:s13], $0x4000  }
0x178: {  	[sflag:s13] =	ssyncset.done $0x0  }
0x179: {  	[sflag:s13] =	ssyncadd.s32 $0xFFFFC000  }
0x17a: {  	_ =	swait.ge [sflag:s5], $0x4000  }
0x17b: {  	[sflag:s5] =	ssyncset.done $0x0  }
0x17c: {  	[sflag:s5] =	ssyncadd.s32 $0xFFFFC000  }
0x17d: {  	_ =	swait.ge [sflag:s5], $0x4000  }
0x17e: {  	s31 =	sadd.s32 $0xFFFFFFFF, s20;
	[sflag:s5] =	ssyncset.done $0x0  }
0x17f: {  	p2 =	sne.s32 s31, $0x0;
	[sflag:s5] =	ssyncadd.s32 $0xFFFFC000  }
.Ltmp1:
0x180: {  	_ =	swait.ge [sflag:s6], $0x4000;
	(pc) =	sbr.rel @!p2 .LBB2_3-.Ltmp1, $4  }
0x181: {  	p1 =	por $0x1, $0x1;
	s29 =	simm.s32 $0x500;
	[sflag:s6] =	ssyncset.done $0x0  }
0x182: {  	s21 =	simm.s32 $0x780;
	s23 =	simm.s32 $0x680;
	[sflag:s6] =	ssyncadd.s32 $0xFFFFC000  }
0x183: {  	s22 =	simm.s32 $0x700;
	s24 =	simm.s32 $0x600;
	_ =	swait.ge [sflag:s6], $0x4000  }
0x184: {  	s25 =	simm.s32 $0x580;
	s0 =	rddreg [dreg:$0x6];
	[sflag:s6] =	ssyncset.done $0x0  }
.LBB2_4:
0x185: {  	[sflag:s6] =	ssyncadd.s32 $0xFFFFC000;
	s20 =	simm.s32 @!p0 $0x1C0A  }
0x186: {  	[spmem:s28], [sflag:s20] =	dma.local @!p0 [hbm:s0], $0x100  }
0x187: {  	_ =	swait.ge @!p0 [sflag:s30], $0x100  }
0x188: {  	[sflag:s30] =	ssyncset.done @!p0 $0x0  }
0x189: {  	[sflag:s30] =	ssyncadd.s32 @!p0 $0xFFFFFF00  }
0x18a: {  	[bflag:$0x0] =	sbarrier.arrive $0xFFFF  }
0x18b: {  	s20 =	rddreg [dreg:$0x7]  }
0x18c: {  	[tilespmem:s2], [sflag:$0xA] =	stream.linear.gather [hbm4b:s20+s2], $0x800, $0x38;
	[tilespmem:$0x18880] =	vst v63  }
0x18d: {  	_ =	swait.ge [sflag:s26], $0x800  }
0x18e: {  	[sflag:s26] =	ssyncset.done $0x0  }
0x18f: {  	[sflag:s26] =	ssyncadd.s32 $0xFFFFF800  }
0x190: {  	[tilespmem:s3], [sflag:$0x1] =	stream.indirect.gather [spmem:s1], $0x80, s2, s10, $0xb8;
	[tilespmem:$0x18880] =	vst v63  }
0x191: {  	s20 =	rddreg [dreg:$0x8]  }
0x192: {  	[tilespmem:s4], [sflag:$0x4] =	stream.linear.gather [hbm4b:s20+s2], $0x4000, $0x38;
	[tilespmem:$0x18880] =	vst v63  }
0x193: {  	_ = 	snop  }
0x194: {  	[tilespmem:s14], [sflag:$0x2] =	stream.indirect.gather [spmem:s1], $0x80, s10, s10, $0xb8;
	[tilespmem:$0x18880] =	vst v63  }
0x195: {  	s20 =	rddreg [dreg:$0x9]  }
0x196: {  	[tilespmem:s15], [sflag:$0x5] =	stream.linear.gather [hbm4b:s20+s2], $0x4000, $0x38;
	[tilespmem:$0x18880] =	vst v63  }
0x197: {  	_ =	swait.ge [sflag:s9], $0x4000  }
0x198: {  	[sflag:s9] =	ssyncset.done $0x0  }
0x199: {  	[sflag:s9] =	ssyncadd.s32 $0xFFFFC000  }
0x19a: {  	_ =	swait.ge [sflag:s8], $0x4000  }
0x19b: {  	s0 =	rddreg [dreg:$0xa];
	[sflag:s8] =	ssyncset.done $0x0  }
0x19c: {  	s20 =	rddreg [dreg:$0xb];
	[sflag:s8] =	ssyncadd.s32 $0xFFFFC000  }
0x19d: {  	[hbm4b:s0+s7] =	stream.strided.scatter [tilespmem:s3], [sflag:$0x7], $0x4000, s3, s7, $0x38;
	[tilespmem:$0x18880] =	vst v63  }
0x19e: {  	s0 =	sld [smem:$0x7F7]  }
0x19f: {  	[hbm4b:s20+s7] =	stream.strided.scatter [tilespmem:s4], [sflag:$0x7], $0x4000, s3, s7, $0x38;
	[tilespmem:$0x18880] =	vst v63  }
0x1a0: {  	_ = 	snop  }
0x1a1: {  	[tilespmem:s11], [sflag:$0x3] =	stream.indirect.gather [spmem:s1], $0x80, s0, s10, $0xb8;
	[tilespmem:$0x18880] =	vst v63  }
0x1a2: {  	s20 =	rddreg [dreg:$0xc]  }
0x1a3: {  	[tilespmem:s12], [sflag:$0x6] =	stream.linear.gather [hbm4b:s20+s2], $0x4000, $0x38;
	[tilespmem:$0x18880] =	vst v63  }
0x1a4: {  	_ =	swait.ge [sflag:s19], $0x4000  }
0x1a5: {  	[sflag:s19] =	ssyncset.done $0x0  }
0x1a6: {  	[sflag:s19] =	ssyncadd.s32 $0xFFFFC000  }
0x1a7: {  	_ =	swait.ge [sflag:s18], $0x4000  }
0x1a8: {  	[sflag:s18] =	ssyncset.done $0x0  }
0x1a9: {  	s0 =	rddreg [dreg:$0xd];
	[sflag:s18] =	ssyncadd.s32 $0xFFFFC000  }
0x1aa: {  	[hbm4b:s0+s7] =	stream.strided.scatter [tilespmem:s14], [sflag:$0x8], $0x4000, s3, s7, $0x38;
	[tilespmem:$0x18880] =	vst v63  }
0x1ab: {  	s20 =	rddreg [dreg:$0xe]  }
0x1ac: {  	[hbm4b:s20+s7] =	stream.strided.scatter [tilespmem:s15], [sflag:$0x8], $0x4000, s3, s7, $0x38;
	[tilespmem:$0x18880] =	vst v63  }
0x1ad: {  	_ =	swait.ge [sflag:s5], $0x4000  }
0x1ae: {  	[sflag:s5] =	ssyncset.done $0x0  }
0x1af: {  	[sflag:s5] =	ssyncadd.s32 $0xFFFFC000  }
0x1b0: {  	_ =	swait.ge [sflag:s5], $0x4000  }
0x1b1: {  	s0 =	sld [smem:$0x7F8]  }
0x1b2: {  	[sflag:s5] =	ssyncset.done $0x0  }
0x1b3: {  	[sflag:s5] =	ssyncadd.s32 $0xFFFFC000  }
0x1b4: {  	[tilespmem:s3], [sflag:$0x1] =	stream.indirect.gather [spmem:s1], $0x80, s0, s10, $0xb8;
	[tilespmem:$0x18880] =	vst v63  }
0x1b5: {  	s20 =	rddreg [dreg:$0xf]  }
0x1b6: {  	[tilespmem:s4], [sflag:$0x4] =	stream.linear.gather [hbm4b:s20+s2], $0x4000, $0x38;
	[tilespmem:$0x18880] =	vst v63  }
0x1b7: {  	_ =	swait.ge [sflag:s17], $0x4000  }
0x1b8: {  	[sflag:s17] =	ssyncset.done $0x0  }
0x1b9: {  	[sflag:s17] =	ssyncadd.s32 $0xFFFFC000  }
0x1ba: {  	_ =	swait.ge [sflag:s16], $0x4000  }
0x1bb: {  	[sflag:s16] =	ssyncset.done $0x0  }
0x1bc: {  	s0 =	rddreg [dreg:$0x10];
	[sflag:s16] =	ssyncadd.s32 $0xFFFFC000  }
0x1bd: {  	[hbm4b:s0+s7] =	stream.strided.scatter [tilespmem:s11], [sflag:$0x9], $0x4000, s3, s7, $0x38;
	[tilespmem:$0x18880] =	vst v63  }
0x1be: {  	s20 =	rddreg [dreg:$0x11]  }
0x1bf: {  	[hbm4b:s20+s7] =	stream.strided.scatter [tilespmem:s12], [sflag:$0x9], $0x4000, s3, s7, $0x38;
	[tilespmem:$0x18880] =	vst v63  }
0x1c0: {  	_ =	swait.ge [sflag:s6], $0x4000  }
0x1c1: {  	[sflag:s6] =	ssyncset.done $0x0  }
0x1c2: {  	[sflag:s6] =	ssyncadd.s32 $0xFFFFC000  }
0x1c3: {  	_ =	swait.ge [sflag:s6], $0x4000  }
0x1c4: {  	s0 =	sld [smem:$0x7F9]  }
0x1c5: {  	[sflag:s6] =	ssyncset.done $0x0  }
0x1c6: {  	[sflag:s6] =	ssyncadd.s32 $0xFFFFC000  }
0x1c7: {  	[tilespmem:s14], [sflag:$0x2] =	stream.indirect.gather [spmem:s1], $0x80, s0, s10, $0xb8;
	[tilespmem:$0x18880] =	vst v63  }
0x1c8: {  	s20 =	rddreg [dreg:$0x12]  }
0x1c9: {  	[tilespmem:s15], [sflag:$0x5] =	stream.linear.gather [hbm4b:s20+s2], $0x4000, $0x38;
	[tilespmem:$0x18880] =	vst v63  }
0x1ca: {  	_ =	swait.ge [sflag:s9], $0x4000  }
0x1cb: {  	[sflag:s9] =	ssyncset.done $0x0  }
0x1cc: {  	[sflag:s9] =	ssyncadd.s32 $0xFFFFC000  }
0x1cd: {  	_ =	swait.ge [sflag:s8], $0x4000  }
0x1ce: {  	[sflag:s8] =	ssyncset.done $0x0  }
0x1cf: {  	s0 =	rddreg [dreg:$0x13];
	[sflag:s8] =	ssyncadd.s32 $0xFFFFC000  }
0x1d0: {  	[hbm4b:s0+s7] =	stream.strided.scatter [tilespmem:s3], [sflag:$0x7], $0x4000, s3, s7, $0x38;
	[tilespmem:$0x18880] =	vst v63  }
0x1d1: {  	s20 =	rddreg [dreg:$0x14]  }
0x1d2: {  	[hbm4b:s20+s7] =	stream.strided.scatter [tilespmem:s4], [sflag:$0x7], $0x4000, s3, s7, $0x38;
	[tilespmem:$0x18880] =	vst v63  }
0x1d3: {  	_ =	swait.ge [sflag:s13], $0x4000  }
0x1d4: {  	[sflag:s13] =	ssyncset.done $0x0  }
0x1d5: {  	[sflag:s13] =	ssyncadd.s32 $0xFFFFC000  }
0x1d6: {  	_ =	swait.ge [sflag:s13], $0x4000  }
0x1d7: {  	s0 =	sld [smem:$0x7FA]  }
0x1d8: {  	[sflag:s13] =	ssyncset.done $0x0  }
0x1d9: {  	[sflag:s13] =	ssyncadd.s32 $0xFFFFC000  }
0x1da: {  	[tilespmem:s11], [sflag:$0x3] =	stream.indirect.gather [spmem:s1], $0x80, s0, s10, $0xb8;
	[tilespmem:$0x18880] =	vst v63  }
0x1db: {  	s20 =	rddreg [dreg:$0x15]  }
0x1dc: {  	[tilespmem:s12], [sflag:$0x6] =	stream.linear.gather [hbm4b:s20+s2], $0x4000, $0x38;
	[tilespmem:$0x18880] =	vst v63  }
0x1dd: {  	_ =	swait.ge [sflag:s19], $0x4000  }
0x1de: {  	[sflag:s19] =	ssyncset.done $0x0  }
0x1df: {  	[sflag:s19] =	ssyncadd.s32 $0xFFFFC000  }
0x1e0: {  	_ =	swait.ge [sflag:s18], $0x4000  }
0x1e1: {  	[sflag:s18] =	ssyncset.done $0x0  }
0x1e2: {  	s0 =	rddreg [dreg:$0x16];
	[sflag:s18] =	ssyncadd.s32 $0xFFFFC000  }
0x1e3: {  	[hbm4b:s0+s7] =	stream.strided.scatter [tilespmem:s14], [sflag:$0x8], $0x4000, s3, s7, $0x38;
	[tilespmem:$0x18880] =	vst v63  }
0x1e4: {  	s20 =	rddreg [dreg:$0x17]  }
0x1e5: {  	[hbm4b:s20+s7] =	stream.strided.scatter [tilespmem:s15], [sflag:$0x8], $0x4000, s3, s7, $0x38;
	[tilespmem:$0x18880] =	vst v63  }
0x1e6: {  	_ =	swait.ge [sflag:s5], $0x4000  }
0x1e7: {  	[sflag:s5] =	ssyncset.done $0x0  }
0x1e8: {  	[sflag:s5] =	ssyncadd.s32 $0xFFFFC000  }
0x1e9: {  	_ =	swait.ge [sflag:s5], $0x4000  }
0x1ea: {  	s0 =	sld [smem:$0x7FB]  }
0x1eb: {  	[sflag:s5] =	ssyncset.done $0x0  }
0x1ec: {  	[sflag:s5] =	ssyncadd.s32 $0xFFFFC000  }
0x1ed: {  	[tilespmem:s3], [sflag:$0x1] =	stream.indirect.gather [spmem:s1], $0x80, s0, s10, $0xb8;
	[tilespmem:$0x18880] =	vst v63  }
0x1ee: {  	s20 =	rddreg [dreg:$0x18]  }
0x1ef: {  	[tilespmem:s4], [sflag:$0x4] =	stream.linear.gather [hbm4b:s20+s2], $0x4000, $0x38;
	[tilespmem:$0x18880] =	vst v63  }
0x1f0: {  	_ =	swait.ge [sflag:s17], $0x4000  }
0x1f1: {  	[sflag:s17] =	ssyncset.done $0x0  }
0x1f2: {  	[sflag:s17] =	ssyncadd.s32 $0xFFFFC000  }
0x1f3: {  	_ =	swait.ge [sflag:s16], $0x4000  }
0x1f4: {  	[sflag:s16] =	ssyncset.done $0x0  }
0x1f5: {  	s0 =	rddreg [dreg:$0x19];
	[sflag:s16] =	ssyncadd.s32 $0xFFFFC000  }
0x1f6: {  	[hbm4b:s0+s7] =	stream.strided.scatter [tilespmem:s11], [sflag:$0x9], $0x4000, s3, s7, $0x38;
	[tilespmem:$0x18880] =	vst v63  }
0x1f7: {  	s20 =	rddreg [dreg:$0x1a]  }
0x1f8: {  	[hbm4b:s20+s7] =	stream.strided.scatter [tilespmem:s12], [sflag:$0x9], $0x4000, s3, s7, $0x38;
	[tilespmem:$0x18880] =	vst v63  }
0x1f9: {  	_ =	swait.ge [sflag:s6], $0x4000  }
0x1fa: {  	[sflag:s6] =	ssyncset.done $0x0  }
0x1fb: {  	[sflag:s6] =	ssyncadd.s32 $0xFFFFC000  }
0x1fc: {  	_ =	swait.ge [sflag:s6], $0x4000  }
0x1fd: {  	s0 =	sld [smem:$0x7FC]  }
0x1fe: {  	[sflag:s6] =	ssyncset.done $0x0  }
0x1ff: {  	[sflag:s6] =	ssyncadd.s32 $0xFFFFC000  }
0x200: {  	[tilespmem:s14], [sflag:$0x2] =	stream.indirect.gather [spmem:s1], $0x80, s0, s10, $0xb8;
	[tilespmem:$0x18880] =	vst v63  }
0x201: {  	s20 =	rddreg [dreg:$0x1b]  }
0x202: {  	[tilespmem:s15], [sflag:$0x5] =	stream.linear.gather [hbm4b:s20+s2], $0x4000, $0x38;
	[tilespmem:$0x18880] =	vst v63  }
0x203: {  	_ =	swait.ge [sflag:s9], $0x4000  }
0x204: {  	[sflag:s9] =	ssyncset.done $0x0  }
0x205: {  	[sflag:s9] =	ssyncadd.s32 $0xFFFFC000  }
0x206: {  	_ =	swait.ge [sflag:s8], $0x4000  }
0x207: {  	[sflag:s8] =	ssyncset.done $0x0  }
0x208: {  	s0 =	rddreg [dreg:$0x1c];
	[sflag:s8] =	ssyncadd.s32 $0xFFFFC000  }
0x209: {  	[hbm4b:s0+s7] =	stream.strided.scatter [tilespmem:s3], [sflag:$0x7], $0x4000, s3, s7, $0x38;
	[tilespmem:$0x18880] =	vst v63  }
0x20a: {  	s20 =	rddreg [dreg:$0x1d]  }
0x20b: {  	[hbm4b:s20+s7] =	stream.strided.scatter [tilespmem:s4], [sflag:$0x7], $0x4000, s3, s7, $0x38;
	[tilespmem:$0x18880] =	vst v63  }
0x20c: {  	_ =	swait.ge [sflag:s13], $0x4000  }
0x20d: {  	[sflag:s13] =	ssyncset.done $0x0  }
0x20e: {  	[sflag:s13] =	ssyncadd.s32 $0xFFFFC000  }
0x20f: {  	_ =	swait.ge [sflag:s13], $0x4000  }
0x210: {  	[sflag:s13] =	ssyncset.done $0x0  }
0x211: {  	[sflag:s13] =	ssyncadd.s32 $0xFFFFC000  }
0x212: {  	[tilespmem:s11], [sflag:$0x3] =	stream.indirect.gather [spmem:s1], $0x80, s7, s10, $0xb8;
	[tilespmem:$0x18880] =	vst v63  }
0x213: {  	s20 =	rddreg [dreg:$0x1e]  }
0x214: {  	[tilespmem:s12], [sflag:$0x6] =	stream.linear.gather [hbm4b:s20+s2], $0x4000, $0x38;
	[tilespmem:$0x18880] =	vst v63  }
0x215: {  	_ =	swait.ge [sflag:s19], $0x4000  }
0x216: {  	[sflag:s19] =	ssyncset.done $0x0  }
0x217: {  	[sflag:s19] =	ssyncadd.s32 $0xFFFFC000  }
0x218: {  	_ =	swait.ge [sflag:s18], $0x4000  }
0x219: {  	s0 =	rddreg [dreg:$0x1f];
	[sflag:s18] =	ssyncset.done $0x0  }
0x21a: {  	s20 =	sld [smem:$0x7DF];
	[sflag:s18] =	ssyncadd.s32 $0xFFFFC000  }
0x21b: {  	[hbm4b:s0+s7] =	stream.strided.scatter [tilespmem:s14], [sflag:$0x8], $0x4000, s3, s7, $0x38;
	[tilespmem:$0x18880] =	vst v63  }
0x21c: {  	_ = 	snop  }
0x21d: {  	[hbm4b:s20+s7] =	stream.strided.scatter [tilespmem:s15], [sflag:$0x8], $0x4000, s3, s7, $0x38;
	[tilespmem:$0x18880] =	vst v63  }
0x21e: {  	_ =	swait.ge [sflag:s5], $0x4000  }
0x21f: {  	[sflag:s5] =	ssyncset.done $0x0  }
0x220: {  	[sflag:s5] =	ssyncadd.s32 $0xFFFFC000  }
0x221: {  	_ =	swait.ge [sflag:s5], $0x4000  }
0x222: {  	s0 =	sld [smem:$0x7FD]  }
0x223: {  	[sflag:s5] =	ssyncset.done $0x0  }
0x224: {  	s20 =	sld [smem:$0x7E0];
	[sflag:s5] =	ssyncadd.s32 $0xFFFFC000  }
0x225: {  	[tilespmem:s3], [sflag:$0x1] =	stream.indirect.gather [spmem:s1], $0x80, s0, s10, $0xb8;
	[tilespmem:$0x18880] =	vst v63  }
0x226: {  	_ = 	snop  }
0x227: {  	[tilespmem:s4], [sflag:$0x4] =	stream.linear.gather [hbm4b:s20+s2], $0x4000, $0x38;
	[tilespmem:$0x18880] =	vst v63  }
0x228: {  	_ =	swait.ge [sflag:s17], $0x4000  }
0x229: {  	[sflag:s17] =	ssyncset.done $0x0  }
0x22a: {  	[sflag:s17] =	ssyncadd.s32 $0xFFFFC000  }
0x22b: {  	_ =	swait.ge [sflag:s16], $0x4000  }
0x22c: {  	s0 =	sld [smem:$0x7E1]  }
0x22d: {  	[sflag:s16] =	ssyncset.done $0x0  }
0x22e: {  	s20 =	sld [smem:$0x7E2];
	[sflag:s16] =	ssyncadd.s32 $0xFFFFC000  }
0x22f: {  	[hbm4b:s0+s7] =	stream.strided.scatter [tilespmem:s11], [sflag:$0x9], $0x4000, s3, s7, $0x38;
	[tilespmem:$0x18880] =	vst v63  }
0x230: {  	_ = 	snop  }
0x231: {  	[hbm4b:s20+s7] =	stream.strided.scatter [tilespmem:s12], [sflag:$0x9], $0x4000, s3, s7, $0x38;
	[tilespmem:$0x18880] =	vst v63  }
0x232: {  	_ =	swait.ge [sflag:s6], $0x4000  }
0x233: {  	[sflag:s6] =	ssyncset.done $0x0  }
0x234: {  	[sflag:s6] =	ssyncadd.s32 $0xFFFFC000  }
0x235: {  	_ =	swait.ge [sflag:s6], $0x4000  }
0x236: {  	[sflag:s6] =	ssyncset.done $0x0  }
0x237: {  	s20 =	sld [smem:$0x7E3];
	[sflag:s6] =	ssyncadd.s32 $0xFFFFC000  }
0x238: {  	[tilespmem:s14], [sflag:$0x2] =	stream.indirect.gather [spmem:s1], $0x80, s29, s10, $0xb8;
	[tilespmem:$0x18880] =	vst v63  }
0x239: {  	_ = 	snop  }
0x23a: {  	[tilespmem:s15], [sflag:$0x5] =	stream.linear.gather [hbm4b:s20+s2], $0x4000, $0x38;
	[tilespmem:$0x18880] =	vst v63  }
0x23b: {  	_ =	swait.ge [sflag:s9], $0x4000  }
0x23c: {  	[sflag:s9] =	ssyncset.done $0x0  }
0x23d: {  	[sflag:s9] =	ssyncadd.s32 $0xFFFFC000  }
0x23e: {  	_ =	swait.ge [sflag:s8], $0x4000  }
0x23f: {  	s0 =	sld [smem:$0x7E4]  }
0x240: {  	[sflag:s8] =	ssyncset.done $0x0  }
0x241: {  	s20 =	sld [smem:$0x7E5];
	[sflag:s8] =	ssyncadd.s32 $0xFFFFC000  }
0x242: {  	[hbm4b:s0+s7] =	stream.strided.scatter [tilespmem:s3], [sflag:$0x7], $0x4000, s3, s7, $0x38;
	[tilespmem:$0x18880] =	vst v63  }
0x243: {  	_ = 	snop  }
0x244: {  	[hbm4b:s20+s7] =	stream.strided.scatter [tilespmem:s4], [sflag:$0x7], $0x4000, s3, s7, $0x38;
	[tilespmem:$0x18880] =	vst v63  }
0x245: {  	_ =	swait.ge [sflag:s13], $0x4000  }
0x246: {  	[sflag:s13] =	ssyncset.done $0x0  }
0x247: {  	[sflag:s13] =	ssyncadd.s32 $0xFFFFC000  }
0x248: {  	_ =	swait.ge [sflag:s13], $0x4000  }
0x249: {  	[sflag:s13] =	ssyncset.done $0x0  }
0x24a: {  	s20 =	sld [smem:$0x7E6];
	[sflag:s13] =	ssyncadd.s32 $0xFFFFC000  }
0x24b: {  	[tilespmem:s11], [sflag:$0x3] =	stream.indirect.gather [spmem:s1], $0x80, s25, s10, $0xb8;
	[tilespmem:$0x18880] =	vst v63  }
0x24c: {  	_ = 	snop  }
0x24d: {  	[tilespmem:s12], [sflag:$0x6] =	stream.linear.gather [hbm4b:s20+s2], $0x4000, $0x38;
	[tilespmem:$0x18880] =	vst v63  }
0x24e: {  	_ =	swait.ge [sflag:s19], $0x4000  }
0x24f: {  	[sflag:s19] =	ssyncset.done $0x0  }
0x250: {  	[sflag:s19] =	ssyncadd.s32 $0xFFFFC000  }
0x251: {  	_ =	swait.ge [sflag:s18], $0x4000  }
0x252: {  	s0 =	sld [smem:$0x7E7]  }
0x253: {  	[sflag:s18] =	ssyncset.done $0x0  }
0x254: {  	s20 =	sld [smem:$0x7E8];
	[sflag:s18] =	ssyncadd.s32 $0xFFFFC000  }
0x255: {  	[hbm4b:s0+s7] =	stream.strided.scatter [tilespmem:s14], [sflag:$0x8], $0x4000, s3, s7, $0x38;
	[tilespmem:$0x18880] =	vst v63  }
0x256: {  	_ = 	snop  }
0x257: {  	[hbm4b:s20+s7] =	stream.strided.scatter [tilespmem:s15], [sflag:$0x8], $0x4000, s3, s7, $0x38;
	[tilespmem:$0x18880] =	vst v63  }
0x258: {  	_ =	swait.ge [sflag:s5], $0x4000  }
0x259: {  	[sflag:s5] =	ssyncset.done $0x0  }
0x25a: {  	[sflag:s5] =	ssyncadd.s32 $0xFFFFC000  }
0x25b: {  	_ =	swait.ge [sflag:s5], $0x4000  }
0x25c: {  	[sflag:s5] =	ssyncset.done $0x0  }
0x25d: {  	s20 =	sld [smem:$0x7E9];
	[sflag:s5] =	ssyncadd.s32 $0xFFFFC000  }
0x25e: {  	[tilespmem:s3], [sflag:$0x1] =	stream.indirect.gather [spmem:s1], $0x80, s24, s10, $0xb8;
	[tilespmem:$0x18880] =	vst v63  }
0x25f: {  	_ = 	snop  }
0x260: {  	[tilespmem:s4], [sflag:$0x4] =	stream.linear.gather [hbm4b:s20+s2], $0x4000, $0x38;
	[tilespmem:$0x18880] =	vst v63  }
0x261: {  	_ =	swait.ge [sflag:s17], $0x4000  }
0x262: {  	[sflag:s17] =	ssyncset.done $0x0  }
0x263: {  	[sflag:s17] =	ssyncadd.s32 $0xFFFFC000  }
0x264: {  	_ =	swait.ge [sflag:s16], $0x4000  }
0x265: {  	s0 =	sld [smem:$0x7EA]  }
0x266: {  	[sflag:s16] =	ssyncset.done $0x0  }
0x267: {  	s20 =	sld [smem:$0x7EB];
	[sflag:s16] =	ssyncadd.s32 $0xFFFFC000  }
0x268: {  	[hbm4b:s0+s7] =	stream.strided.scatter [tilespmem:s11], [sflag:$0x9], $0x4000, s3, s7, $0x38;
	[tilespmem:$0x18880] =	vst v63  }
0x269: {  	_ = 	snop  }
0x26a: {  	[hbm4b:s20+s7] =	stream.strided.scatter [tilespmem:s12], [sflag:$0x9], $0x4000, s3, s7, $0x38;
	[tilespmem:$0x18880] =	vst v63  }
0x26b: {  	_ =	swait.ge [sflag:s6], $0x4000  }
0x26c: {  	[sflag:s6] =	ssyncset.done $0x0  }
0x26d: {  	[sflag:s6] =	ssyncadd.s32 $0xFFFFC000  }
0x26e: {  	_ =	swait.ge [sflag:s6], $0x4000  }
0x26f: {  	[sflag:s6] =	ssyncset.done $0x0  }
0x270: {  	s20 =	sld [smem:$0x7EC];
	[sflag:s6] =	ssyncadd.s32 $0xFFFFC000  }
0x271: {  	[tilespmem:s14], [sflag:$0x2] =	stream.indirect.gather [spmem:s1], $0x80, s23, s10, $0xb8;
	[tilespmem:$0x18880] =	vst v63  }
0x272: {  	_ = 	snop  }
0x273: {  	[tilespmem:s15], [sflag:$0x5] =	stream.linear.gather [hbm4b:s20+s2], $0x4000, $0x38;
	[tilespmem:$0x18880] =	vst v63  }
0x274: {  	_ =	swait.ge [sflag:s9], $0x4000  }
0x275: {  	[sflag:s9] =	ssyncset.done $0x0  }
0x276: {  	[sflag:s9] =	ssyncadd.s32 $0xFFFFC000  }
0x277: {  	_ =	swait.ge [sflag:s8], $0x4000  }
0x278: {  	s0 =	sld [smem:$0x7ED]  }
0x279: {  	[sflag:s8] =	ssyncset.done $0x0  }
0x27a: {  	s20 =	sld [smem:$0x7EE];
	[sflag:s8] =	ssyncadd.s32 $0xFFFFC000  }
0x27b: {  	[hbm4b:s0+s7] =	stream.strided.scatter [tilespmem:s3], [sflag:$0x7], $0x4000, s3, s7, $0x38;
	[tilespmem:$0x18880] =	vst v63  }
0x27c: {  	_ = 	snop  }
0x27d: {  	[hbm4b:s20+s7] =	stream.strided.scatter [tilespmem:s4], [sflag:$0x7], $0x4000, s3, s7, $0x38;
	[tilespmem:$0x18880] =	vst v63  }
0x27e: {  	_ =	swait.ge [sflag:s13], $0x4000  }
0x27f: {  	[sflag:s13] =	ssyncset.done $0x0  }
0x280: {  	[sflag:s13] =	ssyncadd.s32 $0xFFFFC000  }
0x281: {  	_ =	swait.ge [sflag:s13], $0x4000  }
0x282: {  	[sflag:s13] =	ssyncset.done $0x0  }
0x283: {  	s20 =	sld [smem:$0x7EF];
	[sflag:s13] =	ssyncadd.s32 $0xFFFFC000  }
0x284: {  	[tilespmem:s11], [sflag:$0x3] =	stream.indirect.gather [spmem:s1], $0x80, s22, s10, $0xb8;
	[tilespmem:$0x18880] =	vst v63  }
0x285: {  	_ = 	snop  }
0x286: {  	[tilespmem:s12], [sflag:$0x6] =	stream.linear.gather [hbm4b:s20+s2], $0x4000, $0x38;
	[tilespmem:$0x18880] =	vst v63  }
0x287: {  	_ =	swait.ge [sflag:s19], $0x4000  }
0x288: {  	[sflag:s19] =	ssyncset.done $0x0  }
0x289: {  	[sflag:s19] =	ssyncadd.s32 $0xFFFFC000  }
0x28a: {  	_ =	swait.ge [sflag:s18], $0x4000  }
0x28b: {  	s0 =	sld [smem:$0x7F0]  }
0x28c: {  	[sflag:s18] =	ssyncset.done $0x0  }
0x28d: {  	s20 =	sld [smem:$0x7F1];
	[sflag:s18] =	ssyncadd.s32 $0xFFFFC000  }
0x28e: {  	[hbm4b:s0+s7] =	stream.strided.scatter [tilespmem:s14], [sflag:$0x8], $0x4000, s3, s7, $0x38;
	[tilespmem:$0x18880] =	vst v63  }
0x28f: {  	_ = 	snop  }
0x290: {  	[hbm4b:s20+s7] =	stream.strided.scatter [tilespmem:s15], [sflag:$0x8], $0x4000, s3, s7, $0x38;
	[tilespmem:$0x18880] =	vst v63  }
0x291: {  	_ =	swait.ge [sflag:s5], $0x4000  }
0x292: {  	[sflag:s5] =	ssyncset.done $0x0  }
0x293: {  	[sflag:s5] =	ssyncadd.s32 $0xFFFFC000  }
0x294: {  	_ =	swait.ge [sflag:s5], $0x4000  }
0x295: {  	[sflag:s5] =	ssyncset.done $0x0  }
0x296: {  	s20 =	sld [smem:$0x7F2];
	[sflag:s5] =	ssyncadd.s32 $0xFFFFC000  }
0x297: {  	[tilespmem:s3], [sflag:$0x1] =	stream.indirect.gather [spmem:s1], $0x80, s21, s10, $0xb8;
	[tilespmem:$0x18880] =	vst v63  }
0x298: {  	_ = 	snop  }
0x299: {  	[tilespmem:s4], [sflag:$0x4] =	stream.linear.gather [hbm4b:s20+s2], $0x4000, $0x38;
	[tilespmem:$0x18880] =	vst v63  }
0x29a: {  	_ =	swait.ge [sflag:s17], $0x4000  }
0x29b: {  	[sflag:s17] =	ssyncset.done $0x0  }
0x29c: {  	[sflag:s17] =	ssyncadd.s32 $0xFFFFC000  }
0x29d: {  	_ =	swait.ge [sflag:s16], $0x4000  }
0x29e: {  	s0 =	sld [smem:$0x7F3]  }
0x29f: {  	[sflag:s16] =	ssyncset.done $0x0  }
0x2a0: {  	s20 =	sld [smem:$0x7F4];
	[sflag:s16] =	ssyncadd.s32 $0xFFFFC000  }
0x2a1: {  	[hbm4b:s0+s7] =	stream.strided.scatter [tilespmem:s11], [sflag:$0x9], $0x4000, s3, s7, $0x38;
	[tilespmem:$0x18880] =	vst v63  }
0x2a2: {  	_ = 	snop  }
0x2a3: {  	[hbm4b:s20+s7] =	stream.strided.scatter [tilespmem:s12], [sflag:$0x9], $0x4000, s3, s7, $0x38;
	[tilespmem:$0x18880] =	vst v63  }
0x2a4: {  	_ =	swait.ge [sflag:s9], $0x4000  }
0x2a5: {  	[sflag:s9] =	ssyncset.done $0x0  }
0x2a6: {  	[sflag:s9] =	ssyncadd.s32 $0xFFFFC000  }
0x2a7: {  	_ =	swait.ge [sflag:s8], $0x4000  }
0x2a8: {  	s0 =	sld [smem:$0x7F5]  }
0x2a9: {  	[sflag:s8] =	ssyncset.done $0x0  }
0x2aa: {  	s20 =	sld [smem:$0x7F6];
	[sflag:s8] =	ssyncadd.s32 $0xFFFFC000  }
0x2ab: {  	[hbm4b:s0+s7] =	stream.strided.scatter [tilespmem:s3], [sflag:$0x7], $0x4000, s3, s7, $0x38;
	[tilespmem:$0x18880] =	vst v63  }
0x2ac: {  	_ = 	snop  }
0x2ad: {  	[hbm4b:s20+s7] =	stream.strided.scatter [tilespmem:s4], [sflag:$0x7], $0x4000, s3, s7, $0x38;
	[tilespmem:$0x18880] =	vst v63  }
0x2ae: {  	_ =	swait.ge [sflag:s13], $0x4000  }
0x2af: {  	[sflag:s13] =	ssyncset.done $0x0  }
0x2b0: {  	[sflag:s13] =	ssyncadd.s32 $0xFFFFC000  }
0x2b1: {  	_ =	swait.ge [sflag:s13], $0x4000  }
0x2b2: {  	[sflag:s13] =	ssyncset.done $0x0  }
0x2b3: {  	[sflag:s13] =	ssyncadd.s32 $0xFFFFC000  }
0x2b4: {  	_ =	swait.ge [sflag:s5], $0x4000  }
0x2b5: {  	[sflag:s5] =	ssyncset.done $0x0  }
0x2b6: {  	[sflag:s5] =	ssyncadd.s32 $0xFFFFC000  }
0x2b7: {  	_ =	swait.ge [sflag:s5], $0x4000  }
0x2b8: {  	s31 =	sadd.s32 $0xFFFFFFFF, s31;
	[sflag:s5] =	ssyncset.done $0x0  }
0x2b9: {  	p2 =	sne.s32 s31, $0x0;
	[sflag:s5] =	ssyncadd.s32 $0xFFFFC000  }
.Ltmp2:
0x2ba: {  	_ =	swait.ge [sflag:s6], $0x4000;
	(pc) =	sbr.rel @p2 .LBB2_4-.Ltmp2, $4  }
0x2bb: {  	[sflag:s6] =	ssyncset.done $0x0  }
0x2bc: {  	[sflag:s6] =	ssyncadd.s32 $0xFFFFC000  }
0x2bd: {  	_ =	swait.ge [sflag:s6], $0x4000  }
0x2be: {  	s0 =	rddreg [dreg:$0x6];
	[sflag:s6] =	ssyncset.done $0x0  }
0x2bf: {  	s30 =	simm.s32 $0x500  }
0x2c0: {  	s25 =	simm.s32 $0x580;
	s24 =	simm.s32 $0x600;
	s23 =	simm.s32 $0x680  }
0x2c1: {  	s22 =	simm.s32 $0x700;
	s21 =	simm.s32 $0x780;
	s29 =	rddreg [dreg:$0x5]  }
.LBB2_6:
0x2c2: {  	[sflag:s6] =	ssyncadd.s32 @p1 $0xFFFFC000;
	s20 =	simm.s32 @!p0 $0x1C0A  }
0x2c3: {  	[spmem:s28], [sflag:s20] =	dma.local @!p0 [hbm:s0], $0x100  }
0x2c4: {  	s0 =	simm.s32 @!p0 $0xA  }
0x2c5: {  	_ =	swait.ge @!p0 [sflag:s0], $0x100  }
0x2c6: {  	[sflag:s0] =	ssyncset.done @!p0 $0x0  }
0x2c7: {  	[sflag:s0] =	ssyncadd.s32 @!p0 $0xFFFFFF00  }
0x2c8: {  	[bflag:$0x0] =	sbarrier.arrive $0xFFFF  }
0x2c9: {  	s20 =	rddreg [dreg:$0x7]  }
0x2ca: {  	[tilespmem:s2], [sflag:$0xA] =	stream.linear.gather [hbm4b:s20+s2], $0x800, $0x38;
	[tilespmem:$0x18880] =	vst v63  }
0x2cb: {  	_ =	swait.ge [sflag:s26], $0x800  }
0x2cc: {  	[sflag:s26] =	ssyncset.done $0x0  }
0x2cd: {  	[sflag:s26] =	ssyncadd.s32 $0xFFFFF800  }
0x2ce: {  	[tilespmem:s3], [sflag:$0x1] =	stream.indirect.gather [spmem:s1], $0x80, s2, s10, $0xb8;
	[tilespmem:$0x18880] =	vst v63  }
0x2cf: {  	s28 =	rddreg [dreg:$0x8]  }
0x2d0: {  	[tilespmem:s4], [sflag:$0x4] =	stream.linear.gather [hbm4b:s28+s2], $0x4000, $0x38;
	[tilespmem:$0x18880] =	vst v63  }
0x2d1: {  	_ = 	snop  }
0x2d2: {  	[tilespmem:s14], [sflag:$0x2] =	stream.indirect.gather [spmem:s1], $0x80, s10, s10, $0xb8;
	[tilespmem:$0x18880] =	vst v63  }
0x2d3: {  	s31 =	rddreg [dreg:$0x9]  }
0x2d4: {  	[tilespmem:s15], [sflag:$0x5] =	stream.linear.gather [hbm4b:s31+s2], $0x4000, $0x38;
	[tilespmem:$0x18880] =	vst v63  }
0x2d5: {  	_ =	swait.ge [sflag:s9], $0x4000  }
0x2d6: {  	[sflag:s9] =	ssyncset.done $0x0  }
0x2d7: {  	[sflag:s9] =	ssyncadd.s32 $0xFFFFC000  }
0x2d8: {  	_ =	swait.ge [sflag:s8], $0x4000  }
0x2d9: {  	s20 =	rddreg [dreg:$0xa];
	[sflag:s8] =	ssyncset.done $0x0  }
0x2da: {  	s26 =	rddreg [dreg:$0xb];
	[sflag:s8] =	ssyncadd.s32 $0xFFFFC000  }
0x2db: {  	[hbm4b:s20+s7] =	stream.strided.scatter [tilespmem:s3], [sflag:$0x7], $0x4000, s3, s7, $0x38;
	[tilespmem:$0x18880] =	vst v63  }
0x2dc: {  	s28 =	sld [smem:$0x7F7]  }
0x2dd: {  	[hbm4b:s26+s7] =	stream.strided.scatter [tilespmem:s4], [sflag:$0x7], $0x4000, s3, s7, $0x38;
	[tilespmem:$0x18880] =	vst v63  }
0x2de: {  	_ = 	snop  }
0x2df: {  	[tilespmem:s11], [sflag:$0x3] =	stream.indirect.gather [spmem:s1], $0x80, s28, s10, $0xb8;
	[tilespmem:$0x18880] =	vst v63  }
0x2e0: {  	s31 =	rddreg [dreg:$0xc]  }
0x2e1: {  	[tilespmem:s12], [sflag:$0x6] =	stream.linear.gather [hbm4b:s31+s2], $0x4000, $0x38;
	[tilespmem:$0x18880] =	vst v63  }
0x2e2: {  	_ =	swait.ge [sflag:s19], $0x4000  }
0x2e3: {  	[sflag:s19] =	ssyncset.done $0x0  }
0x2e4: {  	[sflag:s19] =	ssyncadd.s32 $0xFFFFC000  }
0x2e5: {  	_ =	swait.ge [sflag:s18], $0x4000  }
0x2e6: {  	[sflag:s18] =	ssyncset.done $0x0  }
0x2e7: {  	s20 =	rddreg [dreg:$0xd];
	[sflag:s18] =	ssyncadd.s32 $0xFFFFC000  }
0x2e8: {  	[hbm4b:s20+s7] =	stream.strided.scatter [tilespmem:s14], [sflag:$0x8], $0x4000, s3, s7, $0x38;
	[tilespmem:$0x18880] =	vst v63  }
0x2e9: {  	s26 =	rddreg [dreg:$0xe]  }
0x2ea: {  	[hbm4b:s26+s7] =	stream.strided.scatter [tilespmem:s15], [sflag:$0x8], $0x4000, s3, s7, $0x38;
	[tilespmem:$0x18880] =	vst v63  }
0x2eb: {  	_ =	swait.ge [sflag:s5], $0x4000  }
0x2ec: {  	[sflag:s5] =	ssyncset.done $0x0  }
0x2ed: {  	[sflag:s5] =	ssyncadd.s32 $0xFFFFC000  }
0x2ee: {  	_ =	swait.ge [sflag:s5], $0x4000  }
0x2ef: {  	s28 =	sld [smem:$0x7F8]  }
0x2f0: {  	[sflag:s5] =	ssyncset.done $0x0  }
0x2f1: {  	[sflag:s5] =	ssyncadd.s32 $0xFFFFC000  }
0x2f2: {  	[tilespmem:s3], [sflag:$0x1] =	stream.indirect.gather [spmem:s1], $0x80, s28, s10, $0xb8;
	[tilespmem:$0x18880] =	vst v63  }
0x2f3: {  	s31 =	rddreg [dreg:$0xf]  }
0x2f4: {  	[tilespmem:s4], [sflag:$0x4] =	stream.linear.gather [hbm4b:s31+s2], $0x4000, $0x38;
	[tilespmem:$0x18880] =	vst v63  }
0x2f5: {  	_ =	swait.ge [sflag:s17], $0x4000  }
0x2f6: {  	[sflag:s17] =	ssyncset.done $0x0  }
0x2f7: {  	[sflag:s17] =	ssyncadd.s32 $0xFFFFC000  }
0x2f8: {  	_ =	swait.ge [sflag:s16], $0x4000  }
0x2f9: {  	[sflag:s16] =	ssyncset.done $0x0  }
0x2fa: {  	s20 =	rddreg [dreg:$0x10];
	[sflag:s16] =	ssyncadd.s32 $0xFFFFC000  }
0x2fb: {  	[hbm4b:s20+s7] =	stream.strided.scatter [tilespmem:s11], [sflag:$0x9], $0x4000, s3, s7, $0x38;
	[tilespmem:$0x18880] =	vst v63  }
0x2fc: {  	s26 =	rddreg [dreg:$0x11]  }
0x2fd: {  	[hbm4b:s26+s7] =	stream.strided.scatter [tilespmem:s12], [sflag:$0x9], $0x4000, s3, s7, $0x38;
	[tilespmem:$0x18880] =	vst v63  }
0x2fe: {  	_ =	swait.ge [sflag:s6], $0x4000  }
0x2ff: {  	[sflag:s6] =	ssyncset.done $0x0  }
0x300: {  	[sflag:s6] =	ssyncadd.s32 $0xFFFFC000  }
0x301: {  	_ =	swait.ge [sflag:s6], $0x4000  }
0x302: {  	s28 =	sld [smem:$0x7F9]  }
0x303: {  	[sflag:s6] =	ssyncset.done $0x0  }
0x304: {  	[sflag:s6] =	ssyncadd.s32 $0xFFFFC000  }
0x305: {  	[tilespmem:s14], [sflag:$0x2] =	stream.indirect.gather [spmem:s1], $0x80, s28, s10, $0xb8;
	[tilespmem:$0x18880] =	vst v63  }
0x306: {  	s31 =	rddreg [dreg:$0x12]  }
0x307: {  	[tilespmem:s15], [sflag:$0x5] =	stream.linear.gather [hbm4b:s31+s2], $0x4000, $0x38;
	[tilespmem:$0x18880] =	vst v63  }
0x308: {  	_ =	swait.ge [sflag:s9], $0x4000  }
0x309: {  	[sflag:s9] =	ssyncset.done $0x0  }
0x30a: {  	[sflag:s9] =	ssyncadd.s32 $0xFFFFC000  }
0x30b: {  	_ =	swait.ge [sflag:s8], $0x4000  }
0x30c: {  	[sflag:s8] =	ssyncset.done $0x0  }
0x30d: {  	s20 =	rddreg [dreg:$0x13];
	[sflag:s8] =	ssyncadd.s32 $0xFFFFC000  }
0x30e: {  	[hbm4b:s20+s7] =	stream.strided.scatter [tilespmem:s3], [sflag:$0x7], $0x4000, s3, s7, $0x38;
	[tilespmem:$0x18880] =	vst v63  }
0x30f: {  	s26 =	rddreg [dreg:$0x14]  }
0x310: {  	[hbm4b:s26+s7] =	stream.strided.scatter [tilespmem:s4], [sflag:$0x7], $0x4000, s3, s7, $0x38;
	[tilespmem:$0x18880] =	vst v63  }
0x311: {  	_ =	swait.ge [sflag:s13], $0x4000  }
0x312: {  	[sflag:s13] =	ssyncset.done $0x0  }
0x313: {  	[sflag:s13] =	ssyncadd.s32 $0xFFFFC000  }
0x314: {  	_ =	swait.ge [sflag:s13], $0x4000  }
0x315: {  	s28 =	sld [smem:$0x7FA]  }
0x316: {  	[sflag:s13] =	ssyncset.done $0x0  }
0x317: {  	[sflag:s13] =	ssyncadd.s32 $0xFFFFC000  }
0x318: {  	[tilespmem:s11], [sflag:$0x3] =	stream.indirect.gather [spmem:s1], $0x80, s28, s10, $0xb8;
	[tilespmem:$0x18880] =	vst v63  }
0x319: {  	s31 =	rddreg [dreg:$0x15]  }
0x31a: {  	[tilespmem:s12], [sflag:$0x6] =	stream.linear.gather [hbm4b:s31+s2], $0x4000, $0x38;
	[tilespmem:$0x18880] =	vst v63  }
0x31b: {  	_ =	swait.ge [sflag:s19], $0x4000  }
0x31c: {  	[sflag:s19] =	ssyncset.done $0x0  }
0x31d: {  	[sflag:s19] =	ssyncadd.s32 $0xFFFFC000  }
0x31e: {  	_ =	swait.ge [sflag:s18], $0x4000  }
0x31f: {  	[sflag:s18] =	ssyncset.done $0x0  }
0x320: {  	s20 =	rddreg [dreg:$0x16];
	[sflag:s18] =	ssyncadd.s32 $0xFFFFC000  }
0x321: {  	[hbm4b:s20+s7] =	stream.strided.scatter [tilespmem:s14], [sflag:$0x8], $0x4000, s3, s7, $0x38;
	[tilespmem:$0x18880] =	vst v63  }
0x322: {  	s26 =	rddreg [dreg:$0x17]  }
0x323: {  	[hbm4b:s26+s7] =	stream.strided.scatter [tilespmem:s15], [sflag:$0x8], $0x4000, s3, s7, $0x38;
	[tilespmem:$0x18880] =	vst v63  }
0x324: {  	_ =	swait.ge [sflag:s5], $0x4000  }
0x325: {  	[sflag:s5] =	ssyncset.done $0x0  }
0x326: {  	[sflag:s5] =	ssyncadd.s32 $0xFFFFC000  }
0x327: {  	_ =	swait.ge [sflag:s5], $0x4000  }
0x328: {  	s28 =	sld [smem:$0x7FB]  }
0x329: {  	[sflag:s5] =	ssyncset.done $0x0  }
0x32a: {  	[sflag:s5] =	ssyncadd.s32 $0xFFFFC000  }
0x32b: {  	[tilespmem:s3], [sflag:$0x1] =	stream.indirect.gather [spmem:s1], $0x80, s28, s10, $0xb8;
	[tilespmem:$0x18880] =	vst v63  }
0x32c: {  	s31 =	rddreg [dreg:$0x18]  }
0x32d: {  	[tilespmem:s4], [sflag:$0x4] =	stream.linear.gather [hbm4b:s31+s2], $0x4000, $0x38;
	[tilespmem:$0x18880] =	vst v63  }
0x32e: {  	_ =	swait.ge [sflag:s17], $0x4000  }
0x32f: {  	[sflag:s17] =	ssyncset.done $0x0  }
0x330: {  	[sflag:s17] =	ssyncadd.s32 $0xFFFFC000  }
0x331: {  	_ =	swait.ge [sflag:s16], $0x4000  }
0x332: {  	[sflag:s16] =	ssyncset.done $0x0  }
0x333: {  	s20 =	rddreg [dreg:$0x19];
	[sflag:s16] =	ssyncadd.s32 $0xFFFFC000  }
0x334: {  	[hbm4b:s20+s7] =	stream.strided.scatter [tilespmem:s11], [sflag:$0x9], $0x4000, s3, s7, $0x38;
	[tilespmem:$0x18880] =	vst v63  }
0x335: {  	s26 =	rddreg [dreg:$0x1a]  }
0x336: {  	[hbm4b:s26+s7] =	stream.strided.scatter [tilespmem:s12], [sflag:$0x9], $0x4000, s3, s7, $0x38;
	[tilespmem:$0x18880] =	vst v63  }
0x337: {  	_ =	swait.ge [sflag:s6], $0x4000  }
0x338: {  	[sflag:s6] =	ssyncset.done $0x0  }
0x339: {  	[sflag:s6] =	ssyncadd.s32 $0xFFFFC000  }
0x33a: {  	_ =	swait.ge [sflag:s6], $0x4000  }
0x33b: {  	s28 =	sld [smem:$0x7FC]  }
0x33c: {  	[sflag:s6] =	ssyncset.done $0x0  }
0x33d: {  	[sflag:s6] =	ssyncadd.s32 $0xFFFFC000  }
0x33e: {  	[tilespmem:s14], [sflag:$0x2] =	stream.indirect.gather [spmem:s1], $0x80, s28, s10, $0xb8;
	[tilespmem:$0x18880] =	vst v63  }
0x33f: {  	s31 =	rddreg [dreg:$0x1b]  }
0x340: {  	[tilespmem:s15], [sflag:$0x5] =	stream.linear.gather [hbm4b:s31+s2], $0x4000, $0x38;
	[tilespmem:$0x18880] =	vst v63  }
0x341: {  	_ =	swait.ge [sflag:s9], $0x4000  }
0x342: {  	[sflag:s9] =	ssyncset.done $0x0  }
0x343: {  	[sflag:s9] =	ssyncadd.s32 $0xFFFFC000  }
0x344: {  	_ =	swait.ge [sflag:s8], $0x4000  }
0x345: {  	[sflag:s8] =	ssyncset.done $0x0  }
0x346: {  	s26 =	rddreg [dreg:$0x1c];
	[sflag:s8] =	ssyncadd.s32 $0xFFFFC000  }
0x347: {  	[hbm4b:s26+s7] =	stream.strided.scatter [tilespmem:s3], [sflag:$0x7], $0x4000, s3, s7, $0x38;
	[tilespmem:$0x18880] =	vst v63  }
0x348: {  	s28 =	rddreg [dreg:$0x1d]  }
0x349: {  	[hbm4b:s28+s7] =	stream.strided.scatter [tilespmem:s4], [sflag:$0x7], $0x4000, s3, s7, $0x38;
	[tilespmem:$0x18880] =	vst v63  }
0x34a: {  	_ =	swait.ge [sflag:s13], $0x4000  }
0x34b: {  	[sflag:s13] =	ssyncset.done $0x0  }
0x34c: {  	[sflag:s13] =	ssyncadd.s32 $0xFFFFC000  }
0x34d: {  	_ =	swait.ge [sflag:s13], $0x4000  }
0x34e: {  	[sflag:s13] =	ssyncset.done $0x0  }
0x34f: {  	[sflag:s13] =	ssyncadd.s32 $0xFFFFC000  }
0x350: {  	[tilespmem:s11], [sflag:$0x3] =	stream.indirect.gather [spmem:s1], $0x80, s7, s10, $0xb8;
	[tilespmem:$0x18880] =	vst v63  }
0x351: {  	s31 =	rddreg [dreg:$0x1e]  }
0x352: {  	[tilespmem:s12], [sflag:$0x6] =	stream.linear.gather [hbm4b:s31+s2], $0x4000, $0x38;
	[tilespmem:$0x18880] =	vst v63  }
0x353: {  	_ =	swait.ge [sflag:s19], $0x4000  }
0x354: {  	[sflag:s19] =	ssyncset.done $0x0  }
0x355: {  	[sflag:s19] =	ssyncadd.s32 $0xFFFFC000  }
0x356: {  	_ =	swait.ge [sflag:s18], $0x4000  }
0x357: {  	s20 =	rddreg [dreg:$0x1f];
	[sflag:s18] =	ssyncset.done $0x0  }
0x358: {  	s26 =	sld [smem:$0x7DF];
	[sflag:s18] =	ssyncadd.s32 $0xFFFFC000  }
0x359: {  	[hbm4b:s20+s7] =	stream.strided.scatter [tilespmem:s14], [sflag:$0x8], $0x4000, s3, s7, $0x38;
	[tilespmem:$0x18880] =	vst v63  }
0x35a: {  	_ = 	snop  }
0x35b: {  	[hbm4b:s26+s7] =	stream.strided.scatter [tilespmem:s15], [sflag:$0x8], $0x4000, s3, s7, $0x38;
	[tilespmem:$0x18880] =	vst v63  }
0x35c: {  	_ =	swait.ge [sflag:s5], $0x4000  }
0x35d: {  	[sflag:s5] =	ssyncset.done $0x0  }
0x35e: {  	[sflag:s5] =	ssyncadd.s32 $0xFFFFC000  }
0x35f: {  	_ =	swait.ge [sflag:s5], $0x4000  }
0x360: {  	s28 =	sld [smem:$0x7FD]  }
0x361: {  	[sflag:s5] =	ssyncset.done $0x0  }
0x362: {  	s31 =	sld [smem:$0x7E0];
	[sflag:s5] =	ssyncadd.s32 $0xFFFFC000  }
0x363: {  	[tilespmem:s3], [sflag:$0x1] =	stream.indirect.gather [spmem:s1], $0x80, s28, s10, $0xb8;
	[tilespmem:$0x18880] =	vst v63  }
0x364: {  	_ = 	snop  }
0x365: {  	[tilespmem:s4], [sflag:$0x4] =	stream.linear.gather [hbm4b:s31+s2], $0x4000, $0x38;
	[tilespmem:$0x18880] =	vst v63  }
0x366: {  	_ =	swait.ge [sflag:s17], $0x4000  }
0x367: {  	[sflag:s17] =	ssyncset.done $0x0  }
0x368: {  	[sflag:s17] =	ssyncadd.s32 $0xFFFFC000  }
0x369: {  	_ =	swait.ge [sflag:s16], $0x4000  }
0x36a: {  	s26 =	sld [smem:$0x7E1]  }
0x36b: {  	[sflag:s16] =	ssyncset.done $0x0  }
0x36c: {  	s28 =	sld [smem:$0x7E2];
	[sflag:s16] =	ssyncadd.s32 $0xFFFFC000  }
0x36d: {  	[hbm4b:s26+s7] =	stream.strided.scatter [tilespmem:s11], [sflag:$0x9], $0x4000, s3, s7, $0x38;
	[tilespmem:$0x18880] =	vst v63  }
0x36e: {  	_ = 	snop  }
0x36f: {  	[hbm4b:s28+s7] =	stream.strided.scatter [tilespmem:s12], [sflag:$0x9], $0x4000, s3, s7, $0x38;
	[tilespmem:$0x18880] =	vst v63  }
0x370: {  	_ =	swait.ge [sflag:s6], $0x4000  }
0x371: {  	[sflag:s6] =	ssyncset.done $0x0  }
0x372: {  	[sflag:s6] =	ssyncadd.s32 $0xFFFFC000  }
0x373: {  	_ =	swait.ge [sflag:s6], $0x4000  }
0x374: {  	[sflag:s6] =	ssyncset.done $0x0  }
0x375: {  	s31 =	sld [smem:$0x7E3];
	[sflag:s6] =	ssyncadd.s32 $0xFFFFC000  }
0x376: {  	[tilespmem:s14], [sflag:$0x2] =	stream.indirect.gather [spmem:s1], $0x80, s30, s10, $0xb8;
	[tilespmem:$0x18880] =	vst v63  }
0x377: {  	_ = 	snop  }
0x378: {  	[tilespmem:s15], [sflag:$0x5] =	stream.linear.gather [hbm4b:s31+s2], $0x4000, $0x38;
	[tilespmem:$0x18880] =	vst v63  }
0x379: {  	_ =	swait.ge [sflag:s9], $0x4000  }
0x37a: {  	[sflag:s9] =	ssyncset.done $0x0  }
0x37b: {  	[sflag:s9] =	ssyncadd.s32 $0xFFFFC000  }
0x37c: {  	_ =	swait.ge [sflag:s8], $0x4000  }
0x37d: {  	s20 =	sld [smem:$0x7E4]  }
0x37e: {  	[sflag:s8] =	ssyncset.done $0x0  }
0x37f: {  	s26 =	sld [smem:$0x7E5];
	[sflag:s8] =	ssyncadd.s32 $0xFFFFC000  }
0x380: {  	[hbm4b:s20+s7] =	stream.strided.scatter [tilespmem:s3], [sflag:$0x7], $0x4000, s3, s7, $0x38;
	[tilespmem:$0x18880] =	vst v63  }
0x381: {  	_ = 	snop  }
0x382: {  	[hbm4b:s26+s7] =	stream.strided.scatter [tilespmem:s4], [sflag:$0x7], $0x4000, s3, s7, $0x38;
	[tilespmem:$0x18880] =	vst v63  }
0x383: {  	_ =	swait.ge [sflag:s13], $0x4000  }
0x384: {  	[sflag:s13] =	ssyncset.done $0x0  }
0x385: {  	[sflag:s13] =	ssyncadd.s32 $0xFFFFC000  }
0x386: {  	_ =	swait.ge [sflag:s13], $0x4000  }
0x387: {  	[sflag:s13] =	ssyncset.done $0x0  }
0x388: {  	s28 =	sld [smem:$0x7E6];
	[sflag:s13] =	ssyncadd.s32 $0xFFFFC000  }
0x389: {  	[tilespmem:s11], [sflag:$0x3] =	stream.indirect.gather [spmem:s1], $0x80, s25, s10, $0xb8;
	[tilespmem:$0x18880] =	vst v63  }
0x38a: {  	_ = 	snop  }
0x38b: {  	[tilespmem:s12], [sflag:$0x6] =	stream.linear.gather [hbm4b:s28+s2], $0x4000, $0x38;
	[tilespmem:$0x18880] =	vst v63  }
0x38c: {  	_ =	swait.ge [sflag:s19], $0x4000  }
0x38d: {  	[sflag:s19] =	ssyncset.done $0x0  }
0x38e: {  	[sflag:s19] =	ssyncadd.s32 $0xFFFFC000  }
0x38f: {  	_ =	swait.ge [sflag:s18], $0x4000  }
0x390: {  	s30 =	sld [smem:$0x7E7]  }
0x391: {  	[sflag:s18] =	ssyncset.done $0x0  }
0x392: {  	s31 =	sld [smem:$0x7E8];
	[sflag:s18] =	ssyncadd.s32 $0xFFFFC000  }
0x393: {  	[hbm4b:s30+s7] =	stream.strided.scatter [tilespmem:s14], [sflag:$0x8], $0x4000, s3, s7, $0x38;
	[tilespmem:$0x18880] =	vst v63  }
0x394: {  	_ = 	snop  }
0x395: {  	[hbm4b:s31+s7] =	stream.strided.scatter [tilespmem:s15], [sflag:$0x8], $0x4000, s3, s7, $0x38;
	[tilespmem:$0x18880] =	vst v63  }
0x396: {  	_ =	swait.ge [sflag:s5], $0x4000  }
0x397: {  	[sflag:s5] =	ssyncset.done $0x0  }
0x398: {  	[sflag:s5] =	ssyncadd.s32 $0xFFFFC000  }
0x399: {  	_ =	swait.ge [sflag:s5], $0x4000  }
0x39a: {  	[sflag:s5] =	ssyncset.done $0x0  }
0x39b: {  	s20 =	sld [smem:$0x7E9];
	[sflag:s5] =	ssyncadd.s32 $0xFFFFC000  }
0x39c: {  	[tilespmem:s3], [sflag:$0x1] =	stream.indirect.gather [spmem:s1], $0x80, s24, s10, $0xb8;
	[tilespmem:$0x18880] =	vst v63  }
0x39d: {  	_ = 	snop  }
0x39e: {  	[tilespmem:s4], [sflag:$0x4] =	stream.linear.gather [hbm4b:s20+s2], $0x4000, $0x38;
	[tilespmem:$0x18880] =	vst v63  }
0x39f: {  	_ =	swait.ge [sflag:s17], $0x4000  }
0x3a0: {  	[sflag:s17] =	ssyncset.done $0x0  }
0x3a1: {  	[sflag:s17] =	ssyncadd.s32 $0xFFFFC000  }
0x3a2: {  	_ =	swait.ge [sflag:s16], $0x4000  }
0x3a3: {  	s25 =	sld [smem:$0x7EA]  }
0x3a4: {  	[sflag:s16] =	ssyncset.done $0x0  }
0x3a5: {  	s26 =	sld [smem:$0x7EB];
	[sflag:s16] =	ssyncadd.s32 $0xFFFFC000  }
0x3a6: {  	[hbm4b:s25+s7] =	stream.strided.scatter [tilespmem:s11], [sflag:$0x9], $0x4000, s3, s7, $0x38;
	[tilespmem:$0x18880] =	vst v63  }
0x3a7: {  	_ = 	snop  }
0x3a8: {  	[hbm4b:s26+s7] =	stream.strided.scatter [tilespmem:s12], [sflag:$0x9], $0x4000, s3, s7, $0x38;
	[tilespmem:$0x18880] =	vst v63  }
0x3a9: {  	_ =	swait.ge [sflag:s6], $0x4000  }
0x3aa: {  	[sflag:s6] =	ssyncset.done $0x0  }
0x3ab: {  	[sflag:s6] =	ssyncadd.s32 $0xFFFFC000  }
0x3ac: {  	_ =	swait.ge [sflag:s6], $0x4000  }
0x3ad: {  	[sflag:s6] =	ssyncset.done $0x0  }
0x3ae: {  	s28 =	sld [smem:$0x7EC];
	[sflag:s6] =	ssyncadd.s32 $0xFFFFC000  }
0x3af: {  	[tilespmem:s14], [sflag:$0x2] =	stream.indirect.gather [spmem:s1], $0x80, s23, s10, $0xb8;
	[tilespmem:$0x18880] =	vst v63  }
0x3b0: {  	_ = 	snop  }
0x3b1: {  	[tilespmem:s15], [sflag:$0x5] =	stream.linear.gather [hbm4b:s28+s2], $0x4000, $0x38;
	[tilespmem:$0x18880] =	vst v63  }
0x3b2: {  	_ =	swait.ge [sflag:s9], $0x4000  }
0x3b3: {  	[sflag:s9] =	ssyncset.done $0x0  }
0x3b4: {  	[sflag:s9] =	ssyncadd.s32 $0xFFFFC000  }
0x3b5: {  	_ =	swait.ge [sflag:s8], $0x4000  }
0x3b6: {  	s30 =	sld [smem:$0x7ED]  }
0x3b7: {  	[sflag:s8] =	ssyncset.done $0x0  }
0x3b8: {  	s31 =	sld [smem:$0x7EE];
	[sflag:s8] =	ssyncadd.s32 $0xFFFFC000  }
0x3b9: {  	[hbm4b:s30+s7] =	stream.strided.scatter [tilespmem:s3], [sflag:$0x7], $0x4000, s3, s7, $0x38;
	[tilespmem:$0x18880] =	vst v63  }
0x3ba: {  	_ = 	snop  }
0x3bb: {  	[hbm4b:s31+s7] =	stream.strided.scatter [tilespmem:s4], [sflag:$0x7], $0x4000, s3, s7, $0x38;
	[tilespmem:$0x18880] =	vst v63  }
0x3bc: {  	_ =	swait.ge [sflag:s13], $0x4000  }
0x3bd: {  	[sflag:s13] =	ssyncset.done $0x0  }
0x3be: {  	[sflag:s13] =	ssyncadd.s32 $0xFFFFC000  }
0x3bf: {  	_ =	swait.ge [sflag:s13], $0x4000  }
0x3c0: {  	[sflag:s13] =	ssyncset.done $0x0  }
0x3c1: {  	s20 =	sld [smem:$0x7EF];
	[sflag:s13] =	ssyncadd.s32 $0xFFFFC000  }
0x3c2: {  	[tilespmem:s11], [sflag:$0x3] =	stream.indirect.gather [spmem:s1], $0x80, s22, s10, $0xb8;
	[tilespmem:$0x18880] =	vst v63  }
0x3c3: {  	_ = 	snop  }
0x3c4: {  	[tilespmem:s12], [sflag:$0x6] =	stream.linear.gather [hbm4b:s20+s2], $0x4000, $0x38;
	[tilespmem:$0x18880] =	vst v63  }
0x3c5: {  	_ =	swait.ge [sflag:s19], $0x4000  }
0x3c6: {  	[sflag:s19] =	ssyncset.done $0x0  }
0x3c7: {  	[sflag:s19] =	ssyncadd.s32 $0xFFFFC000  }
0x3c8: {  	_ =	swait.ge [sflag:s18], $0x4000  }
0x3c9: {  	s23 =	sld [smem:$0x7F0]  }
0x3ca: {  	[sflag:s18] =	ssyncset.done $0x0  }
0x3cb: {  	s24 =	sld [smem:$0x7F1];
	[sflag:s18] =	ssyncadd.s32 $0xFFFFC000  }
0x3cc: {  	[hbm4b:s23+s7] =	stream.strided.scatter [tilespmem:s14], [sflag:$0x8], $0x4000, s3, s7, $0x38;
	[tilespmem:$0x18880] =	vst v63  }
0x3cd: {  	_ = 	snop  }
0x3ce: {  	[hbm4b:s24+s7] =	stream.strided.scatter [tilespmem:s15], [sflag:$0x8], $0x4000, s3, s7, $0x38;
	[tilespmem:$0x18880] =	vst v63  }
0x3cf: {  	_ =	swait.ge [sflag:s5], $0x4000  }
0x3d0: {  	[sflag:s5] =	ssyncset.done $0x0  }
0x3d1: {  	[sflag:s5] =	ssyncadd.s32 $0xFFFFC000  }
0x3d2: {  	_ =	swait.ge [sflag:s5], $0x4000  }
0x3d3: {  	[sflag:s5] =	ssyncset.done $0x0  }
0x3d4: {  	s25 =	sld [smem:$0x7F2];
	[sflag:s5] =	ssyncadd.s32 $0xFFFFC000  }
0x3d5: {  	[tilespmem:s3], [sflag:$0x1] =	stream.indirect.gather [spmem:s1], $0x80, s21, s10, $0xb8;
	[tilespmem:$0x18880] =	vst v63  }
0x3d6: {  	_ = 	snop  }
0x3d7: {  	[tilespmem:s4], [sflag:$0x4] =	stream.linear.gather [hbm4b:s25+s2], $0x4000, $0x38;
	[tilespmem:$0x18880] =	vst v63  }
0x3d8: {  	_ =	swait.ge [sflag:s17], $0x4000  }
0x3d9: {  	[sflag:s17] =	ssyncset.done $0x0  }
0x3da: {  	[sflag:s17] =	ssyncadd.s32 $0xFFFFC000  }
0x3db: {  	_ =	swait.ge [sflag:s16], $0x4000  }
0x3dc: {  	s26 =	sld [smem:$0x7F3]  }
0x3dd: {  	[sflag:s16] =	ssyncset.done $0x0  }
0x3de: {  	s28 =	sld [smem:$0x7F4];
	[sflag:s16] =	ssyncadd.s32 $0xFFFFC000  }
0x3df: {  	[hbm4b:s26+s7] =	stream.strided.scatter [tilespmem:s11], [sflag:$0x9], $0x4000, s3, s7, $0x38;
	[tilespmem:$0x18880] =	vst v63  }
0x3e0: {  	_ = 	snop  }
0x3e1: {  	[hbm4b:s28+s7] =	stream.strided.scatter [tilespmem:s12], [sflag:$0x9], $0x4000, s3, s7, $0x38;
	[tilespmem:$0x18880] =	vst v63  }
0x3e2: {  	_ =	swait.ge [sflag:s9], $0x4000  }
0x3e3: {  	[sflag:s9] =	ssyncset.done $0x0  }
0x3e4: {  	[sflag:s9] =	ssyncadd.s32 $0xFFFFC000  }
0x3e5: {  	_ =	swait.ge [sflag:s8], $0x4000  }
0x3e6: {  	s30 =	sld [smem:$0x7F5]  }
0x3e7: {  	[sflag:s8] =	ssyncset.done $0x0  }
0x3e8: {  	s31 =	sld [smem:$0x7F6];
	[sflag:s8] =	ssyncadd.s32 $0xFFFFC000  }
0x3e9: {  	[hbm4b:s30+s7] =	stream.strided.scatter [tilespmem:s3], [sflag:$0x7], $0x4000, s3, s7, $0x38;
	[tilespmem:$0x18880] =	vst v63  }
0x3ea: {  	_ = 	snop  }
0x3eb: {  	[hbm4b:s31+s7] =	stream.strided.scatter [tilespmem:s4], [sflag:$0x7], $0x4000, s3, s7, $0x38;
	[tilespmem:$0x18880] =	vst v63  }
0x3ec: {  	_ =	swait.ge [sflag:s13], $0x4000  }
0x3ed: {  	[sflag:s13] =	ssyncset.done $0x0  }
0x3ee: {  	[sflag:s13] =	ssyncadd.s32 $0xFFFFC000  }
0x3ef: {  	_ =	swait.ge [sflag:s13], $0x4000  }
0x3f0: {  	[sflag:s13] =	ssyncset.done $0x0  }
0x3f1: {  	[sflag:s13] =	ssyncadd.s32 $0xFFFFC000  }
0x3f2: {  	_ =	swait.ge [sflag:s5], $0x4000  }
0x3f3: {  	[sflag:s5] =	ssyncset.done $0x0  }
0x3f4: {  	[sflag:s5] =	ssyncadd.s32 $0xFFFFC000  }
0x3f5: {  	_ =	swait.ge [sflag:s5], $0x4000  }
0x3f6: {  	[sflag:s5] =	ssyncset.done $0x0  }
0x3f7: {  	[sflag:s5] =	ssyncadd.s32 $0xFFFFC000  }
0x3f8: {  	_ =	swait.ge [sflag:s6], $0x4000  }
0x3f9: {  	[sflag:s6] =	ssyncset.done $0x0  }
0x3fa: {  	[sflag:s6] =	ssyncadd.s32 $0xFFFFC000  }
0x3fb: {  	_ =	swait.ge [sflag:s6], $0x4000  }
0x3fc: {  	[sflag:s6] =	ssyncset.done $0x0  }
0x3fd: {  	[sflag:s6] =	ssyncadd.s32 $0xFFFFC000  }
0x3fe: {  	_ =	sfence.sel $0x180000  }
0x3ff: {  	[bflag:$0x0] =	sbarrier.arrive $0xFFFF  }
0x400: {  	_ =	strace $0x90000047  }
0x401: {  	s0 =	sadd.s32 @!p0 $0x100000, s29;
	[bflag:$0x2] =	sbarrier.arrive $0xFFFF  }
0x402: {  	[sflag:s0] =	ssyncadd.tile.s32 @!p0 $0x1;
	_ =	shalt  }
.LBB2_1:
.Ltmp3:
0x403: {  	(pc) =	sbr.rel .LBB2_6-.Ltmp3, $3  }
0x404: {  	_ =	sdelay $0x1  }
0x405: {  	s30 =	simm.s32 $0x500;
	s25 =	simm.s32 $0x580;
	s24 =	simm.s32 $0x600  }
0x406: {  	s23 =	simm.s32 $0x680;
	s22 =	simm.s32 $0x700;
	s21 =	simm.s32 $0x780  }
.LBB2_3:
.Ltmp4:
0x407: {  	(pc) =	sbr.rel .LBB2_6-.Ltmp4, $4  }
0x408: {  	_ = 	snop  }
0x409: {  	s30 =	simm.s32 $0x500  }
0x40a: {  	s25 =	simm.s32 $0x580;
	s24 =	simm.s32 $0x600;
	s23 =	simm.s32 $0x680  }
0x40b: {  	s22 =	simm.s32 $0x700;
	s21 =	simm.s32 $0x780;
	s29 =	rddreg [dreg:$0x5]  }
.Lfunc_end2:
_tile_overlayer_lowered:
.L_overlay_start_2:
0x40c: {  	(tag) =	ssettag $0x2  }
0x40d: {  	s0 =	rddreg [dreg:$0x0];
	s2 =	stileid.u32  }
0x40e: {  	s1 =	rddreg [dreg:$0x1];
	p0 =	sne.s32 s2, $0x0  }
0x40f: {  	s3 =	rddreg [dreg:$0x2];
	[bflag:$0x3] =	sbarrier.arrive $0xFFFF;
	s2 =	simm.s32 @!p0 $0x1C0A  }
0x410: {  	[timem:s3], [sflag:s2] =	dma.local @!p0 [hbm:s0], s1  }
0x411: {  	s0 =	simm.s32 @!p0 $0xA  }
0x412: {  	_ =	swait.ge @!p0 [sflag:s0], s1  }
0x413: {  	s1 =	ssub.s32 @!p0 $0x0, s1;
	[sflag:s0] =	ssyncset.done @!p0 $0x0  }
0x414: {  	[sflag:s0] =	ssyncadd.s32 @!p0 s1  }
0x415: {  	[bflag:$0x3] =	sbarrier.arrive $0xFFFF  }
0x416: {  	_ =	shalt  }

</sc_bundles>
